<compile_context>
chip_gen: v7x
topology: tpu7x:2x2x1
jax: 0.10.2.dev20260603
libtpu: 0.0.44.dev20260713+nightly
codegen_flags: <defaults>
</compile_context>

<pallas_src>
import functools

import jax
import jax.numpy as jnp
from jax import lax
from jax.experimental import pallas as pl
from jax.experimental.pallas import tpu as pltpu
from jax.experimental.pallas import tpu_sc as plsc

NC = 2
NS = 16
M = 4


def _sc_mesh():
    return plsc.VectorSubcoreMesh(
        core_axis_name="c", subcore_axis_name="s", num_cores=NC, num_subcores=NS
    )


def _sc_scatter(g2, srcb, dstt, zeros16):
    NP = zeros16.shape[0]
    CH = dstt.shape[1]
    NJ = CH // M
    RPT = NP // NS

    @functools.partial(
        pl.kernel,
        out_type=jax.ShapeDtypeStruct((NC, NP, 16), jnp.float32),
        mesh=_sc_mesh(),
        compiler_params=pltpu.CompilerParams(use_tc_tiling_on_sc=False),
        scratch_types=[
            pltpu.VMEM_SHARED((NP, 16), jnp.float32),
            pltpu.VMEM((3, M, 128), jnp.int32),
            pltpu.VMEM((3, M, 128), jnp.int32),
            pltpu.VMEM((3, M, 128, 16), jnp.float32),
            pltpu.SemaphoreType.DMA((3,)),
            pltpu.SemaphoreType.DMA,
            pltpu.SemaphoreType.DMA((3,)),
        ],
    )
    def k(g2_h, srcb_h, dstt_h, zeros_h, out_h, acc, sv, dv, rows, semg, sems, semi):
        c = lax.axis_index("c")
        s = lax.axis_index("s")
        r0 = s * RPT

        def fire_idx(j, slot):
            pltpu.async_copy(
                srcb_h.at[c, s, pl.ds(j * M, M)], sv.at[slot], semi.at[slot]
            )
            pltpu.async_copy(
                dstt_h.at[s, pl.ds(j * M, M)], dv.at[slot], semi.at[slot]
            )

        def wait_idx(slot):
            pltpu.make_async_copy(
                srcb_h.at[c, s, pl.ds(0, M)], sv.at[slot], semi.at[slot]
            ).wait()
            pltpu.make_async_copy(
                dstt_h.at[s, pl.ds(0, M)], dv.at[slot], semi.at[slot]
            ).wait()

        def fire_gathers(slot):
            for r in range(M):
                pltpu.async_copy(
                    g2_h.at[sv.at[slot, r]], rows.at[slot, r], semg.at[slot]
                )

        def drain_gathers(slot):
            for r in range(M):
                pltpu.make_async_copy(
                    g2_h.at[sv.at[slot, r]], rows.at[slot, r], semg.at[slot]
                ).wait()

        def fire_scatters(slot):
            for r in range(M):
                pltpu.async_copy(
                    rows.at[slot, r], acc.at[dv.at[slot, r]], sems, add=True
                )

        def drain_scatters(slot):
            for r in range(M):
                pltpu.make_async_copy(
                    rows.at[slot, r], acc.at[dv.at[slot, r]], sems
                ).wait()

        pltpu.sync_copy(dstt_h.at[NS - 1, pl.ds(CH - M, M)], dv.at[2])
        fire_scatters(2)
        fire_idx(0, 0)
        fire_idx(1, 1)
        pltpu.sync_copy(zeros_h.at[pl.ds(r0, RPT)], acc.at[pl.ds(r0, RPT)])
        plsc.subcore_barrier()
        wait_idx(0)
        fire_gathers(0)

        def body(j, carry):
            a = lax.rem(j, 3)
            b = lax.rem(j + 1, 3)
            f = lax.rem(j + 2, 3)
            drain_scatters(f)
            fire_idx(lax.rem(j + 2, NJ), f)
            wait_idx(b)
            fire_gathers(b)
            for r in range(M):
                pltpu.make_async_copy(
                    g2_h.at[sv.at[a, r]], rows.at[a, r], semg.at[a]
                ).wait()
                pltpu.async_copy(
                    rows.at[a, r], acc.at[dv.at[a, r]], sems, add=True
                )
            return carry

        lax.fori_loop(0, NJ, body, 0)
        drain_scatters((NJ - 1) % 3)
        drain_gathers(NJ % 3)
        wait_idx((NJ + 1) % 3)
        plsc.subcore_barrier()
        pltpu.sync_copy(acc.at[pl.ds(r0, RPT)], out_h.at[c, pl.ds(r0, RPT)])

    return k(g2, srcb, dstt, zeros16)


def _sc_deg(dstt, zeros16, ones16):
    NP = zeros16.shape[0]
    CH = dstt.shape[1]
    HALF = CH // 2
    MD = 8
    NJ = HALF // MD
    RPT = NP // NS

    @functools.partial(
        pl.kernel,
        out_type=jax.ShapeDtypeStruct((NC, NP, 16), jnp.float32),
        mesh=_sc_mesh(),
        compiler_params=pltpu.CompilerParams(use_tc_tiling_on_sc=False),
        scratch_types=[
            pltpu.VMEM_SHARED((NP, 16), jnp.float32),
            pltpu.VMEM((2, MD, 128), jnp.int32),
            pltpu.VMEM((128, 16), jnp.float32),
            pltpu.SemaphoreType.DMA,
            pltpu.SemaphoreType.DMA((2,)),
        ],
    )
    def k(dstt_h, zeros_h, ones_h, out_h, acc, dv, ones_v, sems, semi):
        c = lax.axis_index("c")
        s = lax.axis_index("s")
        r0 = s * RPT
        pltpu.sync_copy(ones_h, ones_v)
        pltpu.sync_copy(dstt_h.at[NS - 1, pl.ds(CH - MD, MD)], dv.at[1])
        for r in range(MD):
            pltpu.async_copy(ones_v, acc.at[dv.at[1, r]], sems, add=True)
        pltpu.async_copy(dstt_h.at[s, pl.ds(c * HALF, MD)], dv.at[0], semi.at[0])
        pltpu.sync_copy(zeros_h.at[pl.ds(r0, RPT)], acc.at[pl.ds(r0, RPT)])
        plsc.subcore_barrier()

        def body(j, carry):
            p = lax.rem(j, 2)
            q = 1 - p
            for r in range(MD):
                pltpu.make_async_copy(ones_v, acc.at[dv.at[q, r]], sems).wait()
            jn = lax.rem(j + 1, NJ)
            pltpu.async_copy(
                dstt_h.at[s, pl.ds(c * HALF + jn * MD, MD)], dv.at[q], semi.at[q]
            )
            pltpu.make_async_copy(
                dstt_h.at[s, pl.ds(c * HALF + j * MD, MD)], dv.at[p], semi.at[p]
            ).wait()
            for r in range(MD):
                pltpu.async_copy(ones_v, acc.at[dv.at[p, r]], sems, add=True)
            return carry

        lax.fori_loop(0, NJ, body, 0)
        pf = NJ % 2
        pltpu.make_async_copy(
            dstt_h.at[s, pl.ds(c * HALF, MD)], dv.at[pf], semi.at[pf]
        ).wait()
        for r in range(MD):
            pltpu.make_async_copy(
                ones_v, acc.at[dv.at[(NJ - 1) % 2, r]], sems
            ).wait()
        plsc.subcore_barrier()
        pltpu.sync_copy(acc.at[pl.ds(r0, RPT)], out_h.at[c, pl.ds(r0, RPT)])

    return k(dstt, zeros16, ones16)


_B8 = 2048


def _tc0(deg_pack, xt_pack, w1b, b1r, wcb):
    rn = xt_pack.shape[0]

    def body(deg_r, xt_r, w1_r, b1_r, wc_r, dinv_r, g_r):
        deg = deg_r[0] + deg_r[1] + 1.0
        dinv = lax.rsqrt(deg)
        x0 = jnp.maximum(
            jnp.dot(xt_r[...], w1_r[0], preferred_element_type=jnp.float32)
            + b1_r[0, 0:1, :],
            0.0,
        )
        x1 = jnp.maximum(
            jnp.dot(xt_r[...], w1_r[1], preferred_element_type=jnp.float32)
            + b1_r[1, 0:1, :],
            0.0,
        )
        hw0 = jnp.dot(x0, wc_r[0, 0], preferred_element_type=jnp.float32) + jnp.dot(
            x1, wc_r[1, 0], preferred_element_type=jnp.float32
        )
        hw1 = jnp.dot(x0, wc_r[0, 1], preferred_element_type=jnp.float32) + jnp.dot(
            x1, wc_r[1, 1], preferred_element_type=jnp.float32
        )
        dinv_r[...] = dinv
        g_r[0] = hw0 * dinv
        g_r[1] = hw1 * dinv

    return pl.pallas_call(
        body,
        grid=(pl.cdiv(rn, _B8),),
        in_specs=[
            pl.BlockSpec((2, _B8, 128), lambda i: (0, i, 0)),
            pl.BlockSpec((_B8, 16), lambda i: (i, 0)),
            pl.BlockSpec((2, 16, 128), lambda i: (0, 0, 0)),
            pl.BlockSpec((2, 8, 128), lambda i: (0, 0, 0)),
            pl.BlockSpec((2, 2, 128, 128), lambda i: (0, 0, 0, 0)),
        ],
        out_specs=[
            pl.BlockSpec((_B8, 128), lambda i: (i, 0)),
            pl.BlockSpec((2, _B8, 128), lambda i: (0, i, 0)),
        ],
        out_shape=[
            jax.ShapeDtypeStruct((rn, 128), jnp.float32),
            jax.ShapeDtypeStruct((2, rn, 128), jnp.float32),
        ],
    )(deg_pack, xt_pack, w1b, b1r, wcb)


def _tc_mid(acc_pack, g, dinv_pack, bprev_r, wcb_next):
    rn = g.shape[1]

    def body(acc_r, g_r, dinv_r, b_r, w_r, gout_r):
        dv = dinv_r[...]
        x0 = jnp.maximum(dv * (acc_r[0] + g_r[0]) + b_r[0, 0:1, :], 0.0)
        x1 = jnp.maximum(dv * (acc_r[1] + g_r[1]) + b_r[1, 0:1, :], 0.0)
        hw0 = jnp.dot(x0, w_r[0, 0], preferred_element_type=jnp.float32) + jnp.dot(
            x1, w_r[1, 0], preferred_element_type=jnp.float32
        )
        hw1 = jnp.dot(x0, w_r[0, 1], preferred_element_type=jnp.float32) + jnp.dot(
            x1, w_r[1, 1], preferred_element_type=jnp.float32
        )
        gout_r[0] = hw0 * dv
        gout_r[1] = hw1 * dv

    return pl.pallas_call(
        body,
        grid=(pl.cdiv(rn, _B8),),
        in_specs=[
            pl.BlockSpec((2, _B8, 128), lambda i: (0, i, 0)),
            pl.BlockSpec((2, _B8, 128), lambda i: (0, i, 0)),
            pl.BlockSpec((_B8, 128), lambda i: (i, 0)),
            pl.BlockSpec((2, 8, 128), lambda i: (0, 0, 0)),
            pl.BlockSpec((2, 2, 128, 128), lambda i: (0, 0, 0, 0)),
        ],
        out_specs=pl.BlockSpec((2, _B8, 128), lambda i: (0, i, 0)),
        out_shape=jax.ShapeDtypeStruct((2, rn, 128), jnp.float32),
    )(acc_pack, g, dinv_pack, bprev_r, wcb_next)


def _tc_fin(acc_pack, g, dinv_pack, bc3r, w3b, b3r):
    rn = g.shape[1]

    def body(acc_r, g_r, dinv_r, b_r, w_r, b3_r, y_r):
        dv = dinv_r[...]
        x0 = jnp.maximum(dv * (acc_r[0] + g_r[0]) + b_r[0, 0:1, :], 0.0)
        x1 = jnp.maximum(dv * (acc_r[1] + g_r[1]) + b_r[1, 0:1, :], 0.0)
        y = jnp.dot(x0, w_r[0], preferred_element_type=jnp.float32) + jnp.dot(
            x1, w_r[1], preferred_element_type=jnp.float32
        )
        y_r[...] = y + b3_r[0:1, :]

    return pl.pallas_call(
        body,
        grid=(pl.cdiv(rn, _B8),),
        in_specs=[
            pl.BlockSpec((2, _B8, 128), lambda i: (0, i, 0)),
            pl.BlockSpec((2, _B8, 128), lambda i: (0, i, 0)),
            pl.BlockSpec((_B8, 128), lambda i: (i, 0)),
            pl.BlockSpec((2, 8, 128), lambda i: (0, 0, 0)),
            pl.BlockSpec((2, 128, 8), lambda i: (0, 0, 0)),
            pl.BlockSpec((8, 8), lambda i: (0, 0)),
        ],
        out_specs=pl.BlockSpec((_B8, 8), lambda i: (i, 0)),
        out_shape=jax.ShapeDtypeStruct((rn, 8), jnp.float32),
    )(acc_pack, g, dinv_pack, bc3r, w3b, b3r)


def _kron8(w):
    return jnp.kron(jnp.eye(8, dtype=jnp.float32), w)


def _wc_blocks(wc):
    return jnp.stack(
        [
            jnp.stack([_kron8(wc[:16, :16]), _kron8(wc[:16, 16:])]),
            jnp.stack([_kron8(wc[16:, :16]), _kron8(wc[16:, 16:])]),
        ]
    )


def _b_rows(b):
    return jnp.stack(
        [
            jnp.tile(jnp.tile(b[:16], 8)[None, :], (8, 1)),
            jnp.tile(jnp.tile(b[16:], 8)[None, :], (8, 1)),
        ]
    )


def kernel(x, t, edge_index, W1, b1, Wc1, bc1, Wc2, bc2, Wc3, bc3, W3, b3):
    n = x.shape[0]
    e = edge_index.shape[1]

    src = edge_index[0].astype(jnp.int32)
    dst = edge_index[1].astype(jnp.int32)

    ch = -(-e // (NS * 128))
    ch = -(-ch // (2 * M)) * (2 * M)
    if NS * ch * 128 - e < M * 128:
        ch += 2 * M
    ep = NS * ch * 128
    pad = ep - e
    srcp = jnp.concatenate([src, jnp.zeros((pad,), jnp.int32)])
    dstp = jnp.concatenate([dst, jnp.full((pad,), n, jnp.int32)])
    srct = srcp.reshape(NS, ch, 128)
    dstt = dstp.reshape(NS, ch, 128)
    srcb = jnp.stack([srct, srct + n])

    np_ = ((n + 128) // 128) * 128
    zeros16 = jnp.zeros((np_, 16), jnp.float32)
    ones16 = jnp.ones((128, 16), jnp.float32)

    rn = n // 8
    xt_pack = jnp.stack([x, t], axis=1).reshape(rn, 16)
    w1b = jnp.stack([_kron8(W1[:, :16]), _kron8(W1[:, 16:])])
    b1r = _b_rows(b1)
    wcb1 = _wc_blocks(Wc1)
    wcb2 = _wc_blocks(Wc2)
    wcb3 = _wc_blocks(Wc3)
    bc1r = _b_rows(bc1)
    bc2r = _b_rows(bc2)
    bc3r = _b_rows(bc3)
    w3b = jnp.stack([_kron8(W3[:16, :]), _kron8(W3[16:, :])])
    b3r = jnp.tile(b3[None, :], (8, 8))

    deg_acc = _sc_deg(dstt, zeros16, ones16)
    dinv_pack, g = _tc0(deg_acc.reshape(NC, np_ // 8, 128), xt_pack, w1b, b1r, wcb1)
    acc1 = _sc_scatter(g.reshape(2 * n, 16), srcb, dstt, zeros16)
    g = _tc_mid(acc1.reshape(NC, np_ // 8, 128), g, dinv_pack, bc1r, wcb2)
    acc2 = _sc_scatter(g.reshape(2 * n, 16), srcb, dstt, zeros16)
    g = _tc_mid(acc2.reshape(NC, np_ // 8, 128), g, dinv_pack, bc2r, wcb3)
    acc3 = _sc_scatter(g.reshape(2 * n, 16), srcb, dstt, zeros16)
    y8 = _tc_fin(acc3.reshape(NC, np_ // 8, 128), g, dinv_pack, bc3r, w3b, b3r)
    return y8.reshape(-1)

# --- scband reference (transcript-rebuilt; emitter-appended) ---
"""Pipeline reference for scband-net-46849503265421 (READ-ONLY COPY).

The authoritative reference and input builder live on the scoring server;
editing this copy changes nothing except your own understanding.
"""

import jax, jax.numpy as jnp
import numpy as np

N = 100000
E = 1600000
H = 32

def _lin_init(k, fan_in, fan_out):
    bound = 1.0 / np.sqrt(fan_in)
    kw, kb = jax.random.split(k)
    W = jax.random.uniform(kw, (fan_in, fan_out), minval=-bound, maxval=bound, dtype=jnp.float32)
    b = jax.random.uniform(kb, (fan_out,), minval=-bound, maxval=bound, dtype=jnp.float32)
    return W, b

def setup_inputs(seed: int = 0):
    key = jax.random.key(seed)
    ks = jax.random.split(key, 8)
    x = jax.random.normal(ks[0], (N,), dtype=jnp.float32)
    t = jax.random.normal(ks[1], (N,), dtype=jnp.float32)
    edge_index = jax.random.randint(ks[2], (2, E), 0, N)
    W1, b1 = _lin_init(ks[3], 2, H)
    Wc1, bc1 = _lin_init(ks[4], H, H)
    Wc2, bc2 = _lin_init(ks[5], H, H)
    Wc3, bc3 = _lin_init(ks[6], H, H)
    W3, b3 = _lin_init(ks[7], H, 1)
    return {"x": x, "t": t, "edge_index": edge_index,
            "W1": W1, "b1": b1, "Wc1": Wc1, "bc1": bc1,
            "Wc2": Wc2, "bc2": bc2, "Wc3": Wc3, "bc3": bc3,
            "W3": W3, "b3": b3}

def reference(x, t, edge_index, W1, b1, Wc1, bc1, Wc2, bc2, Wc3, bc3, W3, b3):
    n = x.shape[0]
    src = edge_index[0]
    dst = edge_index[1]
    loop = jnp.arange(n, dtype=src.dtype)
    src = jnp.concatenate([src, loop])
    dst = jnp.concatenate([dst, loop])
    # GCN symmetric normalization (PyG gcn_norm with add_self_loops=True)
    deg = jnp.zeros((n,), dtype=jnp.float32).at[dst].add(1.0)
    dinv = jnp.where(deg > 0, jax.lax.rsqrt(deg), 0.0)
    norm = dinv[src] * dinv[dst]

    def gcn(h, W, b):
        hw = h @ W
        msg = hw[src] * norm[:, None]
        out = jnp.zeros_like(hw).at[dst].add(msg)
        return out + b

    X = jnp.stack([x, t], axis=1)
    X = jax.nn.relu(X @ W1 + b1)
    X = jax.nn.relu(gcn(X, Wc1, bc1))
    X = jax.nn.relu(gcn(X, Wc2, bc2))
    X = jax.nn.relu(gcn(X, Wc3, bc3))
    X = X @ W3 + b3
    return X.reshape(-1)

if __name__ == "__main__":
    import jax
    _d = setup_inputs()
    print(jax.jit(kernel)(*tuple(_d.values())))

</pallas_src>

<mosaic_0001>
#map = affine_map<(d0, d1) -> (0, 0)>
#map1 = affine_map<(d0, d1) -> (0, 0, 0, 0)>
#map2 = affine_map<(d0, d1) -> (0, 0, 0)>
module attributes {stable_mosaic.version = 14 : i64} {
  func.func @k(%arg0: i32, %arg1: i32, %arg2: memref<200000x16xf32, #tpu.memory_space<hbm>>, %arg3: memref<2x16x784x128xi32, #tpu.memory_space<hbm>>, %arg4: memref<16x784x128xi32, #tpu.memory_space<hbm>>, %arg5: memref<100096x16xf32, #tpu.memory_space<hbm>>, %arg6: memref<2x100096x16xf32, #tpu.memory_space<hbm>>, %arg7: memref<100096x16xf32, #tpu.memory_space<vmem_shared>>, %arg8: memref<3x4x128xi32, #tpu.memory_space<vmem>>, %arg9: memref<3x4x128xi32, #tpu.memory_space<vmem>>, %arg10: memref<3x4x128x16xf32, #tpu.memory_space<vmem>>, %arg11: memref<3x!tpu.dma_semaphore, #tpu.memory_space<semaphore_mem>>, %arg12: memref<!tpu.dma_semaphore, #tpu.memory_space<semaphore_mem>>, %arg13: memref<3x!tpu.dma_semaphore, #tpu.memory_space<semaphore_mem>>) attributes {dimension_semantics = [#tpu.dimension_semantics<core_parallel>, #tpu.dimension_semantics<subcore_parallel>], iteration_bounds = array<i64: 2, 16>, scalar_prefetch = 0 : i64, scratch_operands = 7 : i64, tpu.core_type = #tpu.core_type<sc_vector_subcore>, window_params = [{transform_indices = #map}, {transform_indices = #map1}, {transform_indices = #map2}, {transform_indices = #map}, {transform_indices = #map2}]} {
    %mul3A = arith.constant 6256 : i32
    %mul3A_0 = arith.muli %arg1, %mul3A : i32
    %run_scoped3A = arith.constant 15 : i32
    %run_scoped3A_1 = arith.constant 2 : i32
    "tpu.region"() ({
      %run_scoped3A_414 = tpu.sem_alloc : memref<!tpu.dma_semaphore, #tpu.memory_space<semaphore_mem>>
      %dma_start3A_415 = arith.constant 0 : i32
      %dma_start3A_416 = arith.constant 0 : i32
      %dma_start3A_417 = tpu.memref_slice %arg9[%run_scoped3A_1, %dma_start3A_415, %dma_start3A_416] : memref<3x4x128xi32, #tpu.memory_space<vmem>> -> memref<1x4x128xi32, #tpu.memory_space<vmem>>
      %dma_start3A_418 = tpu.memref_squeeze %dma_start3A_417 : memref<1x4x128xi32, #tpu.memory_space<vmem>> -> memref<4x128xi32, #tpu.memory_space<vmem>>
      %dma_start3A_419 = arith.constant 780 : i32
      %dma_start3A_420 = arith.constant 0 : i32
      %dma_start3A_421 = tpu.memref_slice %arg4[%run_scoped3A, %dma_start3A_419, %dma_start3A_420] : memref<16x784x128xi32, #tpu.memory_space<hbm>> -> memref<1x4x128xi32, #tpu.memory_space<hbm>>
      %dma_start3A_422 = tpu.memref_squeeze %dma_start3A_421 : memref<1x4x128xi32, #tpu.memory_space<hbm>> -> memref<4x128xi32, #tpu.memory_space<hbm>>
      %dma_start3A_423 = arith.constant 0 : i32
      %dma_start3A_424 = arith.constant 0 : i32
      %dma_start3A_425 = tpu.memref_slice %arg9[%run_scoped3A_1, %dma_start3A_423, %dma_start3A_424] : memref<3x4x128xi32, #tpu.memory_space<vmem>> -> memref<1x4x128xi32, #tpu.memory_space<vmem>>
      %dma_start3A_426 = tpu.memref_squeeze %dma_start3A_425 : memref<1x4x128xi32, #tpu.memory_space<vmem>> -> memref<4x128xi32, #tpu.memory_space<vmem>>
      %dma_start3A_427 = arith.constant 780 : i32
      %dma_start3A_428 = arith.constant 0 : i32
      %dma_start3A_429 = tpu.memref_slice %arg4[%run_scoped3A, %dma_start3A_427, %dma_start3A_428] : memref<16x784x128xi32, #tpu.memory_space<hbm>> -> memref<1x4x128xi32, #tpu.memory_space<hbm>>
      %dma_start3A_430 = tpu.memref_squeeze %dma_start3A_429 : memref<1x4x128xi32, #tpu.memory_space<hbm>> -> memref<4x128xi32, #tpu.memory_space<hbm>>
      tpu.enqueue_dma source(%dma_start3A_430 : memref<4x128xi32, #tpu.memory_space<hbm>>) target(%dma_start3A_426 : memref<4x128xi32, #tpu.memory_space<vmem>>) target_semaphore(%run_scoped3A_414 : memref<!tpu.dma_semaphore, #tpu.memory_space<semaphore_mem>>)
      %dma_wait3A_431 = arith.constant 0 : i32
      %dma_wait3A_432 = arith.constant 0 : i32
      %dma_wait3A_433 = tpu.memref_slice %arg9[%run_scoped3A_1, %dma_wait3A_431, %dma_wait3A_432] : memref<3x4x128xi32, #tpu.memory_space<vmem>> -> memref<1x4x128xi32, #tpu.memory_space<vmem>>
      %dma_wait3A_434 = tpu.memref_squeeze %dma_wait3A_433 : memref<1x4x128xi32, #tpu.memory_space<vmem>> -> memref<4x128xi32, #tpu.memory_space<vmem>>
      %dma_wait3A_435 = arith.constant 780 : i32
      %dma_wait3A_436 = arith.constant 0 : i32
      %dma_wait3A_437 = tpu.memref_slice %arg4[%run_scoped3A, %dma_wait3A_435, %dma_wait3A_436] : memref<16x784x128xi32, #tpu.memory_space<hbm>> -> memref<1x4x128xi32, #tpu.memory_space<hbm>>
      %dma_wait3A_438 = tpu.memref_squeeze %dma_wait3A_437 : memref<1x4x128xi32, #tpu.memory_space<hbm>> -> memref<4x128xi32, #tpu.memory_space<hbm>>
      %dma_wait3A_439 = arith.constant 0 : i32
      %dma_wait3A_440 = arith.constant 0 : i32
      %dma_wait3A_441 = tpu.memref_slice %arg9[%run_scoped3A_1, %dma_wait3A_439, %dma_wait3A_440] : memref<3x4x128xi32, #tpu.memory_space<vmem>> -> memref<1x4x128xi32, #tpu.memory_space<vmem>>
      %dma_wait3A_442 = tpu.memref_squeeze %dma_wait3A_441 : memref<1x4x128xi32, #tpu.memory_space<vmem>> -> memref<4x128xi32, #tpu.memory_space<vmem>>
      %dma_wait3A_443 = arith.constant 780 : i32
      %dma_wait3A_444 = arith.constant 0 : i32
      %dma_wait3A_445 = tpu.memref_slice %arg4[%run_scoped3A, %dma_wait3A_443, %dma_wait3A_444] : memref<16x784x128xi32, #tpu.memory_space<hbm>> -> memref<1x4x128xi32, #tpu.memory_space<hbm>>
      %dma_wait3A_446 = tpu.memref_squeeze %dma_wait3A_445 : memref<1x4x128xi32, #tpu.memory_space<hbm>> -> memref<4x128xi32, #tpu.memory_space<hbm>>
      tpu.wait_dma2 semaphore(%run_scoped3A_414 : memref<!tpu.dma_semaphore, #tpu.memory_space<semaphore_mem>>) src(%dma_wait3A_446 : memref<4x128xi32, #tpu.memory_space<hbm>>) dst(%dma_wait3A_442 : memref<4x128xi32, #tpu.memory_space<vmem>>)
      tpu.yield
    }) : () -> ()
    %dma_start3A = arith.constant 2 : i32
    %dma_start3A_2 = arith.constant 0 : i32
    %dma_start3A_3 = arith.constant 2 : i32
    %dma_start3A_4 = arith.constant 0 : i32
    %dma_start3A_5 = arith.constant 0 : i32
    %dma_start3A_6 = arith.constant 0 : i32
    %dma_start3A_7 = tpu.memref_slice %arg10[%dma_start3A, %dma_start3A_2, %dma_start3A_5, %dma_start3A_6] : memref<3x4x128x16xf32, #tpu.memory_space<vmem>> -> memref<1x1x128x16xf32, #tpu.memory_space<vmem>>
    %dma_start3A_8 = tpu.memref_squeeze %dma_start3A_7 : memref<1x1x128x16xf32, #tpu.memory_space<vmem>> -> memref<128x16xf32, #tpu.memory_space<vmem>>
    %dma_start3A_9 = arith.constant 0 : i32
    %dma_start3A_10 = tpu.memref_slice %arg9[%dma_start3A_3, %dma_start3A_4, %dma_start3A_9] : memref<3x4x128xi32, #tpu.memory_space<vmem>> -> memref<1x1x128xi32, #tpu.memory_space<vmem>>
    %dma_start3A_11 = tpu.memref_squeeze %dma_start3A_10 : memref<1x1x128xi32, #tpu.memory_space<vmem>> -> memref<128xi32, #tpu.memory_space<vmem>>
    %dma_start3A_12 = arith.constant 0 : i32
    %dma_start3A_13 = arith.constant 0 : i32
    %dma_start3A_14 = tpu.memref_slice %arg7[%dma_start3A_12, %dma_start3A_13] : memref<100096x16xf32, #tpu.memory_space<vmem_shared>> -> memref<100096x16xf32, #tpu.memory_space<vmem_shared>>
    tpu.enqueue_indirect_dma source(%dma_start3A_8 : memref<128x16xf32, #tpu.memory_space<vmem>>) target(%dma_start3A_14 : memref<100096x16xf32, #tpu.memory_space<vmem_shared>>) offsets(%dma_start3A_11 : memref<128xi32, #tpu.memory_space<vmem>>) semaphore(%arg12 : memref<!tpu.dma_semaphore, #tpu.memory_space<semaphore_mem>>) {add = true}
    %dma_start3A_15 = arith.constant 2 : i32
    %dma_start3A_16 = arith.constant 1 : i32
    %dma_start3A_17 = arith.constant 2 : i32
    %dma_start3A_18 = arith.constant 1 : i32
    %dma_start3A_19 = arith.constant 0 : i32
    %dma_start3A_20 = arith.constant 0 : i32
    %dma_start3A_21 = tpu.memref_slice %arg10[%dma_start3A_15, %dma_start3A_16, %dma_start3A_19, %dma_start3A_20] : memref<3x4x128x16xf32, #tpu.memory_space<vmem>> -> memref<1x1x128x16xf32, #tpu.memory_space<vmem>>
    %dma_start3A_22 = tpu.memref_squeeze %dma_start3A_21 : memref<1x1x128x16xf32, #tpu.memory_space<vmem>> -> memref<128x16xf32, #tpu.memory_space<vmem>>
    %dma_start3A_23 = arith.constant 0 : i32
    %dma_start3A_24 = tpu.memref_slice %arg9[%dma_start3A_17, %dma_start3A_18, %dma_start3A_23] : memref<3x4x128xi32, #tpu.memory_space<vmem>> -> memref<1x1x128xi32, #tpu.memory_space<vmem>>
    %dma_start3A_25 = tpu.memref_squeeze %dma_start3A_24 : memref<1x1x128xi32, #tpu.memory_space<vmem>> -> memref<128xi32, #tpu.memory_space<vmem>>
    %dma_start3A_26 = arith.constant 0 : i32
    %dma_start3A_27 = arith.constant 0 : i32
    %dma_start3A_28 = tpu.memref_slice %arg7[%dma_start3A_26, %dma_start3A_27] : memref<100096x16xf32, #tpu.memory_space<vmem_shared>> -> memref<100096x16xf32, #tpu.memory_space<vmem_shared>>
    tpu.enqueue_indirect_dma source(%dma_start3A_22 : memref<128x16xf32, #tpu.memory_space<vmem>>) target(%dma_start3A_28 : memref<100096x16xf32, #tpu.memory_space<vmem_shared>>) offsets(%dma_start3A_25 : memref<128xi32, #tpu.memory_space<vmem>>) semaphore(%arg12 : memref<!tpu.dma_semaphore, #tpu.memory_space<semaphore_mem>>) {add = true}
    %dma_start3A_29 = arith.constant 2 : i32
    %dma_start3A_30 = arith.constant 2 : i32
    %dma_start3A_31 = arith.constant 2 : i32
    %dma_start3A_32 = arith.constant 2 : i32
    %dma_start3A_33 = arith.constant 0 : i32
    %dma_start3A_34 = arith.constant 0 : i32
    %dma_start3A_35 = tpu.memref_slice %arg10[%dma_start3A_29, %dma_start3A_30, %dma_start3A_33, %dma_start3A_34] : memref<3x4x128x16xf32, #tpu.memory_space<vmem>> -> memref<1x1x128x16xf32, #tpu.memory_space<vmem>>
    %dma_start3A_36 = tpu.memref_squeeze %dma_start3A_35 : memref<1x1x128x16xf32, #tpu.memory_space<vmem>> -> memref<128x16xf32, #tpu.memory_space<vmem>>
    %dma_start3A_37 = arith.constant 0 : i32
    %dma_start3A_38 = tpu.memref_slice %arg9[%dma_start3A_31, %dma_start3A_32, %dma_start3A_37] : memref<3x4x128xi32, #tpu.memory_space<vmem>> -> memref<1x1x128xi32, #tpu.memory_space<vmem>>
    %dma_start3A_39 = tpu.memref_squeeze %dma_start3A_38 : memref<1x1x128xi32, #tpu.memory_space<vmem>> -> memref<128xi32, #tpu.memory_space<vmem>>
    %dma_start3A_40 = arith.constant 0 : i32
    %dma_start3A_41 = arith.constant 0 : i32
    %dma_start3A_42 = tpu.memref_slice %arg7[%dma_start3A_40, %dma_start3A_41] : memref<100096x16xf32, #tpu.memory_space<vmem_shared>> -> memref<100096x16xf32, #tpu.memory_space<vmem_shared>>
    tpu.enqueue_indirect_dma source(%dma_start3A_36 : memref<128x16xf32, #tpu.memory_space<vmem>>) target(%dma_start3A_42 : memref<100096x16xf32, #tpu.memory_space<vmem_shared>>) offsets(%dma_start3A_39 : memref<128xi32, #tpu.memory_space<vmem>>) semaphore(%arg12 : memref<!tpu.dma_semaphore, #tpu.memory_space<semaphore_mem>>) {add = true}
    %dma_start3A_43 = arith.constant 2 : i32
    %dma_start3A_44 = arith.constant 3 : i32
    %dma_start3A_45 = arith.constant 2 : i32
    %dma_start3A_46 = arith.constant 3 : i32
    %dma_start3A_47 = arith.constant 0 : i32
    %dma_start3A_48 = arith.constant 0 : i32
    %dma_start3A_49 = tpu.memref_slice %arg10[%dma_start3A_43, %dma_start3A_44, %dma_start3A_47, %dma_start3A_48] : memref<3x4x128x16xf32, #tpu.memory_space<vmem>> -> memref<1x1x128x16xf32, #tpu.memory_space<vmem>>
    %dma_start3A_50 = tpu.memref_squeeze %dma_start3A_49 : memref<1x1x128x16xf32, #tpu.memory_space<vmem>> -> memref<128x16xf32, #tpu.memory_space<vmem>>
    %dma_start3A_51 = arith.constant 0 : i32
    %dma_start3A_52 = tpu.memref_slice %arg9[%dma_start3A_45, %dma_start3A_46, %dma_start3A_51] : memref<3x4x128xi32, #tpu.memory_space<vmem>> -> memref<1x1x128xi32, #tpu.memory_space<vmem>>
    %dma_start3A_53 = tpu.memref_squeeze %dma_start3A_52 : memref<1x1x128xi32, #tpu.memory_space<vmem>> -> memref<128xi32, #tpu.memory_space<vmem>>
    %dma_start3A_54 = arith.constant 0 : i32
    %dma_start3A_55 = arith.constant 0 : i32
    %dma_start3A_56 = tpu.memref_slice %arg7[%dma_start3A_54, %dma_start3A_55] : memref<100096x16xf32, #tpu.memory_space<vmem_shared>> -> memref<100096x16xf32, #tpu.memory_space<vmem_shared>>
    tpu.enqueue_indirect_dma source(%dma_start3A_50 : memref<128x16xf32, #tpu.memory_space<vmem>>) target(%dma_start3A_56 : memref<100096x16xf32, #tpu.memory_space<vmem_shared>>) offsets(%dma_start3A_53 : memref<128xi32, #tpu.memory_space<vmem>>) semaphore(%arg12 : memref<!tpu.dma_semaphore, #tpu.memory_space<semaphore_mem>>) {add = true}
    %dma_start3A_57 = arith.constant 0 : i32
    %dma_start3A_58 = arith.constant 0 : i32
    %dma_start3A_59 = arith.constant 0 : i32
    %dma_start3A_60 = arith.constant 0 : i32
    %dma_start3A_61 = tpu.memref_slice %arg8[%dma_start3A_57, %dma_start3A_59, %dma_start3A_60] : memref<3x4x128xi32, #tpu.memory_space<vmem>> -> memref<1x4x128xi32, #tpu.memory_space<vmem>>
    %dma_start3A_62 = tpu.memref_squeeze %dma_start3A_61 : memref<1x4x128xi32, #tpu.memory_space<vmem>> -> memref<4x128xi32, #tpu.memory_space<vmem>>
    %dma_start3A_63 = arith.constant 0 : i32
    %dma_start3A_64 = arith.constant 0 : i32
    %dma_start3A_65 = tpu.memref_slice %arg3[%arg0, %arg1, %dma_start3A_63, %dma_start3A_64] : memref<2x16x784x128xi32, #tpu.memory_space<hbm>> -> memref<1x1x4x128xi32, #tpu.memory_space<hbm>>
    %dma_start3A_66 = tpu.memref_squeeze %dma_start3A_65 : memref<1x1x4x128xi32, #tpu.memory_space<hbm>> -> memref<4x128xi32, #tpu.memory_space<hbm>>
    %dma_start3A_67 = tpu.memref_slice %arg13[%dma_start3A_58] : memref<3x!tpu.dma_semaphore, #tpu.memory_space<semaphore_mem>> -> memref<1x!tpu.dma_semaphore, #tpu.memory_space<semaphore_mem>>
    %dma_start3A_68 = tpu.memref_squeeze %dma_start3A_67 : memref<1x!tpu.dma_semaphore, #tpu.memory_space<semaphore_mem>> -> memref<!tpu.dma_semaphore, #tpu.memory_space<semaphore_mem>>
    %dma_start3A_69 = arith.constant 0 : i32
    %dma_start3A_70 = arith.constant 0 : i32
    %dma_start3A_71 = tpu.memref_slice %arg8[%dma_start3A_57, %dma_start3A_69, %dma_start3A_70] : memref<3x4x128xi32, #tpu.memory_space<vmem>> -> memref<1x4x128xi32, #tpu.memory_space<vmem>>
    %dma_start3A_72 = tpu.memref_squeeze %dma_start3A_71 : memref<1x4x128xi32, #tpu.memory_space<vmem>> -> memref<4x128xi32, #tpu.memory_space<vmem>>
    %dma_start3A_73 = arith.constant 0 : i32
    %dma_start3A_74 = arith.constant 0 : i32
    %dma_start3A_75 = tpu.memref_slice %arg3[%arg0, %arg1, %dma_start3A_73, %dma_start3A_74] : memref<2x16x784x128xi32, #tpu.memory_space<hbm>> -> memref<1x1x4x128xi32, #tpu.memory_space<hbm>>
    %dma_start3A_76 = tpu.memref_squeeze %dma_start3A_75 : memref<1x1x4x128xi32, #tpu.memory_space<hbm>> -> memref<4x128xi32, #tpu.memory_space<hbm>>
    tpu.enqueue_dma source(%dma_start3A_76 : memref<4x128xi32, #tpu.memory_space<hbm>>) target(%dma_start3A_72 : memref<4x128xi32, #tpu.memory_space<vmem>>) target_semaphore(%dma_start3A_68 : memref<!tpu.dma_semaphore, #tpu.memory_space<semaphore_mem>>)
    %dma_start3A_77 = arith.constant 0 : i32
    %dma_start3A_78 = arith.constant 0 : i32
    %dma_start3A_79 = arith.constant 0 : i32
    %dma_start3A_80 = arith.constant 0 : i32
    %dma_start3A_81 = tpu.memref_slice %arg9[%dma_start3A_77, %dma_start3A_79, %dma_start3A_80] : memref<3x4x128xi32, #tpu.memory_space<vmem>> -> memref<1x4x128xi32, #tpu.memory_space<vmem>>
    %dma_start3A_82 = tpu.memref_squeeze %dma_start3A_81 : memref<1x4x128xi32, #tpu.memory_space<vmem>> -> memref<4x128xi32, #tpu.memory_space<vmem>>
    %dma_start3A_83 = arith.constant 0 : i32
    %dma_start3A_84 = arith.constant 0 : i32
    %dma_start3A_85 = tpu.memref_slice %arg4[%arg1, %dma_start3A_83, %dma_start3A_84] : memref<16x784x128xi32, #tpu.memory_space<hbm>> -> memref<1x4x128xi32, #tpu.memory_space<hbm>>
    %dma_start3A_86 = tpu.memref_squeeze %dma_start3A_85 : memref<1x4x128xi32, #tpu.memory_space<hbm>> -> memref<4x128xi32, #tpu.memory_space<hbm>>
    %dma_start3A_87 = tpu.memref_slice %arg13[%dma_start3A_78] : memref<3x!tpu.dma_semaphore, #tpu.memory_space<semaphore_mem>> -> memref<1x!tpu.dma_semaphore, #tpu.memory_space<semaphore_mem>>
    %dma_start3A_88 = tpu.memref_squeeze %dma_start3A_87 : memref<1x!tpu.dma_semaphore, #tpu.memory_space<semaphore_mem>> -> memref<!tpu.dma_semaphore, #tpu.memory_space<semaphore_mem>>
    %dma_start3A_89 = arith.constant 0 : i32
    %dma_start3A_90 = arith.constant 0 : i32
    %dma_start3A_91 = tpu.memref_slice %arg9[%dma_start3A_77, %dma_start3A_89, %dma_start3A_90] : memref<3x4x128xi32, #tpu.memory_space<vmem>> -> memref<1x4x128xi32, #tpu.memory_space<vmem>>
    %dma_start3A_92 = tpu.memref_squeeze %dma_start3A_91 : memref<1x4x128xi32, #tpu.memory_space<vmem>> -> memref<4x128xi32, #tpu.memory_space<vmem>>
    %dma_start3A_93 = arith.constant 0 : i32
    %dma_start3A_94 = arith.constant 0 : i32
    %dma_start3A_95 = tpu.memref_slice %arg4[%arg1, %dma_start3A_93, %dma_start3A_94] : memref<16x784x128xi32, #tpu.memory_space<hbm>> -> memref<1x4x128xi32, #tpu.memory_space<hbm>>
    %dma_start3A_96 = tpu.memref_squeeze %dma_start3A_95 : memref<1x4x128xi32, #tpu.memory_space<hbm>> -> memref<4x128xi32, #tpu.memory_space<hbm>>
    tpu.enqueue_dma source(%dma_start3A_96 : memref<4x128xi32, #tpu.memory_space<hbm>>) target(%dma_start3A_92 : memref<4x128xi32, #tpu.memory_space<vmem>>) target_semaphore(%dma_start3A_88 : memref<!tpu.dma_semaphore, #tpu.memory_space<semaphore_mem>>)
    %dma_start3A_97 = arith.constant 1 : i32
    %dma_start3A_98 = arith.constant 1 : i32
    %dma_start3A_99 = arith.constant 0 : i32
    %dma_start3A_100 = arith.constant 0 : i32
    %dma_start3A_101 = tpu.memref_slice %arg8[%dma_start3A_97, %dma_start3A_99, %dma_start3A_100] : memref<3x4x128xi32, #tpu.memory_space<vmem>> -> memref<1x4x128xi32, #tpu.memory_space<vmem>>
    %dma_start3A_102 = tpu.memref_squeeze %dma_start3A_101 : memref<1x4x128xi32, #tpu.memory_space<vmem>> -> memref<4x128xi32, #tpu.memory_space<vmem>>
    %dma_start3A_103 = arith.constant 4 : i32
    %dma_start3A_104 = arith.constant 0 : i32
    %dma_start3A_105 = tpu.memref_slice %arg3[%arg0, %arg1, %dma_start3A_103, %dma_start3A_104] : memref<2x16x784x128xi32, #tpu.memory_space<hbm>> -> memref<1x1x4x128xi32, #tpu.memory_space<hbm>>
    %dma_start3A_106 = tpu.memref_squeeze %dma_start3A_105 : memref<1x1x4x128xi32, #tpu.memory_space<hbm>> -> memref<4x128xi32, #tpu.memory_space<hbm>>
    %dma_start3A_107 = tpu.memref_slice %arg13[%dma_start3A_98] : memref<3x!tpu.dma_semaphore, #tpu.memory_space<semaphore_mem>> -> memref<1x!tpu.dma_semaphore, #tpu.memory_space<semaphore_mem>>
    %dma_start3A_108 = tpu.memref_squeeze %dma_start3A_107 : memref<1x!tpu.dma_semaphore, #tpu.memory_space<semaphore_mem>> -> memref<!tpu.dma_semaphore, #tpu.memory_space<semaphore_mem>>
    %dma_start3A_109 = arith.constant 0 : i32
    %dma_start3A_110 = arith.constant 0 : i32
    %dma_start3A_111 = tpu.memref_slice %arg8[%dma_start3A_97, %dma_start3A_109, %dma_start3A_110] : memref<3x4x128xi32, #tpu.memory_space<vmem>> -> memref<1x4x128xi32, #tpu.memory_space<vmem>>
    %dma_start3A_112 = tpu.memref_squeeze %dma_start3A_111 : memref<1x4x128xi32, #tpu.memory_space<vmem>> -> memref<4x128xi32, #tpu.memory_space<vmem>>
    %dma_start3A_113 = arith.constant 4 : i32
    %dma_start3A_114 = arith.constant 0 : i32
    %dma_start3A_115 = tpu.memref_slice %arg3[%arg0, %arg1, %dma_start3A_113, %dma_start3A_114] : memref<2x16x784x128xi32, #tpu.memory_space<hbm>> -> memref<1x1x4x128xi32, #tpu.memory_space<hbm>>
    %dma_start3A_116 = tpu.memref_squeeze %dma_start3A_115 : memref<1x1x4x128xi32, #tpu.memory_space<hbm>> -> memref<4x128xi32, #tpu.memory_space<hbm>>
    tpu.enqueue_dma source(%dma_start3A_116 : memref<4x128xi32, #tpu.memory_space<hbm>>) target(%dma_start3A_112 : memref<4x128xi32, #tpu.memory_space<vmem>>) target_semaphore(%dma_start3A_108 : memref<!tpu.dma_semaphore, #tpu.memory_space<semaphore_mem>>)
    %dma_start3A_117 = arith.constant 1 : i32
    %dma_start3A_118 = arith.constant 1 : i32
    %dma_start3A_119 = arith.constant 0 : i32
    %dma_start3A_120 = arith.constant 0 : i32
    %dma_start3A_121 = tpu.memref_slice %arg9[%dma_start3A_117, %dma_start3A_119, %dma_start3A_120] : memref<3x4x128xi32, #tpu.memory_space<vmem>> -> memref<1x4x128xi32, #tpu.memory_space<vmem>>
    %dma_start3A_122 = tpu.memref_squeeze %dma_start3A_121 : memref<1x4x128xi32, #tpu.memory_space<vmem>> -> memref<4x128xi32, #tpu.memory_space<vmem>>
    %dma_start3A_123 = arith.constant 4 : i32
    %dma_start3A_124 = arith.constant 0 : i32
    %dma_start3A_125 = tpu.memref_slice %arg4[%arg1, %dma_start3A_123, %dma_start3A_124] : memref<16x784x128xi32, #tpu.memory_space<hbm>> -> memref<1x4x128xi32, #tpu.memory_space<hbm>>
    %dma_start3A_126 = tpu.memref_squeeze %dma_start3A_125 : memref<1x4x128xi32, #tpu.memory_space<hbm>> -> memref<4x128xi32, #tpu.memory_space<hbm>>
    %dma_start3A_127 = tpu.memref_slice %arg13[%dma_start3A_118] : memref<3x!tpu.dma_semaphore, #tpu.memory_space<semaphore_mem>> -> memref<1x!tpu.dma_semaphore, #tpu.memory_space<semaphore_mem>>
    %dma_start3A_128 = tpu.memref_squeeze %dma_start3A_127 : memref<1x!tpu.dma_semaphore, #tpu.memory_space<semaphore_mem>> -> memref<!tpu.dma_semaphore, #tpu.memory_space<semaphore_mem>>
    %dma_start3A_129 = arith.constant 0 : i32
    %dma_start3A_130 = arith.constant 0 : i32
    %dma_start3A_131 = tpu.memref_slice %arg9[%dma_start3A_117, %dma_start3A_129, %dma_start3A_130] : memref<3x4x128xi32, #tpu.memory_space<vmem>> -> memref<1x4x128xi32, #tpu.memory_space<vmem>>
    %dma_start3A_132 = tpu.memref_squeeze %dma_start3A_131 : memref<1x4x128xi32, #tpu.memory_space<vmem>> -> memref<4x128xi32, #tpu.memory_space<vmem>>
    %dma_start3A_133 = arith.constant 4 : i32
    %dma_start3A_134 = arith.constant 0 : i32
    %dma_start3A_135 = tpu.memref_slice %arg4[%arg1, %dma_start3A_133, %dma_start3A_134] : memref<16x784x128xi32, #tpu.memory_space<hbm>> -> memref<1x4x128xi32, #tpu.memory_space<hbm>>
    %dma_start3A_136 = tpu.memref_squeeze %dma_start3A_135 : memref<1x4x128xi32, #tpu.memory_space<hbm>> -> memref<4x128xi32, #tpu.memory_space<hbm>>
    tpu.enqueue_dma source(%dma_start3A_136 : memref<4x128xi32, #tpu.memory_space<hbm>>) target(%dma_start3A_132 : memref<4x128xi32, #tpu.memory_space<vmem>>) target_semaphore(%dma_start3A_128 : memref<!tpu.dma_semaphore, #tpu.memory_space<semaphore_mem>>)
    "tpu.region"() ({
      %run_scoped3A_414 = tpu.sem_alloc : memref<!tpu.dma_semaphore, #tpu.memory_space<semaphore_mem>>
      %dma_start3A_415 = arith.constant 0 : i32
      %dma_start3A_416 = tpu.memref_slice %arg7[%mul3A_0, %dma_start3A_415] : memref<100096x16xf32, #tpu.memory_space<vmem_shared>> -> memref<6256x16xf32, #tpu.memory_space<vmem_shared>>
      %dma_start3A_417 = arith.constant 0 : i32
      %dma_start3A_418 = tpu.memref_slice %arg5[%mul3A_0, %dma_start3A_417] : memref<100096x16xf32, #tpu.memory_space<hbm>> -> memref<6256x16xf32, #tpu.memory_space<hbm>>
      tpu.enqueue_dma source(%dma_start3A_418 : memref<6256x16xf32, #tpu.memory_space<hbm>>) target(%dma_start3A_416 : memref<6256x16xf32, #tpu.memory_space<vmem_shared>>) target_semaphore(%run_scoped3A_414 : memref<!tpu.dma_semaphore, #tpu.memory_space<semaphore_mem>>)
      %dma_wait3A_419 = arith.constant 0 : i32
      %dma_wait3A_420 = tpu.memref_slice %arg7[%mul3A_0, %dma_wait3A_419] : memref<100096x16xf32, #tpu.memory_space<vmem_shared>> -> memref<6256x16xf32, #tpu.memory_space<vmem_shared>>
      %dma_wait3A_421 = arith.constant 0 : i32
      %dma_wait3A_422 = tpu.memref_slice %arg5[%mul3A_0, %dma_wait3A_421] : memref<100096x16xf32, #tpu.memory_space<hbm>> -> memref<6256x16xf32, #tpu.memory_space<hbm>>
      tpu.wait_dma2 semaphore(%run_scoped3A_414 : memref<!tpu.dma_semaphore, #tpu.memory_space<semaphore_mem>>) src(%dma_wait3A_422 : memref<6256x16xf32, #tpu.memory_space<hbm>>) dst(%dma_wait3A_420 : memref<6256x16xf32, #tpu.memory_space<vmem_shared>>)
      tpu.yield
    }) : () -> ()
    %barrier3A = arith.constant 0 : index
    tpu.barrier barrier_id(%barrier3A)
    %dma_wait3A = arith.constant 0 : i32
    %dma_wait3A_137 = arith.constant 0 : i32
    %dma_wait3A_138 = arith.constant 0 : i32
    %dma_wait3A_139 = arith.constant 0 : i32
    %dma_wait3A_140 = tpu.memref_slice %arg8[%dma_wait3A, %dma_wait3A_138, %dma_wait3A_139] : memref<3x4x128xi32, #tpu.memory_space<vmem>> -> memref<1x4x128xi32, #tpu.memory_space<vmem>>
    %dma_wait3A_141 = tpu.memref_squeeze %dma_wait3A_140 : memref<1x4x128xi32, #tpu.memory_space<vmem>> -> memref<4x128xi32, #tpu.memory_space<vmem>>
    %dma_wait3A_142 = arith.constant 0 : i32
    %dma_wait3A_143 = arith.constant 0 : i32
    %dma_wait3A_144 = tpu.memref_slice %arg3[%arg0, %arg1, %dma_wait3A_142, %dma_wait3A_143] : memref<2x16x784x128xi32, #tpu.memory_space<hbm>> -> memref<1x1x4x128xi32, #tpu.memory_space<hbm>>
    %dma_wait3A_145 = tpu.memref_squeeze %dma_wait3A_144 : memref<1x1x4x128xi32, #tpu.memory_space<hbm>> -> memref<4x128xi32, #tpu.memory_space<hbm>>
    %dma_wait3A_146 = tpu.memref_slice %arg13[%dma_wait3A_137] : memref<3x!tpu.dma_semaphore, #tpu.memory_space<semaphore_mem>> -> memref<1x!tpu.dma_semaphore, #tpu.memory_space<semaphore_mem>>
    %dma_wait3A_147 = tpu.memref_squeeze %dma_wait3A_146 : memref<1x!tpu.dma_semaphore, #tpu.memory_space<semaphore_mem>> -> memref<!tpu.dma_semaphore, #tpu.memory_space<semaphore_mem>>
    %dma_wait3A_148 = arith.constant 0 : i32
    %dma_wait3A_149 = arith.constant 0 : i32
    %dma_wait3A_150 = tpu.memref_slice %arg8[%dma_wait3A, %dma_wait3A_148, %dma_wait3A_149] : memref<3x4x128xi32, #tpu.memory_space<vmem>> -> memref<1x4x128xi32, #tpu.memory_space<vmem>>
    %dma_wait3A_151 = tpu.memref_squeeze %dma_wait3A_150 : memref<1x4x128xi32, #tpu.memory_space<vmem>> -> memref<4x128xi32, #tpu.memory_space<vmem>>
    %dma_wait3A_152 = arith.constant 0 : i32
    %dma_wait3A_153 = arith.constant 0 : i32
    %dma_wait3A_154 = tpu.memref_slice %arg3[%arg0, %arg1, %dma_wait3A_152, %dma_wait3A_153] : memref<2x16x784x128xi32, #tpu.memory_space<hbm>> -> memref<1x1x4x128xi32, #tpu.memory_space<hbm>>
    %dma_wait3A_155 = tpu.memref_squeeze %dma_wait3A_154 : memref<1x1x4x128xi32, #tpu.memory_space<hbm>> -> memref<4x128xi32, #tpu.memory_space<hbm>>
    tpu.wait_dma2 semaphore(%dma_wait3A_147 : memref<!tpu.dma_semaphore, #tpu.memory_space<semaphore_mem>>) src(%dma_wait3A_155 : memref<4x128xi32, #tpu.memory_space<hbm>>) dst(%dma_wait3A_151 : memref<4x128xi32, #tpu.memory_space<vmem>>)
    %dma_wait3A_156 = arith.constant 0 : i32
    %dma_wait3A_157 = arith.constant 0 : i32
    %dma_wait3A_158 = arith.constant 0 : i32
    %dma_wait3A_159 = arith.constant 0 : i32
    %dma_wait3A_160 = tpu.memref_slice %arg9[%dma_wait3A_156, %dma_wait3A_158, %dma_wait3A_159] : memref<3x4x128xi32, #tpu.memory_space<vmem>> -> memref<1x4x128xi32, #tpu.memory_space<vmem>>
    %dma_wait3A_161 = tpu.memref_squeeze %dma_wait3A_160 : memref<1x4x128xi32, #tpu.memory_space<vmem>> -> memref<4x128xi32, #tpu.memory_space<vmem>>
    %dma_wait3A_162 = arith.constant 0 : i32
    %dma_wait3A_163 = arith.constant 0 : i32
    %dma_wait3A_164 = tpu.memref_slice %arg4[%arg1, %dma_wait3A_162, %dma_wait3A_163] : memref<16x784x128xi32, #tpu.memory_space<hbm>> -> memref<1x4x128xi32, #tpu.memory_space<hbm>>
    %dma_wait3A_165 = tpu.memref_squeeze %dma_wait3A_164 : memref<1x4x128xi32, #tpu.memory_space<hbm>> -> memref<4x128xi32, #tpu.memory_space<hbm>>
    %dma_wait3A_166 = tpu.memref_slice %arg13[%dma_wait3A_157] : memref<3x!tpu.dma_semaphore, #tpu.memory_space<semaphore_mem>> -> memref<1x!tpu.dma_semaphore, #tpu.memory_space<semaphore_mem>>
    %dma_wait3A_167 = tpu.memref_squeeze %dma_wait3A_166 : memref<1x!tpu.dma_semaphore, #tpu.memory_space<semaphore_mem>> -> memref<!tpu.dma_semaphore, #tpu.memory_space<semaphore_mem>>
    %dma_wait3A_168 = arith.constant 0 : i32
    %dma_wait3A_169 = arith.constant 0 : i32
    %dma_wait3A_170 = tpu.memref_slice %arg9[%dma_wait3A_156, %dma_wait3A_168, %dma_wait3A_169] : memref<3x4x128xi32, #tpu.memory_space<vmem>> -> memref<1x4x128xi32, #tpu.memory_space<vmem>>
    %dma_wait3A_171 = tpu.memref_squeeze %dma_wait3A_170 : memref<1x4x128xi32, #tpu.memory_space<vmem>> -> memref<4x128xi32, #tpu.memory_space<vmem>>
    %dma_wait3A_172 = arith.constant 0 : i32
    %dma_wait3A_173 = arith.constant 0 : i32
    %dma_wait3A_174 = tpu.memref_slice %arg4[%arg1, %dma_wait3A_172, %dma_wait3A_173] : memref<16x784x128xi32, #tpu.memory_space<hbm>> -> memref<1x4x128xi32, #tpu.memory_space<hbm>>
    %dma_wait3A_175 = tpu.memref_squeeze %dma_wait3A_174 : memref<1x4x128xi32, #tpu.memory_space<hbm>> -> memref<4x128xi32, #tpu.memory_space<hbm>>
    tpu.wait_dma2 semaphore(%dma_wait3A_167 : memref<!tpu.dma_semaphore, #tpu.memory_space<semaphore_mem>>) src(%dma_wait3A_175 : memref<4x128xi32, #tpu.memory_space<hbm>>) dst(%dma_wait3A_171 : memref<4x128xi32, #tpu.memory_space<vmem>>)
    %dma_start3A_176 = arith.constant 0 : i32
    %dma_start3A_177 = arith.constant 0 : i32
    %dma_start3A_178 = arith.constant 0 : i32
    %dma_start3A_179 = arith.constant 0 : i32
    %dma_start3A_180 = arith.constant 0 : i32
    %dma_start3A_181 = arith.constant 0 : i32
    %dma_start3A_182 = arith.constant 0 : i32
    %dma_start3A_183 = tpu.memref_slice %arg10[%dma_start3A_178, %dma_start3A_179, %dma_start3A_181, %dma_start3A_182] : memref<3x4x128x16xf32, #tpu.memory_space<vmem>> -> memref<1x1x128x16xf32, #tpu.memory_space<vmem>>
    %dma_start3A_184 = tpu.memref_squeeze %dma_start3A_183 : memref<1x1x128x16xf32, #tpu.memory_space<vmem>> -> memref<128x16xf32, #tpu.memory_space<vmem>>
    %dma_start3A_185 = arith.constant 0 : i32
    %dma_start3A_186 = tpu.memref_slice %arg8[%dma_start3A_176, %dma_start3A_177, %dma_start3A_185] : memref<3x4x128xi32, #tpu.memory_space<vmem>> -> memref<1x1x128xi32, #tpu.memory_space<vmem>>
    %dma_start3A_187 = tpu.memref_squeeze %dma_start3A_186 : memref<1x1x128xi32, #tpu.memory_space<vmem>> -> memref<128xi32, #tpu.memory_space<vmem>>
    %dma_start3A_188 = arith.constant 0 : i32
    %dma_start3A_189 = arith.constant 0 : i32
    %dma_start3A_190 = tpu.memref_slice %arg2[%dma_start3A_188, %dma_start3A_189] : memref<200000x16xf32, #tpu.memory_space<hbm>> -> memref<200000x16xf32, #tpu.memory_space<hbm>>
    %dma_start3A_191 = tpu.memref_slice %arg11[%dma_start3A_180] : memref<3x!tpu.dma_semaphore, #tpu.memory_space<semaphore_mem>> -> memref<1x!tpu.dma_semaphore, #tpu.memory_space<semaphore_mem>>
    %dma_start3A_192 = tpu.memref_squeeze %dma_start3A_191 : memref<1x!tpu.dma_semaphore, #tpu.memory_space<semaphore_mem>> -> memref<!tpu.dma_semaphore, #tpu.memory_space<semaphore_mem>>
    tpu.enqueue_indirect_dma source(%dma_start3A_190 : memref<200000x16xf32, #tpu.memory_space<hbm>>) target(%dma_start3A_184 : memref<128x16xf32, #tpu.memory_space<vmem>>) offsets(%dma_start3A_187 : memref<128xi32, #tpu.memory_space<vmem>>) semaphore(%dma_start3A_192 : memref<!tpu.dma_semaphore, #tpu.memory_space<semaphore_mem>>)
    %dma_start3A_193 = arith.constant 0 : i32
    %dma_start3A_194 = arith.constant 1 : i32
    %dma_start3A_195 = arith.constant 0 : i32
    %dma_start3A_196 = arith.constant 1 : i32
    %dma_start3A_197 = arith.constant 0 : i32
    %dma_start3A_198 = arith.constant 0 : i32
    %dma_start3A_199 = arith.constant 0 : i32
    %dma_start3A_200 = tpu.memref_slice %arg10[%dma_start3A_195, %dma_start3A_196, %dma_start3A_198, %dma_start3A_199] : memref<3x4x128x16xf32, #tpu.memory_space<vmem>> -> memref<1x1x128x16xf32, #tpu.memory_space<vmem>>
    %dma_start3A_201 = tpu.memref_squeeze %dma_start3A_200 : memref<1x1x128x16xf32, #tpu.memory_space<vmem>> -> memref<128x16xf32, #tpu.memory_space<vmem>>
    %dma_start3A_202 = arith.constant 0 : i32
    %dma_start3A_203 = tpu.memref_slice %arg8[%dma_start3A_193, %dma_start3A_194, %dma_start3A_202] : memref<3x4x128xi32, #tpu.memory_space<vmem>> -> memref<1x1x128xi32, #tpu.memory_space<vmem>>
    %dma_start3A_204 = tpu.memref_squeeze %dma_start3A_203 : memref<1x1x128xi32, #tpu.memory_space<vmem>> -> memref<128xi32, #tpu.memory_space<vmem>>
    %dma_start3A_205 = arith.constant 0 : i32
    %dma_start3A_206 = arith.constant 0 : i32
    %dma_start3A_207 = tpu.memref_slice %arg2[%dma_start3A_205, %dma_start3A_206] : memref<200000x16xf32, #tpu.memory_space<hbm>> -> memref<200000x16xf32, #tpu.memory_space<hbm>>
    %dma_start3A_208 = tpu.memref_slice %arg11[%dma_start3A_197] : memref<3x!tpu.dma_semaphore, #tpu.memory_space<semaphore_mem>> -> memref<1x!tpu.dma_semaphore, #tpu.memory_space<semaphore_mem>>
    %dma_start3A_209 = tpu.memref_squeeze %dma_start3A_208 : memref<1x!tpu.dma_semaphore, #tpu.memory_space<semaphore_mem>> -> memref<!tpu.dma_semaphore, #tpu.memory_space<semaphore_mem>>
    tpu.enqueue_indirect_dma source(%dma_start3A_207 : memref<200000x16xf32, #tpu.memory_space<hbm>>) target(%dma_start3A_201 : memref<128x16xf32, #tpu.memory_space<vmem>>) offsets(%dma_start3A_204 : memref<128xi32, #tpu.memory_space<vmem>>) semaphore(%dma_start3A_209 : memref<!tpu.dma_semaphore, #tpu.memory_space<semaphore_mem>>)
    %dma_start3A_210 = arith.constant 0 : i32
    %dma_start3A_211 = arith.constant 2 : i32
    %dma_start3A_212 = arith.constant 0 : i32
    %dma_start3A_213 = arith.constant 2 : i32
    %dma_start3A_214 = arith.constant 0 : i32
    %dma_start3A_215 = arith.constant 0 : i32
    %dma_start3A_216 = arith.constant 0 : i32
    %dma_start3A_217 = tpu.memref_slice %arg10[%dma_start3A_212, %dma_start3A_213, %dma_start3A_215, %dma_start3A_216] : memref<3x4x128x16xf32, #tpu.memory_space<vmem>> -> memref<1x1x128x16xf32, #tpu.memory_space<vmem>>
    %dma_start3A_218 = tpu.memref_squeeze %dma_start3A_217 : memref<1x1x128x16xf32, #tpu.memory_space<vmem>> -> memref<128x16xf32, #tpu.memory_space<vmem>>
    %dma_start3A_219 = arith.constant 0 : i32
    %dma_start3A_220 = tpu.memref_slice %arg8[%dma_start3A_210, %dma_start3A_211, %dma_start3A_219] : memref<3x4x128xi32, #tpu.memory_space<vmem>> -> memref<1x1x128xi32, #tpu.memory_space<vmem>>
    %dma_start3A_221 = tpu.memref_squeeze %dma_start3A_220 : memref<1x1x128xi32, #tpu.memory_space<vmem>> -> memref<128xi32, #tpu.memory_space<vmem>>
    %dma_start3A_222 = arith.constant 0 : i32
    %dma_start3A_223 = arith.constant 0 : i32
    %dma_start3A_224 = tpu.memref_slice %arg2[%dma_start3A_222, %dma_start3A_223] : memref<200000x16xf32, #tpu.memory_space<hbm>> -> memref<200000x16xf32, #tpu.memory_space<hbm>>
    %dma_start3A_225 = tpu.memref_slice %arg11[%dma_start3A_214] : memref<3x!tpu.dma_semaphore, #tpu.memory_space<semaphore_mem>> -> memref<1x!tpu.dma_semaphore, #tpu.memory_space<semaphore_mem>>
    %dma_start3A_226 = tpu.memref_squeeze %dma_start3A_225 : memref<1x!tpu.dma_semaphore, #tpu.memory_space<semaphore_mem>> -> memref<!tpu.dma_semaphore, #tpu.memory_space<semaphore_mem>>
    tpu.enqueue_indirect_dma source(%dma_start3A_224 : memref<200000x16xf32, #tpu.memory_space<hbm>>) target(%dma_start3A_218 : memref<128x16xf32, #tpu.memory_space<vmem>>) offsets(%dma_start3A_221 : memref<128xi32, #tpu.memory_space<vmem>>) semaphore(%dma_start3A_226 : memref<!tpu.dma_semaphore, #tpu.memory_space<semaphore_mem>>)
    %dma_start3A_227 = arith.constant 0 : i32
    %dma_start3A_228 = arith.constant 3 : i32
    %dma_start3A_229 = arith.constant 0 : i32
    %dma_start3A_230 = arith.constant 3 : i32
    %dma_start3A_231 = arith.constant 0 : i32
    %dma_start3A_232 = arith.constant 0 : i32
    %dma_start3A_233 = arith.constant 0 : i32
    %dma_start3A_234 = tpu.memref_slice %arg10[%dma_start3A_229, %dma_start3A_230, %dma_start3A_232, %dma_start3A_233] : memref<3x4x128x16xf32, #tpu.memory_space<vmem>> -> memref<1x1x128x16xf32, #tpu.memory_space<vmem>>
    %dma_start3A_235 = tpu.memref_squeeze %dma_start3A_234 : memref<1x1x128x16xf32, #tpu.memory_space<vmem>> -> memref<128x16xf32, #tpu.memory_space<vmem>>
    %dma_start3A_236 = arith.constant 0 : i32
    %dma_start3A_237 = tpu.memref_slice %arg8[%dma_start3A_227, %dma_start3A_228, %dma_start3A_236] : memref<3x4x128xi32, #tpu.memory_space<vmem>> -> memref<1x1x128xi32, #tpu.memory_space<vmem>>
    %dma_start3A_238 = tpu.memref_squeeze %dma_start3A_237 : memref<1x1x128xi32, #tpu.memory_space<vmem>> -> memref<128xi32, #tpu.memory_space<vmem>>
    %dma_start3A_239 = arith.constant 0 : i32
    %dma_start3A_240 = arith.constant 0 : i32
    %dma_start3A_241 = tpu.memref_slice %arg2[%dma_start3A_239, %dma_start3A_240] : memref<200000x16xf32, #tpu.memory_space<hbm>> -> memref<200000x16xf32, #tpu.memory_space<hbm>>
    %dma_start3A_242 = tpu.memref_slice %arg11[%dma_start3A_231] : memref<3x!tpu.dma_semaphore, #tpu.memory_space<semaphore_mem>> -> memref<1x!tpu.dma_semaphore, #tpu.memory_space<semaphore_mem>>
    %dma_start3A_243 = tpu.memref_squeeze %dma_start3A_242 : memref<1x!tpu.dma_semaphore, #tpu.memory_space<semaphore_mem>> -> memref<!tpu.dma_semaphore, #tpu.memory_space<semaphore_mem>>
    tpu.enqueue_indirect_dma source(%dma_start3A_241 : memref<200000x16xf32, #tpu.memory_space<hbm>>) target(%dma_start3A_235 : memref<128x16xf32, #tpu.memory_space<vmem>>) offsets(%dma_start3A_238 : memref<128xi32, #tpu.memory_space<vmem>>) semaphore(%dma_start3A_243 : memref<!tpu.dma_semaphore, #tpu.memory_space<semaphore_mem>>)
    %scan3A = arith.constant 0 : i32
    %scan3A_244 = arith.constant 0 : i32
    %scan3A_245 = arith.constant 196 : i32
    %scan3A_246 = arith.addi %scan3A_244, %scan3A_245 : i32
    %scan3A_247 = arith.constant 1 : i32
    scf.for %scan3A_414 = %scan3A_244 to %scan3A_246 step %scan3A_247  : i32 {
      %rem3A = arith.constant 3 : i32
      %rem3A_415 = arith.remsi %scan3A_414, %rem3A : i32
      %add3A = arith.constant 1 : i32
      %add3A_416 = arith.addi %scan3A_414, %add3A : i32
      %rem3A_417 = arith.constant 3 : i32
      %rem3A_418 = arith.remsi %add3A_416, %rem3A_417 : i32
      %add3A_419 = arith.constant 2 : i32
      %add3A_420 = arith.addi %scan3A_414, %add3A_419 : i32
      %rem3A_421 = arith.constant 3 : i32
      %rem3A_422 = arith.remsi %add3A_420, %rem3A_421 : i32
      %dma_wait3A_423 = arith.constant 0 : i32
      %dma_wait3A_424 = arith.constant 0 : i32
      %dma_wait3A_425 = arith.constant 0 : i32
      %dma_wait3A_426 = arith.constant 0 : i32
      %dma_wait3A_427 = tpu.memref_slice %arg10[%rem3A_422, %dma_wait3A_423, %dma_wait3A_425, %dma_wait3A_426] : memref<3x4x128x16xf32, #tpu.memory_space<vmem>> -> memref<1x1x128x16xf32, #tpu.memory_space<vmem>>
      %dma_wait3A_428 = tpu.memref_squeeze %dma_wait3A_427 : memref<1x1x128x16xf32, #tpu.memory_space<vmem>> -> memref<128x16xf32, #tpu.memory_space<vmem>>
      %dma_wait3A_429 = arith.constant 0 : i32
      %dma_wait3A_430 = tpu.memref_slice %arg9[%rem3A_422, %dma_wait3A_424, %dma_wait3A_429] : memref<3x4x128xi32, #tpu.memory_space<vmem>> -> memref<1x1x128xi32, #tpu.memory_space<vmem>>
      %dma_wait3A_431 = tpu.memref_squeeze %dma_wait3A_430 : memref<1x1x128xi32, #tpu.memory_space<vmem>> -> memref<128xi32, #tpu.memory_space<vmem>>
      %dma_wait3A_432 = arith.constant 0 : i32
      %dma_wait3A_433 = arith.constant 0 : i32
      %dma_wait3A_434 = tpu.memref_slice %arg7[%dma_wait3A_432, %dma_wait3A_433] : memref<100096x16xf32, #tpu.memory_space<vmem_shared>> -> memref<100096x16xf32, #tpu.memory_space<vmem_shared>>
      tpu.wait_indirect_dma semaphore(%arg12 : memref<!tpu.dma_semaphore, #tpu.memory_space<semaphore_mem>>) src(%dma_wait3A_428 : memref<128x16xf32, #tpu.memory_space<vmem>>) dst(%dma_wait3A_434 : memref<100096x16xf32, #tpu.memory_space<vmem_shared>>)
      %dma_wait3A_435 = arith.constant 1 : i32
      %dma_wait3A_436 = arith.constant 1 : i32
      %dma_wait3A_437 = arith.constant 0 : i32
      %dma_wait3A_438 = arith.constant 0 : i32
      %dma_wait3A_439 = tpu.memref_slice %arg10[%rem3A_422, %dma_wait3A_435, %dma_wait3A_437, %dma_wait3A_438] : memref<3x4x128x16xf32, #tpu.memory_space<vmem>> -> memref<1x1x128x16xf32, #tpu.memory_space<vmem>>
      %dma_wait3A_440 = tpu.memref_squeeze %dma_wait3A_439 : memref<1x1x128x16xf32, #tpu.memory_space<vmem>> -> memref<128x16xf32, #tpu.memory_space<vmem>>
      %dma_wait3A_441 = arith.constant 0 : i32
      %dma_wait3A_442 = tpu.memref_slice %arg9[%rem3A_422, %dma_wait3A_436, %dma_wait3A_441] : memref<3x4x128xi32, #tpu.memory_space<vmem>> -> memref<1x1x128xi32, #tpu.memory_space<vmem>>
      %dma_wait3A_443 = tpu.memref_squeeze %dma_wait3A_442 : memref<1x1x128xi32, #tpu.memory_space<vmem>> -> memref<128xi32, #tpu.memory_space<vmem>>
      %dma_wait3A_444 = arith.constant 0 : i32
      %dma_wait3A_445 = arith.constant 0 : i32
      %dma_wait3A_446 = tpu.memref_slice %arg7[%dma_wait3A_444, %dma_wait3A_445] : memref<100096x16xf32, #tpu.memory_space<vmem_shared>> -> memref<100096x16xf32, #tpu.memory_space<vmem_shared>>
      tpu.wait_indirect_dma semaphore(%arg12 : memref<!tpu.dma_semaphore, #tpu.memory_space<semaphore_mem>>) src(%dma_wait3A_440 : memref<128x16xf32, #tpu.memory_space<vmem>>) dst(%dma_wait3A_446 : memref<100096x16xf32, #tpu.memory_space<vmem_shared>>)
      %dma_wait3A_447 = arith.constant 2 : i32
      %dma_wait3A_448 = arith.constant 2 : i32
      %dma_wait3A_449 = arith.constant 0 : i32
      %dma_wait3A_450 = arith.constant 0 : i32
      %dma_wait3A_451 = tpu.memref_slice %arg10[%rem3A_422, %dma_wait3A_447, %dma_wait3A_449, %dma_wait3A_450] : memref<3x4x128x16xf32, #tpu.memory_space<vmem>> -> memref<1x1x128x16xf32, #tpu.memory_space<vmem>>
      %dma_wait3A_452 = tpu.memref_squeeze %dma_wait3A_451 : memref<1x1x128x16xf32, #tpu.memory_space<vmem>> -> memref<128x16xf32, #tpu.memory_space<vmem>>
      %dma_wait3A_453 = arith.constant 0 : i32
      %dma_wait3A_454 = tpu.memref_slice %arg9[%rem3A_422, %dma_wait3A_448, %dma_wait3A_453] : memref<3x4x128xi32, #tpu.memory_space<vmem>> -> memref<1x1x128xi32, #tpu.memory_space<vmem>>
      %dma_wait3A_455 = tpu.memref_squeeze %dma_wait3A_454 : memref<1x1x128xi32, #tpu.memory_space<vmem>> -> memref<128xi32, #tpu.memory_space<vmem>>
      %dma_wait3A_456 = arith.constant 0 : i32
      %dma_wait3A_457 = arith.constant 0 : i32
      %dma_wait3A_458 = tpu.memref_slice %arg7[%dma_wait3A_456, %dma_wait3A_457] : memref<100096x16xf32, #tpu.memory_space<vmem_shared>> -> memref<100096x16xf32, #tpu.memory_space<vmem_shared>>
      tpu.wait_indirect_dma semaphore(%arg12 : memref<!tpu.dma_semaphore, #tpu.memory_space<semaphore_mem>>) src(%dma_wait3A_452 : memref<128x16xf32, #tpu.memory_space<vmem>>) dst(%dma_wait3A_458 : memref<100096x16xf32, #tpu.memory_space<vmem_shared>>)
      %dma_wait3A_459 = arith.constant 3 : i32
      %dma_wait3A_460 = arith.constant 3 : i32
      %dma_wait3A_461 = arith.constant 0 : i32
      %dma_wait3A_462 = arith.constant 0 : i32
      %dma_wait3A_463 = tpu.memref_slice %arg10[%rem3A_422, %dma_wait3A_459, %dma_wait3A_461, %dma_wait3A_462] : memref<3x4x128x16xf32, #tpu.memory_space<vmem>> -> memref<1x1x128x16xf32, #tpu.memory_space<vmem>>
      %dma_wait3A_464 = tpu.memref_squeeze %dma_wait3A_463 : memref<1x1x128x16xf32, #tpu.memory_space<vmem>> -> memref<128x16xf32, #tpu.memory_space<vmem>>
      %dma_wait3A_465 = arith.constant 0 : i32
      %dma_wait3A_466 = tpu.memref_slice %arg9[%rem3A_422, %dma_wait3A_460, %dma_wait3A_465] : memref<3x4x128xi32, #tpu.memory_space<vmem>> -> memref<1x1x128xi32, #tpu.memory_space<vmem>>
      %dma_wait3A_467 = tpu.memref_squeeze %dma_wait3A_466 : memref<1x1x128xi32, #tpu.memory_space<vmem>> -> memref<128xi32, #tpu.memory_space<vmem>>
      %dma_wait3A_468 = arith.constant 0 : i32
      %dma_wait3A_469 = arith.constant 0 : i32
      %dma_wait3A_470 = tpu.memref_slice %arg7[%dma_wait3A_468, %dma_wait3A_469] : memref<100096x16xf32, #tpu.memory_space<vmem_shared>> -> memref<100096x16xf32, #tpu.memory_space<vmem_shared>>
      tpu.wait_indirect_dma semaphore(%arg12 : memref<!tpu.dma_semaphore, #tpu.memory_space<semaphore_mem>>) src(%dma_wait3A_464 : memref<128x16xf32, #tpu.memory_space<vmem>>) dst(%dma_wait3A_470 : memref<100096x16xf32, #tpu.memory_space<vmem_shared>>)
      %add3A_471 = arith.constant 2 : i32
      %add3A_472 = arith.addi %scan3A_414, %add3A_471 : i32
      %rem3A_473 = arith.constant 196 : i32
      %rem3A_474 = arith.remsi %add3A_472, %rem3A_473 : i32
      %mul3A_475 = arith.constant 4 : i32
      %mul3A_476 = arith.muli %rem3A_474, %mul3A_475 : i32
      %dma_start3A_477 = arith.constant 0 : i32
      %dma_start3A_478 = arith.constant 0 : i32
      %dma_start3A_479 = tpu.memref_slice %arg8[%rem3A_422, %dma_start3A_477, %dma_start3A_478] : memref<3x4x128xi32, #tpu.memory_space<vmem>> -> memref<1x4x128xi32, #tpu.memory_space<vmem>>
      %dma_start3A_480 = tpu.memref_squeeze %dma_start3A_479 : memref<1x4x128xi32, #tpu.memory_space<vmem>> -> memref<4x128xi32, #tpu.memory_space<vmem>>
      %dma_start3A_481 = arith.constant 0 : i32
      %dma_start3A_482 = tpu.memref_slice %arg3[%arg0, %arg1, %mul3A_476, %dma_start3A_481] : memref<2x16x784x128xi32, #tpu.memory_space<hbm>> -> memref<1x1x4x128xi32, #tpu.memory_space<hbm>>
      %dma_start3A_483 = tpu.memref_squeeze %dma_start3A_482 : memref<1x1x4x128xi32, #tpu.memory_space<hbm>> -> memref<4x128xi32, #tpu.memory_space<hbm>>
      %dma_start3A_484 = tpu.memref_slice %arg13[%rem3A_422] : memref<3x!tpu.dma_semaphore, #tpu.memory_space<semaphore_mem>> -> memref<1x!tpu.dma_semaphore, #tpu.memory_space<semaphore_mem>>
      %dma_start3A_485 = tpu.memref_squeeze %dma_start3A_484 : memref<1x!tpu.dma_semaphore, #tpu.memory_space<semaphore_mem>> -> memref<!tpu.dma_semaphore, #tpu.memory_space<semaphore_mem>>
      %dma_start3A_486 = arith.constant 0 : i32
      %dma_start3A_487 = arith.constant 0 : i32
      %dma_start3A_488 = tpu.memref_slice %arg8[%rem3A_422, %dma_start3A_486, %dma_start3A_487] : memref<3x4x128xi32, #tpu.memory_space<vmem>> -> memref<1x4x128xi32, #tpu.memory_space<vmem>>
      %dma_start3A_489 = tpu.memref_squeeze %dma_start3A_488 : memref<1x4x128xi32, #tpu.memory_space<vmem>> -> memref<4x128xi32, #tpu.memory_space<vmem>>
      %dma_start3A_490 = arith.constant 0 : i32
      %dma_start3A_491 = tpu.memref_slice %arg3[%arg0, %arg1, %mul3A_476, %dma_start3A_490] : memref<2x16x784x128xi32, #tpu.memory_space<hbm>> -> memref<1x1x4x128xi32, #tpu.memory_space<hbm>>
      %dma_start3A_492 = tpu.memref_squeeze %dma_start3A_491 : memref<1x1x4x128xi32, #tpu.memory_space<hbm>> -> memref<4x128xi32, #tpu.memory_space<hbm>>
      tpu.enqueue_dma source(%dma_start3A_492 : memref<4x128xi32, #tpu.memory_space<hbm>>) target(%dma_start3A_489 : memref<4x128xi32, #tpu.memory_space<vmem>>) target_semaphore(%dma_start3A_485 : memref<!tpu.dma_semaphore, #tpu.memory_space<semaphore_mem>>)
      %mul3A_493 = arith.constant 4 : i32
      %mul3A_494 = arith.muli %rem3A_474, %mul3A_493 : i32
      %dma_start3A_495 = arith.constant 0 : i32
      %dma_start3A_496 = arith.constant 0 : i32
      %dma_start3A_497 = tpu.memref_slice %arg9[%rem3A_422, %dma_start3A_495, %dma_start3A_496] : memref<3x4x128xi32, #tpu.memory_space<vmem>> -> memref<1x4x128xi32, #tpu.memory_space<vmem>>
      %dma_start3A_498 = tpu.memref_squeeze %dma_start3A_497 : memref<1x4x128xi32, #tpu.memory_space<vmem>> -> memref<4x128xi32, #tpu.memory_space<vmem>>
      %dma_start3A_499 = arith.constant 0 : i32
      %dma_start3A_500 = tpu.memref_slice %arg4[%arg1, %mul3A_494, %dma_start3A_499] : memref<16x784x128xi32, #tpu.memory_space<hbm>> -> memref<1x4x128xi32, #tpu.memory_space<hbm>>
      %dma_start3A_501 = tpu.memref_squeeze %dma_start3A_500 : memref<1x4x128xi32, #tpu.memory_space<hbm>> -> memref<4x128xi32, #tpu.memory_space<hbm>>
      %dma_start3A_502 = tpu.memref_slice %arg13[%rem3A_422] : memref<3x!tpu.dma_semaphore, #tpu.memory_space<semaphore_mem>> -> memref<1x!tpu.dma_semaphore, #tpu.memory_space<semaphore_mem>>
      %dma_start3A_503 = tpu.memref_squeeze %dma_start3A_502 : memref<1x!tpu.dma_semaphore, #tpu.memory_space<semaphore_mem>> -> memref<!tpu.dma_semaphore, #tpu.memory_space<semaphore_mem>>
      %dma_start3A_504 = arith.constant 0 : i32
      %dma_start3A_505 = arith.constant 0 : i32
      %dma_start3A_506 = tpu.memref_slice %arg9[%rem3A_422, %dma_start3A_504, %dma_start3A_505] : memref<3x4x128xi32, #tpu.memory_space<vmem>> -> memref<1x4x128xi32, #tpu.memory_space<vmem>>
      %dma_start3A_507 = tpu.memref_squeeze %dma_start3A_506 : memref<1x4x128xi32, #tpu.memory_space<vmem>> -> memref<4x128xi32, #tpu.memory_space<vmem>>
      %dma_start3A_508 = arith.constant 0 : i32
      %dma_start3A_509 = tpu.memref_slice %arg4[%arg1, %mul3A_494, %dma_start3A_508] : memref<16x784x128xi32, #tpu.memory_space<hbm>> -> memref<1x4x128xi32, #tpu.memory_space<hbm>>
      %dma_start3A_510 = tpu.memref_squeeze %dma_start3A_509 : memref<1x4x128xi32, #tpu.memory_space<hbm>> -> memref<4x128xi32, #tpu.memory_space<hbm>>
      tpu.enqueue_dma source(%dma_start3A_510 : memref<4x128xi32, #tpu.memory_space<hbm>>) target(%dma_start3A_507 : memref<4x128xi32, #tpu.memory_space<vmem>>) target_semaphore(%dma_start3A_503 : memref<!tpu.dma_semaphore, #tpu.memory_space<semaphore_mem>>)
      %dma_wait3A_511 = arith.constant 0 : i32
      %dma_wait3A_512 = arith.constant 0 : i32
      %dma_wait3A_513 = tpu.memref_slice %arg8[%rem3A_418, %dma_wait3A_511, %dma_wait3A_512] : memref<3x4x128xi32, #tpu.memory_space<vmem>> -> memref<1x4x128xi32, #tpu.memory_space<vmem>>
      %dma_wait3A_514 = tpu.memref_squeeze %dma_wait3A_513 : memref<1x4x128xi32, #tpu.memory_space<vmem>> -> memref<4x128xi32, #tpu.memory_space<vmem>>
      %dma_wait3A_515 = arith.constant 0 : i32
      %dma_wait3A_516 = arith.constant 0 : i32
      %dma_wait3A_517 = tpu.memref_slice %arg3[%arg0, %arg1, %dma_wait3A_515, %dma_wait3A_516] : memref<2x16x784x128xi32, #tpu.memory_space<hbm>> -> memref<1x1x4x128xi32, #tpu.memory_space<hbm>>
      %dma_wait3A_518 = tpu.memref_squeeze %dma_wait3A_517 : memref<1x1x4x128xi32, #tpu.memory_space<hbm>> -> memref<4x128xi32, #tpu.memory_space<hbm>>
      %dma_wait3A_519 = tpu.memref_slice %arg13[%rem3A_418] : memref<3x!tpu.dma_semaphore, #tpu.memory_space<semaphore_mem>> -> memref<1x!tpu.dma_semaphore, #tpu.memory_space<semaphore_mem>>
      %dma_wait3A_520 = tpu.memref_squeeze %dma_wait3A_519 : memref<1x!tpu.dma_semaphore, #tpu.memory_space<semaphore_mem>> -> memref<!tpu.dma_semaphore, #tpu.memory_space<semaphore_mem>>
      %dma_wait3A_521 = arith.constant 0 : i32
      %dma_wait3A_522 = arith.constant 0 : i32
      %dma_wait3A_523 = tpu.memref_slice %arg8[%rem3A_418, %dma_wait3A_521, %dma_wait3A_522] : memref<3x4x128xi32, #tpu.memory_space<vmem>> -> memref<1x4x128xi32, #tpu.memory_space<vmem>>
      %dma_wait3A_524 = tpu.memref_squeeze %dma_wait3A_523 : memref<1x4x128xi32, #tpu.memory_space<vmem>> -> memref<4x128xi32, #tpu.memory_space<vmem>>
      %dma_wait3A_525 = arith.constant 0 : i32
      %dma_wait3A_526 = arith.constant 0 : i32
      %dma_wait3A_527 = tpu.memref_slice %arg3[%arg0, %arg1, %dma_wait3A_525, %dma_wait3A_526] : memref<2x16x784x128xi32, #tpu.memory_space<hbm>> -> memref<1x1x4x128xi32, #tpu.memory_space<hbm>>
      %dma_wait3A_528 = tpu.memref_squeeze %dma_wait3A_527 : memref<1x1x4x128xi32, #tpu.memory_space<hbm>> -> memref<4x128xi32, #tpu.memory_space<hbm>>
      tpu.wait_dma2 semaphore(%dma_wait3A_520 : memref<!tpu.dma_semaphore, #tpu.memory_space<semaphore_mem>>) src(%dma_wait3A_528 : memref<4x128xi32, #tpu.memory_space<hbm>>) dst(%dma_wait3A_524 : memref<4x128xi32, #tpu.memory_space<vmem>>)
      %dma_wait3A_529 = arith.constant 0 : i32
      %dma_wait3A_530 = arith.constant 0 : i32
      %dma_wait3A_531 = tpu.memref_slice %arg9[%rem3A_418, %dma_wait3A_529, %dma_wait3A_530] : memref<3x4x128xi32, #tpu.memory_space<vmem>> -> memref<1x4x128xi32, #tpu.memory_space<vmem>>
      %dma_wait3A_532 = tpu.memref_squeeze %dma_wait3A_531 : memref<1x4x128xi32, #tpu.memory_space<vmem>> -> memref<4x128xi32, #tpu.memory_space<vmem>>
      %dma_wait3A_533 = arith.constant 0 : i32
      %dma_wait3A_534 = arith.constant 0 : i32
      %dma_wait3A_535 = tpu.memref_slice %arg4[%arg1, %dma_wait3A_533, %dma_wait3A_534] : memref<16x784x128xi32, #tpu.memory_space<hbm>> -> memref<1x4x128xi32, #tpu.memory_space<hbm>>
      %dma_wait3A_536 = tpu.memref_squeeze %dma_wait3A_535 : memref<1x4x128xi32, #tpu.memory_space<hbm>> -> memref<4x128xi32, #tpu.memory_space<hbm>>
      %dma_wait3A_537 = tpu.memref_slice %arg13[%rem3A_418] : memref<3x!tpu.dma_semaphore, #tpu.memory_space<semaphore_mem>> -> memref<1x!tpu.dma_semaphore, #tpu.memory_space<semaphore_mem>>
      %dma_wait3A_538 = tpu.memref_squeeze %dma_wait3A_537 : memref<1x!tpu.dma_semaphore, #tpu.memory_space<semaphore_mem>> -> memref<!tpu.dma_semaphore, #tpu.memory_space<semaphore_mem>>
      %dma_wait3A_539 = arith.constant 0 : i32
      %dma_wait3A_540 = arith.constant 0 : i32
      %dma_wait3A_541 = tpu.memref_slice %arg9[%rem3A_418, %dma_wait3A_539, %dma_wait3A_540] : memref<3x4x128xi32, #tpu.memory_space<vmem>> -> memref<1x4x128xi32, #tpu.memory_space<vmem>>
      %dma_wait3A_542 = tpu.memref_squeeze %dma_wait3A_541 : memref<1x4x128xi32, #tpu.memory_space<vmem>> -> memref<4x128xi32, #tpu.memory_space<vmem>>
      %dma_wait3A_543 = arith.constant 0 : i32
      %dma_wait3A_544 = arith.constant 0 : i32
      %dma_wait3A_545 = tpu.memref_slice %arg4[%arg1, %dma_wait3A_543, %dma_wait3A_544] : memref<16x784x128xi32, #tpu.memory_space<hbm>> -> memref<1x4x128xi32, #tpu.memory_space<hbm>>
      %dma_wait3A_546 = tpu.memref_squeeze %dma_wait3A_545 : memref<1x4x128xi32, #tpu.memory_space<hbm>> -> memref<4x128xi32, #tpu.memory_space<hbm>>
      tpu.wait_dma2 semaphore(%dma_wait3A_538 : memref<!tpu.dma_semaphore, #tpu.memory_space<semaphore_mem>>) src(%dma_wait3A_546 : memref<4x128xi32, #tpu.memory_space<hbm>>) dst(%dma_wait3A_542 : memref<4x128xi32, #tpu.memory_space<vmem>>)
      %dma_start3A_547 = arith.constant 0 : i32
      %dma_start3A_548 = arith.constant 0 : i32
      %dma_start3A_549 = arith.constant 0 : i32
      %dma_start3A_550 = arith.constant 0 : i32
      %dma_start3A_551 = tpu.memref_slice %arg10[%rem3A_418, %dma_start3A_548, %dma_start3A_549, %dma_start3A_550] : memref<3x4x128x16xf32, #tpu.memory_space<vmem>> -> memref<1x1x128x16xf32, #tpu.memory_space<vmem>>
      %dma_start3A_552 = tpu.memref_squeeze %dma_start3A_551 : memref<1x1x128x16xf32, #tpu.memory_space<vmem>> -> memref<128x16xf32, #tpu.memory_space<vmem>>
      %dma_start3A_553 = arith.constant 0 : i32
      %dma_start3A_554 = tpu.memref_slice %arg8[%rem3A_418, %dma_start3A_547, %dma_start3A_553] : memref<3x4x128xi32, #tpu.memory_space<vmem>> -> memref<1x1x128xi32, #tpu.memory_space<vmem>>
      %dma_start3A_555 = tpu.memref_squeeze %dma_start3A_554 : memref<1x1x128xi32, #tpu.memory_space<vmem>> -> memref<128xi32, #tpu.memory_space<vmem>>
      %dma_start3A_556 = arith.constant 0 : i32
      %dma_start3A_557 = arith.constant 0 : i32
      %dma_start3A_558 = tpu.memref_slice %arg2[%dma_start3A_556, %dma_start3A_557] : memref<200000x16xf32, #tpu.memory_space<hbm>> -> memref<200000x16xf32, #tpu.memory_space<hbm>>
      %dma_start3A_559 = tpu.memref_slice %arg11[%rem3A_418] : memref<3x!tpu.dma_semaphore, #tpu.memory_space<semaphore_mem>> -> memref<1x!tpu.dma_semaphore, #tpu.memory_space<semaphore_mem>>
      %dma_start3A_560 = tpu.memref_squeeze %dma_start3A_559 : memref<1x!tpu.dma_semaphore, #tpu.memory_space<semaphore_mem>> -> memref<!tpu.dma_semaphore, #tpu.memory_space<semaphore_mem>>
      tpu.enqueue_indirect_dma source(%dma_start3A_558 : memref<200000x16xf32, #tpu.memory_space<hbm>>) target(%dma_start3A_552 : memref<128x16xf32, #tpu.memory_space<vmem>>) offsets(%dma_start3A_555 : memref<128xi32, #tpu.memory_space<vmem>>) semaphore(%dma_start3A_560 : memref<!tpu.dma_semaphore, #tpu.memory_space<semaphore_mem>>)
      %dma_start3A_561 = arith.constant 1 : i32
      %dma_start3A_562 = arith.constant 1 : i32
      %dma_start3A_563 = arith.constant 0 : i32
      %dma_start3A_564 = arith.constant 0 : i32
      %dma_start3A_565 = tpu.memref_slice %arg10[%rem3A_418, %dma_start3A_562, %dma_start3A_563, %dma_start3A_564] : memref<3x4x128x16xf32, #tpu.memory_space<vmem>> -> memref<1x1x128x16xf32, #tpu.memory_space<vmem>>
      %dma_start3A_566 = tpu.memref_squeeze %dma_start3A_565 : memref<1x1x128x16xf32, #tpu.memory_space<vmem>> -> memref<128x16xf32, #tpu.memory_space<vmem>>
      %dma_start3A_567 = arith.constant 0 : i32
      %dma_start3A_568 = tpu.memref_slice %arg8[%rem3A_418, %dma_start3A_561, %dma_start3A_567] : memref<3x4x128xi32, #tpu.memory_space<vmem>> -> memref<1x1x128xi32, #tpu.memory_space<vmem>>
      %dma_start3A_569 = tpu.memref_squeeze %dma_start3A_568 : memref<1x1x128xi32, #tpu.memory_space<vmem>> -> memref<128xi32, #tpu.memory_space<vmem>>
      %dma_start3A_570 = arith.constant 0 : i32
      %dma_start3A_571 = arith.constant 0 : i32
      %dma_start3A_572 = tpu.memref_slice %arg2[%dma_start3A_570, %dma_start3A_571] : memref<200000x16xf32, #tpu.memory_space<hbm>> -> memref<200000x16xf32, #tpu.memory_space<hbm>>
      %dma_start3A_573 = tpu.memref_slice %arg11[%rem3A_418] : memref<3x!tpu.dma_semaphore, #tpu.memory_space<semaphore_mem>> -> memref<1x!tpu.dma_semaphore, #tpu.memory_space<semaphore_mem>>
      %dma_start3A_574 = tpu.memref_squeeze %dma_start3A_573 : memref<1x!tpu.dma_semaphore, #tpu.memory_space<semaphore_mem>> -> memref<!tpu.dma_semaphore, #tpu.memory_space<semaphore_mem>>
      tpu.enqueue_indirect_dma source(%dma_start3A_572 : memref<200000x16xf32, #tpu.memory_space<hbm>>) target(%dma_start3A_566 : memref<128x16xf32, #tpu.memory_space<vmem>>) offsets(%dma_start3A_569 : memref<128xi32, #tpu.memory_space<vmem>>) semaphore(%dma_start3A_574 : memref<!tpu.dma_semaphore, #tpu.memory_space<semaphore_mem>>)
      %dma_start3A_575 = arith.constant 2 : i32
      %dma_start3A_576 = arith.constant 2 : i32
      %dma_start3A_577 = arith.constant 0 : i32
      %dma_start3A_578 = arith.constant 0 : i32
      %dma_start3A_579 = tpu.memref_slice %arg10[%rem3A_418, %dma_start3A_576, %dma_start3A_577, %dma_start3A_578] : memref<3x4x128x16xf32, #tpu.memory_space<vmem>> -> memref<1x1x128x16xf32, #tpu.memory_space<vmem>>
      %dma_start3A_580 = tpu.memref_squeeze %dma_start3A_579 : memref<1x1x128x16xf32, #tpu.memory_space<vmem>> -> memref<128x16xf32, #tpu.memory_space<vmem>>
      %dma_start3A_581 = arith.constant 0 : i32
      %dma_start3A_582 = tpu.memref_slice %arg8[%rem3A_418, %dma_start3A_575, %dma_start3A_581] : memref<3x4x128xi32, #tpu.memory_space<vmem>> -> memref<1x1x128xi32, #tpu.memory_space<vmem>>
      %dma_start3A_583 = tpu.memref_squeeze %dma_start3A_582 : memref<1x1x128xi32, #tpu.memory_space<vmem>> -> memref<128xi32, #tpu.memory_space<vmem>>
      %dma_start3A_584 = arith.constant 0 : i32
      %dma_start3A_585 = arith.constant 0 : i32
      %dma_start3A_586 = tpu.memref_slice %arg2[%dma_start3A_584, %dma_start3A_585] : memref<200000x16xf32, #tpu.memory_space<hbm>> -> memref<200000x16xf32, #tpu.memory_space<hbm>>
      %dma_start3A_587 = tpu.memref_slice %arg11[%rem3A_418] : memref<3x!tpu.dma_semaphore, #tpu.memory_space<semaphore_mem>> -> memref<1x!tpu.dma_semaphore, #tpu.memory_space<semaphore_mem>>
      %dma_start3A_588 = tpu.memref_squeeze %dma_start3A_587 : memref<1x!tpu.dma_semaphore, #tpu.memory_space<semaphore_mem>> -> memref<!tpu.dma_semaphore, #tpu.memory_space<semaphore_mem>>
      tpu.enqueue_indirect_dma source(%dma_start3A_586 : memref<200000x16xf32, #tpu.memory_space<hbm>>) target(%dma_start3A_580 : memref<128x16xf32, #tpu.memory_space<vmem>>) offsets(%dma_start3A_583 : memref<128xi32, #tpu.memory_space<vmem>>) semaphore(%dma_start3A_588 : memref<!tpu.dma_semaphore, #tpu.memory_space<semaphore_mem>>)
      %dma_start3A_589 = arith.constant 3 : i32
      %dma_start3A_590 = arith.constant 3 : i32
      %dma_start3A_591 = arith.constant 0 : i32
      %dma_start3A_592 = arith.constant 0 : i32
      %dma_start3A_593 = tpu.memref_slice %arg10[%rem3A_418, %dma_start3A_590, %dma_start3A_591, %dma_start3A_592] : memref<3x4x128x16xf32, #tpu.memory_space<vmem>> -> memref<1x1x128x16xf32, #tpu.memory_space<vmem>>
      %dma_start3A_594 = tpu.memref_squeeze %dma_start3A_593 : memref<1x1x128x16xf32, #tpu.memory_space<vmem>> -> memref<128x16xf32, #tpu.memory_space<vmem>>
      %dma_start3A_595 = arith.constant 0 : i32
      %dma_start3A_596 = tpu.memref_slice %arg8[%rem3A_418, %dma_start3A_589, %dma_start3A_595] : memref<3x4x128xi32, #tpu.memory_space<vmem>> -> memref<1x1x128xi32, #tpu.memory_space<vmem>>
      %dma_start3A_597 = tpu.memref_squeeze %dma_start3A_596 : memref<1x1x128xi32, #tpu.memory_space<vmem>> -> memref<128xi32, #tpu.memory_space<vmem>>
      %dma_start3A_598 = arith.constant 0 : i32
      %dma_start3A_599 = arith.constant 0 : i32
      %dma_start3A_600 = tpu.memref_slice %arg2[%dma_start3A_598, %dma_start3A_599] : memref<200000x16xf32, #tpu.memory_space<hbm>> -> memref<200000x16xf32, #tpu.memory_space<hbm>>
      %dma_start3A_601 = tpu.memref_slice %arg11[%rem3A_418] : memref<3x!tpu.dma_semaphore, #tpu.memory_space<semaphore_mem>> -> memref<1x!tpu.dma_semaphore, #tpu.memory_space<semaphore_mem>>
      %dma_start3A_602 = tpu.memref_squeeze %dma_start3A_601 : memref<1x!tpu.dma_semaphore, #tpu.memory_space<semaphore_mem>> -> memref<!tpu.dma_semaphore, #tpu.memory_space<semaphore_mem>>
      tpu.enqueue_indirect_dma source(%dma_start3A_600 : memref<200000x16xf32, #tpu.memory_space<hbm>>) target(%dma_start3A_594 : memref<128x16xf32, #tpu.memory_space<vmem>>) offsets(%dma_start3A_597 : memref<128xi32, #tpu.memory_space<vmem>>) semaphore(%dma_start3A_602 : memref<!tpu.dma_semaphore, #tpu.memory_space<semaphore_mem>>)
      %dma_wait3A_603 = arith.constant 0 : i32
      %dma_wait3A_604 = arith.constant 0 : i32
      %dma_wait3A_605 = arith.constant 0 : i32
      %dma_wait3A_606 = arith.constant 0 : i32
      %dma_wait3A_607 = tpu.memref_slice %arg10[%rem3A_415, %dma_wait3A_604, %dma_wait3A_605, %dma_wait3A_606] : memref<3x4x128x16xf32, #tpu.memory_space<vmem>> -> memref<1x1x128x16xf32, #tpu.memory_space<vmem>>
      %dma_wait3A_608 = tpu.memref_squeeze %dma_wait3A_607 : memref<1x1x128x16xf32, #tpu.memory_space<vmem>> -> memref<128x16xf32, #tpu.memory_space<vmem>>
      %dma_wait3A_609 = arith.constant 0 : i32
      %dma_wait3A_610 = tpu.memref_slice %arg8[%rem3A_415, %dma_wait3A_603, %dma_wait3A_609] : memref<3x4x128xi32, #tpu.memory_space<vmem>> -> memref<1x1x128xi32, #tpu.memory_space<vmem>>
      %dma_wait3A_611 = tpu.memref_squeeze %dma_wait3A_610 : memref<1x1x128xi32, #tpu.memory_space<vmem>> -> memref<128xi32, #tpu.memory_space<vmem>>
      %dma_wait3A_612 = arith.constant 0 : i32
      %dma_wait3A_613 = arith.constant 0 : i32
      %dma_wait3A_614 = tpu.memref_slice %arg2[%dma_wait3A_612, %dma_wait3A_613] : memref<200000x16xf32, #tpu.memory_space<hbm>> -> memref<200000x16xf32, #tpu.memory_space<hbm>>
      %dma_wait3A_615 = tpu.memref_slice %arg11[%rem3A_415] : memref<3x!tpu.dma_semaphore, #tpu.memory_space<semaphore_mem>> -> memref<1x!tpu.dma_semaphore, #tpu.memory_space<semaphore_mem>>
      %dma_wait3A_616 = tpu.memref_squeeze %dma_wait3A_615 : memref<1x!tpu.dma_semaphore, #tpu.memory_space<semaphore_mem>> -> memref<!tpu.dma_semaphore, #tpu.memory_space<semaphore_mem>>
      tpu.wait_indirect_dma semaphore(%dma_wait3A_616 : memref<!tpu.dma_semaphore, #tpu.memory_space<semaphore_mem>>) src(%dma_wait3A_614 : memref<200000x16xf32, #tpu.memory_space<hbm>>) dst(%dma_wait3A_608 : memref<128x16xf32, #tpu.memory_space<vmem>>)
      %dma_start3A_617 = arith.constant 0 : i32
      %dma_start3A_618 = arith.constant 0 : i32
      %dma_start3A_619 = arith.constant 0 : i32
      %dma_start3A_620 = arith.constant 0 : i32
      %dma_start3A_621 = tpu.memref_slice %arg10[%rem3A_415, %dma_start3A_617, %dma_start3A_619, %dma_start3A_620] : memref<3x4x128x16xf32, #tpu.memory_space<vmem>> -> memref<1x1x128x16xf32, #tpu.memory_space<vmem>>
      %dma_start3A_622 = tpu.memref_squeeze %dma_start3A_621 : memref<1x1x128x16xf32, #tpu.memory_space<vmem>> -> memref<128x16xf32, #tpu.memory_space<vmem>>
      %dma_start3A_623 = arith.constant 0 : i32
      %dma_start3A_624 = tpu.memref_slice %arg9[%rem3A_415, %dma_start3A_618, %dma_start3A_623] : memref<3x4x128xi32, #tpu.memory_space<vmem>> -> memref<1x1x128xi32, #tpu.memory_space<vmem>>
      %dma_start3A_625 = tpu.memref_squeeze %dma_start3A_624 : memref<1x1x128xi32, #tpu.memory_space<vmem>> -> memref<128xi32, #tpu.memory_space<vmem>>
      %dma_start3A_626 = arith.constant 0 : i32
      %dma_start3A_627 = arith.constant 0 : i32
      %dma_start3A_628 = tpu.memref_slice %arg7[%dma_start3A_626, %dma_start3A_627] : memref<100096x16xf32, #tpu.memory_space<vmem_shared>> -> memref<100096x16xf32, #tpu.memory_space<vmem_shared>>
      tpu.enqueue_indirect_dma source(%dma_start3A_622 : memref<128x16xf32, #tpu.memory_space<vmem>>) target(%dma_start3A_628 : memref<100096x16xf32, #tpu.memory_space<vmem_shared>>) offsets(%dma_start3A_625 : memref<128xi32, #tpu.memory_space<vmem>>) semaphore(%arg12 : memref<!tpu.dma_semaphore, #tpu.memory_space<semaphore_mem>>) {add = true}
      %dma_wait3A_629 = arith.constant 1 : i32
      %dma_wait3A_630 = arith.constant 1 : i32
      %dma_wait3A_631 = arith.constant 0 : i32
      %dma_wait3A_632 = arith.constant 0 : i32
      %dma_wait3A_633 = tpu.memref_slice %arg10[%rem3A_415, %dma_wait3A_630, %dma_wait3A_631, %dma_wait3A_632] : memref<3x4x128x16xf32, #tpu.memory_space<vmem>> -> memref<1x1x128x16xf32, #tpu.memory_space<vmem>>
      %dma_wait3A_634 = tpu.memref_squeeze %dma_wait3A_633 : memref<1x1x128x16xf32, #tpu.memory_space<vmem>> -> memref<128x16xf32, #tpu.memory_space<vmem>>
      %dma_wait3A_635 = arith.constant 0 : i32
      %dma_wait3A_636 = tpu.memref_slice %arg8[%rem3A_415, %dma_wait3A_629, %dma_wait3A_635] : memref<3x4x128xi32, #tpu.memory_space<vmem>> -> memref<1x1x128xi32, #tpu.memory_space<vmem>>
      %dma_wait3A_637 = tpu.memref_squeeze %dma_wait3A_636 : memref<1x1x128xi32, #tpu.memory_space<vmem>> -> memref<128xi32, #tpu.memory_space<vmem>>
      %dma_wait3A_638 = arith.constant 0 : i32
      %dma_wait3A_639 = arith.constant 0 : i32
      %dma_wait3A_640 = tpu.memref_slice %arg2[%dma_wait3A_638, %dma_wait3A_639] : memref<200000x16xf32, #tpu.memory_space<hbm>> -> memref<200000x16xf32, #tpu.memory_space<hbm>>
      %dma_wait3A_641 = tpu.memref_slice %arg11[%rem3A_415] : memref<3x!tpu.dma_semaphore, #tpu.memory_space<semaphore_mem>> -> memref<1x!tpu.dma_semaphore, #tpu.memory_space<semaphore_mem>>
      %dma_wait3A_642 = tpu.memref_squeeze %dma_wait3A_641 : memref<1x!tpu.dma_semaphore, #tpu.memory_space<semaphore_mem>> -> memref<!tpu.dma_semaphore, #tpu.memory_space<semaphore_mem>>
      tpu.wait_indirect_dma semaphore(%dma_wait3A_642 : memref<!tpu.dma_semaphore, #tpu.memory_space<semaphore_mem>>) src(%dma_wait3A_640 : memref<200000x16xf32, #tpu.memory_space<hbm>>) dst(%dma_wait3A_634 : memref<128x16xf32, #tpu.memory_space<vmem>>)
      %dma_start3A_643 = arith.constant 1 : i32
      %dma_start3A_644 = arith.constant 1 : i32
      %dma_start3A_645 = arith.constant 0 : i32
      %dma_start3A_646 = arith.constant 0 : i32
      %dma_start3A_647 = tpu.memref_slice %arg10[%rem3A_415, %dma_start3A_643, %dma_start3A_645, %dma_start3A_646] : memref<3x4x128x16xf32, #tpu.memory_space<vmem>> -> memref<1x1x128x16xf32, #tpu.memory_space<vmem>>
      %dma_start3A_648 = tpu.memref_squeeze %dma_start3A_647 : memref<1x1x128x16xf32, #tpu.memory_space<vmem>> -> memref<128x16xf32, #tpu.memory_space<vmem>>
      %dma_start3A_649 = arith.constant 0 : i32
      %dma_start3A_650 = tpu.memref_slice %arg9[%rem3A_415, %dma_start3A_644, %dma_start3A_649] : memref<3x4x128xi32, #tpu.memory_space<vmem>> -> memref<1x1x128xi32, #tpu.memory_space<vmem>>
      %dma_start3A_651 = tpu.memref_squeeze %dma_start3A_650 : memref<1x1x128xi32, #tpu.memory_space<vmem>> -> memref<128xi32, #tpu.memory_space<vmem>>
      %dma_start3A_652 = arith.constant 0 : i32
      %dma_start3A_653 = arith.constant 0 : i32
      %dma_start3A_654 = tpu.memref_slice %arg7[%dma_start3A_652, %dma_start3A_653] : memref<100096x16xf32, #tpu.memory_space<vmem_shared>> -> memref<100096x16xf32, #tpu.memory_space<vmem_shared>>
      tpu.enqueue_indirect_dma source(%dma_start3A_648 : memref<128x16xf32, #tpu.memory_space<vmem>>) target(%dma_start3A_654 : memref<100096x16xf32, #tpu.memory_space<vmem_shared>>) offsets(%dma_start3A_651 : memref<128xi32, #tpu.memory_space<vmem>>) semaphore(%arg12 : memref<!tpu.dma_semaphore, #tpu.memory_space<semaphore_mem>>) {add = true}
      %dma_wait3A_655 = arith.constant 2 : i32
      %dma_wait3A_656 = arith.constant 2 : i32
      %dma_wait3A_657 = arith.constant 0 : i32
      %dma_wait3A_658 = arith.constant 0 : i32
      %dma_wait3A_659 = tpu.memref_slice %arg10[%rem3A_415, %dma_wait3A_656, %dma_wait3A_657, %dma_wait3A_658] : memref<3x4x128x16xf32, #tpu.memory_space<vmem>> -> memref<1x1x128x16xf32, #tpu.memory_space<vmem>>
      %dma_wait3A_660 = tpu.memref_squeeze %dma_wait3A_659 : memref<1x1x128x16xf32, #tpu.memory_space<vmem>> -> memref<128x16xf32, #tpu.memory_space<vmem>>
      %dma_wait3A_661 = arith.constant 0 : i32
      %dma_wait3A_662 = tpu.memref_slice %arg8[%rem3A_415, %dma_wait3A_655, %dma_wait3A_661] : memref<3x4x128xi32, #tpu.memory_space<vmem>> -> memref<1x1x128xi32, #tpu.memory_space<vmem>>
      %dma_wait3A_663 = tpu.memref_squeeze %dma_wait3A_662 : memref<1x1x128xi32, #tpu.memory_space<vmem>> -> memref<128xi32, #tpu.memory_space<vmem>>
      %dma_wait3A_664 = arith.constant 0 : i32
      %dma_wait3A_665 = arith.constant 0 : i32
      %dma_wait3A_666 = tpu.memref_slice %arg2[%dma_wait3A_664, %dma_wait3A_665] : memref<200000x16xf32, #tpu.memory_space<hbm>> -> memref<200000x16xf32, #tpu.memory_space<hbm>>
      %dma_wait3A_667 = tpu.memref_slice %arg11[%rem3A_415] : memref<3x!tpu.dma_semaphore, #tpu.memory_space<semaphore_mem>> -> memref<1x!tpu.dma_semaphore, #tpu.memory_space<semaphore_mem>>
      %dma_wait3A_668 = tpu.memref_squeeze %dma_wait3A_667 : memref<1x!tpu.dma_semaphore, #tpu.memory_space<semaphore_mem>> -> memref<!tpu.dma_semaphore, #tpu.memory_space<semaphore_mem>>
      tpu.wait_indirect_dma semaphore(%dma_wait3A_668 : memref<!tpu.dma_semaphore, #tpu.memory_space<semaphore_mem>>) src(%dma_wait3A_666 : memref<200000x16xf32, #tpu.memory_space<hbm>>) dst(%dma_wait3A_660 : memref<128x16xf32, #tpu.memory_space<vmem>>)
      %dma_start3A_669 = arith.constant 2 : i32
      %dma_start3A_670 = arith.constant 2 : i32
      %dma_start3A_671 = arith.constant 0 : i32
      %dma_start3A_672 = arith.constant 0 : i32
      %dma_start3A_673 = tpu.memref_slice %arg10[%rem3A_415, %dma_start3A_669, %dma_start3A_671, %dma_start3A_672] : memref<3x4x128x16xf32, #tpu.memory_space<vmem>> -> memref<1x1x128x16xf32, #tpu.memory_space<vmem>>
      %dma_start3A_674 = tpu.memref_squeeze %dma_start3A_673 : memref<1x1x128x16xf32, #tpu.memory_space<vmem>> -> memref<128x16xf32, #tpu.memory_space<vmem>>
      %dma_start3A_675 = arith.constant 0 : i32
      %dma_start3A_676 = tpu.memref_slice %arg9[%rem3A_415, %dma_start3A_670, %dma_start3A_675] : memref<3x4x128xi32, #tpu.memory_space<vmem>> -> memref<1x1x128xi32, #tpu.memory_space<vmem>>
      %dma_start3A_677 = tpu.memref_squeeze %dma_start3A_676 : memref<1x1x128xi32, #tpu.memory_space<vmem>> -> memref<128xi32, #tpu.memory_space<vmem>>
      %dma_start3A_678 = arith.constant 0 : i32
      %dma_start3A_679 = arith.constant 0 : i32
      %dma_start3A_680 = tpu.memref_slice %arg7[%dma_start3A_678, %dma_start3A_679] : memref<100096x16xf32, #tpu.memory_space<vmem_shared>> -> memref<100096x16xf32, #tpu.memory_space<vmem_shared>>
      tpu.enqueue_indirect_dma source(%dma_start3A_674 : memref<128x16xf32, #tpu.memory_space<vmem>>) target(%dma_start3A_680 : memref<100096x16xf32, #tpu.memory_space<vmem_shared>>) offsets(%dma_start3A_677 : memref<128xi32, #tpu.memory_space<vmem>>) semaphore(%arg12 : memref<!tpu.dma_semaphore, #tpu.memory_space<semaphore_mem>>) {add = true}
      %dma_wait3A_681 = arith.constant 3 : i32
      %dma_wait3A_682 = arith.constant 3 : i32
      %dma_wait3A_683 = arith.constant 0 : i32
      %dma_wait3A_684 = arith.constant 0 : i32
      %dma_wait3A_685 = tpu.memref_slice %arg10[%rem3A_415, %dma_wait3A_682, %dma_wait3A_683, %dma_wait3A_684] : memref<3x4x128x16xf32, #tpu.memory_space<vmem>> -> memref<1x1x128x16xf32, #tpu.memory_space<vmem>>
      %dma_wait3A_686 = tpu.memref_squeeze %dma_wait3A_685 : memref<1x1x128x16xf32, #tpu.memory_space<vmem>> -> memref<128x16xf32, #tpu.memory_space<vmem>>
      %dma_wait3A_687 = arith.constant 0 : i32
      %dma_wait3A_688 = tpu.memref_slice %arg8[%rem3A_415, %dma_wait3A_681, %dma_wait3A_687] : memref<3x4x128xi32, #tpu.memory_space<vmem>> -> memref<1x1x128xi32, #tpu.memory_space<vmem>>
      %dma_wait3A_689 = tpu.memref_squeeze %dma_wait3A_688 : memref<1x1x128xi32, #tpu.memory_space<vmem>> -> memref<128xi32, #tpu.memory_space<vmem>>
      %dma_wait3A_690 = arith.constant 0 : i32
      %dma_wait3A_691 = arith.constant 0 : i32
      %dma_wait3A_692 = tpu.memref_slice %arg2[%dma_wait3A_690, %dma_wait3A_691] : memref<200000x16xf32, #tpu.memory_space<hbm>> -> memref<200000x16xf32, #tpu.memory_space<hbm>>
      %dma_wait3A_693 = tpu.memref_slice %arg11[%rem3A_415] : memref<3x!tpu.dma_semaphore, #tpu.memory_space<semaphore_mem>> -> memref<1x!tpu.dma_semaphore, #tpu.memory_space<semaphore_mem>>
      %dma_wait3A_694 = tpu.memref_squeeze %dma_wait3A_693 : memref<1x!tpu.dma_semaphore, #tpu.memory_space<semaphore_mem>> -> memref<!tpu.dma_semaphore, #tpu.memory_space<semaphore_mem>>
      tpu.wait_indirect_dma semaphore(%dma_wait3A_694 : memref<!tpu.dma_semaphore, #tpu.memory_space<semaphore_mem>>) src(%dma_wait3A_692 : memref<200000x16xf32, #tpu.memory_space<hbm>>) dst(%dma_wait3A_686 : memref<128x16xf32, #tpu.memory_space<vmem>>)
      %dma_start3A_695 = arith.constant 3 : i32
      %dma_start3A_696 = arith.constant 3 : i32
      %dma_start3A_697 = arith.constant 0 : i32
      %dma_start3A_698 = arith.constant 0 : i32
      %dma_start3A_699 = tpu.memref_slice %arg10[%rem3A_415, %dma_start3A_695, %dma_start3A_697, %dma_start3A_698] : memref<3x4x128x16xf32, #tpu.memory_space<vmem>> -> memref<1x1x128x16xf32, #tpu.memory_space<vmem>>
      %dma_start3A_700 = tpu.memref_squeeze %dma_start3A_699 : memref<1x1x128x16xf32, #tpu.memory_space<vmem>> -> memref<128x16xf32, #tpu.memory_space<vmem>>
      %dma_start3A_701 = arith.constant 0 : i32
      %dma_start3A_702 = tpu.memref_slice %arg9[%rem3A_415, %dma_start3A_696, %dma_start3A_701] : memref<3x4x128xi32, #tpu.memory_space<vmem>> -> memref<1x1x128xi32, #tpu.memory_space<vmem>>
      %dma_start3A_703 = tpu.memref_squeeze %dma_start3A_702 : memref<1x1x128xi32, #tpu.memory_space<vmem>> -> memref<128xi32, #tpu.memory_space<vmem>>
      %dma_start3A_704 = arith.constant 0 : i32
      %dma_start3A_705 = arith.constant 0 : i32
      %dma_start3A_706 = tpu.memref_slice %arg7[%dma_start3A_704, %dma_start3A_705] : memref<100096x16xf32, #tpu.memory_space<vmem_shared>> -> memref<100096x16xf32, #tpu.memory_space<vmem_shared>>
      tpu.enqueue_indirect_dma source(%dma_start3A_700 : memref<128x16xf32, #tpu.memory_space<vmem>>) target(%dma_start3A_706 : memref<100096x16xf32, #tpu.memory_space<vmem_shared>>) offsets(%dma_start3A_703 : memref<128xi32, #tpu.memory_space<vmem>>) semaphore(%arg12 : memref<!tpu.dma_semaphore, #tpu.memory_space<semaphore_mem>>) {add = true}
    }
    %scan3A_248 = arith.constant 196 : i32
    %dma_wait3A_249 = arith.constant 0 : i32
    %dma_wait3A_250 = arith.constant 0 : i32
    %dma_wait3A_251 = arith.constant 0 : i32
    %dma_wait3A_252 = arith.constant 0 : i32
    %dma_wait3A_253 = arith.constant 0 : i32
    %dma_wait3A_254 = arith.constant 0 : i32
    %dma_wait3A_255 = tpu.memref_slice %arg10[%dma_wait3A_249, %dma_wait3A_250, %dma_wait3A_253, %dma_wait3A_254] : memref<3x4x128x16xf32, #tpu.memory_space<vmem>> -> memref<1x1x128x16xf32, #tpu.memory_space<vmem>>
    %dma_wait3A_256 = tpu.memref_squeeze %dma_wait3A_255 : memref<1x1x128x16xf32, #tpu.memory_space<vmem>> -> memref<128x16xf32, #tpu.memory_space<vmem>>
    %dma_wait3A_257 = arith.constant 0 : i32
    %dma_wait3A_258 = tpu.memref_slice %arg9[%dma_wait3A_251, %dma_wait3A_252, %dma_wait3A_257] : memref<3x4x128xi32, #tpu.memory_space<vmem>> -> memref<1x1x128xi32, #tpu.memory_space<vmem>>
    %dma_wait3A_259 = tpu.memref_squeeze %dma_wait3A_258 : memref<1x1x128xi32, #tpu.memory_space<vmem>> -> memref<128xi32, #tpu.memory_space<vmem>>
    %dma_wait3A_260 = arith.constant 0 : i32
    %dma_wait3A_261 = arith.constant 0 : i32
    %dma_wait3A_262 = tpu.memref_slice %arg7[%dma_wait3A_260, %dma_wait3A_261] : memref<100096x16xf32, #tpu.memory_space<vmem_shared>> -> memref<100096x16xf32, #tpu.memory_space<vmem_shared>>
    tpu.wait_indirect_dma semaphore(%arg12 : memref<!tpu.dma_semaphore, #tpu.memory_space<semaphore_mem>>) src(%dma_wait3A_256 : memref<128x16xf32, #tpu.memory_space<vmem>>) dst(%dma_wait3A_262 : memref<100096x16xf32, #tpu.memory_space<vmem_shared>>)
    %dma_wait3A_263 = arith.constant 0 : i32
    %dma_wait3A_264 = arith.constant 1 : i32
    %dma_wait3A_265 = arith.constant 0 : i32
    %dma_wait3A_266 = arith.constant 1 : i32
    %dma_wait3A_267 = arith.constant 0 : i32
    %dma_wait3A_268 = arith.constant 0 : i32
    %dma_wait3A_269 = tpu.memref_slice %arg10[%dma_wait3A_263, %dma_wait3A_264, %dma_wait3A_267, %dma_wait3A_268] : memref<3x4x128x16xf32, #tpu.memory_space<vmem>> -> memref<1x1x128x16xf32, #tpu.memory_space<vmem>>
    %dma_wait3A_270 = tpu.memref_squeeze %dma_wait3A_269 : memref<1x1x128x16xf32, #tpu.memory_space<vmem>> -> memref<128x16xf32, #tpu.memory_space<vmem>>
    %dma_wait3A_271 = arith.constant 0 : i32
    %dma_wait3A_272 = tpu.memref_slice %arg9[%dma_wait3A_265, %dma_wait3A_266, %dma_wait3A_271] : memref<3x4x128xi32, #tpu.memory_space<vmem>> -> memref<1x1x128xi32, #tpu.memory_space<vmem>>
    %dma_wait3A_273 = tpu.memref_squeeze %dma_wait3A_272 : memref<1x1x128xi32, #tpu.memory_space<vmem>> -> memref<128xi32, #tpu.memory_space<vmem>>
    %dma_wait3A_274 = arith.constant 0 : i32
    %dma_wait3A_275 = arith.constant 0 : i32
    %dma_wait3A_276 = tpu.memref_slice %arg7[%dma_wait3A_274, %dma_wait3A_275] : memref<100096x16xf32, #tpu.memory_space<vmem_shared>> -> memref<100096x16xf32, #tpu.memory_space<vmem_shared>>
    tpu.wait_indirect_dma semaphore(%arg12 : memref<!tpu.dma_semaphore, #tpu.memory_space<semaphore_mem>>) src(%dma_wait3A_270 : memref<128x16xf32, #tpu.memory_space<vmem>>) dst(%dma_wait3A_276 : memref<100096x16xf32, #tpu.memory_space<vmem_shared>>)
    %dma_wait3A_277 = arith.constant 0 : i32
    %dma_wait3A_278 = arith.constant 2 : i32
    %dma_wait3A_279 = arith.constant 0 : i32
    %dma_wait3A_280 = arith.constant 2 : i32
    %dma_wait3A_281 = arith.constant 0 : i32
    %dma_wait3A_282 = arith.constant 0 : i32
    %dma_wait3A_283 = tpu.memref_slice %arg10[%dma_wait3A_277, %dma_wait3A_278, %dma_wait3A_281, %dma_wait3A_282] : memref<3x4x128x16xf32, #tpu.memory_space<vmem>> -> memref<1x1x128x16xf32, #tpu.memory_space<vmem>>
    %dma_wait3A_284 = tpu.memref_squeeze %dma_wait3A_283 : memref<1x1x128x16xf32, #tpu.memory_space<vmem>> -> memref<128x16xf32, #tpu.memory_space<vmem>>
    %dma_wait3A_285 = arith.constant 0 : i32
    %dma_wait3A_286 = tpu.memref_slice %arg9[%dma_wait3A_279, %dma_wait3A_280, %dma_wait3A_285] : memref<3x4x128xi32, #tpu.memory_space<vmem>> -> memref<1x1x128xi32, #tpu.memory_space<vmem>>
    %dma_wait3A_287 = tpu.memref_squeeze %dma_wait3A_286 : memref<1x1x128xi32, #tpu.memory_space<vmem>> -> memref<128xi32, #tpu.memory_space<vmem>>
    %dma_wait3A_288 = arith.constant 0 : i32
    %dma_wait3A_289 = arith.constant 0 : i32
    %dma_wait3A_290 = tpu.memref_slice %arg7[%dma_wait3A_288, %dma_wait3A_289] : memref<100096x16xf32, #tpu.memory_space<vmem_shared>> -> memref<100096x16xf32, #tpu.memory_space<vmem_shared>>
    tpu.wait_indirect_dma semaphore(%arg12 : memref<!tpu.dma_semaphore, #tpu.memory_space<semaphore_mem>>) src(%dma_wait3A_284 : memref<128x16xf32, #tpu.memory_space<vmem>>) dst(%dma_wait3A_290 : memref<100096x16xf32, #tpu.memory_space<vmem_shared>>)
    %dma_wait3A_291 = arith.constant 0 : i32
    %dma_wait3A_292 = arith.constant 3 : i32
    %dma_wait3A_293 = arith.constant 0 : i32
    %dma_wait3A_294 = arith.constant 3 : i32
    %dma_wait3A_295 = arith.constant 0 : i32
    %dma_wait3A_296 = arith.constant 0 : i32
    %dma_wait3A_297 = tpu.memref_slice %arg10[%dma_wait3A_291, %dma_wait3A_292, %dma_wait3A_295, %dma_wait3A_296] : memref<3x4x128x16xf32, #tpu.memory_space<vmem>> -> memref<1x1x128x16xf32, #tpu.memory_space<vmem>>
    %dma_wait3A_298 = tpu.memref_squeeze %dma_wait3A_297 : memref<1x1x128x16xf32, #tpu.memory_space<vmem>> -> memref<128x16xf32, #tpu.memory_space<vmem>>
    %dma_wait3A_299 = arith.constant 0 : i32
    %dma_wait3A_300 = tpu.memref_slice %arg9[%dma_wait3A_293, %dma_wait3A_294, %dma_wait3A_299] : memref<3x4x128xi32, #tpu.memory_space<vmem>> -> memref<1x1x128xi32, #tpu.memory_space<vmem>>
    %dma_wait3A_301 = tpu.memref_squeeze %dma_wait3A_300 : memref<1x1x128xi32, #tpu.memory_space<vmem>> -> memref<128xi32, #tpu.memory_space<vmem>>
    %dma_wait3A_302 = arith.constant 0 : i32
    %dma_wait3A_303 = arith.constant 0 : i32
    %dma_wait3A_304 = tpu.memref_slice %arg7[%dma_wait3A_302, %dma_wait3A_303] : memref<100096x16xf32, #tpu.memory_space<vmem_shared>> -> memref<100096x16xf32, #tpu.memory_space<vmem_shared>>
    tpu.wait_indirect_dma semaphore(%arg12 : memref<!tpu.dma_semaphore, #tpu.memory_space<semaphore_mem>>) src(%dma_wait3A_298 : memref<128x16xf32, #tpu.memory_space<vmem>>) dst(%dma_wait3A_304 : memref<100096x16xf32, #tpu.memory_space<vmem_shared>>)
    %dma_wait3A_305 = arith.constant 1 : i32
    %dma_wait3A_306 = arith.constant 0 : i32
    %dma_wait3A_307 = arith.constant 1 : i32
    %dma_wait3A_308 = arith.constant 0 : i32
    %dma_wait3A_309 = arith.constant 1 : i32
    %dma_wait3A_310 = arith.constant 0 : i32
    %dma_wait3A_311 = arith.constant 0 : i32
    %dma_wait3A_312 = tpu.memref_slice %arg10[%dma_wait3A_307, %dma_wait3A_308, %dma_wait3A_310, %dma_wait3A_311] : memref<3x4x128x16xf32, #tpu.memory_space<vmem>> -> memref<1x1x128x16xf32, #tpu.memory_space<vmem>>
    %dma_wait3A_313 = tpu.memref_squeeze %dma_wait3A_312 : memref<1x1x128x16xf32, #tpu.memory_space<vmem>> -> memref<128x16xf32, #tpu.memory_space<vmem>>
    %dma_wait3A_314 = arith.constant 0 : i32
    %dma_wait3A_315 = tpu.memref_slice %arg8[%dma_wait3A_305, %dma_wait3A_306, %dma_wait3A_314] : memref<3x4x128xi32, #tpu.memory_space<vmem>> -> memref<1x1x128xi32, #tpu.memory_space<vmem>>
    %dma_wait3A_316 = tpu.memref_squeeze %dma_wait3A_315 : memref<1x1x128xi32, #tpu.memory_space<vmem>> -> memref<128xi32, #tpu.memory_space<vmem>>
    %dma_wait3A_317 = arith.constant 0 : i32
    %dma_wait3A_318 = arith.constant 0 : i32
    %dma_wait3A_319 = tpu.memref_slice %arg2[%dma_wait3A_317, %dma_wait3A_318] : memref<200000x16xf32, #tpu.memory_space<hbm>> -> memref<200000x16xf32, #tpu.memory_space<hbm>>
    %dma_wait3A_320 = tpu.memref_slice %arg11[%dma_wait3A_309] : memref<3x!tpu.dma_semaphore, #tpu.memory_space<semaphore_mem>> -> memref<1x!tpu.dma_semaphore, #tpu.memory_space<semaphore_mem>>
    %dma_wait3A_321 = tpu.memref_squeeze %dma_wait3A_320 : memref<1x!tpu.dma_semaphore, #tpu.memory_space<semaphore_mem>> -> memref<!tpu.dma_semaphore, #tpu.memory_space<semaphore_mem>>
    tpu.wait_indirect_dma semaphore(%dma_wait3A_321 : memref<!tpu.dma_semaphore, #tpu.memory_space<semaphore_mem>>) src(%dma_wait3A_319 : memref<200000x16xf32, #tpu.memory_space<hbm>>) dst(%dma_wait3A_313 : memref<128x16xf32, #tpu.memory_space<vmem>>)
    %dma_wait3A_322 = arith.constant 1 : i32
    %dma_wait3A_323 = arith.constant 1 : i32
    %dma_wait3A_324 = arith.constant 1 : i32
    %dma_wait3A_325 = arith.constant 1 : i32
    %dma_wait3A_326 = arith.constant 1 : i32
    %dma_wait3A_327 = arith.constant 0 : i32
    %dma_wait3A_328 = arith.constant 0 : i32
    %dma_wait3A_329 = tpu.memref_slice %arg10[%dma_wait3A_324, %dma_wait3A_325, %dma_wait3A_327, %dma_wait3A_328] : memref<3x4x128x16xf32, #tpu.memory_space<vmem>> -> memref<1x1x128x16xf32, #tpu.memory_space<vmem>>
    %dma_wait3A_330 = tpu.memref_squeeze %dma_wait3A_329 : memref<1x1x128x16xf32, #tpu.memory_space<vmem>> -> memref<128x16xf32, #tpu.memory_space<vmem>>
    %dma_wait3A_331 = arith.constant 0 : i32
    %dma_wait3A_332 = tpu.memref_slice %arg8[%dma_wait3A_322, %dma_wait3A_323, %dma_wait3A_331] : memref<3x4x128xi32, #tpu.memory_space<vmem>> -> memref<1x1x128xi32, #tpu.memory_space<vmem>>
    %dma_wait3A_333 = tpu.memref_squeeze %dma_wait3A_332 : memref<1x1x128xi32, #tpu.memory_space<vmem>> -> memref<128xi32, #tpu.memory_space<vmem>>
    %dma_wait3A_334 = arith.constant 0 : i32
    %dma_wait3A_335 = arith.constant 0 : i32
    %dma_wait3A_336 = tpu.memref_slice %arg2[%dma_wait3A_334, %dma_wait3A_335] : memref<200000x16xf32, #tpu.memory_space<hbm>> -> memref<200000x16xf32, #tpu.memory_space<hbm>>
    %dma_wait3A_337 = tpu.memref_slice %arg11[%dma_wait3A_326] : memref<3x!tpu.dma_semaphore, #tpu.memory_space<semaphore_mem>> -> memref<1x!tpu.dma_semaphore, #tpu.memory_space<semaphore_mem>>
    %dma_wait3A_338 = tpu.memref_squeeze %dma_wait3A_337 : memref<1x!tpu.dma_semaphore, #tpu.memory_space<semaphore_mem>> -> memref<!tpu.dma_semaphore, #tpu.memory_space<semaphore_mem>>
    tpu.wait_indirect_dma semaphore(%dma_wait3A_338 : memref<!tpu.dma_semaphore, #tpu.memory_space<semaphore_mem>>) src(%dma_wait3A_336 : memref<200000x16xf32, #tpu.memory_space<hbm>>) dst(%dma_wait3A_330 : memref<128x16xf32, #tpu.memory_space<vmem>>)
    %dma_wait3A_339 = arith.constant 1 : i32
    %dma_wait3A_340 = arith.constant 2 : i32
    %dma_wait3A_341 = arith.constant 1 : i32
    %dma_wait3A_342 = arith.constant 2 : i32
    %dma_wait3A_343 = arith.constant 1 : i32
    %dma_wait3A_344 = arith.constant 0 : i32
    %dma_wait3A_345 = arith.constant 0 : i32
    %dma_wait3A_346 = tpu.memref_slice %arg10[%dma_wait3A_341, %dma_wait3A_342, %dma_wait3A_344, %dma_wait3A_345] : memref<3x4x128x16xf32, #tpu.memory_space<vmem>> -> memref<1x1x128x16xf32, #tpu.memory_space<vmem>>
    %dma_wait3A_347 = tpu.memref_squeeze %dma_wait3A_346 : memref<1x1x128x16xf32, #tpu.memory_space<vmem>> -> memref<128x16xf32, #tpu.memory_space<vmem>>
    %dma_wait3A_348 = arith.constant 0 : i32
    %dma_wait3A_349 = tpu.memref_slice %arg8[%dma_wait3A_339, %dma_wait3A_340, %dma_wait3A_348] : memref<3x4x128xi32, #tpu.memory_space<vmem>> -> memref<1x1x128xi32, #tpu.memory_space<vmem>>
    %dma_wait3A_350 = tpu.memref_squeeze %dma_wait3A_349 : memref<1x1x128xi32, #tpu.memory_space<vmem>> -> memref<128xi32, #tpu.memory_space<vmem>>
    %dma_wait3A_351 = arith.constant 0 : i32
    %dma_wait3A_352 = arith.constant 0 : i32
    %dma_wait3A_353 = tpu.memref_slice %arg2[%dma_wait3A_351, %dma_wait3A_352] : memref<200000x16xf32, #tpu.memory_space<hbm>> -> memref<200000x16xf32, #tpu.memory_space<hbm>>
    %dma_wait3A_354 = tpu.memref_slice %arg11[%dma_wait3A_343] : memref<3x!tpu.dma_semaphore, #tpu.memory_space<semaphore_mem>> -> memref<1x!tpu.dma_semaphore, #tpu.memory_space<semaphore_mem>>
    %dma_wait3A_355 = tpu.memref_squeeze %dma_wait3A_354 : memref<1x!tpu.dma_semaphore, #tpu.memory_space<semaphore_mem>> -> memref<!tpu.dma_semaphore, #tpu.memory_space<semaphore_mem>>
    tpu.wait_indirect_dma semaphore(%dma_wait3A_355 : memref<!tpu.dma_semaphore, #tpu.memory_space<semaphore_mem>>) src(%dma_wait3A_353 : memref<200000x16xf32, #tpu.memory_space<hbm>>) dst(%dma_wait3A_347 : memref<128x16xf32, #tpu.memory_space<vmem>>)
    %dma_wait3A_356 = arith.constant 1 : i32
    %dma_wait3A_357 = arith.constant 3 : i32
    %dma_wait3A_358 = arith.constant 1 : i32
    %dma_wait3A_359 = arith.constant 3 : i32
    %dma_wait3A_360 = arith.constant 1 : i32
    %dma_wait3A_361 = arith.constant 0 : i32
    %dma_wait3A_362 = arith.constant 0 : i32
    %dma_wait3A_363 = tpu.memref_slice %arg10[%dma_wait3A_358, %dma_wait3A_359, %dma_wait3A_361, %dma_wait3A_362] : memref<3x4x128x16xf32, #tpu.memory_space<vmem>> -> memref<1x1x128x16xf32, #tpu.memory_space<vmem>>
    %dma_wait3A_364 = tpu.memref_squeeze %dma_wait3A_363 : memref<1x1x128x16xf32, #tpu.memory_space<vmem>> -> memref<128x16xf32, #tpu.memory_space<vmem>>
    %dma_wait3A_365 = arith.constant 0 : i32
    %dma_wait3A_366 = tpu.memref_slice %arg8[%dma_wait3A_356, %dma_wait3A_357, %dma_wait3A_365] : memref<3x4x128xi32, #tpu.memory_space<vmem>> -> memref<1x1x128xi32, #tpu.memory_space<vmem>>
    %dma_wait3A_367 = tpu.memref_squeeze %dma_wait3A_366 : memref<1x1x128xi32, #tpu.memory_space<vmem>> -> memref<128xi32, #tpu.memory_space<vmem>>
    %dma_wait3A_368 = arith.constant 0 : i32
    %dma_wait3A_369 = arith.constant 0 : i32
    %dma_wait3A_370 = tpu.memref_slice %arg2[%dma_wait3A_368, %dma_wait3A_369] : memref<200000x16xf32, #tpu.memory_space<hbm>> -> memref<200000x16xf32, #tpu.memory_space<hbm>>
    %dma_wait3A_371 = tpu.memref_slice %arg11[%dma_wait3A_360] : memref<3x!tpu.dma_semaphore, #tpu.memory_space<semaphore_mem>> -> memref<1x!tpu.dma_semaphore, #tpu.memory_space<semaphore_mem>>
    %dma_wait3A_372 = tpu.memref_squeeze %dma_wait3A_371 : memref<1x!tpu.dma_semaphore, #tpu.memory_space<semaphore_mem>> -> memref<!tpu.dma_semaphore, #tpu.memory_space<semaphore_mem>>
    tpu.wait_indirect_dma semaphore(%dma_wait3A_372 : memref<!tpu.dma_semaphore, #tpu.memory_space<semaphore_mem>>) src(%dma_wait3A_370 : memref<200000x16xf32, #tpu.memory_space<hbm>>) dst(%dma_wait3A_364 : memref<128x16xf32, #tpu.memory_space<vmem>>)
    %dma_wait3A_373 = arith.constant 2 : i32
    %dma_wait3A_374 = arith.constant 2 : i32
    %dma_wait3A_375 = arith.constant 0 : i32
    %dma_wait3A_376 = arith.constant 0 : i32
    %dma_wait3A_377 = tpu.memref_slice %arg8[%dma_wait3A_373, %dma_wait3A_375, %dma_wait3A_376] : memref<3x4x128xi32, #tpu.memory_space<vmem>> -> memref<1x4x128xi32, #tpu.memory_space<vmem>>
    %dma_wait3A_378 = tpu.memref_squeeze %dma_wait3A_377 : memref<1x4x128xi32, #tpu.memory_space<vmem>> -> memref<4x128xi32, #tpu.memory_space<vmem>>
    %dma_wait3A_379 = arith.constant 0 : i32
    %dma_wait3A_380 = arith.constant 0 : i32
    %dma_wait3A_381 = tpu.memref_slice %arg3[%arg0, %arg1, %dma_wait3A_379, %dma_wait3A_380] : memref<2x16x784x128xi32, #tpu.memory_space<hbm>> -> memref<1x1x4x128xi32, #tpu.memory_space<hbm>>
    %dma_wait3A_382 = tpu.memref_squeeze %dma_wait3A_381 : memref<1x1x4x128xi32, #tpu.memory_space<hbm>> -> memref<4x128xi32, #tpu.memory_space<hbm>>
    %dma_wait3A_383 = tpu.memref_slice %arg13[%dma_wait3A_374] : memref<3x!tpu.dma_semaphore, #tpu.memory_space<semaphore_mem>> -> memref<1x!tpu.dma_semaphore, #tpu.memory_space<semaphore_mem>>
    %dma_wait3A_384 = tpu.memref_squeeze %dma_wait3A_383 : memref<1x!tpu.dma_semaphore, #tpu.memory_space<semaphore_mem>> -> memref<!tpu.dma_semaphore, #tpu.memory_space<semaphore_mem>>
    %dma_wait3A_385 = arith.constant 0 : i32
    %dma_wait3A_386 = arith.constant 0 : i32
    %dma_wait3A_387 = tpu.memref_slice %arg8[%dma_wait3A_373, %dma_wait3A_385, %dma_wait3A_386] : memref<3x4x128xi32, #tpu.memory_space<vmem>> -> memref<1x4x128xi32, #tpu.memory_space<vmem>>
    %dma_wait3A_388 = tpu.memref_squeeze %dma_wait3A_387 : memref<1x4x128xi32, #tpu.memory_space<vmem>> -> memref<4x128xi32, #tpu.memory_space<vmem>>
    %dma_wait3A_389 = arith.constant 0 : i32
    %dma_wait3A_390 = arith.constant 0 : i32
    %dma_wait3A_391 = tpu.memref_slice %arg3[%arg0, %arg1, %dma_wait3A_389, %dma_wait3A_390] : memref<2x16x784x128xi32, #tpu.memory_space<hbm>> -> memref<1x1x4x128xi32, #tpu.memory_space<hbm>>
    %dma_wait3A_392 = tpu.memref_squeeze %dma_wait3A_391 : memref<1x1x4x128xi32, #tpu.memory_space<hbm>> -> memref<4x128xi32, #tpu.memory_space<hbm>>
    tpu.wait_dma2 semaphore(%dma_wait3A_384 : memref<!tpu.dma_semaphore, #tpu.memory_space<semaphore_mem>>) src(%dma_wait3A_392 : memref<4x128xi32, #tpu.memory_space<hbm>>) dst(%dma_wait3A_388 : memref<4x128xi32, #tpu.memory_space<vmem>>)
    %dma_wait3A_393 = arith.constant 2 : i32
    %dma_wait3A_394 = arith.constant 2 : i32
    %dma_wait3A_395 = arith.constant 0 : i32
    %dma_wait3A_396 = arith.constant 0 : i32
    %dma_wait3A_397 = tpu.memref_slice %arg9[%dma_wait3A_393, %dma_wait3A_395, %dma_wait3A_396] : memref<3x4x128xi32, #tpu.memory_space<vmem>> -> memref<1x4x128xi32, #tpu.memory_space<vmem>>
    %dma_wait3A_398 = tpu.memref_squeeze %dma_wait3A_397 : memref<1x4x128xi32, #tpu.memory_space<vmem>> -> memref<4x128xi32, #tpu.memory_space<vmem>>
    %dma_wait3A_399 = arith.constant 0 : i32
    %dma_wait3A_400 = arith.constant 0 : i32
    %dma_wait3A_401 = tpu.memref_slice %arg4[%arg1, %dma_wait3A_399, %dma_wait3A_400] : memref<16x784x128xi32, #tpu.memory_space<hbm>> -> memref<1x4x128xi32, #tpu.memory_space<hbm>>
    %dma_wait3A_402 = tpu.memref_squeeze %dma_wait3A_401 : memref<1x4x128xi32, #tpu.memory_space<hbm>> -> memref<4x128xi32, #tpu.memory_space<hbm>>
    %dma_wait3A_403 = tpu.memref_slice %arg13[%dma_wait3A_394] : memref<3x!tpu.dma_semaphore, #tpu.memory_space<semaphore_mem>> -> memref<1x!tpu.dma_semaphore, #tpu.memory_space<semaphore_mem>>
    %dma_wait3A_404 = tpu.memref_squeeze %dma_wait3A_403 : memref<1x!tpu.dma_semaphore, #tpu.memory_space<semaphore_mem>> -> memref<!tpu.dma_semaphore, #tpu.memory_space<semaphore_mem>>
    %dma_wait3A_405 = arith.constant 0 : i32
    %dma_wait3A_406 = arith.constant 0 : i32
    %dma_wait3A_407 = tpu.memref_slice %arg9[%dma_wait3A_393, %dma_wait3A_405, %dma_wait3A_406] : memref<3x4x128xi32, #tpu.memory_space<vmem>> -> memref<1x4x128xi32, #tpu.memory_space<vmem>>
    %dma_wait3A_408 = tpu.memref_squeeze %dma_wait3A_407 : memref<1x4x128xi32, #tpu.memory_space<vmem>> -> memref<4x128xi32, #tpu.memory_space<vmem>>
    %dma_wait3A_409 = arith.constant 0 : i32
    %dma_wait3A_410 = arith.constant 0 : i32
    %dma_wait3A_411 = tpu.memref_slice %arg4[%arg1, %dma_wait3A_409, %dma_wait3A_410] : memref<16x784x128xi32, #tpu.memory_space<hbm>> -> memref<1x4x128xi32, #tpu.memory_space<hbm>>
    %dma_wait3A_412 = tpu.memref_squeeze %dma_wait3A_411 : memref<1x4x128xi32, #tpu.memory_space<hbm>> -> memref<4x128xi32, #tpu.memory_space<hbm>>
    tpu.wait_dma2 semaphore(%dma_wait3A_404 : memref<!tpu.dma_semaphore, #tpu.memory_space<semaphore_mem>>) src(%dma_wait3A_412 : memref<4x128xi32, #tpu.memory_space<hbm>>) dst(%dma_wait3A_408 : memref<4x128xi32, #tpu.memory_space<vmem>>)
    %barrier3A_413 = arith.constant 0 : index
    tpu.barrier barrier_id(%barrier3A_413)
    "tpu.region"() ({
      %run_scoped3A_414 = tpu.sem_alloc : memref<!tpu.dma_semaphore, #tpu.memory_space<semaphore_mem>>
      %dma_start3A_415 = arith.constant 0 : i32
      %dma_start3A_416 = tpu.memref_slice %arg6[%arg0, %mul3A_0, %dma_start3A_415] : memref<2x100096x16xf32, #tpu.memory_space<hbm>> -> memref<1x6256x16xf32, #tpu.memory_space<hbm>>
      %dma_start3A_417 = tpu.memref_squeeze %dma_start3A_416 : memref<1x6256x16xf32, #tpu.memory_space<hbm>> -> memref<6256x16xf32, #tpu.memory_space<hbm>>
      %dma_start3A_418 = arith.constant 0 : i32
      %dma_start3A_419 = tpu.memref_slice %arg7[%mul3A_0, %dma_start3A_418] : memref<100096x16xf32, #tpu.memory_space<vmem_shared>> -> memref<6256x16xf32, #tpu.memory_space<vmem_shared>>
      tpu.enqueue_dma source(%dma_start3A_419 : memref<6256x16xf32, #tpu.memory_space<vmem_shared>>) target(%dma_start3A_417 : memref<6256x16xf32, #tpu.memory_space<hbm>>) target_semaphore(%run_scoped3A_414 : memref<!tpu.dma_semaphore, #tpu.memory_space<semaphore_mem>>)
      %dma_wait3A_420 = arith.constant 0 : i32
      %dma_wait3A_421 = tpu.memref_slice %arg6[%arg0, %mul3A_0, %dma_wait3A_420] : memref<2x100096x16xf32, #tpu.memory_space<hbm>> -> memref<1x6256x16xf32, #tpu.memory_space<hbm>>
      %dma_wait3A_422 = tpu.memref_squeeze %dma_wait3A_421 : memref<1x6256x16xf32, #tpu.memory_space<hbm>> -> memref<6256x16xf32, #tpu.memory_space<hbm>>
      %dma_wait3A_423 = arith.constant 0 : i32
      %dma_wait3A_424 = tpu.memref_slice %arg7[%mul3A_0, %dma_wait3A_423] : memref<100096x16xf32, #tpu.memory_space<vmem_shared>> -> memref<6256x16xf32, #tpu.memory_space<vmem_shared>>
      tpu.wait_dma2 semaphore(%run_scoped3A_414 : memref<!tpu.dma_semaphore, #tpu.memory_space<semaphore_mem>>) src(%dma_wait3A_424 : memref<6256x16xf32, #tpu.memory_space<vmem_shared>>) dst(%dma_wait3A_422 : memref<6256x16xf32, #tpu.memory_space<hbm>>)
      tpu.yield
    }) : () -> ()
    return
  }
}

#map = affine_map<(d0, d1) -> (0, 0)>
#map1 = affine_map<(d0, d1) -> (0, 0, 0, 0)>
#map2 = affine_map<(d0, d1) -> (0, 0, 0)>
module attributes {stable_mosaic.version = 14 : i64} {
  func.func @k(%arg0: i32, %arg1: i32, %arg2: memref<200000x16xf32, #tpu.memory_space<hbm>>, %arg3: memref<2x16x784x128xi32, #tpu.memory_space<hbm>>, %arg4: memref<16x784x128xi32, #tpu.memory_space<hbm>>, %arg5: memref<100096x16xf32, #tpu.memory_space<hbm>>, %arg6: memref<2x100096x16xf32, #tpu.memory_space<hbm>>, %arg7: memref<100096x16xf32, #tpu.memory_space<vmem_shared>>, %arg8: memref<3x4x128xi32, #tpu.memory_space<vmem>>, %arg9: memref<3x4x128xi32, #tpu.memory_space<vmem>>, %arg10: memref<3x4x128x16xf32, #tpu.memory_space<vmem>>, %arg11: memref<3x!tpu.dma_semaphore, #tpu.memory_space<semaphore_mem>>, %arg12: memref<!tpu.dma_semaphore, #tpu.memory_space<semaphore_mem>>, %arg13: memref<3x!tpu.dma_semaphore, #tpu.memory_space<semaphore_mem>>) attributes {dimension_semantics = [#tpu.dimension_semantics<core_parallel>, #tpu.dimension_semantics<subcore_parallel>], iteration_bounds = array<i64: 2, 16>, scalar_prefetch = 0 : i64, scratch_operands = 7 : i64, tpu.core_type = #tpu.core_type<sc_vector_subcore>, window_params = [{transform_indices = #map}, {transform_indices = #map1}, {transform_indices = #map2}, {transform_indices = #map}, {transform_indices = #map2}]} {
    %mul3A = arith.constant 6256 : i32
    %mul3A_0 = arith.muli %arg1, %mul3A : i32
    %run_scoped3A = arith.constant 15 : i32
    %run_scoped3A_1 = arith.constant 2 : i32
    "tpu.region"() ({
      %run_scoped3A_414 = tpu.sem_alloc : memref<!tpu.dma_semaphore, #tpu.memory_space<semaphore_mem>>
      %dma_start3A_415 = arith.constant 0 : i32
      %dma_start3A_416 = arith.constant 0 : i32
      %dma_start3A_417 = tpu.memref_slice %arg9[%run_scoped3A_1, %dma_start3A_415, %dma_start3A_416] : memref<3x4x128xi32, #tpu.memory_space<vmem>> -> memref<1x4x128xi32, #tpu.memory_space<vmem>>
      %dma_start3A_418 = tpu.memref_squeeze %dma_start3A_417 : memref<1x4x128xi32, #tpu.memory_space<vmem>> -> memref<4x128xi32, #tpu.memory_space<vmem>>
      %dma_start3A_419 = arith.constant 780 : i32
      %dma_start3A_420 = arith.constant 0 : i32
      %dma_start3A_421 = tpu.memref_slice %arg4[%run_scoped3A, %dma_start3A_419, %dma_start3A_420] : memref<16x784x128xi32, #tpu.memory_space<hbm>> -> memref<1x4x128xi32, #tpu.memory_space<hbm>>
      %dma_start3A_422 = tpu.memref_squeeze %dma_start3A_421 : memref<1x4x128xi32, #tpu.memory_space<hbm>> -> memref<4x128xi32, #tpu.memory_space<hbm>>
      %dma_start3A_423 = arith.constant 0 : i32
      %dma_start3A_424 = arith.constant 0 : i32
      %dma_start3A_425 = tpu.memref_slice %arg9[%run_scoped3A_1, %dma_start3A_423, %dma_start3A_424] : memref<3x4x128xi32, #tpu.memory_space<vmem>> -> memref<1x4x128xi32, #tpu.memory_space<vmem>>
      %dma_start3A_426 = tpu.memref_squeeze %dma_start3A_425 : memref<1x4x128xi32, #tpu.memory_space<vmem>> -> memref<4x128xi32, #tpu.memory_space<vmem>>
      %dma_start3A_427 = arith.constant 780 : i32
      %dma_start3A_428 = arith.constant 0 : i32
      %dma_start3A_429 = tpu.memref_slice %arg4[%run_scoped3A, %dma_start3A_427, %dma_start3A_428] : memref<16x784x128xi32, #tpu.memory_space<hbm>> -> memref<1x4x128xi32, #tpu.memory_space<hbm>>
      %dma_start3A_430 = tpu.memref_squeeze %dma_start3A_429 : memref<1x4x128xi32, #tpu.memory_space<hbm>> -> memref<4x128xi32, #tpu.memory_space<hbm>>
      tpu.enqueue_dma source(%dma_start3A_430 : memref<4x128xi32, #tpu.memory_space<hbm>>) target(%dma_start3A_426 : memref<4x128xi32, #tpu.memory_space<vmem>>) target_semaphore(%run_scoped3A_414 : memref<!tpu.dma_semaphore, #tpu.memory_space<semaphore_mem>>)
      %dma_wait3A_431 = arith.constant 0 : i32
      %dma_wait3A_432 = arith.constant 0 : i32
      %dma_wait3A_433 = tpu.memref_slice %arg9[%run_scoped3A_1, %dma_wait3A_431, %dma_wait3A_432] : memref<3x4x128xi32, #tpu.memory_space<vmem>> -> memref<1x4x128xi32, #tpu.memory_space<vmem>>
      %dma_wait3A_434 = tpu.memref_squeeze %dma_wait3A_433 : memref<1x4x128xi32, #tpu.memory_space<vmem>> -> memref<4x128xi32, #tpu.memory_space<vmem>>
      %dma_wait3A_435 = arith.constant 780 : i32
      %dma_wait3A_436 = arith.constant 0 : i32
      %dma_wait3A_437 = tpu.memref_slice %arg4[%run_scoped3A, %dma_wait3A_435, %dma_wait3A_436] : memref<16x784x128xi32, #tpu.memory_space<hbm>> -> memref<1x4x128xi32, #tpu.memory_space<hbm>>
      %dma_wait3A_438 = tpu.memref_squeeze %dma_wait3A_437 : memref<1x4x128xi32, #tpu.memory_space<hbm>> -> memref<4x128xi32, #tpu.memory_space<hbm>>
      %dma_wait3A_439 = arith.constant 0 : i32
      %dma_wait3A_440 = arith.constant 0 : i32
      %dma_wait3A_441 = tpu.memref_slice %arg9[%run_scoped3A_1, %dma_wait3A_439, %dma_wait3A_440] : memref<3x4x128xi32, #tpu.memory_space<vmem>> -> memref<1x4x128xi32, #tpu.memory_space<vmem>>
      %dma_wait3A_442 = tpu.memref_squeeze %dma_wait3A_441 : memref<1x4x128xi32, #tpu.memory_space<vmem>> -> memref<4x128xi32, #tpu.memory_space<vmem>>
      %dma_wait3A_443 = arith.constant 780 : i32
      %dma_wait3A_444 = arith.constant 0 : i32
      %dma_wait3A_445 = tpu.memref_slice %arg4[%run_scoped3A, %dma_wait3A_443, %dma_wait3A_444] : memref<16x784x128xi32, #tpu.memory_space<hbm>> -> memref<1x4x128xi32, #tpu.memory_space<hbm>>
      %dma_wait3A_446 = tpu.memref_squeeze %dma_wait3A_445 : memref<1x4x128xi32, #tpu.memory_space<hbm>> -> memref<4x128xi32, #tpu.memory_space<hbm>>
      tpu.wait_dma2 semaphore(%run_scoped3A_414 : memref<!tpu.dma_semaphore, #tpu.memory_space<semaphore_mem>>) src(%dma_wait3A_446 : memref<4x128xi32, #tpu.memory_space<hbm>>) dst(%dma_wait3A_442 : memref<4x128xi32, #tpu.memory_space<vmem>>)
      tpu.yield
    }) : () -> ()
    %dma_start3A = arith.constant 2 : i32
    %dma_start3A_2 = arith.constant 0 : i32
    %dma_start3A_3 = arith.constant 2 : i32
    %dma_start3A_4 = arith.constant 0 : i32
    %dma_start3A_5 = arith.constant 0 : i32
    %dma_start3A_6 = arith.constant 0 : i32
    %dma_start3A_7 = tpu.memref_slice %arg10[%dma_start3A, %dma_start3A_2, %dma_start3A_5, %dma_start3A_6] : memref<3x4x128x16xf32, #tpu.memory_space<vmem>> -> memref<1x1x128x16xf32, #tpu.memory_space<vmem>>
    %dma_start3A_8 = tpu.memref_squeeze %dma_start3A_7 : memref<1x1x128x16xf32, #tpu.memory_space<vmem>> -> memref<128x16xf32, #tpu.memory_space<vmem>>
    %dma_start3A_9 = arith.constant 0 : i32
    %dma_start3A_10 = tpu.memref_slice %arg9[%dma_start3A_3, %dma_start3A_4, %dma_start3A_9] : memref<3x4x128xi32, #tpu.memory_space<vmem>> -> memref<1x1x128xi32, #tpu.memory_space<vmem>>
    %dma_start3A_11 = tpu.memref_squeeze %dma_start3A_10 : memref<1x1x128xi32, #tpu.memory_space<vmem>> -> memref<128xi32, #tpu.memory_space<vmem>>
    %dma_start3A_12 = arith.constant 0 : i32
    %dma_start3A_13 = arith.constant 0 : i32
    %dma_start3A_14 = tpu.memref_slice %arg7[%dma_start3A_12, %dma_start3A_13] : memref<100096x16xf32, #tpu.memory_space<vmem_shared>> -> memref<100096x16xf32, #tpu.memory_space<vmem_shared>>
    tpu.enqueue_indirect_dma source(%dma_start3A_8 : memref<128x16xf32, #tpu.memory_space<vmem>>) target(%dma_start3A_14 : memref<100096x16xf32, #tpu.memory_space<vmem_shared>>) offsets(%dma_start3A_11 : memref<128xi32, #tpu.memory_space<vmem>>) semaphore(%arg12 : memref<!tpu.dma_semaphore, #tpu.memory_space<semaphore_mem>>) {add = true}
    %dma_start3A_15 = arith.constant 2 : i32
    %dma_start3A_16 = arith.constant 1 : i32
    %dma_start3A_17 = arith.constant 2 : i32
    %dma_start3A_18 = arith.constant 1 : i32
    %dma_start3A_19 = arith.constant 0 : i32
    %dma_start3A_20 = arith.constant 0 : i32
    %dma_start3A_21 = tpu.memref_slice %arg10[%dma_start3A_15, %dma_start3A_16, %dma_start3A_19, %dma_start3A_20] : memref<3x4x128x16xf32, #tpu.memory_space<vmem>> -> memref<1x1x128x16xf32, #tpu.memory_space<vmem>>
    %dma_start3A_22 = tpu.memref_squeeze %dma_start3A_21 : memref<1x1x128x16xf32, #tpu.memory_space<vmem>> -> memref<128x16xf32, #tpu.memory_space<vmem>>
    %dma_start3A_23 = arith.constant 0 : i32
    %dma_start3A_24 = tpu.memref_slice %arg9[%dma_start3A_17, %dma_start3A_18, %dma_start3A_23] : memref<3x4x128xi32, #tpu.memory_space<vmem>> -> memref<1x1x128xi32, #tpu.memory_space<vmem>>
    %dma_start3A_25 = tpu.memref_squeeze %dma_start3A_24 : memref<1x1x128xi32, #tpu.memory_space<vmem>> -> memref<128xi32, #tpu.memory_space<vmem>>
    %dma_start3A_26 = arith.constant 0 : i32
    %dma_start3A_27 = arith.constant 0 : i32
    %dma_start3A_28 = tpu.memref_slice %arg7[%dma_start3A_26, %dma_start3A_27] : memref<100096x16xf32, #tpu.memory_space<vmem_shared>> -> memref<100096x16xf32, #tpu.memory_space<vmem_shared>>
    tpu.enqueue_indirect_dma source(%dma_start3A_22 : memref<128x16xf32, #tpu.memory_space<vmem>>) target(%dma_start3A_28 : memref<100096x16xf32, #tpu.memory_space<vmem_shared>>) offsets(%dma_start3A_25 : memref<128xi32, #tpu.memory_space<vmem>>) semaphore(%arg12 : memref<!tpu.dma_semaphore, #tpu.memory_space<semaphore_mem>>) {add = true}
    %dma_start3A_29 = arith.constant 2 : i32
    %dma_start3A_30 = arith.constant 2 : i32
    %dma_start3A_31 = arith.constant 2 : i32
    %dma_start3A_32 = arith.constant 2 : i32
    %dma_start3A_33 = arith.constant 0 : i32
    %dma_start3A_34 = arith.constant 0 : i32
    %dma_start3A_35 = tpu.memref_slice %arg10[%dma_start3A_29, %dma_start3A_30, %dma_start3A_33, %dma_start3A_34] : memref<3x4x128x16xf32, #tpu.memory_space<vmem>> -> memref<1x1x128x16xf32, #tpu.memory_space<vmem>>
    %dma_start3A_36 = tpu.memref_squeeze %dma_start3A_35 : memref<1x1x128x16xf32, #tpu.memory_space<vmem>> -> memref<128x16xf32, #tpu.memory_space<vmem>>
    %dma_start3A_37 = arith.constant 0 : i32
    %dma_start3A_38 = tpu.memref_slice %arg9[%dma_start3A_31, %dma_start3A_32, %dma_start3A_37] : memref<3x4x128xi32, #tpu.memory_space<vmem>> -> memref<1x1x128xi32, #tpu.memory_space<vmem>>
    %dma_start3A_39 = tpu.memref_squeeze %dma_start3A_38 : memref<1x1x128xi32, #tpu.memory_space<vmem>> -> memref<128xi32, #tpu.memory_space<vmem>>
    %dma_start3A_40 = arith.constant 0 : i32
    %dma_start3A_41 = arith.constant 0 : i32
    %dma_start3A_42 = tpu.memref_slice %arg7[%dma_start3A_40, %dma_start3A_41] : memref<100096x16xf32, #tpu.memory_space<vmem_shared>> -> memref<100096x16xf32, #tpu.memory_space<vmem_shared>>
    tpu.enqueue_indirect_dma source(%dma_start3A_36 : memref<128x16xf32, #tpu.memory_space<vmem>>) target(%dma_start3A_42 : memref<100096x16xf32, #tpu.memory_space<vmem_shared>>) offsets(%dma_start3A_39 : memref<128xi32, #tpu.memory_space<vmem>>) semaphore(%arg12 : memref<!tpu.dma_semaphore, #tpu.memory_space<semaphore_mem>>) {add = true}
    %dma_start3A_43 = arith.constant 2 : i32
    %dma_start3A_44 = arith.constant 3 : i32
    %dma_start3A_45 = arith.constant 2 : i32
    %dma_start3A_46 = arith.constant 3 : i32
    %dma_start3A_47 = arith.constant 0 : i32
    %dma_start3A_48 = arith.constant 0 : i32
    %dma_start3A_49 = tpu.memref_slice %arg10[%dma_start3A_43, %dma_start3A_44, %dma_start3A_47, %dma_start3A_48] : memref<3x4x128x16xf32, #tpu.memory_space<vmem>> -> memref<1x1x128x16xf32, #tpu.memory_space<vmem>>
    %dma_start3A_50 = tpu.memref_squeeze %dma_start3A_49 : memref<1x1x128x16xf32, #tpu.memory_space<vmem>> -> memref<128x16xf32, #tpu.memory_space<vmem>>
    %dma_start3A_51 = arith.constant 0 : i32
    %dma_start3A_52 = tpu.memref_slice %arg9[%dma_start3A_45, %dma_start3A_46, %dma_start3A_51] : memref<3x4x128xi32, #tpu.memory_space<vmem>> -> memref<1x1x128xi32, #tpu.memory_space<vmem>>
    %dma_start3A_53 = tpu.memref_squeeze %dma_start3A_52 : memref<1x1x128xi32, #tpu.memory_space<vmem>> -> memref<128xi32, #tpu.memory_space<vmem>>
    %dma_start3A_54 = arith.constant 0 : i32
    %dma_start3A_55 = arith.constant 0 : i32
    %dma_start3A_56 = tpu.memref_slice %arg7[%dma_start3A_54, %dma_start3A_55] : memref<100096x16xf32, #tpu.memory_space<vmem_shared>> -> memref<100096x16xf32, #tpu.memory_space<vmem_shared>>
    tpu.enqueue_indirect_dma source(%dma_start3A_50 : memref<128x16xf32, #tpu.memory_space<vmem>>) target(%dma_start3A_56 : memref<100096x16xf32, #tpu.memory_space<vmem_shared>>) offsets(%dma_start3A_53 : memref<128xi32, #tpu.memory_space<vmem>>) semaphore(%arg12 : memref<!tpu.dma_semaphore, #tpu.memory_space<semaphore_mem>>) {add = true}
    %dma_start3A_57 = arith.constant 0 : i32
    %dma_start3A_58 = arith.constant 0 : i32
    %dma_start3A_59 = arith.constant 0 : i32
    %dma_start3A_60 = arith.constant 0 : i32
    %dma_start3A_61 = tpu.memref_slice %arg8[%dma_start3A_57, %dma_start3A_59, %dma_start3A_60] : memref<3x4x128xi32, #tpu.memory_space<vmem>> -> memref<1x4x128xi32, #tpu.memory_space<vmem>>
    %dma_start3A_62 = tpu.memref_squeeze %dma_start3A_61 : memref<1x4x128xi32, #tpu.memory_space<vmem>> -> memref<4x128xi32, #tpu.memory_space<vmem>>
    %dma_start3A_63 = arith.constant 0 : i32
    %dma_start3A_64 = arith.constant 0 : i32
    %dma_start3A_65 = tpu.memref_slice %arg3[%arg0, %arg1, %dma_start3A_63, %dma_start3A_64] : memref<2x16x784x128xi32, #tpu.memory_space<hbm>> -> memref<1x1x4x128xi32, #tpu.memory_space<hbm>>
    %dma_start3A_66 = tpu.memref_squeeze %dma_start3A_65 : memref<1x1x4x128xi32, #tpu.memory_space<hbm>> -> memref<4x128xi32, #tpu.memory_space<hbm>>
    %dma_start3A_67 = tpu.memref_slice %arg13[%dma_start3A_58] : memref<3x!tpu.dma_semaphore, #tpu.memory_space<semaphore_mem>> -> memref<1x!tpu.dma_semaphore, #tpu.memory_space<semaphore_mem>>
    %dma_start3A_68 = tpu.memref_squeeze %dma_start3A_67 : memref<1x!tpu.dma_semaphore, #tpu.memory_space<semaphore_mem>> -> memref<!tpu.dma_semaphore, #tpu.memory_space<semaphore_mem>>
    %dma_start3A_69 = arith.constant 0 : i32
    %dma_start3A_70 = arith.constant 0 : i32
    %dma_start3A_71 = tpu.memref_slice %arg8[%dma_start3A_57, %dma_start3A_69, %dma_start3A_70] : memref<3x4x128xi32, #tpu.memory_space<vmem>> -> memref<1x4x128xi32, #tpu.memory_space<vmem>>
    %dma_start3A_72 = tpu.memref_squeeze %dma_start3A_71 : memref<1x4x128xi32, #tpu.memory_space<vmem>> -> memref<4x128xi32, #tpu.memory_space<vmem>>
    %dma_start3A_73 = arith.constant 0 : i32
    %dma_start3A_74 = arith.constant 0 : i32
    %dma_start3A_75 = tpu.memref_slice %arg3[%arg0, %arg1, %dma_start3A_73, %dma_start3A_74] : memref<2x16x784x128xi32, #tpu.memory_space<hbm>> -> memref<1x1x4x128xi32, #tpu.memory_space<hbm>>
    %dma_start3A_76 = tpu.memref_squeeze %dma_start3A_75 : memref<1x1x4x128xi32, #tpu.memory_space<hbm>> -> memref<4x128xi32, #tpu.memory_space<hbm>>
    tpu.enqueue_dma source(%dma_start3A_76 : memref<4x128xi32, #tpu.memory_space<hbm>>) target(%dma_start3A_72 : memref<4x128xi32, #tpu.memory_space<vmem>>) target_semaphore(%dma_start3A_68 : memref<!tpu.dma_semaphore, #tpu.memory_space<semaphore_mem>>)
    %dma_start3A_77 = arith.constant 0 : i32
    %dma_start3A_78 = arith.constant 0 : i32
    %dma_start3A_79 = arith.constant 0 : i32
    %dma_start3A_80 = arith.constant 0 : i32
    %dma_start3A_81 = tpu.memref_slice %arg9[%dma_start3A_77, %dma_start3A_79, %dma_start3A_80] : memref<3x4x128xi32, #tpu.memory_space<vmem>> -> memref<1x4x128xi32, #tpu.memory_space<vmem>>
    %dma_start3A_82 = tpu.memref_squeeze %dma_start3A_81 : memref<1x4x128xi32, #tpu.memory_space<vmem>> -> memref<4x128xi32, #tpu.memory_space<vmem>>
    %dma_start3A_83 = arith.constant 0 : i32
    %dma_start3A_84 = arith.constant 0 : i32
    %dma_start3A_85 = tpu.memref_slice %arg4[%arg1, %dma_start3A_83, %dma_start3A_84] : memref<16x784x128xi32, #tpu.memory_space<hbm>> -> memref<1x4x128xi32, #tpu.memory_space<hbm>>
    %dma_start3A_86 = tpu.memref_squeeze %dma_start3A_85 : memref<1x4x128xi32, #tpu.memory_space<hbm>> -> memref<4x128xi32, #tpu.memory_space<hbm>>
    %dma_start3A_87 = tpu.memref_slice %arg13[%dma_start3A_78] : memref<3x!tpu.dma_semaphore, #tpu.memory_space<semaphore_mem>> -> memref<1x!tpu.dma_semaphore, #tpu.memory_space<semaphore_mem>>
    %dma_start3A_88 = tpu.memref_squeeze %dma_start3A_87 : memref<1x!tpu.dma_semaphore, #tpu.memory_space<semaphore_mem>> -> memref<!tpu.dma_semaphore, #tpu.memory_space<semaphore_mem>>
    %dma_start3A_89 = arith.constant 0 : i32
    %dma_start3A_90 = arith.constant 0 : i32
    %dma_start3A_91 = tpu.memref_slice %arg9[%dma_start3A_77, %dma_start3A_89, %dma_start3A_90] : memref<3x4x128xi32, #tpu.memory_space<vmem>> -> memref<1x4x128xi32, #tpu.memory_space<vmem>>
    %dma_start3A_92 = tpu.memref_squeeze %dma_start3A_91 : memref<1x4x128xi32, #tpu.memory_space<vmem>> -> memref<4x128xi32, #tpu.memory_space<vmem>>
    %dma_start3A_93 = arith.constant 0 : i32
    %dma_start3A_94 = arith.constant 0 : i32
    %dma_start3A_95 = tpu.memref_slice %arg4[%arg1, %dma_start3A_93, %dma_start3A_94] : memref<16x784x128xi32, #tpu.memory_space<hbm>> -> memref<1x4x128xi32, #tpu.memory_space<hbm>>
    %dma_start3A_96 = tpu.memref_squeeze %dma_start3A_95 : memref<1x4x128xi32, #tpu.memory_space<hbm>> -> memref<4x128xi32, #tpu.memory_space<hbm>>
    tpu.enqueue_dma source(%dma_start3A_96 : memref<4x128xi32, #tpu.memory_space<hbm>>) target(%dma_start3A_92 : memref<4x128xi32, #tpu.memory_space<vmem>>) target_semaphore(%dma_start3A_88 : memref<!tpu.dma_semaphore, #tpu.memory_space<semaphore_mem>>)
    %dma_start3A_97 = arith.constant 1 : i32
    %dma_start3A_98 = arith.constant 1 : i32
    %dma_start3A_99 = arith.constant 0 : i32
    %dma_start3A_100 = arith.constant 0 : i32
    %dma_start3A_101 = tpu.memref_slice %arg8[%dma_start3A_97, %dma_start3A_99, %dma_start3A_100] : memref<3x4x128xi32, #tpu.memory_space<vmem>> -> memref<1x4x128xi32, #tpu.memory_space<vmem>>
    %dma_start3A_102 = tpu.memref_squeeze %dma_start3A_101 : memref<1x4x128xi32, #tpu.memory_space<vmem>> -> memref<4x128xi32, #tpu.memory_space<vmem>>
    %dma_start3A_103 = arith.constant 4 : i32
    %dma_start3A_104 = arith.constant 0 : i32
    %dma_start3A_105 = tpu.memref_slice %arg3[%arg0, %arg1, %dma_start3A_103, %dma_start3A_104] : memref<2x16x784x128xi32, #tpu.memory_space<hbm>> -> memref<1x1x4x128xi32, #tpu.memory_space<hbm>>
    %dma_start3A_106 = tpu.memref_squeeze %dma_start3A_105 : memref<1x1x4x128xi32, #tpu.memory_space<hbm>> -> memref<4x128xi32, #tpu.memory_space<hbm>>
    %dma_start3A_107 = tpu.memref_slice %arg13[%dma_start3A_98] : memref<3x!tpu.dma_semaphore, #tpu.memory_space<semaphore_mem>> -> memref<1x!tpu.dma_semaphore, #tpu.memory_space<semaphore_mem>>
    %dma_start3A_108 = tpu.memref_squeeze %dma_start3A_107 : memref<1x!tpu.dma_semaphore, #tpu.memory_space<semaphore_mem>> -> memref<!tpu.dma_semaphore, #tpu.memory_space<semaphore_mem>>
    %dma_start3A_109 = arith.constant 0 : i32
    %dma_start3A_110 = arith.constant 0 : i32
    %dma_start3A_111 = tpu.memref_slice %arg8[%dma_start3A_97, %dma_start3A_109, %dma_start3A_110] : memref<3x4x128xi32, #tpu.memory_space<vmem>> -> memref<1x4x128xi32, #tpu.memory_space<vmem>>
    %dma_start3A_112 = tpu.memref_squeeze %dma_start3A_111 : memref<1x4x128xi32, #tpu.memory_space<vmem>> -> memref<4x128xi32, #tpu.memory_space<vmem>>
    %dma_start3A_113 = arith.constant 4 : i32
    %dma_start3A_114 = arith.constant 0 : i32
    %dma_start3A_115 = tpu.memref_slice %arg3[%arg0, %arg1, %dma_start3A_113, %dma_start3A_114] : memref<2x16x784x128xi32, #tpu.memory_space<hbm>> -> memref<1x1x4x128xi32, #tpu.memory_space<hbm>>
    %dma_start3A_116 = tpu.memref_squeeze %dma_start3A_115 : memref<1x1x4x128xi32, #tpu.memory_space<hbm>> -> memref<4x128xi32, #tpu.memory_space<hbm>>
    tpu.enqueue_dma source(%dma_start3A_116 : memref<4x128xi32, #tpu.memory_space<hbm>>) target(%dma_start3A_112 : memref<4x128xi32, #tpu.memory_space<vmem>>) target_semaphore(%dma_start3A_108 : memref<!tpu.dma_semaphore, #tpu.memory_space<semaphore_mem>>)
    %dma_start3A_117 = arith.constant 1 : i32
    %dma_start3A_118 = arith.constant 1 : i32
    %dma_start3A_119 = arith.constant 0 : i32
    %dma_start3A_120 = arith.constant 0 : i32
    %dma_start3A_121 = tpu.memref_slice %arg9[%dma_start3A_117, %dma_start3A_119, %dma_start3A_120] : memref<3x4x128xi32, #tpu.memory_space<vmem>> -> memref<1x4x128xi32, #tpu.memory_space<vmem>>
    %dma_start3A_122 = tpu.memref_squeeze %dma_start3A_121 : memref<1x4x128xi32, #tpu.memory_space<vmem>> -> memref<4x128xi32, #tpu.memory_space<vmem>>
    %dma_start3A_123 = arith.constant 4 : i32
    %dma_start3A_124 = arith.constant 0 : i32
    %dma_start3A_125 = tpu.memref_slice %arg4[%arg1, %dma_start3A_123, %dma_start3A_124] : memref<16x784x128xi32, #tpu.memory_space<hbm>> -> memref<1x4x128xi32, #tpu.memory_space<hbm>>
    %dma_start3A_126 = tpu.memref_squeeze %dma_start3A_125 : memref<1x4x128xi32, #tpu.memory_space<hbm>> -> memref<4x128xi32, #tpu.memory_space<hbm>>
    %dma_start3A_127 = tpu.memref_slice %arg13[%dma_start3A_118] : memref<3x!tpu.dma_semaphore, #tpu.memory_space<semaphore_mem>> -> memref<1x!tpu.dma_semaphore, #tpu.memory_space<semaphore_mem>>
    %dma_start3A_128 = tpu.memref_squeeze %dma_start3A_127 : memref<1x!tpu.dma_semaphore, #tpu.memory_space<semaphore_mem>> -> memref<!tpu.dma_semaphore, #tpu.memory_space<semaphore_mem>>
    %dma_start3A_129 = arith.constant 0 : i32
    %dma_start3A_130 = arith.constant 0 : i32
    %dma_start3A_131 = tpu.memref_slice %arg9[%dma_start3A_117, %dma_start3A_129, %dma_start3A_130] : memref<3x4x128xi32, #tpu.memory_space<vmem>> -> memref<1x4x128xi32, #tpu.memory_space<vmem>>
    %dma_start3A_132 = tpu.memref_squeeze %dma_start3A_131 : memref<1x4x128xi32, #tpu.memory_space<vmem>> -> memref<4x128xi32, #tpu.memory_space<vmem>>
    %dma_start3A_133 = arith.constant 4 : i32
    %dma_start3A_134 = arith.constant 0 : i32
    %dma_start3A_135 = tpu.memref_slice %arg4[%arg1, %dma_start3A_133, %dma_start3A_134] : memref<16x784x128xi32, #tpu.memory_space<hbm>> -> memref<1x4x128xi32, #tpu.memory_space<hbm>>
    %dma_start3A_136 = tpu.memref_squeeze %dma_start3A_135 : memref<1x4x128xi32, #tpu.memory_space<hbm>> -> memref<4x128xi32, #tpu.memory_space<hbm>>
    tpu.enqueue_dma source(%dma_start3A_136 : memref<4x128xi32, #tpu.memory_space<hbm>>) target(%dma_start3A_132 : memref<4x128xi32, #tpu.memory_space<vmem>>) target_semaphore(%dma_start3A_128 : memref<!tpu.dma_semaphore, #tpu.memory_space<semaphore_mem>>)
    "tpu.region"() ({
      %run_scoped3A_414 = tpu.sem_alloc : memref<!tpu.dma_semaphore, #tpu.memory_space<semaphore_mem>>
      %dma_start3A_415 = arith.constant 0 : i32
      %dma_start3A_416 = tpu.memref_slice %arg7[%mul3A_0, %dma_start3A_415] : memref<100096x16xf32, #tpu.memory_space<vmem_shared>> -> memref<6256x16xf32, #tpu.memory_space<vmem_shared>>
      %dma_start3A_417 = arith.constant 0 : i32
      %dma_start3A_418 = tpu.memref_slice %arg5[%mul3A_0, %dma_start3A_417] : memref<100096x16xf32, #tpu.memory_space<hbm>> -> memref<6256x16xf32, #tpu.memory_space<hbm>>
      tpu.enqueue_dma source(%dma_start3A_418 : memref<6256x16xf32, #tpu.memory_space<hbm>>) target(%dma_start3A_416 : memref<6256x16xf32, #tpu.memory_space<vmem_shared>>) target_semaphore(%run_scoped3A_414 : memref<!tpu.dma_semaphore, #tpu.memory_space<semaphore_mem>>)
      %dma_wait3A_419 = arith.constant 0 : i32
      %dma_wait3A_420 = tpu.memref_slice %arg7[%mul3A_0, %dma_wait3A_419] : memref<100096x16xf32, #tpu.memory_space<vmem_shared>> -> memref<6256x16xf32, #tpu.memory_space<vmem_shared>>
      %dma_wait3A_421 = arith.constant 0 : i32
      %dma_wait3A_422 = tpu.memref_slice %arg5[%mul3A_0, %dma_wait3A_421] : memref<100096x16xf32, #tpu.memory_space<hbm>> -> memref<6256x16xf32, #tpu.memory_space<hbm>>
      tpu.wait_dma2 semaphore(%run_scoped3A_414 : memref<!tpu.dma_semaphore, #tpu.memory_space<semaphore_mem>>) src(%dma_wait3A_422 : memref<6256x16xf32, #tpu.memory_space<hbm>>) dst(%dma_wait3A_420 : memref<6256x16xf32, #tpu.memory_space<vmem_shared>>)
      tpu.yield
    }) : () -> ()
    %barrier3A = arith.constant 0 : index
    tpu.barrier barrier_id(%barrier3A)
    %dma_wait3A = arith.constant 0 : i32
    %dma_wait3A_137 = arith.constant 0 : i32
    %dma_wait3A_138 = arith.constant 0 : i32
    %dma_wait3A_139 = arith.constant 0 : i32
    %dma_wait3A_140 = tpu.memref_slice %arg8[%dma_wait3A, %dma_wait3A_138, %dma_wait3A_139] : memref<3x4x128xi32, #tpu.memory_space<vmem>> -> memref<1x4x128xi32, #tpu.memory_space<vmem>>
    %dma_wait3A_141 = tpu.memref_squeeze %dma_wait3A_140 : memref<1x4x128xi32, #tpu.memory_space<vmem>> -> memref<4x128xi32, #tpu.memory_space<vmem>>
    %dma_wait3A_142 = arith.constant 0 : i32
    %dma_wait3A_143 = arith.constant 0 : i32
    %dma_wait3A_144 = tpu.memref_slice %arg3[%arg0, %arg1, %dma_wait3A_142, %dma_wait3A_143] : memref<2x16x784x128xi32, #tpu.memory_space<hbm>> -> memref<1x1x4x128xi32, #tpu.memory_space<hbm>>
    %dma_wait3A_145 = tpu.memref_squeeze %dma_wait3A_144 : memref<1x1x4x128xi32, #tpu.memory_space<hbm>> -> memref<4x128xi32, #tpu.memory_space<hbm>>
    %dma_wait3A_146 = tpu.memref_slice %arg13[%dma_wait3A_137] : memref<3x!tpu.dma_semaphore, #tpu.memory_space<semaphore_mem>> -> memref<1x!tpu.dma_semaphore, #tpu.memory_space<semaphore_mem>>
    %dma_wait3A_147 = tpu.memref_squeeze %dma_wait3A_146 : memref<1x!tpu.dma_semaphore, #tpu.memory_space<semaphore_mem>> -> memref<!tpu.dma_semaphore, #tpu.memory_space<semaphore_mem>>
    %dma_wait3A_148 = arith.constant 0 : i32
    %dma_wait3A_149 = arith.constant 0 : i32
    %dma_wait3A_150 = tpu.memref_slice %arg8[%dma_wait3A, %dma_wait3A_148, %dma_wait3A_149] : memref<3x4x128xi32, #tpu.memory_space<vmem>> -> memref<1x4x128xi32, #tpu.memory_space<vmem>>
    %dma_wait3A_151 = tpu.memref_squeeze %dma_wait3A_150 : memref<1x4x128xi32, #tpu.memory_space<vmem>> -> memref<4x128xi32, #tpu.memory_space<vmem>>
    %dma_wait3A_152 = arith.constant 0 : i32
    %dma_wait3A_153 = arith.constant 0 : i32
    %dma_wait3A_154 = tpu.memref_slice %arg3[%arg0, %arg1, %dma_wait3A_152, %dma_wait3A_153] : memref<2x16x784x128xi32, #tpu.memory_space<hbm>> -> memref<1x1x4x128xi32, #tpu.memory_space<hbm>>
    %dma_wait3A_155 = tpu.memref_squeeze %dma_wait3A_154 : memref<1x1x4x128xi32, #tpu.memory_space<hbm>> -> memref<4x128xi32, #tpu.memory_space<hbm>>
    tpu.wait_dma2 semaphore(%dma_wait3A_147 : memref<!tpu.dma_semaphore, #tpu.memory_space<semaphore_mem>>) src(%dma_wait3A_155 : memref<4x128xi32, #tpu.memory_space<hbm>>) dst(%dma_wait3A_151 : memref<4x128xi32, #tpu.memory_space<vmem>>)
    %dma_wait3A_156 = arith.constant 0 : i32
    %dma_wait3A_157 = arith.constant 0 : i32
    %dma_wait3A_158 = arith.constant 0 : i32
    %dma_wait3A_159 = arith.constant 0 : i32
    %dma_wait3A_160 = tpu.memref_slice %arg9[%dma_wait3A_156, %dma_wait3A_158, %dma_wait3A_159] : memref<3x4x128xi32, #tpu.memory_space<vmem>> -> memref<1x4x128xi32, #tpu.memory_space<vmem>>
    %dma_wait3A_161 = tpu.memref_squeeze %dma_wait3A_160 : memref<1x4x128xi32, #tpu.memory_space<vmem>> -> memref<4x128xi32, #tpu.memory_space<vmem>>
    %dma_wait3A_162 = arith.constant 0 : i32
    %dma_wait3A_163 = arith.constant 0 : i32
    %dma_wait3A_164 = tpu.memref_slice %arg4[%arg1, %dma_wait3A_162, %dma_wait3A_163] : memref<16x784x128xi32, #tpu.memory_space<hbm>> -> memref<1x4x128xi32, #tpu.memory_space<hbm>>
    %dma_wait3A_165 = tpu.memref_squeeze %dma_wait3A_164 : memref<1x4x128xi32, #tpu.memory_space<hbm>> -> memref<4x128xi32, #tpu.memory_space<hbm>>
    %dma_wait3A_166 = tpu.memref_slice %arg13[%dma_wait3A_157] : memref<3x!tpu.dma_semaphore, #tpu.memory_space<semaphore_mem>> -> memref<1x!tpu.dma_semaphore, #tpu.memory_space<semaphore_mem>>
    %dma_wait3A_167 = tpu.memref_squeeze %dma_wait3A_166 : memref<1x!tpu.dma_semaphore, #tpu.memory_space<semaphore_mem>> -> memref<!tpu.dma_semaphore, #tpu.memory_space<semaphore_mem>>
    %dma_wait3A_168 = arith.constant 0 : i32
    %dma_wait3A_169 = arith.constant 0 : i32
    %dma_wait3A_170 = tpu.memref_slice %arg9[%dma_wait3A_156, %dma_wait3A_168, %dma_wait3A_169] : memref<3x4x128xi32, #tpu.memory_space<vmem>> -> memref<1x4x128xi32, #tpu.memory_space<vmem>>
    %dma_wait3A_171 = tpu.memref_squeeze %dma_wait3A_170 : memref<1x4x128xi32, #tpu.memory_space<vmem>> -> memref<4x128xi32, #tpu.memory_space<vmem>>
    %dma_wait3A_172 = arith.constant 0 : i32
    %dma_wait3A_173 = arith.constant 0 : i32
    %dma_wait3A_174 = tpu.memref_slice %arg4[%arg1, %dma_wait3A_172, %dma_wait3A_173] : memref<16x784x128xi32, #tpu.memory_space<hbm>> -> memref<1x4x128xi32, #tpu.memory_space<hbm>>
    %dma_wait3A_175 = tpu.memref_squeeze %dma_wait3A_174 : memref<1x4x128xi32, #tpu.memory_space<hbm>> -> memref<4x128xi32, #tpu.memory_space<hbm>>
    tpu.wait_dma2 semaphore(%dma_wait3A_167 : memref<!tpu.dma_semaphore, #tpu.memory_space<semaphore_mem>>) src(%dma_wait3A_175 : memref<4x128xi32, #tpu.memory_space<hbm>>) dst(%dma_wait3A_171 : memref<4x128xi32, #tpu.memory_space<vmem>>)
    %dma_start3A_176 = arith.constant 0 : i32
    %dma_start3A_177 = arith.constant 0 : i32
    %dma_start3A_178 = arith.constant 0 : i32
    %dma_start3A_179 = arith.constant 0 : i32
    %dma_start3A_180 = arith.constant 0 : i32
    %dma_start3A_181 = arith.constant 0 : i32
    %dma_start3A_182 = arith.constant 0 : i32
    %dma_start3A_183 = tpu.memref_slice %arg10[%dma_start3A_178, %dma_start3A_179, %dma_start3A_181, %dma_start3A_182] : memref<3x4x128x16xf32, #tpu.memory_space<vmem>> -> memref<1x1x128x16xf32, #tpu.memory_space<vmem>>
    %dma_start3A_184 = tpu.memref_squeeze %dma_start3A_183 : memref<1x1x128x16xf32, #tpu.memory_space<vmem>> -> memref<128x16xf32, #tpu.memory_space<vmem>>
    %dma_start3A_185 = arith.constant 0 : i32
    %dma_start3A_186 = tpu.memref_slice %arg8[%dma_start3A_176, %dma_start3A_177, %dma_start3A_185] : memref<3x4x128xi32, #tpu.memory_space<vmem>> -> memref<1x1x128xi32, #tpu.memory_space<vmem>>
    %dma_start3A_187 = tpu.memref_squeeze %dma_start3A_186 : memref<1x1x128xi32, #tpu.memory_space<vmem>> -> memref<128xi32, #tpu.memory_space<vmem>>
    %dma_start3A_188 = arith.constant 0 : i32
    %dma_start3A_189 = arith.constant 0 : i32
    %dma_start3A_190 = tpu.memref_slice %arg2[%dma_start3A_188, %dma_start3A_189] : memref<200000x16xf32, #tpu.memory_space<hbm>> -> memref<200000x16xf32, #tpu.memory_space<hbm>>
    %dma_start3A_191 = tpu.memref_slice %arg11[%dma_start3A_180] : memref<3x!tpu.dma_semaphore, #tpu.memory_space<semaphore_mem>> -> memref<1x!tpu.dma_semaphore, #tpu.memory_space<semaphore_mem>>
    %dma_start3A_192 = tpu.memref_squeeze %dma_start3A_191 : memref<1x!tpu.dma_semaphore, #tpu.memory_space<semaphore_mem>> -> memref<!tpu.dma_semaphore, #tpu.memory_space<semaphore_mem>>
    tpu.enqueue_indirect_dma source(%dma_start3A_190 : memref<200000x16xf32, #tpu.memory_space<hbm>>) target(%dma_start3A_184 : memref<128x16xf32, #tpu.memory_space<vmem>>) offsets(%dma_start3A_187 : memref<128xi32, #tpu.memory_space<vmem>>) semaphore(%dma_start3A_192 : memref<!tpu.dma_semaphore, #tpu.memory_space<semaphore_mem>>)
    %dma_start3A_193 = arith.constant 0 : i32
    %dma_start3A_194 = arith.constant 1 : i32
    %dma_start3A_195 = arith.constant 0 : i32
    %dma_start3A_196 = arith.constant 1 : i32
    %dma_start3A_197 = arith.constant 0 : i32
    %dma_start3A_198 = arith.constant 0 : i32
    %dma_start3A_199 = arith.constant 0 : i32
    %dma_start3A_200 = tpu.memref_slice %arg10[%dma_start3A_195, %dma_start3A_196, %dma_start3A_198, %dma_start3A_199] : memref<3x4x128x16xf32, #tpu.memory_space<vmem>> -> memref<1x1x128x16xf32, #tpu.memory_space<vmem>>
    %dma_start3A_201 = tpu.memref_squeeze %dma_start3A_200 : memref<1x1x128x16xf32, #tpu.memory_space<vmem>> -> memref<128x16xf32, #tpu.memory_space<vmem>>
    %dma_start3A_202 = arith.constant 0 : i32
    %dma_start3A_203 = tpu.memref_slice %arg8[%dma_start3A_193, %dma_start3A_194, %dma_start3A_202] : memref<3x4x128xi32, #tpu.memory_space<vmem>> -> memref<1x1x128xi32, #tpu.memory_space<vmem>>
    %dma_start3A_204 = tpu.memref_squeeze %dma_start3A_203 : memref<1x1x128xi32, #tpu.memory_space<vmem>> -> memref<128xi32, #tpu.memory_space<vmem>>
    %dma_start3A_205 = arith.constant 0 : i32
    %dma_start3A_206 = arith.constant 0 : i32
    %dma_start3A_207 = tpu.memref_slice %arg2[%dma_start3A_205, %dma_start3A_206] : memref<200000x16xf32, #tpu.memory_space<hbm>> -> memref<200000x16xf32, #tpu.memory_space<hbm>>
    %dma_start3A_208 = tpu.memref_slice %arg11[%dma_start3A_197] : memref<3x!tpu.dma_semaphore, #tpu.memory_space<semaphore_mem>> -> memref<1x!tpu.dma_semaphore, #tpu.memory_space<semaphore_mem>>
    %dma_start3A_209 = tpu.memref_squeeze %dma_start3A_208 : memref<1x!tpu.dma_semaphore, #tpu.memory_space<semaphore_mem>> -> memref<!tpu.dma_semaphore, #tpu.memory_space<semaphore_mem>>
    tpu.enqueue_indirect_dma source(%dma_start3A_207 : memref<200000x16xf32, #tpu.memory_space<hbm>>) target(%dma_start3A_201 : memref<128x16xf32, #tpu.memory_space<vmem>>) offsets(%dma_start3A_204 : memref<128xi32, #tpu.memory_space<vmem>>) semaphore(%dma_start3A_209 : memref<!tpu.dma_semaphore, #tpu.memory_space<semaphore_mem>>)
    %dma_start3A_210 = arith.constant 0 : i32
    %dma_start3A_211 = arith.constant 2 : i32
    %dma_start3A_212 = arith.constant 0 : i32
    %dma_start3A_213 = arith.constant 2 : i32
    %dma_start3A_214 = arith.constant 0 : i32
    %dma_start3A_215 = arith.constant 0 : i32
    %dma_start3A_216 = arith.constant 0 : i32
    %dma_start3A_217 = tpu.memref_slice %arg10[%dma_start3A_212, %dma_start3A_213, %dma_start3A_215, %dma_start3A_216] : memref<3x4x128x16xf32, #tpu.memory_space<vmem>> -> memref<1x1x128x16xf32, #tpu.memory_space<vmem>>
    %dma_start3A_218 = tpu.memref_squeeze %dma_start3A_217 : memref<1x1x128x16xf32, #tpu.memory_space<vmem>> -> memref<128x16xf32, #tpu.memory_space<vmem>>
    %dma_start3A_219 = arith.constant 0 : i32
    %dma_start3A_220 = tpu.memref_slice %arg8[%dma_start3A_210, %dma_start3A_211, %dma_start3A_219] : memref<3x4x128xi32, #tpu.memory_space<vmem>> -> memref<1x1x128xi32, #tpu.memory_space<vmem>>
    %dma_start3A_221 = tpu.memref_squeeze %dma_start3A_220 : memref<1x1x128xi32, #tpu.memory_space<vmem>> -> memref<128xi32, #tpu.memory_space<vmem>>
    %dma_start3A_222 = arith.constant 0 : i32
    %dma_start3A_223 = arith.constant 0 : i32
    %dma_start3A_224 = tpu.memref_slice %arg2[%dma_start3A_222, %dma_start3A_223] : memref<200000x16xf32, #tpu.memory_space<hbm>> -> memref<200000x16xf32, #tpu.memory_space<hbm>>
    %dma_start3A_225 = tpu.memref_slice %arg11[%dma_start3A_214] : memref<3x!tpu.dma_semaphore, #tpu.memory_space<semaphore_mem>> -> memref<1x!tpu.dma_semaphore, #tpu.memory_space<semaphore_mem>>
    %dma_start3A_226 = tpu.memref_squeeze %dma_start3A_225 : memref<1x!tpu.dma_semaphore, #tpu.memory_space<semaphore_mem>> -> memref<!tpu.dma_semaphore, #tpu.memory_space<semaphore_mem>>
    tpu.enqueue_indirect_dma source(%dma_start3A_224 : memref<200000x16xf32, #tpu.memory_space<hbm>>) target(%dma_start3A_218 : memref<128x16xf32, #tpu.memory_space<vmem>>) offsets(%dma_start3A_221 : memref<128xi32, #tpu.memory_space<vmem>>) semaphore(%dma_start3A_226 : memref<!tpu.dma_semaphore, #tpu.memory_space<semaphore_mem>>)
    %dma_start3A_227 = arith.constant 0 : i32
    %dma_start3A_228 = arith.constant 3 : i32
    %dma_start3A_229 = arith.constant 0 : i32
    %dma_start3A_230 = arith.constant 3 : i32
    %dma_start3A_231 = arith.constant 0 : i32
    %dma_start3A_232 = arith.constant 0 : i32
    %dma_start3A_233 = arith.constant 0 : i32
    %dma_start3A_234 = tpu.memref_slice %arg10[%dma_start3A_229, %dma_start3A_230, %dma_start3A_232, %dma_start3A_233] : memref<3x4x128x16xf32, #tpu.memory_space<vmem>> -> memref<1x1x128x16xf32, #tpu.memory_space<vmem>>
    %dma_start3A_235 = tpu.memref_squeeze %dma_start3A_234 : memref<1x1x128x16xf32, #tpu.memory_space<vmem>> -> memref<128x16xf32, #tpu.memory_space<vmem>>
    %dma_start3A_236 = arith.constant 0 : i32
    %dma_start3A_237 = tpu.memref_slice %arg8[%dma_start3A_227, %dma_start3A_228, %dma_start3A_236] : memref<3x4x128xi32, #tpu.memory_space<vmem>> -> memref<1x1x128xi32, #tpu.memory_space<vmem>>
    %dma_start3A_238 = tpu.memref_squeeze %dma_start3A_237 : memref<1x1x128xi32, #tpu.memory_space<vmem>> -> memref<128xi32, #tpu.memory_space<vmem>>
    %dma_start3A_239 = arith.constant 0 : i32
    %dma_start3A_240 = arith.constant 0 : i32
    %dma_start3A_241 = tpu.memref_slice %arg2[%dma_start3A_239, %dma_start3A_240] : memref<200000x16xf32, #tpu.memory_space<hbm>> -> memref<200000x16xf32, #tpu.memory_space<hbm>>
    %dma_start3A_242 = tpu.memref_slice %arg11[%dma_start3A_231] : memref<3x!tpu.dma_semaphore, #tpu.memory_space<semaphore_mem>> -> memref<1x!tpu.dma_semaphore, #tpu.memory_space<semaphore_mem>>
    %dma_start3A_243 = tpu.memref_squeeze %dma_start3A_242 : memref<1x!tpu.dma_semaphore, #tpu.memory_space<semaphore_mem>> -> memref<!tpu.dma_semaphore, #tpu.memory_space<semaphore_mem>>
    tpu.enqueue_indirect_dma source(%dma_start3A_241 : memref<200000x16xf32, #tpu.memory_space<hbm>>) target(%dma_start3A_235 : memref<128x16xf32, #tpu.memory_space<vmem>>) offsets(%dma_start3A_238 : memref<128xi32, #tpu.memory_space<vmem>>) semaphore(%dma_start3A_243 : memref<!tpu.dma_semaphore, #tpu.memory_space<semaphore_mem>>)
    %scan3A = arith.constant 0 : i32
    %scan3A_244 = arith.constant 0 : i32
    %scan3A_245 = arith.constant 196 : i32
    %scan3A_246 = arith.addi %scan3A_244, %scan3A_245 : i32
    %scan3A_247 = arith.constant 1 : i32
    scf.for %scan3A_414 = %scan3A_244 to %scan3A_246 step %scan3A_247  : i32 {
      %rem3A = arith.constant 3 : i32
      %rem3A_415 = arith.remsi %scan3A_414, %rem3A : i32
      %add3A = arith.constant 1 : i32
      %add3A_416 = arith.addi %scan3A_414, %add3A : i32
      %rem3A_417 = arith.constant 3 : i32
      %rem3A_418 = arith.remsi %add3A_416, %rem3A_417 : i32
      %add3A_419 = arith.constant 2 : i32
      %add3A_420 = arith.addi %scan3A_414, %add3A_419 : i32
      %rem3A_421 = arith.constant 3 : i32
      %rem3A_422 = arith.remsi %add3A_420, %rem3A_421 : i32
      %dma_wait3A_423 = arith.constant 0 : i32
      %dma_wait3A_424 = arith.constant 0 : i32
      %dma_wait3A_425 = arith.constant 0 : i32
      %dma_wait3A_426 = arith.constant 0 : i32
      %dma_wait3A_427 = tpu.memref_slice %arg10[%rem3A_422, %dma_wait3A_423, %dma_wait3A_425, %dma_wait3A_426] : memref<3x4x128x16xf32, #tpu.memory_space<vmem>> -> memref<1x1x128x16xf32, #tpu.memory_space<vmem>>
      %dma_wait3A_428 = tpu.memref_squeeze %dma_wait3A_427 : memref<1x1x128x16xf32, #tpu.memory_space<vmem>> -> memref<128x16xf32, #tpu.memory_space<vmem>>
      %dma_wait3A_429 = arith.constant 0 : i32
      %dma_wait3A_430 = tpu.memref_slice %arg9[%rem3A_422, %dma_wait3A_424, %dma_wait3A_429] : memref<3x4x128xi32, #tpu.memory_space<vmem>> -> memref<1x1x128xi32, #tpu.memory_space<vmem>>
      %dma_wait3A_431 = tpu.memref_squeeze %dma_wait3A_430 : memref<1x1x128xi32, #tpu.memory_space<vmem>> -> memref<128xi32, #tpu.memory_space<vmem>>
      %dma_wait3A_432 = arith.constant 0 : i32
      %dma_wait3A_433 = arith.constant 0 : i32
      %dma_wait3A_434 = tpu.memref_slice %arg7[%dma_wait3A_432, %dma_wait3A_433] : memref<100096x16xf32, #tpu.memory_space<vmem_shared>> -> memref<100096x16xf32, #tpu.memory_space<vmem_shared>>
      tpu.wait_indirect_dma semaphore(%arg12 : memref<!tpu.dma_semaphore, #tpu.memory_space<semaphore_mem>>) src(%dma_wait3A_428 : memref<128x16xf32, #tpu.memory_space<vmem>>) dst(%dma_wait3A_434 : memref<100096x16xf32, #tpu.memory_space<vmem_shared>>)
      %dma_wait3A_435 = arith.constant 1 : i32
      %dma_wait3A_436 = arith.constant 1 : i32
      %dma_wait3A_437 = arith.constant 0 : i32
      %dma_wait3A_438 = arith.constant 0 : i32
      %dma_wait3A_439 = tpu.memref_slice %arg10[%rem3A_422, %dma_wait3A_435, %dma_wait3A_437, %dma_wait3A_438] : memref<3x4x128x16xf32, #tpu.memory_space<vmem>> -> memref<1x1x128x16xf32, #tpu.memory_space<vmem>>
      %dma_wait3A_440 = tpu.memref_squeeze %dma_wait3A_439 : memref<1x1x128x16xf32, #tpu.memory_space<vmem>> -> memref<128x16xf32, #tpu.memory_space<vmem>>
      %dma_wait3A_441 = arith.constant 0 : i32
      %dma_wait3A_442 = tpu.memref_slice %arg9[%rem3A_422, %dma_wait3A_436, %dma_wait3A_441] : memref<3x4x128xi32, #tpu.memory_space<vmem>> -> memref<1x1x128xi32, #tpu.memory_space<vmem>>
      %dma_wait3A_443 = tpu.memref_squeeze %dma_wait3A_442 : memref<1x1x128xi32, #tpu.memory_space<vmem>> -> memref<128xi32, #tpu.memory_space<vmem>>
      %dma_wait3A_444 = arith.constant 0 : i32
      %dma_wait3A_445 = arith.constant 0 : i32
      %dma_wait3A_446 = tpu.memref_slice %arg7[%dma_wait3A_444, %dma_wait3A_445] : memref<100096x16xf32, #tpu.memory_space<vmem_shared>> -> memref<100096x16xf32, #tpu.memory_space<vmem_shared>>
      tpu.wait_indirect_dma semaphore(%arg12 : memref<!tpu.dma_semaphore, #tpu.memory_space<semaphore_mem>>) src(%dma_wait3A_440 : memref<128x16xf32, #tpu.memory_space<vmem>>) dst(%dma_wait3A_446 : memref<100096x16xf32, #tpu.memory_space<vmem_shared>>)
      %dma_wait3A_447 = arith.constant 2 : i32
      %dma_wait3A_448 = arith.constant 2 : i32
      %dma_wait3A_449 = arith.constant 0 : i32
      %dma_wait3A_450 = arith.constant 0 : i32
      %dma_wait3A_451 = tpu.memref_slice %arg10[%rem3A_422, %dma_wait3A_447, %dma_wait3A_449, %dma_wait3A_450] : memref<3x4x128x16xf32, #tpu.memory_space<vmem>> -> memref<1x1x128x16xf32, #tpu.memory_space<vmem>>
      %dma_wait3A_452 = tpu.memref_squeeze %dma_wait3A_451 : memref<1x1x128x16xf32, #tpu.memory_space<vmem>> -> memref<128x16xf32, #tpu.memory_space<vmem>>
      %dma_wait3A_453 = arith.constant 0 : i32
      %dma_wait3A_454 = tpu.memref_slice %arg9[%rem3A_422, %dma_wait3A_448, %dma_wait3A_453] : memref<3x4x128xi32, #tpu.memory_space<vmem>> -> memref<1x1x128xi32, #tpu.memory_space<vmem>>
      %dma_wait3A_455 = tpu.memref_squeeze %dma_wait3A_454 : memref<1x1x128xi32, #tpu.memory_space<vmem>> -> memref<128xi32, #tpu.memory_space<vmem>>
      %dma_wait3A_456 = arith.constant 0 : i32
      %dma_wait3A_457 = arith.constant 0 : i32
      %dma_wait3A_458 = tpu.memref_slice %arg7[%dma_wait3A_456, %dma_wait3A_457] : memref<100096x16xf32, #tpu.memory_space<vmem_shared>> -> memref<100096x16xf32, #tpu.memory_space<vmem_shared>>
      tpu.wait_indirect_dma semaphore(%arg12 : memref<!tpu.dma_semaphore, #tpu.memory_space<semaphore_mem>>) src(%dma_wait3A_452 : memref<128x16xf32, #tpu.memory_space<vmem>>) dst(%dma_wait3A_458 : memref<100096x16xf32, #tpu.memory_space<vmem_shared>>)
      %dma_wait3A_459 = arith.constant 3 : i32
      %dma_wait3A_460 = arith.constant 3 : i32
      %dma_wait3A_461 = arith.constant 0 : i32
      %dma_wait3A_462 = arith.constant 0 : i32
      %dma_wait3A_463 = tpu.memref_slice %arg10[%rem3A_422, %dma_wait3A_459, %dma_wait3A_461, %dma_wait3A_462] : memref<3x4x128x16xf32, #tpu.memory_space<vmem>> -> memref<1x1x128x16xf32, #tpu.memory_space<vmem>>
      %dma_wait3A_464 = tpu.memref_squeeze %dma_wait3A_463 : memref<1x1x128x16xf32, #tpu.memory_space<vmem>> -> memref<128x16xf32, #tpu.memory_space<vmem>>
      %dma_wait3A_465 = arith.constant 0 : i32
      %dma_wait3A_466 = tpu.memref_slice %arg9[%rem3A_422, %dma_wait3A_460, %dma_wait3A_465] : memref<3x4x128xi32, #tpu.memory_space<vmem>> -> memref<1x1x128xi32, #tpu.memory_space<vmem>>
      %dma_wait3A_467 = tpu.memref_squeeze %dma_wait3A_466 : memref<1x1x128xi32, #tpu.memory_space<vmem>> -> memref<128xi32, #tpu.memory_space<vmem>>
      %dma_wait3A_468 = arith.constant 0 : i32
      %dma_wait3A_469 = arith.constant 0 : i32
      %dma_wait3A_470 = tpu.memref_slice %arg7[%dma_wait3A_468, %dma_wait3A_469] : memref<100096x16xf32, #tpu.memory_space<vmem_shared>> -> memref<100096x16xf32, #tpu.memory_space<vmem_shared>>
      tpu.wait_indirect_dma semaphore(%arg12 : memref<!tpu.dma_semaphore, #tpu.memory_space<semaphore_mem>>) src(%dma_wait3A_464 : memref<128x16xf32, #tpu.memory_space<vmem>>) dst(%dma_wait3A_470 : memref<100096x16xf32, #tpu.memory_space<vmem_shared>>)
      %add3A_471 = arith.constant 2 : i32
      %add3A_472 = arith.addi %scan3A_414, %add3A_471 : i32
      %rem3A_473 = arith.constant 196 : i32
      %rem3A_474 = arith.remsi %add3A_472, %rem3A_473 : i32
      %mul3A_475 = arith.constant 4 : i32
      %mul3A_476 = arith.muli %rem3A_474, %mul3A_475 : i32
      %dma_start3A_477 = arith.constant 0 : i32
      %dma_start3A_478 = arith.constant 0 : i32
      %dma_start3A_479 = tpu.memref_slice %arg8[%rem3A_422, %dma_start3A_477, %dma_start3A_478] : memref<3x4x128xi32, #tpu.memory_space<vmem>> -> memref<1x4x128xi32, #tpu.memory_space<vmem>>
      %dma_start3A_480 = tpu.memref_squeeze %dma_start3A_479 : memref<1x4x128xi32, #tpu.memory_space<vmem>> -> memref<4x128xi32, #tpu.memory_space<vmem>>
      %dma_start3A_481 = arith.constant 0 : i32
      %dma_start3A_482 = tpu.memref_slice %arg3[%arg0, %arg1, %mul3A_476, %dma_start3A_481] : memref<2x16x784x128xi32, #tpu.memory_space<hbm>> -> memref<1x1x4x128xi32, #tpu.memory_space<hbm>>
      %dma_start3A_483 = tpu.memref_squeeze %dma_start3A_482 : memref<1x1x4x128xi32, #tpu.memory_space<hbm>> -> memref<4x128xi32, #tpu.memory_space<hbm>>
      %dma_start3A_484 = tpu.memref_slice %arg13[%rem3A_422] : memref<3x!tpu.dma_semaphore, #tpu.memory_space<semaphore_mem>> -> memref<1x!tpu.dma_semaphore, #tpu.memory_space<semaphore_mem>>
      %dma_start3A_485 = tpu.memref_squeeze %dma_start3A_484 : memref<1x!tpu.dma_semaphore, #tpu.memory_space<semaphore_mem>> -> memref<!tpu.dma_semaphore, #tpu.memory_space<semaphore_mem>>
      %dma_start3A_486 = arith.constant 0 : i32
      %dma_start3A_487 = arith.constant 0 : i32
      %dma_start3A_488 = tpu.memref_slice %arg8[%rem3A_422, %dma_start3A_486, %dma_start3A_487] : memref<3x4x128xi32, #tpu.memory_space<vmem>> -> memref<1x4x128xi32, #tpu.memory_space<vmem>>
      %dma_start3A_489 = tpu.memref_squeeze %dma_start3A_488 : memref<1x4x128xi32, #tpu.memory_space<vmem>> -> memref<4x128xi32, #tpu.memory_space<vmem>>
      %dma_start3A_490 = arith.constant 0 : i32
      %dma_start3A_491 = tpu.memref_slice %arg3[%arg0, %arg1, %mul3A_476, %dma_start3A_490] : memref<2x16x784x128xi32, #tpu.memory_space<hbm>> -> memref<1x1x4x128xi32, #tpu.memory_space<hbm>>
      %dma_start3A_492 = tpu.memref_squeeze %dma_start3A_491 : memref<1x1x4x128xi32, #tpu.memory_space<hbm>> -> memref<4x128xi32, #tpu.memory_space<hbm>>
      tpu.enqueue_dma source(%dma_start3A_492 : memref<4x128xi32, #tpu.memory_space<hbm>>) target(%dma_start3A_489 : memref<4x128xi32, #tpu.memory_space<vmem>>) target_semaphore(%dma_start3A_485 : memref<!tpu.dma_semaphore, #tpu.memory_space<semaphore_mem>>)
      %mul3A_493 = arith.constant 4 : i32
      %mul3A_494 = arith.muli %rem3A_474, %mul3A_493 : i32
      %dma_start3A_495 = arith.constant 0 : i32
      %dma_start3A_496 = arith.constant 0 : i32
      %dma_start3A_497 = tpu.memref_slice %arg9[%rem3A_422, %dma_start3A_495, %dma_start3A_496] : memref<3x4x128xi32, #tpu.memory_space<vmem>> -> memref<1x4x128xi32, #tpu.memory_space<vmem>>
      %dma_start3A_498 = tpu.memref_squeeze %dma_start3A_497 : memref<1x4x128xi32, #tpu.memory_space<vmem>> -> memref<4x128xi32, #tpu.memory_space<vmem>>
      %dma_start3A_499 = arith.constant 0 : i32
      %dma_start3A_500 = tpu.memref_slice %arg4[%arg1, %mul3A_494, %dma_start3A_499] : memref<16x784x128xi32, #tpu.memory_space<hbm>> -> memref<1x4x128xi32, #tpu.memory_space<hbm>>
      %dma_start3A_501 = tpu.memref_squeeze %dma_start3A_500 : memref<1x4x128xi32, #tpu.memory_space<hbm>> -> memref<4x128xi32, #tpu.memory_space<hbm>>
      %dma_start3A_502 = tpu.memref_slice %arg13[%rem3A_422] : memref<3x!tpu.dma_semaphore, #tpu.memory_space<semaphore_mem>> -> memref<1x!tpu.dma_semaphore, #tpu.memory_space<semaphore_mem>>
      %dma_start3A_503 = tpu.memref_squeeze %dma_start3A_502 : memref<1x!tpu.dma_semaphore, #tpu.memory_space<semaphore_mem>> -> memref<!tpu.dma_semaphore, #tpu.memory_space<semaphore_mem>>
      %dma_start3A_504 = arith.constant 0 : i32
      %dma_start3A_505 = arith.constant 0 : i32
      %dma_start3A_506 = tpu.memref_slice %arg9[%rem3A_422, %dma_start3A_504, %dma_start3A_505] : memref<3x4x128xi32, #tpu.memory_space<vmem>> -> memref<1x4x128xi32, #tpu.memory_space<vmem>>
      %dma_start3A_507 = tpu.memref_squeeze %dma_start3A_506 : memref<1x4x128xi32, #tpu.memory_space<vmem>> -> memref<4x128xi32, #tpu.memory_space<vmem>>
      %dma_start3A_508 = arith.constant 0 : i32
      %dma_start3A_509 = tpu.memref_slice %arg4[%arg1, %mul3A_494, %dma_start3A_508] : memref<16x784x128xi32, #tpu.memory_space<hbm>> -> memref<1x4x128xi32, #tpu.memory_space<hbm>>
      %dma_start3A_510 = tpu.memref_squeeze %dma_start3A_509 : memref<1x4x128xi32, #tpu.memory_space<hbm>> -> memref<4x128xi32, #tpu.memory_space<hbm>>
      tpu.enqueue_dma source(%dma_start3A_510 : memref<4x128xi32, #tpu.memory_space<hbm>>) target(%dma_start3A_507 : memref<4x128xi32, #tpu.memory_space<vmem>>) target_semaphore(%dma_start3A_503 : memref<!tpu.dma_semaphore, #tpu.memory_space<semaphore_mem>>)
      %dma_wait3A_511 = arith.constant 0 : i32
      %dma_wait3A_512 = arith.constant 0 : i32
      %dma_wait3A_513 = tpu.memref_slice %arg8[%rem3A_418, %dma_wait3A_511, %dma_wait3A_512] : memref<3x4x128xi32, #tpu.memory_space<vmem>> -> memref<1x4x128xi32, #tpu.memory_space<vmem>>
      %dma_wait3A_514 = tpu.memref_squeeze %dma_wait3A_513 : memref<1x4x128xi32, #tpu.memory_space<vmem>> -> memref<4x128xi32, #tpu.memory_space<vmem>>
      %dma_wait3A_515 = arith.constant 0 : i32
      %dma_wait3A_516 = arith.constant 0 : i32
      %dma_wait3A_517 = tpu.memref_slice %arg3[%arg0, %arg1, %dma_wait3A_515, %dma_wait3A_516] : memref<2x16x784x128xi32, #tpu.memory_space<hbm>> -> memref<1x1x4x128xi32, #tpu.memory_space<hbm>>
      %dma_wait3A_518 = tpu.memref_squeeze %dma_wait3A_517 : memref<1x1x4x128xi32, #tpu.memory_space<hbm>> -> memref<4x128xi32, #tpu.memory_space<hbm>>
      %dma_wait3A_519 = tpu.memref_slice %arg13[%rem3A_418] : memref<3x!tpu.dma_semaphore, #tpu.memory_space<semaphore_mem>> -> memref<1x!tpu.dma_semaphore, #tpu.memory_space<semaphore_mem>>
      %dma_wait3A_520 = tpu.memref_squeeze %dma_wait3A_519 : memref<1x!tpu.dma_semaphore, #tpu.memory_space<semaphore_mem>> -> memref<!tpu.dma_semaphore, #tpu.memory_space<semaphore_mem>>
      %dma_wait3A_521 = arith.constant 0 : i32
      %dma_wait3A_522 = arith.constant 0 : i32
      %dma_wait3A_523 = tpu.memref_slice %arg8[%rem3A_418, %dma_wait3A_521, %dma_wait3A_522] : memref<3x4x128xi32, #tpu.memory_space<vmem>> -> memref<1x4x128xi32, #tpu.memory_space<vmem>>
      %dma_wait3A_524 = tpu.memref_squeeze %dma_wait3A_523 : memref<1x4x128xi32, #tpu.memory_space<vmem>> -> memref<4x128xi32, #tpu.memory_space<vmem>>
      %dma_wait3A_525 = arith.constant 0 : i32
      %dma_wait3A_526 = arith.constant 0 : i32
      %dma_wait3A_527 = tpu.memref_slice %arg3[%arg0, %arg1, %dma_wait3A_525, %dma_wait3A_526] : memref<2x16x784x128xi32, #tpu.memory_space<hbm>> -> memref<1x1x4x128xi32, #tpu.memory_space<hbm>>
      %dma_wait3A_528 = tpu.memref_squeeze %dma_wait3A_527 : memref<1x1x4x128xi32, #tpu.memory_space<hbm>> -> memref<4x128xi32, #tpu.memory_space<hbm>>
      tpu.wait_dma2 semaphore(%dma_wait3A_520 : memref<!tpu.dma_semaphore, #tpu.memory_space<semaphore_mem>>) src(%dma_wait3A_528 : memref<4x128xi32, #tpu.memory_space<hbm>>) dst(%dma_wait3A_524 : memref<4x128xi32, #tpu.memory_space<vmem>>)
      %dma_wait3A_529 = arith.constant 0 : i32
      %dma_wait3A_530 = arith.constant 0 : i32
      %dma_wait3A_531 = tpu.memref_slice %arg9[%rem3A_418, %dma_wait3A_529, %dma_wait3A_530] : memref<3x4x128xi32, #tpu.memory_space<vmem>> -> memref<1x4x128xi32, #tpu.memory_space<vmem>>
      %dma_wait3A_532 = tpu.memref_squeeze %dma_wait3A_531 : memref<1x4x128xi32, #tpu.memory_space<vmem>> -> memref<4x128xi32, #tpu.memory_space<vmem>>
      %dma_wait3A_533 = arith.constant 0 : i32
      %dma_wait3A_534 = arith.constant 0 : i32
      %dma_wait3A_535 = tpu.memref_slice %arg4[%arg1, %dma_wait3A_533, %dma_wait3A_534] : memref<16x784x128xi32, #tpu.memory_space<hbm>> -> memref<1x4x128xi32, #tpu.memory_space<hbm>>
      %dma_wait3A_536 = tpu.memref_squeeze %dma_wait3A_535 : memref<1x4x128xi32, #tpu.memory_space<hbm>> -> memref<4x128xi32, #tpu.memory_space<hbm>>
      %dma_wait3A_537 = tpu.memref_slice %arg13[%rem3A_418] : memref<3x!tpu.dma_semaphore, #tpu.memory_space<semaphore_mem>> -> memref<1x!tpu.dma_semaphore, #tpu.memory_space<semaphore_mem>>
      %dma_wait3A_538 = tpu.memref_squeeze %dma_wait3A_537 : memref<1x!tpu.dma_semaphore, #tpu.memory_space<semaphore_mem>> -> memref<!tpu.dma_semaphore, #tpu.memory_space<semaphore_mem>>
      %dma_wait3A_539 = arith.constant 0 : i32
      %dma_wait3A_540 = arith.constant 0 : i32
      %dma_wait3A_541 = tpu.memref_slice %arg9[%rem3A_418, %dma_wait3A_539, %dma_wait3A_540] : memref<3x4x128xi32, #tpu.memory_space<vmem>> -> memref<1x4x128xi32, #tpu.memory_space<vmem>>
      %dma_wait3A_542 = tpu.memref_squeeze %dma_wait3A_541 : memref<1x4x128xi32, #tpu.memory_space<vmem>> -> memref<4x128xi32, #tpu.memory_space<vmem>>
      %dma_wait3A_543 = arith.constant 0 : i32
      %dma_wait3A_544 = arith.constant 0 : i32
      %dma_wait3A_545 = tpu.memref_slice %arg4[%arg1, %dma_wait3A_543, %dma_wait3A_544] : memref<16x784x128xi32, #tpu.memory_space<hbm>> -> memref<1x4x128xi32, #tpu.memory_space<hbm>>
      %dma_wait3A_546 = tpu.memref_squeeze %dma_wait3A_545 : memref<1x4x128xi32, #tpu.memory_space<hbm>> -> memref<4x128xi32, #tpu.memory_space<hbm>>
      tpu.wait_dma2 semaphore(%dma_wait3A_538 : memref<!tpu.dma_semaphore, #tpu.memory_space<semaphore_mem>>) src(%dma_wait3A_546 : memref<4x128xi32, #tpu.memory_space<hbm>>) dst(%dma_wait3A_542 : memref<4x128xi32, #tpu.memory_space<vmem>>)
      %dma_start3A_547 = arith.constant 0 : i32
      %dma_start3A_548 = arith.constant 0 : i32
      %dma_start3A_549 = arith.constant 0 : i32
      %dma_start3A_550 = arith.constant 0 : i32
      %dma_start3A_551 = tpu.memref_slice %arg10[%rem3A_418, %dma_start3A_548, %dma_start3A_549, %dma_start3A_550] : memref<3x4x128x16xf32, #tpu.memory_space<vmem>> -> memref<1x1x128x16xf32, #tpu.memory_space<vmem>>
      %dma_start3A_552 = tpu.memref_squeeze %dma_start3A_551 : memref<1x1x128x16xf32, #tpu.memory_space<vmem>> -> memref<128x16xf32, #tpu.memory_space<vmem>>
      %dma_start3A_553 = arith.constant 0 : i32
      %dma_start3A_554 = tpu.memref_slice %arg8[%rem3A_418, %dma_start3A_547, %dma_start3A_553] : memref<3x4x128xi32, #tpu.memory_space<vmem>> -> memref<1x1x128xi32, #tpu.memory_space<vmem>>
      %dma_start3A_555 = tpu.memref_squeeze %dma_start3A_554 : memref<1x1x128xi32, #tpu.memory_space<vmem>> -> memref<128xi32, #tpu.memory_space<vmem>>
      %dma_start3A_556 = arith.constant 0 : i32
      %dma_start3A_557 = arith.constant 0 : i32
      %dma_start3A_558 = tpu.memref_slice %arg2[%dma_start3A_556, %dma_start3A_557] : memref<200000x16xf32, #tpu.memory_space<hbm>> -> memref<200000x16xf32, #tpu.memory_space<hbm>>
      %dma_start3A_559 = tpu.memref_slice %arg11[%rem3A_418] : memref<3x!tpu.dma_semaphore, #tpu.memory_space<semaphore_mem>> -> memref<1x!tpu.dma_semaphore, #tpu.memory_space<semaphore_mem>>
      %dma_start3A_560 = tpu.memref_squeeze %dma_start3A_559 : memref<1x!tpu.dma_semaphore, #tpu.memory_space<semaphore_mem>> -> memref<!tpu.dma_semaphore, #tpu.memory_space<semaphore_mem>>
      tpu.enqueue_indirect_dma source(%dma_start3A_558 : memref<200000x16xf32, #tpu.memory_space<hbm>>) target(%dma_start3A_552 : memref<128x16xf32, #tpu.memory_space<vmem>>) offsets(%dma_start3A_555 : memref<128xi32, #tpu.memory_space<vmem>>) semaphore(%dma_start3A_560 : memref<!tpu.dma_semaphore, #tpu.memory_space<semaphore_mem>>)
      %dma_start3A_561 = arith.constant 1 : i32
      %dma_start3A_562 = arith.constant 1 : i32
      %dma_start3A_563 = arith.constant 0 : i32
      %dma_start3A_564 = arith.constant 0 : i32
      %dma_start3A_565 = tpu.memref_slice %arg10[%rem3A_418, %dma_start3A_562, %dma_start3A_563, %dma_start3A_564] : memref<3x4x128x16xf32, #tpu.memory_space<vmem>> -> memref<1x1x128x16xf32, #tpu.memory_space<vmem>>
      %dma_start3A_566 = tpu.memref_squeeze %dma_start3A_565 : memref<1x1x128x16xf32, #tpu.memory_space<vmem>> -> memref<128x16xf32, #tpu.memory_space<vmem>>
      %dma_start3A_567 = arith.constant 0 : i32
      %dma_start3A_568 = tpu.memref_slice %arg8[%rem3A_418, %dma_start3A_561, %dma_start3A_567] : memref<3x4x128xi32, #tpu.memory_space<vmem>> -> memref<1x1x128xi32, #tpu.memory_space<vmem>>
      %dma_start3A_569 = tpu.memref_squeeze %dma_start3A_568 : memref<1x1x128xi32, #tpu.memory_space<vmem>> -> memref<128xi32, #tpu.memory_space<vmem>>
      %dma_start3A_570 = arith.constant 0 : i32
      %dma_start3A_571 = arith.constant 0 : i32
      %dma_start3A_572 = tpu.memref_slice %arg2[%dma_start3A_570, %dma_start3A_571] : memref<200000x16xf32, #tpu.memory_space<hbm>> -> memref<200000x16xf32, #tpu.memory_space<hbm>>
      %dma_start3A_573 = tpu.memref_slice %arg11[%rem3A_418] : memref<3x!tpu.dma_semaphore, #tpu.memory_space<semaphore_mem>> -> memref<1x!tpu.dma_semaphore, #tpu.memory_space<semaphore_mem>>
      %dma_start3A_574 = tpu.memref_squeeze %dma_start3A_573 : memref<1x!tpu.dma_semaphore, #tpu.memory_space<semaphore_mem>> -> memref<!tpu.dma_semaphore, #tpu.memory_space<semaphore_mem>>
      tpu.enqueue_indirect_dma source(%dma_start3A_572 : memref<200000x16xf32, #tpu.memory_space<hbm>>) target(%dma_start3A_566 : memref<128x16xf32, #tpu.memory_space<vmem>>) offsets(%dma_start3A_569 : memref<128xi32, #tpu.memory_space<vmem>>) semaphore(%dma_start3A_574 : memref<!tpu.dma_semaphore, #tpu.memory_space<semaphore_mem>>)
      %dma_start3A_575 = arith.constant 2 : i32
      %dma_start3A_576 = arith.constant 2 : i32
      %dma_start3A_577 = arith.constant 0 : i32
      %dma_start3A_578 = arith.constant 0 : i32
      %dma_start3A_579 = tpu.memref_slice %arg10[%rem3A_418, %dma_start3A_576, %dma_start3A_577, %dma_start3A_578] : memref<3x4x128x16xf32, #tpu.memory_space<vmem>> -> memref<1x1x128x16xf32, #tpu.memory_space<vmem>>
      %dma_start3A_580 = tpu.memref_squeeze %dma_start3A_579 : memref<1x1x128x16xf32, #tpu.memory_space<vmem>> -> memref<128x16xf32, #tpu.memory_space<vmem>>
      %dma_start3A_581 = arith.constant 0 : i32
      %dma_start3A_582 = tpu.memref_slice %arg8[%rem3A_418, %dma_start3A_575, %dma_start3A_581] : memref<3x4x128xi32, #tpu.memory_space<vmem>> -> memref<1x1x128xi32, #tpu.memory_space<vmem>>
      %dma_start3A_583 = tpu.memref_squeeze %dma_start3A_582 : memref<1x1x128xi32, #tpu.memory_space<vmem>> -> memref<128xi32, #tpu.memory_space<vmem>>
      %dma_start3A_584 = arith.constant 0 : i32
      %dma_start3A_585 = arith.constant 0 : i32
      %dma_start3A_586 = tpu.memref_slice %arg2[%dma_start3A_584, %dma_start3A_585] : memref<200000x16xf32, #tpu.memory_space<hbm>> -> memref<200000x16xf32, #tpu.memory_space<hbm>>
      %dma_start3A_587 = tpu.memref_slice %arg11[%rem3A_418] : memref<3x!tpu.dma_semaphore, #tpu.memory_space<semaphore_mem>> -> memref<1x!tpu.dma_semaphore, #tpu.memory_space<semaphore_mem>>
      %dma_start3A_588 = tpu.memref_squeeze %dma_start3A_587 : memref<1x!tpu.dma_semaphore, #tpu.memory_space<semaphore_mem>> -> memref<!tpu.dma_semaphore, #tpu.memory_space<semaphore_mem>>
      tpu.enqueue_indirect_dma source(%dma_start3A_586 : memref<200000x16xf32, #tpu.memory_space<hbm>>) target(%dma_start3A_580 : memref<128x16xf32, #tpu.memory_space<vmem>>) offsets(%dma_start3A_583 : memref<128xi32, #tpu.memory_space<vmem>>) semaphore(%dma_start3A_588 : memref<!tpu.dma_semaphore, #tpu.memory_space<semaphore_mem>>)
      %dma_start3A_589 = arith.constant 3 : i32
      %dma_start3A_590 = arith.constant 3 : i32
      %dma_start3A_591 = arith.constant 0 : i32
      %dma_start3A_592 = arith.constant 0 : i32
      %dma_start3A_593 = tpu.memref_slice %arg10[%rem3A_418, %dma_start3A_590, %dma_start3A_591, %dma_start3A_592] : memref<3x4x128x16xf32, #tpu.memory_space<vmem>> -> memref<1x1x128x16xf32, #tpu.memory_space<vmem>>
      %dma_start3A_594 = tpu.memref_squeeze %dma_start3A_593 : memref<1x1x128x16xf32, #tpu.memory_space<vmem>> -> memref<128x16xf32, #tpu.memory_space<vmem>>
      %dma_start3A_595 = arith.constant 0 : i32
      %dma_start3A_596 = tpu.memref_slice %arg8[%rem3A_418, %dma_start3A_589, %dma_start3A_595] : memref<3x4x128xi32, #tpu.memory_space<vmem>> -> memref<1x1x128xi32, #tpu.memory_space<vmem>>
      %dma_start3A_597 = tpu.memref_squeeze %dma_start3A_596 : memref<1x1x128xi32, #tpu.memory_space<vmem>> -> memref<128xi32, #tpu.memory_space<vmem>>
      %dma_start3A_598 = arith.constant 0 : i32
      %dma_start3A_599 = arith.constant 0 : i32
      %dma_start3A_600 = tpu.memref_slice %arg2[%dma_start3A_598, %dma_start3A_599] : memref<200000x16xf32, #tpu.memory_space<hbm>> -> memref<200000x16xf32, #tpu.memory_space<hbm>>
      %dma_start3A_601 = tpu.memref_slice %arg11[%rem3A_418] : memref<3x!tpu.dma_semaphore, #tpu.memory_space<semaphore_mem>> -> memref<1x!tpu.dma_semaphore, #tpu.memory_space<semaphore_mem>>
      %dma_start3A_602 = tpu.memref_squeeze %dma_start3A_601 : memref<1x!tpu.dma_semaphore, #tpu.memory_space<semaphore_mem>> -> memref<!tpu.dma_semaphore, #tpu.memory_space<semaphore_mem>>
      tpu.enqueue_indirect_dma source(%dma_start3A_600 : memref<200000x16xf32, #tpu.memory_space<hbm>>) target(%dma_start3A_594 : memref<128x16xf32, #tpu.memory_space<vmem>>) offsets(%dma_start3A_597 : memref<128xi32, #tpu.memory_space<vmem>>) semaphore(%dma_start3A_602 : memref<!tpu.dma_semaphore, #tpu.memory_space<semaphore_mem>>)
      %dma_wait3A_603 = arith.constant 0 : i32
      %dma_wait3A_604 = arith.constant 0 : i32
      %dma_wait3A_605 = arith.constant 0 : i32
      %dma_wait3A_606 = arith.constant 0 : i32
      %dma_wait3A_607 = tpu.memref_slice %arg10[%rem3A_415, %dma_wait3A_604, %dma_wait3A_605, %dma_wait3A_606] : memref<3x4x128x16xf32, #tpu.memory_space<vmem>> -> memref<1x1x128x16xf32, #tpu.memory_space<vmem>>
      %dma_wait3A_608 = tpu.memref_squeeze %dma_wait3A_607 : memref<1x1x128x16xf32, #tpu.memory_space<vmem>> -> memref<128x16xf32, #tpu.memory_space<vmem>>
      %dma_wait3A_609 = arith.constant 0 : i32
      %dma_wait3A_610 = tpu.memref_slice %arg8[%rem3A_415, %dma_wait3A_603, %dma_wait3A_609] : memref<3x4x128xi32, #tpu.memory_space<vmem>> -> memref<1x1x128xi32, #tpu.memory_space<vmem>>
      %dma_wait3A_611 = tpu.memref_squeeze %dma_wait3A_610 : memref<1x1x128xi32, #tpu.memory_space<vmem>> -> memref<128xi32, #tpu.memory_space<vmem>>
      %dma_wait3A_612 = arith.constant 0 : i32
      %dma_wait3A_613 = arith.constant 0 : i32
      %dma_wait3A_614 = tpu.memref_slice %arg2[%dma_wait3A_612, %dma_wait3A_613] : memref<200000x16xf32, #tpu.memory_space<hbm>> -> memref<200000x16xf32, #tpu.memory_space<hbm>>
      %dma_wait3A_615 = tpu.memref_slice %arg11[%rem3A_415] : memref<3x!tpu.dma_semaphore, #tpu.memory_space<semaphore_mem>> -> memref<1x!tpu.dma_semaphore, #tpu.memory_space<semaphore_mem>>
      %dma_wait3A_616 = tpu.memref_squeeze %dma_wait3A_615 : memref<1x!tpu.dma_semaphore, #tpu.memory_space<semaphore_mem>> -> memref<!tpu.dma_semaphore, #tpu.memory_space<semaphore_mem>>
      tpu.wait_indirect_dma semaphore(%dma_wait3A_616 : memref<!tpu.dma_semaphore, #tpu.memory_space<semaphore_mem>>) src(%dma_wait3A_614 : memref<200000x16xf32, #tpu.memory_space<hbm>>) dst(%dma_wait3A_608 : memref<128x16xf32, #tpu.memory_space<vmem>>)
      %dma_start3A_617 = arith.constant 0 : i32
      %dma_start3A_618 = arith.constant 0 : i32
      %dma_start3A_619 = arith.constant 0 : i32
      %dma_start3A_620 = arith.constant 0 : i32
      %dma_start3A_621 = tpu.memref_slice %arg10[%rem3A_415, %dma_start3A_617, %dma_start3A_619, %dma_start3A_620] : memref<3x4x128x16xf32, #tpu.memory_space<vmem>> -> memref<1x1x128x16xf32, #tpu.memory_space<vmem>>
      %dma_start3A_622 = tpu.memref_squeeze %dma_start3A_621 : memref<1x1x128x16xf32, #tpu.memory_space<vmem>> -> memref<128x16xf32, #tpu.memory_space<vmem>>
      %dma_start3A_623 = arith.constant 0 : i32
      %dma_start3A_624 = tpu.memref_slice %arg9[%rem3A_415, %dma_start3A_618, %dma_start3A_623] : memref<3x4x128xi32, #tpu.memory_space<vmem>> -> memref<1x1x128xi32, #tpu.memory_space<vmem>>
      %dma_start3A_625 = tpu.memref_squeeze %dma_start3A_624 : memref<1x1x128xi32, #tpu.memory_space<vmem>> -> memref<128xi32, #tpu.memory_space<vmem>>
      %dma_start3A_626 = arith.constant 0 : i32
      %dma_start3A_627 = arith.constant 0 : i32
      %dma_start3A_628 = tpu.memref_slice %arg7[%dma_start3A_626, %dma_start3A_627] : memref<100096x16xf32, #tpu.memory_space<vmem_shared>> -> memref<100096x16xf32, #tpu.memory_space<vmem_shared>>
      tpu.enqueue_indirect_dma source(%dma_start3A_622 : memref<128x16xf32, #tpu.memory_space<vmem>>) target(%dma_start3A_628 : memref<100096x16xf32, #tpu.memory_space<vmem_shared>>) offsets(%dma_start3A_625 : memref<128xi32, #tpu.memory_space<vmem>>) semaphore(%arg12 : memref<!tpu.dma_semaphore, #tpu.memory_space<semaphore_mem>>) {add = true}
      %dma_wait3A_629 = arith.constant 1 : i32
      %dma_wait3A_630 = arith.constant 1 : i32
      %dma_wait3A_631 = arith.constant 0 : i32
      %dma_wait3A_632 = arith.constant 0 : i32
      %dma_wait3A_633 = tpu.memref_slice %arg10[%rem3A_415, %dma_wait3A_630, %dma_wait3A_631, %dma_wait3A_632] : memref<3x4x128x16xf32, #tpu.memory_space<vmem>> -> memref<1x1x128x16xf32, #tpu.memory_space<vmem>>
      %dma_wait3A_634 = tpu.memref_squeeze %dma_wait3A_633 : memref<1x1x128x16xf32, #tpu.memory_space<vmem>> -> memref<128x16xf32, #tpu.memory_space<vmem>>
      %dma_wait3A_635 = arith.constant 0 : i32
      %dma_wait3A_636 = tpu.memref_slice %arg8[%rem3A_415, %dma_wait3A_629, %dma_wait3A_635] : memref<3x4x128xi32, #tpu.memory_space<vmem>> -> memref<1x1x128xi32, #tpu.memory_space<vmem>>
      %dma_wait3A_637 = tpu.memref_squeeze %dma_wait3A_636 : memref<1x1x128xi32, #tpu.memory_space<vmem>> -> memref<128xi32, #tpu.memory_space<vmem>>
      %dma_wait3A_638 = arith.constant 0 : i32
      %dma_wait3A_639 = arith.constant 0 : i32
      %dma_wait3A_640 = tpu.memref_slice %arg2[%dma_wait3A_638, %dma_wait3A_639] : memref<200000x16xf32, #tpu.memory_space<hbm>> -> memref<200000x16xf32, #tpu.memory_space<hbm>>
      %dma_wait3A_641 = tpu.memref_slice %arg11[%rem3A_415] : memref<3x!tpu.dma_semaphore, #tpu.memory_space<semaphore_mem>> -> memref<1x!tpu.dma_semaphore, #tpu.memory_space<semaphore_mem>>
      %dma_wait3A_642 = tpu.memref_squeeze %dma_wait3A_641 : memref<1x!tpu.dma_semaphore, #tpu.memory_space<semaphore_mem>> -> memref<!tpu.dma_semaphore, #tpu.memory_space<semaphore_mem>>
      tpu.wait_indirect_dma semaphore(%dma_wait3A_642 : memref<!tpu.dma_semaphore, #tpu.memory_space<semaphore_mem>>) src(%dma_wait3A_640 : memref<200000x16xf32, #tpu.memory_space<hbm>>) dst(%dma_wait3A_634 : memref<128x16xf32, #tpu.memory_space<vmem>>)
      %dma_start3A_643 = arith.constant 1 : i32
      %dma_start3A_644 = arith.constant 1 : i32
      %dma_start3A_645 = arith.constant 0 : i32
      %dma_start3A_646 = arith.constant 0 : i32
      %dma_start3A_647 = tpu.memref_slice %arg10[%rem3A_415, %dma_start3A_643, %dma_start3A_645, %dma_start3A_646] : memref<3x4x128x16xf32, #tpu.memory_space<vmem>> -> memref<1x1x128x16xf32, #tpu.memory_space<vmem>>
      %dma_start3A_648 = tpu.memref_squeeze %dma_start3A_647 : memref<1x1x128x16xf32, #tpu.memory_space<vmem>> -> memref<128x16xf32, #tpu.memory_space<vmem>>
      %dma_start3A_649 = arith.constant 0 : i32
      %dma_start3A_650 = tpu.memref_slice %arg9[%rem3A_415, %dma_start3A_644, %dma_start3A_649] : memref<3x4x128xi32, #tpu.memory_space<vmem>> -> memref<1x1x128xi32, #tpu.memory_space<vmem>>
      %dma_start3A_651 = tpu.memref_squeeze %dma_start3A_650 : memref<1x1x128xi32, #tpu.memory_space<vmem>> -> memref<128xi32, #tpu.memory_space<vmem>>
      %dma_start3A_652 = arith.constant 0 : i32
      %dma_start3A_653 = arith.constant 0 : i32
      %dma_start3A_654 = tpu.memref_slice %arg7[%dma_start3A_652, %dma_start3A_653] : memref<100096x16xf32, #tpu.memory_space<vmem_shared>> -> memref<100096x16xf32, #tpu.memory_space<vmem_shared>>
      tpu.enqueue_indirect_dma source(%dma_start3A_648 : memref<128x16xf32, #tpu.memory_space<vmem>>) target(%dma_start3A_654 : memref<100096x16xf32, #tpu.memory_space<vmem_shared>>) offsets(%dma_start3A_651 : memref<128xi32, #tpu.memory_space<vmem>>) semaphore(%arg12 : memref<!tpu.dma_semaphore, #tpu.memory_space<semaphore_mem>>) {add = true}
      %dma_wait3A_655 = arith.constant 2 : i32
      %dma_wait3A_656 = arith.constant 2 : i32
      %dma_wait3A_657 = arith.constant 0 : i32
      %dma_wait3A_658 = arith.constant 0 : i32
      %dma_wait3A_659 = tpu.memref_slice %arg10[%rem3A_415, %dma_wait3A_656, %dma_wait3A_657, %dma_wait3A_658] : memref<3x4x128x16xf32, #tpu.memory_space<vmem>> -> memref<1x1x128x16xf32, #tpu.memory_space<vmem>>
      %dma_wait3A_660 = tpu.memref_squeeze %dma_wait3A_659 : memref<1x1x128x16xf32, #tpu.memory_space<vmem>> -> memref<128x16xf32, #tpu.memory_space<vmem>>
      %dma_wait3A_661 = arith.constant 0 : i32
      %dma_wait3A_662 = tpu.memref_slice %arg8[%rem3A_415, %dma_wait3A_655, %dma_wait3A_661] : memref<3x4x128xi32, #tpu.memory_space<vmem>> -> memref<1x1x128xi32, #tpu.memory_space<vmem>>
      %dma_wait3A_663 = tpu.memref_squeeze %dma_wait3A_662 : memref<1x1x128xi32, #tpu.memory_space<vmem>> -> memref<128xi32, #tpu.memory_space<vmem>>
      %dma_wait3A_664 = arith.constant 0 : i32
      %dma_wait3A_665 = arith.constant 0 : i32
      %dma_wait3A_666 = tpu.memref_slice %arg2[%dma_wait3A_664, %dma_wait3A_665] : memref<200000x16xf32, #tpu.memory_space<hbm>> -> memref<200000x16xf32, #tpu.memory_space<hbm>>
      %dma_wait3A_667 = tpu.memref_slice %arg11[%rem3A_415] : memref<3x!tpu.dma_semaphore, #tpu.memory_space<semaphore_mem>> -> memref<1x!tpu.dma_semaphore, #tpu.memory_space<semaphore_mem>>
      %dma_wait3A_668 = tpu.memref_squeeze %dma_wait3A_667 : memref<1x!tpu.dma_semaphore, #tpu.memory_space<semaphore_mem>> -> memref<!tpu.dma_semaphore, #tpu.memory_space<semaphore_mem>>
      tpu.wait_indirect_dma semaphore(%dma_wait3A_668 : memref<!tpu.dma_semaphore, #tpu.memory_space<semaphore_mem>>) src(%dma_wait3A_666 : memref<200000x16xf32, #tpu.memory_space<hbm>>) dst(%dma_wait3A_660 : memref<128x16xf32, #tpu.memory_space<vmem>>)
      %dma_start3A_669 = arith.constant 2 : i32
      %dma_start3A_670 = arith.constant 2 : i32
      %dma_start3A_671 = arith.constant 0 : i32
      %dma_start3A_672 = arith.constant 0 : i32
      %dma_start3A_673 = tpu.memref_slice %arg10[%rem3A_415, %dma_start3A_669, %dma_start3A_671, %dma_start3A_672] : memref<3x4x128x16xf32, #tpu.memory_space<vmem>> -> memref<1x1x128x16xf32, #tpu.memory_space<vmem>>
      %dma_start3A_674 = tpu.memref_squeeze %dma_start3A_673 : memref<1x1x128x16xf32, #tpu.memory_space<vmem>> -> memref<128x16xf32, #tpu.memory_space<vmem>>
      %dma_start3A_675 = arith.constant 0 : i32
      %dma_start3A_676 = tpu.memref_slice %arg9[%rem3A_415, %dma_start3A_670, %dma_start3A_675] : memref<3x4x128xi32, #tpu.memory_space<vmem>> -> memref<1x1x128xi32, #tpu.memory_space<vmem>>
      %dma_start3A_677 = tpu.memref_squeeze %dma_start3A_676 : memref<1x1x128xi32, #tpu.memory_space<vmem>> -> memref<128xi32, #tpu.memory_space<vmem>>
      %dma_start3A_678 = arith.constant 0 : i32
      %dma_start3A_679 = arith.constant 0 : i32
      %dma_start3A_680 = tpu.memref_slice %arg7[%dma_start3A_678, %dma_start3A_679] : memref<100096x16xf32, #tpu.memory_space<vmem_shared>> -> memref<100096x16xf32, #tpu.memory_space<vmem_shared>>
      tpu.enqueue_indirect_dma source(%dma_start3A_674 : memref<128x16xf32, #tpu.memory_space<vmem>>) target(%dma_start3A_680 : memref<100096x16xf32, #tpu.memory_space<vmem_shared>>) offsets(%dma_start3A_677 : memref<128xi32, #tpu.memory_space<vmem>>) semaphore(%arg12 : memref<!tpu.dma_semaphore, #tpu.memory_space<semaphore_mem>>) {add = true}
      %dma_wait3A_681 = arith.constant 3 : i32
      %dma_wait3A_682 = arith.constant 3 : i32
      %dma_wait3A_683 = arith.constant 0 : i32
      %dma_wait3A_684 = arith.constant 0 : i32
      %dma_wait3A_685 = tpu.memref_slice %arg10[%rem3A_415, %dma_wait3A_682, %dma_wait3A_683, %dma_wait3A_684] : memref<3x4x128x16xf32, #tpu.memory_space<vmem>> -> memref<1x1x128x16xf32, #tpu.memory_space<vmem>>
      %dma_wait3A_686 = tpu.memref_squeeze %dma_wait3A_685 : memref<1x1x128x16xf32, #tpu.memory_space<vmem>> -> memref<128x16xf32, #tpu.memory_space<vmem>>
      %dma_wait3A_687 = arith.constant 0 : i32
      %dma_wait3A_688 = tpu.memref_slice %arg8[%rem3A_415, %dma_wait3A_681, %dma_wait3A_687] : memref<3x4x128xi32, #tpu.memory_space<vmem>> -> memref<1x1x128xi32, #tpu.memory_space<vmem>>
      %dma_wait3A_689 = tpu.memref_squeeze %dma_wait3A_688 : memref<1x1x128xi32, #tpu.memory_space<vmem>> -> memref<128xi32, #tpu.memory_space<vmem>>
      %dma_wait3A_690 = arith.constant 0 : i32
      %dma_wait3A_691 = arith.constant 0 : i32
      %dma_wait3A_692 = tpu.memref_slice %arg2[%dma_wait3A_690, %dma_wait3A_691] : memref<200000x16xf32, #tpu.memory_space<hbm>> -> memref<200000x16xf32, #tpu.memory_space<hbm>>
      %dma_wait3A_693 = tpu.memref_slice %arg11[%rem3A_415] : memref<3x!tpu.dma_semaphore, #tpu.memory_space<semaphore_mem>> -> memref<1x!tpu.dma_semaphore, #tpu.memory_space<semaphore_mem>>
      %dma_wait3A_694 = tpu.memref_squeeze %dma_wait3A_693 : memref<1x!tpu.dma_semaphore, #tpu.memory_space<semaphore_mem>> -> memref<!tpu.dma_semaphore, #tpu.memory_space<semaphore_mem>>
      tpu.wait_indirect_dma semaphore(%dma_wait3A_694 : memref<!tpu.dma_semaphore, #tpu.memory_space<semaphore_mem>>) src(%dma_wait3A_692 : memref<200000x16xf32, #tpu.memory_space<hbm>>) dst(%dma_wait3A_686 : memref<128x16xf32, #tpu.memory_space<vmem>>)
      %dma_start3A_695 = arith.constant 3 : i32
      %dma_start3A_696 = arith.constant 3 : i32
      %dma_start3A_697 = arith.constant 0 : i32
      %dma_start3A_698 = arith.constant 0 : i32
      %dma_start3A_699 = tpu.memref_slice %arg10[%rem3A_415, %dma_start3A_695, %dma_start3A_697, %dma_start3A_698] : memref<3x4x128x16xf32, #tpu.memory_space<vmem>> -> memref<1x1x128x16xf32, #tpu.memory_space<vmem>>
      %dma_start3A_700 = tpu.memref_squeeze %dma_start3A_699 : memref<1x1x128x16xf32, #tpu.memory_space<vmem>> -> memref<128x16xf32, #tpu.memory_space<vmem>>
      %dma_start3A_701 = arith.constant 0 : i32
      %dma_start3A_702 = tpu.memref_slice %arg9[%rem3A_415, %dma_start3A_696, %dma_start3A_701] : memref<3x4x128xi32, #tpu.memory_space<vmem>> -> memref<1x1x128xi32, #tpu.memory_space<vmem>>
      %dma_start3A_703 = tpu.memref_squeeze %dma_start3A_702 : memref<1x1x128xi32, #tpu.memory_space<vmem>> -> memref<128xi32, #tpu.memory_space<vmem>>
      %dma_start3A_704 = arith.constant 0 : i32
      %dma_start3A_705 = arith.constant 0 : i32
      %dma_start3A_706 = tpu.memref_slice %arg7[%dma_start3A_704, %dma_start3A_705] : memref<100096x16xf32, #tpu.memory_space<vmem_shared>> -> memref<100096x16xf32, #tpu.memory_space<vmem_shared>>
      tpu.enqueue_indirect_dma source(%dma_start3A_700 : memref<128x16xf32, #tpu.memory_space<vmem>>) target(%dma_start3A_706 : memref<100096x16xf32, #tpu.memory_space<vmem_shared>>) offsets(%dma_start3A_703 : memref<128xi32, #tpu.memory_space<vmem>>) semaphore(%arg12 : memref<!tpu.dma_semaphore, #tpu.memory_space<semaphore_mem>>) {add = true}
    }
    %scan3A_248 = arith.constant 196 : i32
    %dma_wait3A_249 = arith.constant 0 : i32
    %dma_wait3A_250 = arith.constant 0 : i32
    %dma_wait3A_251 = arith.constant 0 : i32
    %dma_wait3A_252 = arith.constant 0 : i32
    %dma_wait3A_253 = arith.constant 0 : i32
    %dma_wait3A_254 = arith.constant 0 : i32
    %dma_wait3A_255 = tpu.memref_slice %arg10[%dma_wait3A_249, %dma_wait3A_250, %dma_wait3A_253, %dma_wait3A_254] : memref<3x4x128x16xf32, #tpu.memory_space<vmem>> -> memref<1x1x128x16xf32, #tpu.memory_space<vmem>>
    %dma_wait3A_256 = tpu.memref_squeeze %dma_wait3A_255 : memref<1x1x128x16xf32, #tpu.memory_space<vmem>> -> memref<128x16xf32, #tpu.memory_space<vmem>>
    %dma_wait3A_257 = arith.constant 0 : i32
    %dma_wait3A_258 = tpu.memref_slice %arg9[%dma_wait3A_251, %dma_wait3A_252, %dma_wait3A_257] : memref<3x4x128xi32, #tpu.memory_space<vmem>> -> memref<1x1x128xi32, #tpu.memory_space<vmem>>
    %dma_wait3A_259 = tpu.memref_squeeze %dma_wait3A_258 : memref<1x1x128xi32, #tpu.memory_space<vmem>> -> memref<128xi32, #tpu.memory_space<vmem>>
    %dma_wait3A_260 = arith.constant 0 : i32
    %dma_wait3A_261 = arith.constant 0 : i32
    %dma_wait3A_262 = tpu.memref_slice %arg7[%dma_wait3A_260, %dma_wait3A_261] : memref<100096x16xf32, #tpu.memory_space<vmem_shared>> -> memref<100096x16xf32, #tpu.memory_space<vmem_shared>>
    tpu.wait_indirect_dma semaphore(%arg12 : memref<!tpu.dma_semaphore, #tpu.memory_space<semaphore_mem>>) src(%dma_wait3A_256 : memref<128x16xf32, #tpu.memory_space<vmem>>) dst(%dma_wait3A_262 : memref<100096x16xf32, #tpu.memory_space<vmem_shared>>)
    %dma_wait3A_263 = arith.constant 0 : i32
    %dma_wait3A_264 = arith.constant 1 : i32
    %dma_wait3A_265 = arith.constant 0 : i32
    %dma_wait3A_266 = arith.constant 1 : i32
    %dma_wait3A_267 = arith.constant 0 : i32
    %dma_wait3A_268 = arith.constant 0 : i32
    %dma_wait3A_269 = tpu.memref_slice %arg10[%dma_wait3A_263, %dma_wait3A_264, %dma_wait3A_267, %dma_wait3A_268] : memref<3x4x128x16xf32, #tpu.memory_space<vmem>> -> memref<1x1x128x16xf32, #tpu.memory_space<vmem>>
    %dma_wait3A_270 = tpu.memref_squeeze %dma_wait3A_269 : memref<1x1x128x16xf32, #tpu.memory_space<vmem>> -> memref<128x16xf32, #tpu.memory_space<vmem>>
    %dma_wait3A_271 = arith.constant 0 : i32
    %dma_wait3A_272 = tpu.memref_slice %arg9[%dma_wait3A_265, %dma_wait3A_266, %dma_wait3A_271] : memref<3x4x128xi32, #tpu.memory_space<vmem>> -> memref<1x1x128xi32, #tpu.memory_space<vmem>>
    %dma_wait3A_273 = tpu.memref_squeeze %dma_wait3A_272 : memref<1x1x128xi32, #tpu.memory_space<vmem>> -> memref<128xi32, #tpu.memory_space<vmem>>
    %dma_wait3A_274 = arith.constant 0 : i32
    %dma_wait3A_275 = arith.constant 0 : i32
    %dma_wait3A_276 = tpu.memref_slice %arg7[%dma_wait3A_274, %dma_wait3A_275] : memref<100096x16xf32, #tpu.memory_space<vmem_shared>> -> memref<100096x16xf32, #tpu.memory_space<vmem_shared>>
    tpu.wait_indirect_dma semaphore(%arg12 : memref<!tpu.dma_semaphore, #tpu.memory_space<semaphore_mem>>) src(%dma_wait3A_270 : memref<128x16xf32, #tpu.memory_space<vmem>>) dst(%dma_wait3A_276 : memref<100096x16xf32, #tpu.memory_space<vmem_shared>>)
    %dma_wait3A_277 = arith.constant 0 : i32
    %dma_wait3A_278 = arith.constant 2 : i32
    %dma_wait3A_279 = arith.constant 0 : i32
    %dma_wait3A_280 = arith.constant 2 : i32
    %dma_wait3A_281 = arith.constant 0 : i32
    %dma_wait3A_282 = arith.constant 0 : i32
    %dma_wait3A_283 = tpu.memref_slice %arg10[%dma_wait3A_277, %dma_wait3A_278, %dma_wait3A_281, %dma_wait3A_282] : memref<3x4x128x16xf32, #tpu.memory_space<vmem>> -> memref<1x1x128x16xf32, #tpu.memory_space<vmem>>
    %dma_wait3A_284 = tpu.memref_squeeze %dma_wait3A_283 : memref<1x1x128x16xf32, #tpu.memory_space<vmem>> -> memref<128x16xf32, #tpu.memory_space<vmem>>
    %dma_wait3A_285 = arith.constant 0 : i32
    %dma_wait3A_286 = tpu.memref_slice %arg9[%dma_wait3A_279, %dma_wait3A_280, %dma_wait3A_285] : memref<3x4x128xi32, #tpu.memory_space<vmem>> -> memref<1x1x128xi32, #tpu.memory_space<vmem>>
    %dma_wait3A_287 = tpu.memref_squeeze %dma_wait3A_286 : memref<1x1x128xi32, #tpu.memory_space<vmem>> -> memref<128xi32, #tpu.memory_space<vmem>>
    %dma_wait3A_288 = arith.constant 0 : i32
    %dma_wait3A_289 = arith.constant 0 : i32
    %dma_wait3A_290 = tpu.memref_slice %arg7[%dma_wait3A_288, %dma_wait3A_289] : memref<100096x16xf32, #tpu.memory_space<vmem_shared>> -> memref<100096x16xf32, #tpu.memory_space<vmem_shared>>
    tpu.wait_indirect_dma semaphore(%arg12 : memref<!tpu.dma_semaphore, #tpu.memory_space<semaphore_mem>>) src(%dma_wait3A_284 : memref<128x16xf32, #tpu.memory_space<vmem>>) dst(%dma_wait3A_290 : memref<100096x16xf32, #tpu.memory_space<vmem_shared>>)
    %dma_wait3A_291 = arith.constant 0 : i32
    %dma_wait3A_292 = arith.constant 3 : i32
    %dma_wait3A_293 = arith.constant 0 : i32
    %dma_wait3A_294 = arith.constant 3 : i32
    %dma_wait3A_295 = arith.constant 0 : i32
    %dma_wait3A_296 = arith.constant 0 : i32
    %dma_wait3A_297 = tpu.memref_slice %arg10[%dma_wait3A_291, %dma_wait3A_292, %dma_wait3A_295, %dma_wait3A_296] : memref<3x4x128x16xf32, #tpu.memory_space<vmem>> -> memref<1x1x128x16xf32, #tpu.memory_space<vmem>>
    %dma_wait3A_298 = tpu.memref_squeeze %dma_wait3A_297 : memref<1x1x128x16xf32, #tpu.memory_space<vmem>> -> memref<128x16xf32, #tpu.memory_space<vmem>>
    %dma_wait3A_299 = arith.constant 0 : i32
    %dma_wait3A_300 = tpu.memref_slice %arg9[%dma_wait3A_293, %dma_wait3A_294, %dma_wait3A_299] : memref<3x4x128xi32, #tpu.memory_space<vmem>> -> memref<1x1x128xi32, #tpu.memory_space<vmem>>
    %dma_wait3A_301 = tpu.memref_squeeze %dma_wait3A_300 : memref<1x1x128xi32, #tpu.memory_space<vmem>> -> memref<128xi32, #tpu.memory_space<vmem>>
    %dma_wait3A_302 = arith.constant 0 : i32
    %dma_wait3A_303 = arith.constant 0 : i32
    %dma_wait3A_304 = tpu.memref_slice %arg7[%dma_wait3A_302, %dma_wait3A_303] : memref<100096x16xf32, #tpu.memory_space<vmem_shared>> -> memref<100096x16xf32, #tpu.memory_space<vmem_shared>>
    tpu.wait_indirect_dma semaphore(%arg12 : memref<!tpu.dma_semaphore, #tpu.memory_space<semaphore_mem>>) src(%dma_wait3A_298 : memref<128x16xf32, #tpu.memory_space<vmem>>) dst(%dma_wait3A_304 : memref<100096x16xf32, #tpu.memory_space<vmem_shared>>)
    %dma_wait3A_305 = arith.constant 1 : i32
    %dma_wait3A_306 = arith.constant 0 : i32
    %dma_wait3A_307 = arith.constant 1 : i32
    %dma_wait3A_308 = arith.constant 0 : i32
    %dma_wait3A_309 = arith.constant 1 : i32
    %dma_wait3A_310 = arith.constant 0 : i32
    %dma_wait3A_311 = arith.constant 0 : i32
    %dma_wait3A_312 = tpu.memref_slice %arg10[%dma_wait3A_307, %dma_wait3A_308, %dma_wait3A_310, %dma_wait3A_311] : memref<3x4x128x16xf32, #tpu.memory_space<vmem>> -> memref<1x1x128x16xf32, #tpu.memory_space<vmem>>
    %dma_wait3A_313 = tpu.memref_squeeze %dma_wait3A_312 : memref<1x1x128x16xf32, #tpu.memory_space<vmem>> -> memref<128x16xf32, #tpu.memory_space<vmem>>
    %dma_wait3A_314 = arith.constant 0 : i32
    %dma_wait3A_315 = tpu.memref_slice %arg8[%dma_wait3A_305, %dma_wait3A_306, %dma_wait3A_314] : memref<3x4x128xi32, #tpu.memory_space<vmem>> -> memref<1x1x128xi32, #tpu.memory_space<vmem>>
    %dma_wait3A_316 = tpu.memref_squeeze %dma_wait3A_315 : memref<1x1x128xi32, #tpu.memory_space<vmem>> -> memref<128xi32, #tpu.memory_space<vmem>>
    %dma_wait3A_317 = arith.constant 0 : i32
    %dma_wait3A_318 = arith.constant 0 : i32
    %dma_wait3A_319 = tpu.memref_slice %arg2[%dma_wait3A_317, %dma_wait3A_318] : memref<200000x16xf32, #tpu.memory_space<hbm>> -> memref<200000x16xf32, #tpu.memory_space<hbm>>
    %dma_wait3A_320 = tpu.memref_slice %arg11[%dma_wait3A_309] : memref<3x!tpu.dma_semaphore, #tpu.memory_space<semaphore_mem>> -> memref<1x!tpu.dma_semaphore, #tpu.memory_space<semaphore_mem>>
    %dma_wait3A_321 = tpu.memref_squeeze %dma_wait3A_320 : memref<1x!tpu.dma_semaphore, #tpu.memory_space<semaphore_mem>> -> memref<!tpu.dma_semaphore, #tpu.memory_space<semaphore_mem>>
    tpu.wait_indirect_dma semaphore(%dma_wait3A_321 : memref<!tpu.dma_semaphore, #tpu.memory_space<semaphore_mem>>) src(%dma_wait3A_319 : memref<200000x16xf32, #tpu.memory_space<hbm>>) dst(%dma_wait3A_313 : memref<128x16xf32, #tpu.memory_space<vmem>>)
    %dma_wait3A_322 = arith.constant 1 : i32
    %dma_wait3A_323 = arith.constant 1 : i32
    %dma_wait3A_324 = arith.constant 1 : i32
    %dma_wait3A_325 = arith.constant 1 : i32
    %dma_wait3A_326 = arith.constant 1 : i32
    %dma_wait3A_327 = arith.constant 0 : i32
    %dma_wait3A_328 = arith.constant 0 : i32
    %dma_wait3A_329 = tpu.memref_slice %arg10[%dma_wait3A_324, %dma_wait3A_325, %dma_wait3A_327, %dma_wait3A_328] : memref<3x4x128x16xf32, #tpu.memory_space<vmem>> -> memref<1x1x128x16xf32, #tpu.memory_space<vmem>>
    %dma_wait3A_330 = tpu.memref_squeeze %dma_wait3A_329 : memref<1x1x128x16xf32, #tpu.memory_space<vmem>> -> memref<128x16xf32, #tpu.memory_space<vmem>>
    %dma_wait3A_331 = arith.constant 0 : i32
    %dma_wait3A_332 = tpu.memref_slice %arg8[%dma_wait3A_322, %dma_wait3A_323, %dma_wait3A_331] : memref<3x4x128xi32, #tpu.memory_space<vmem>> -> memref<1x1x128xi32, #tpu.memory_space<vmem>>
    %dma_wait3A_333 = tpu.memref_squeeze %dma_wait3A_332 : memref<1x1x128xi32, #tpu.memory_space<vmem>> -> memref<128xi32, #tpu.memory_space<vmem>>
    %dma_wait3A_334 = arith.constant 0 : i32
    %dma_wait3A_335 = arith.constant 0 : i32
    %dma_wait3A_336 = tpu.memref_slice %arg2[%dma_wait3A_334, %dma_wait3A_335] : memref<200000x16xf32, #tpu.memory_space<hbm>> -> memref<200000x16xf32, #tpu.memory_space<hbm>>
    %dma_wait3A_337 = tpu.memref_slice %arg11[%dma_wait3A_326] : memref<3x!tpu.dma_semaphore, #tpu.memory_space<semaphore_mem>> -> memref<1x!tpu.dma_semaphore, #tpu.memory_space<semaphore_mem>>
    %dma_wait3A_338 = tpu.memref_squeeze %dma_wait3A_337 : memref<1x!tpu.dma_semaphore, #tpu.memory_space<semaphore_mem>> -> memref<!tpu.dma_semaphore, #tpu.memory_space<semaphore_mem>>
    tpu.wait_indirect_dma semaphore(%dma_wait3A_338 : memref<!tpu.dma_semaphore, #tpu.memory_space<semaphore_mem>>) src(%dma_wait3A_336 : memref<200000x16xf32, #tpu.memory_space<hbm>>) dst(%dma_wait3A_330 : memref<128x16xf32, #tpu.memory_space<vmem>>)
    %dma_wait3A_339 = arith.constant 1 : i32
    %dma_wait3A_340 = arith.constant 2 : i32
    %dma_wait3A_341 = arith.constant 1 : i32
    %dma_wait3A_342 = arith.constant 2 : i32
    %dma_wait3A_343 = arith.constant 1 : i32
    %dma_wait3A_344 = arith.constant 0 : i32
    %dma_wait3A_345 = arith.constant 0 : i32
    %dma_wait3A_346 = tpu.memref_slice %arg10[%dma_wait3A_341, %dma_wait3A_342, %dma_wait3A_344, %dma_wait3A_345] : memref<3x4x128x16xf32, #tpu.memory_space<vmem>> -> memref<1x1x128x16xf32, #tpu.memory_space<vmem>>
    %dma_wait3A_347 = tpu.memref_squeeze %dma_wait3A_346 : memref<1x1x128x16xf32, #tpu.memory_space<vmem>> -> memref<128x16xf32, #tpu.memory_space<vmem>>
    %dma_wait3A_348 = arith.constant 0 : i32
    %dma_wait3A_349 = tpu.memref_slice %arg8[%dma_wait3A_339, %dma_wait3A_340, %dma_wait3A_348] : memref<3x4x128xi32, #tpu.memory_space<vmem>> -> memref<1x1x128xi32, #tpu.memory_space<vmem>>
    %dma_wait3A_350 = tpu.memref_squeeze %dma_wait3A_349 : memref<1x1x128xi32, #tpu.memory_space<vmem>> -> memref<128xi32, #tpu.memory_space<vmem>>
    %dma_wait3A_351 = arith.constant 0 : i32
    %dma_wait3A_352 = arith.constant 0 : i32
    %dma_wait3A_353 = tpu.memref_slice %arg2[%dma_wait3A_351, %dma_wait3A_352] : memref<200000x16xf32, #tpu.memory_space<hbm>> -> memref<200000x16xf32, #tpu.memory_space<hbm>>
    %dma_wait3A_354 = tpu.memref_slice %arg11[%dma_wait3A_343] : memref<3x!tpu.dma_semaphore, #tpu.memory_space<semaphore_mem>> -> memref<1x!tpu.dma_semaphore, #tpu.memory_space<semaphore_mem>>
    %dma_wait3A_355 = tpu.memref_squeeze %dma_wait3A_354 : memref<1x!tpu.dma_semaphore, #tpu.memory_space<semaphore_mem>> -> memref<!tpu.dma_semaphore, #tpu.memory_space<semaphore_mem>>
    tpu.wait_indirect_dma semaphore(%dma_wait3A_355 : memref<!tpu.dma_semaphore, #tpu.memory_space<semaphore_mem>>) src(%dma_wait3A_353 : memref<200000x16xf32, #tpu.memory_space<hbm>>) dst(%dma_wait3A_347 : memref<128x16xf32, #tpu.memory_space<vmem>>)
    %dma_wait3A_356 = arith.constant 1 : i32
    %dma_wait3A_357 = arith.constant 3 : i32
    %dma_wait3A_358 = arith.constant 1 : i32
    %dma_wait3A_359 = arith.constant 3 : i32
    %dma_wait3A_360 = arith.constant 1 : i32
    %dma_wait3A_361 = arith.constant 0 : i32
    %dma_wait3A_362 = arith.constant 0 : i32
    %dma_wait3A_363 = tpu.memref_slice %arg10[%dma_wait3A_358, %dma_wait3A_359, %dma_wait3A_361, %dma_wait3A_362] : memref<3x4x128x16xf32, #tpu.memory_space<vmem>> -> memref<1x1x128x16xf32, #tpu.memory_space<vmem>>
    %dma_wait3A_364 = tpu.memref_squeeze %dma_wait3A_363 : memref<1x1x128x16xf32, #tpu.memory_space<vmem>> -> memref<128x16xf32, #tpu.memory_space<vmem>>
    %dma_wait3A_365 = arith.constant 0 : i32
    %dma_wait3A_366 = tpu.memref_slice %arg8[%dma_wait3A_356, %dma_wait3A_357, %dma_wait3A_365] : memref<3x4x128xi32, #tpu.memory_space<vmem>> -> memref<1x1x128xi32, #tpu.memory_space<vmem>>
    %dma_wait3A_367 = tpu.memref_squeeze %dma_wait3A_366 : memref<1x1x128xi32, #tpu.memory_space<vmem>> -> memref<128xi32, #tpu.memory_space<vmem>>
    %dma_wait3A_368 = arith.constant 0 : i32
    %dma_wait3A_369 = arith.constant 0 : i32
    %dma_wait3A_370 = tpu.memref_slice %arg2[%dma_wait3A_368, %dma_wait3A_369] : memref<200000x16xf32, #tpu.memory_space<hbm>> -> memref<200000x16xf32, #tpu.memory_space<hbm>>
    %dma_wait3A_371 = tpu.memref_slice %arg11[%dma_wait3A_360] : memref<3x!tpu.dma_semaphore, #tpu.memory_space<semaphore_mem>> -> memref<1x!tpu.dma_semaphore, #tpu.memory_space<semaphore_mem>>
    %dma_wait3A_372 = tpu.memref_squeeze %dma_wait3A_371 : memref<1x!tpu.dma_semaphore, #tpu.memory_space<semaphore_mem>> -> memref<!tpu.dma_semaphore, #tpu.memory_space<semaphore_mem>>
    tpu.wait_indirect_dma semaphore(%dma_wait3A_372 : memref<!tpu.dma_semaphore, #tpu.memory_space<semaphore_mem>>) src(%dma_wait3A_370 : memref<200000x16xf32, #tpu.memory_space<hbm>>) dst(%dma_wait3A_364 : memref<128x16xf32, #tpu.memory_space<vmem>>)
    %dma_wait3A_373 = arith.constant 2 : i32
    %dma_wait3A_374 = arith.constant 2 : i32
    %dma_wait3A_375 = arith.constant 0 : i32
    %dma_wait3A_376 = arith.constant 0 : i32
    %dma_wait3A_377 = tpu.memref_slice %arg8[%dma_wait3A_373, %dma_wait3A_375, %dma_wait3A_376] : memref<3x4x128xi32, #tpu.memory_space<vmem>> -> memref<1x4x128xi32, #tpu.memory_space<vmem>>
    %dma_wait3A_378 = tpu.memref_squeeze %dma_wait3A_377 : memref<1x4x128xi32, #tpu.memory_space<vmem>> -> memref<4x128xi32, #tpu.memory_space<vmem>>
    %dma_wait3A_379 = arith.constant 0 : i32
    %dma_wait3A_380 = arith.constant 0 : i32
    %dma_wait3A_381 = tpu.memref_slice %arg3[%arg0, %arg1, %dma_wait3A_379, %dma_wait3A_380] : memref<2x16x784x128xi32, #tpu.memory_space<hbm>> -> memref<1x1x4x128xi32, #tpu.memory_space<hbm>>
    %dma_wait3A_382 = tpu.memref_squeeze %dma_wait3A_381 : memref<1x1x4x128xi32, #tpu.memory_space<hbm>> -> memref<4x128xi32, #tpu.memory_space<hbm>>
    %dma_wait3A_383 = tpu.memref_slice %arg13[%dma_wait3A_374] : memref<3x!tpu.dma_semaphore, #tpu.memory_space<semaphore_mem>> -> memref<1x!tpu.dma_semaphore, #tpu.memory_space<semaphore_mem>>
    %dma_wait3A_384 = tpu.memref_squeeze %dma_wait3A_383 : memref<1x!tpu.dma_semaphore, #tpu.memory_space<semaphore_mem>> -> memref<!tpu.dma_semaphore, #tpu.memory_space<semaphore_mem>>
    %dma_wait3A_385 = arith.constant 0 : i32
    %dma_wait3A_386 = arith.constant 0 : i32
    %dma_wait3A_387 = tpu.memref_slice %arg8[%dma_wait3A_373, %dma_wait3A_385, %dma_wait3A_386] : memref<3x4x128xi32, #tpu.memory_space<vmem>> -> memref<1x4x128xi32, #tpu.memory_space<vmem>>
    %dma_wait3A_388 = tpu.memref_squeeze %dma_wait3A_387 : memref<1x4x128xi32, #tpu.memory_space<vmem>> -> memref<4x128xi32, #tpu.memory_space<vmem>>
    %dma_wait3A_389 = arith.constant 0 : i32
    %dma_wait3A_390 = arith.constant 0 : i32
    %dma_wait3A_391 = tpu.memref_slice %arg3[%arg0, %arg1, %dma_wait3A_389, %dma_wait3A_390] : memref<2x16x784x128xi32, #tpu.memory_space<hbm>> -> memref<1x1x4x128xi32, #tpu.memory_space<hbm>>
    %dma_wait3A_392 = tpu.memref_squeeze %dma_wait3A_391 : memref<1x1x4x128xi32, #tpu.memory_space<hbm>> -> memref<4x128xi32, #tpu.memory_space<hbm>>
    tpu.wait_dma2 semaphore(%dma_wait3A_384 : memref<!tpu.dma_semaphore, #tpu.memory_space<semaphore_mem>>) src(%dma_wait3A_392 : memref<4x128xi32, #tpu.memory_space<hbm>>) dst(%dma_wait3A_388 : memref<4x128xi32, #tpu.memory_space<vmem>>)
    %dma_wait3A_393 = arith.constant 2 : i32
    %dma_wait3A_394 = arith.constant 2 : i32
    %dma_wait3A_395 = arith.constant 0 : i32
    %dma_wait3A_396 = arith.constant 0 : i32
    %dma_wait3A_397 = tpu.memref_slice %arg9[%dma_wait3A_393, %dma_wait3A_395, %dma_wait3A_396] : memref<3x4x128xi32, #tpu.memory_space<vmem>> -> memref<1x4x128xi32, #tpu.memory_space<vmem>>
    %dma_wait3A_398 = tpu.memref_squeeze %dma_wait3A_397 : memref<1x4x128xi32, #tpu.memory_space<vmem>> -> memref<4x128xi32, #tpu.memory_space<vmem>>
    %dma_wait3A_399 = arith.constant 0 : i32
    %dma_wait3A_400 = arith.constant 0 : i32
    %dma_wait3A_401 = tpu.memref_slice %arg4[%arg1, %dma_wait3A_399, %dma_wait3A_400] : memref<16x784x128xi32, #tpu.memory_space<hbm>> -> memref<1x4x128xi32, #tpu.memory_space<hbm>>
    %dma_wait3A_402 = tpu.memref_squeeze %dma_wait3A_401 : memref<1x4x128xi32, #tpu.memory_space<hbm>> -> memref<4x128xi32, #tpu.memory_space<hbm>>
    %dma_wait3A_403 = tpu.memref_slice %arg13[%dma_wait3A_394] : memref<3x!tpu.dma_semaphore, #tpu.memory_space<semaphore_mem>> -> memref<1x!tpu.dma_semaphore, #tpu.memory_space<semaphore_mem>>
    %dma_wait3A_404 = tpu.memref_squeeze %dma_wait3A_403 : memref<1x!tpu.dma_semaphore, #tpu.memory_space<semaphore_mem>> -> memref<!tpu.dma_semaphore, #tpu.memory_space<semaphore_mem>>
    %dma_wait3A_405 = arith.constant 0 : i32
    %dma_wait3A_406 = arith.constant 0 : i32
    %dma_wait3A_407 = tpu.memref_slice %arg9[%dma_wait3A_393, %dma_wait3A_405, %dma_wait3A_406] : memref<3x4x128xi32, #tpu.memory_space<vmem>> -> memref<1x4x128xi32, #tpu.memory_space<vmem>>
    %dma_wait3A_408 = tpu.memref_squeeze %dma_wait3A_407 : memref<1x4x128xi32, #tpu.memory_space<vmem>> -> memref<4x128xi32, #tpu.memory_space<vmem>>
    %dma_wait3A_409 = arith.constant 0 : i32
    %dma_wait3A_410 = arith.constant 0 : i32
    %dma_wait3A_411 = tpu.memref_slice %arg4[%arg1, %dma_wait3A_409, %dma_wait3A_410] : memref<16x784x128xi32, #tpu.memory_space<hbm>> -> memref<1x4x128xi32, #tpu.memory_space<hbm>>
    %dma_wait3A_412 = tpu.memref_squeeze %dma_wait3A_411 : memref<1x4x128xi32, #tpu.memory_space<hbm>> -> memref<4x128xi32, #tpu.memory_space<hbm>>
    tpu.wait_dma2 semaphore(%dma_wait3A_404 : memref<!tpu.dma_semaphore, #tpu.memory_space<semaphore_mem>>) src(%dma_wait3A_412 : memref<4x128xi32, #tpu.memory_space<hbm>>) dst(%dma_wait3A_408 : memref<4x128xi32, #tpu.memory_space<vmem>>)
    %barrier3A_413 = arith.constant 0 : index
    tpu.barrier barrier_id(%barrier3A_413)
    "tpu.region"() ({
      %run_scoped3A_414 = tpu.sem_alloc : memref<!tpu.dma_semaphore, #tpu.memory_space<semaphore_mem>>
      %dma_start3A_415 = arith.constant 0 : i32
      %dma_start3A_416 = tpu.memref_slice %arg6[%arg0, %mul3A_0, %dma_start3A_415] : memref<2x100096x16xf32, #tpu.memory_space<hbm>> -> memref<1x6256x16xf32, #tpu.memory_space<hbm>>
      %dma_start3A_417 = tpu.memref_squeeze %dma_start3A_416 : memref<1x6256x16xf32, #tpu.memory_space<hbm>> -> memref<6256x16xf32, #tpu.memory_space<hbm>>
      %dma_start3A_418 = arith.constant 0 : i32
      %dma_start3A_419 = tpu.memref_slice %arg7[%mul3A_0, %dma_start3A_418] : memref<100096x16xf32, #tpu.memory_space<vmem_shared>> -> memref<6256x16xf32, #tpu.memory_space<vmem_shared>>
      tpu.enqueue_dma source(%dma_start3A_419 : memref<6256x16xf32, #tpu.memory_space<vmem_shared>>) target(%dma_start3A_417 : memref<6256x16xf32, #tpu.memory_space<hbm>>) target_semaphore(%run_scoped3A_414 : memref<!tpu.dma_semaphore, #tpu.memory_space<semaphore_mem>>)
      %dma_wait3A_420 = arith.constant 0 : i32
      %dma_wait3A_421 = tpu.memref_slice %arg6[%arg0, %mul3A_0, %dma_wait3A_420] : memref<2x100096x16xf32, #tpu.memory_space<hbm>> -> memref<1x6256x16xf32, #tpu.memory_space<hbm>>
      %dma_wait3A_422 = tpu.memref_squeeze %dma_wait3A_421 : memref<1x6256x16xf32, #tpu.memory_space<hbm>> -> memref<6256x16xf32, #tpu.memory_space<hbm>>
      %dma_wait3A_423 = arith.constant 0 : i32
      %dma_wait3A_424 = tpu.memref_slice %arg7[%mul3A_0, %dma_wait3A_423] : memref<100096x16xf32, #tpu.memory_space<vmem_shared>> -> memref<6256x16xf32, #tpu.memory_space<vmem_shared>>
      tpu.wait_dma2 semaphore(%run_scoped3A_414 : memref<!tpu.dma_semaphore, #tpu.memory_space<semaphore_mem>>) src(%dma_wait3A_424 : memref<6256x16xf32, #tpu.memory_space<vmem_shared>>) dst(%dma_wait3A_422 : memref<6256x16xf32, #tpu.memory_space<hbm>>)
      tpu.yield
    }) : () -> ()
    return
  }
}

#map = affine_map<(d0, d1) -> (0, 0, 0)>
#map1 = affine_map<(d0, d1) -> (0, 0)>
module attributes {stable_mosaic.version = 14 : i64} {
  func.func @k(%arg0: i32, %arg1: i32, %arg2: memref<16x784x128xi32, #tpu.memory_space<hbm>>, %arg3: memref<100096x16xf32, #tpu.memory_space<hbm>>, %arg4: memref<128x16xf32, #tpu.memory_space<hbm>>, %arg5: memref<2x100096x16xf32, #tpu.memory_space<hbm>>, %arg6: memref<100096x16xf32, #tpu.memory_space<vmem_shared>>, %arg7: memref<2x8x128xi32, #tpu.memory_space<vmem>>, %arg8: memref<128x16xf32, #tpu.memory_space<vmem>>, %arg9: memref<!tpu.dma_semaphore, #tpu.memory_space<semaphore_mem>>, %arg10: memref<2x!tpu.dma_semaphore, #tpu.memory_space<semaphore_mem>>) attributes {dimension_semantics = [#tpu.dimension_semantics<core_parallel>, #tpu.dimension_semantics<subcore_parallel>], iteration_bounds = array<i64: 2, 16>, scalar_prefetch = 0 : i64, scratch_operands = 5 : i64, tpu.core_type = #tpu.core_type<sc_vector_subcore>, window_params = [{transform_indices = #map}, {transform_indices = #map1}, {transform_indices = #map1}, {transform_indices = #map}]} {
    %mul3A = arith.constant 6256 : i32
    %mul3A_0 = arith.muli %arg1, %mul3A : i32
    "tpu.region"() ({
      %run_scoped3A_174 = tpu.sem_alloc : memref<!tpu.dma_semaphore, #tpu.memory_space<semaphore_mem>>
      tpu.enqueue_dma source(%arg4 : memref<128x16xf32, #tpu.memory_space<hbm>>) target(%arg8 : memref<128x16xf32, #tpu.memory_space<vmem>>) target_semaphore(%run_scoped3A_174 : memref<!tpu.dma_semaphore, #tpu.memory_space<semaphore_mem>>)
      tpu.wait_dma2 semaphore(%run_scoped3A_174 : memref<!tpu.dma_semaphore, #tpu.memory_space<semaphore_mem>>) src(%arg4 : memref<128x16xf32, #tpu.memory_space<hbm>>) dst(%arg8 : memref<128x16xf32, #tpu.memory_space<vmem>>)
      tpu.yield
    }) : () -> ()
    %run_scoped3A = arith.constant 15 : i32
    %run_scoped3A_1 = arith.constant 1 : i32
    "tpu.region"() ({
      %run_scoped3A_174 = tpu.sem_alloc : memref<!tpu.dma_semaphore, #tpu.memory_space<semaphore_mem>>
      %dma_start3A_175 = arith.constant 0 : i32
      %dma_start3A_176 = arith.constant 0 : i32
      %dma_start3A_177 = tpu.memref_slice %arg7[%run_scoped3A_1, %dma_start3A_175, %dma_start3A_176] : memref<2x8x128xi32, #tpu.memory_space<vmem>> -> memref<1x8x128xi32, #tpu.memory_space<vmem>>
      %dma_start3A_178 = tpu.memref_squeeze %dma_start3A_177 : memref<1x8x128xi32, #tpu.memory_space<vmem>> -> memref<8x128xi32, #tpu.memory_space<vmem>>
      %dma_start3A_179 = arith.constant 776 : i32
      %dma_start3A_180 = arith.constant 0 : i32
      %dma_start3A_181 = tpu.memref_slice %arg2[%run_scoped3A, %dma_start3A_179, %dma_start3A_180] : memref<16x784x128xi32, #tpu.memory_space<hbm>> -> memref<1x8x128xi32, #tpu.memory_space<hbm>>
      %dma_start3A_182 = tpu.memref_squeeze %dma_start3A_181 : memref<1x8x128xi32, #tpu.memory_space<hbm>> -> memref<8x128xi32, #tpu.memory_space<hbm>>
      %dma_start3A_183 = arith.constant 0 : i32
      %dma_start3A_184 = arith.constant 0 : i32
      %dma_start3A_185 = tpu.memref_slice %arg7[%run_scoped3A_1, %dma_start3A_183, %dma_start3A_184] : memref<2x8x128xi32, #tpu.memory_space<vmem>> -> memref<1x8x128xi32, #tpu.memory_space<vmem>>
      %dma_start3A_186 = tpu.memref_squeeze %dma_start3A_185 : memref<1x8x128xi32, #tpu.memory_space<vmem>> -> memref<8x128xi32, #tpu.memory_space<vmem>>
      %dma_start3A_187 = arith.constant 776 : i32
      %dma_start3A_188 = arith.constant 0 : i32
      %dma_start3A_189 = tpu.memref_slice %arg2[%run_scoped3A, %dma_start3A_187, %dma_start3A_188] : memref<16x784x128xi32, #tpu.memory_space<hbm>> -> memref<1x8x128xi32, #tpu.memory_space<hbm>>
      %dma_start3A_190 = tpu.memref_squeeze %dma_start3A_189 : memref<1x8x128xi32, #tpu.memory_space<hbm>> -> memref<8x128xi32, #tpu.memory_space<hbm>>
      tpu.enqueue_dma source(%dma_start3A_190 : memref<8x128xi32, #tpu.memory_space<hbm>>) target(%dma_start3A_186 : memref<8x128xi32, #tpu.memory_space<vmem>>) target_semaphore(%run_scoped3A_174 : memref<!tpu.dma_semaphore, #tpu.memory_space<semaphore_mem>>)
      %dma_wait3A_191 = arith.constant 0 : i32
      %dma_wait3A_192 = arith.constant 0 : i32
      %dma_wait3A_193 = tpu.memref_slice %arg7[%run_scoped3A_1, %dma_wait3A_191, %dma_wait3A_192] : memref<2x8x128xi32, #tpu.memory_space<vmem>> -> memref<1x8x128xi32, #tpu.memory_space<vmem>>
      %dma_wait3A_194 = tpu.memref_squeeze %dma_wait3A_193 : memref<1x8x128xi32, #tpu.memory_space<vmem>> -> memref<8x128xi32, #tpu.memory_space<vmem>>
      %dma_wait3A_195 = arith.constant 776 : i32
      %dma_wait3A_196 = arith.constant 0 : i32
      %dma_wait3A_197 = tpu.memref_slice %arg2[%run_scoped3A, %dma_wait3A_195, %dma_wait3A_196] : memref<16x784x128xi32, #tpu.memory_space<hbm>> -> memref<1x8x128xi32, #tpu.memory_space<hbm>>
      %dma_wait3A_198 = tpu.memref_squeeze %dma_wait3A_197 : memref<1x8x128xi32, #tpu.memory_space<hbm>> -> memref<8x128xi32, #tpu.memory_space<hbm>>
      %dma_wait3A_199 = arith.constant 0 : i32
      %dma_wait3A_200 = arith.constant 0 : i32
      %dma_wait3A_201 = tpu.memref_slice %arg7[%run_scoped3A_1, %dma_wait3A_199, %dma_wait3A_200] : memref<2x8x128xi32, #tpu.memory_space<vmem>> -> memref<1x8x128xi32, #tpu.memory_space<vmem>>
      %dma_wait3A_202 = tpu.memref_squeeze %dma_wait3A_201 : memref<1x8x128xi32, #tpu.memory_space<vmem>> -> memref<8x128xi32, #tpu.memory_space<vmem>>
      %dma_wait3A_203 = arith.constant 776 : i32
      %dma_wait3A_204 = arith.constant 0 : i32
      %dma_wait3A_205 = tpu.memref_slice %arg2[%run_scoped3A, %dma_wait3A_203, %dma_wait3A_204] : memref<16x784x128xi32, #tpu.memory_space<hbm>> -> memref<1x8x128xi32, #tpu.memory_space<hbm>>
      %dma_wait3A_206 = tpu.memref_squeeze %dma_wait3A_205 : memref<1x8x128xi32, #tpu.memory_space<hbm>> -> memref<8x128xi32, #tpu.memory_space<hbm>>
      tpu.wait_dma2 semaphore(%run_scoped3A_174 : memref<!tpu.dma_semaphore, #tpu.memory_space<semaphore_mem>>) src(%dma_wait3A_206 : memref<8x128xi32, #tpu.memory_space<hbm>>) dst(%dma_wait3A_202 : memref<8x128xi32, #tpu.memory_space<vmem>>)
      tpu.yield
    }) : () -> ()
    %dma_start3A = arith.constant 1 : i32
    %dma_start3A_2 = arith.constant 0 : i32
    %dma_start3A_3 = arith.constant 0 : i32
    %dma_start3A_4 = tpu.memref_slice %arg7[%dma_start3A, %dma_start3A_2, %dma_start3A_3] : memref<2x8x128xi32, #tpu.memory_space<vmem>> -> memref<1x1x128xi32, #tpu.memory_space<vmem>>
    %dma_start3A_5 = tpu.memref_squeeze %dma_start3A_4 : memref<1x1x128xi32, #tpu.memory_space<vmem>> -> memref<128xi32, #tpu.memory_space<vmem>>
    %dma_start3A_6 = arith.constant 0 : i32
    %dma_start3A_7 = arith.constant 0 : i32
    %dma_start3A_8 = tpu.memref_slice %arg6[%dma_start3A_6, %dma_start3A_7] : memref<100096x16xf32, #tpu.memory_space<vmem_shared>> -> memref<100096x16xf32, #tpu.memory_space<vmem_shared>>
    tpu.enqueue_indirect_dma source(%arg8 : memref<128x16xf32, #tpu.memory_space<vmem>>) target(%dma_start3A_8 : memref<100096x16xf32, #tpu.memory_space<vmem_shared>>) offsets(%dma_start3A_5 : memref<128xi32, #tpu.memory_space<vmem>>) semaphore(%arg9 : memref<!tpu.dma_semaphore, #tpu.memory_space<semaphore_mem>>) {add = true}
    %dma_start3A_9 = arith.constant 1 : i32
    %dma_start3A_10 = arith.constant 1 : i32
    %dma_start3A_11 = arith.constant 0 : i32
    %dma_start3A_12 = tpu.memref_slice %arg7[%dma_start3A_9, %dma_start3A_10, %dma_start3A_11] : memref<2x8x128xi32, #tpu.memory_space<vmem>> -> memref<1x1x128xi32, #tpu.memory_space<vmem>>
    %dma_start3A_13 = tpu.memref_squeeze %dma_start3A_12 : memref<1x1x128xi32, #tpu.memory_space<vmem>> -> memref<128xi32, #tpu.memory_space<vmem>>
    %dma_start3A_14 = arith.constant 0 : i32
    %dma_start3A_15 = arith.constant 0 : i32
    %dma_start3A_16 = tpu.memref_slice %arg6[%dma_start3A_14, %dma_start3A_15] : memref<100096x16xf32, #tpu.memory_space<vmem_shared>> -> memref<100096x16xf32, #tpu.memory_space<vmem_shared>>
    tpu.enqueue_indirect_dma source(%arg8 : memref<128x16xf32, #tpu.memory_space<vmem>>) target(%dma_start3A_16 : memref<100096x16xf32, #tpu.memory_space<vmem_shared>>) offsets(%dma_start3A_13 : memref<128xi32, #tpu.memory_space<vmem>>) semaphore(%arg9 : memref<!tpu.dma_semaphore, #tpu.memory_space<semaphore_mem>>) {add = true}
    %dma_start3A_17 = arith.constant 1 : i32
    %dma_start3A_18 = arith.constant 2 : i32
    %dma_start3A_19 = arith.constant 0 : i32
    %dma_start3A_20 = tpu.memref_slice %arg7[%dma_start3A_17, %dma_start3A_18, %dma_start3A_19] : memref<2x8x128xi32, #tpu.memory_space<vmem>> -> memref<1x1x128xi32, #tpu.memory_space<vmem>>
    %dma_start3A_21 = tpu.memref_squeeze %dma_start3A_20 : memref<1x1x128xi32, #tpu.memory_space<vmem>> -> memref<128xi32, #tpu.memory_space<vmem>>
    %dma_start3A_22 = arith.constant 0 : i32
    %dma_start3A_23 = arith.constant 0 : i32
    %dma_start3A_24 = tpu.memref_slice %arg6[%dma_start3A_22, %dma_start3A_23] : memref<100096x16xf32, #tpu.memory_space<vmem_shared>> -> memref<100096x16xf32, #tpu.memory_space<vmem_shared>>
    tpu.enqueue_indirect_dma source(%arg8 : memref<128x16xf32, #tpu.memory_space<vmem>>) target(%dma_start3A_24 : memref<100096x16xf32, #tpu.memory_space<vmem_shared>>) offsets(%dma_start3A_21 : memref<128xi32, #tpu.memory_space<vmem>>) semaphore(%arg9 : memref<!tpu.dma_semaphore, #tpu.memory_space<semaphore_mem>>) {add = true}
    %dma_start3A_25 = arith.constant 1 : i32
    %dma_start3A_26 = arith.constant 3 : i32
    %dma_start3A_27 = arith.constant 0 : i32
    %dma_start3A_28 = tpu.memref_slice %arg7[%dma_start3A_25, %dma_start3A_26, %dma_start3A_27] : memref<2x8x128xi32, #tpu.memory_space<vmem>> -> memref<1x1x128xi32, #tpu.memory_space<vmem>>
    %dma_start3A_29 = tpu.memref_squeeze %dma_start3A_28 : memref<1x1x128xi32, #tpu.memory_space<vmem>> -> memref<128xi32, #tpu.memory_space<vmem>>
    %dma_start3A_30 = arith.constant 0 : i32
    %dma_start3A_31 = arith.constant 0 : i32
    %dma_start3A_32 = tpu.memref_slice %arg6[%dma_start3A_30, %dma_start3A_31] : memref<100096x16xf32, #tpu.memory_space<vmem_shared>> -> memref<100096x16xf32, #tpu.memory_space<vmem_shared>>
    tpu.enqueue_indirect_dma source(%arg8 : memref<128x16xf32, #tpu.memory_space<vmem>>) target(%dma_start3A_32 : memref<100096x16xf32, #tpu.memory_space<vmem_shared>>) offsets(%dma_start3A_29 : memref<128xi32, #tpu.memory_space<vmem>>) semaphore(%arg9 : memref<!tpu.dma_semaphore, #tpu.memory_space<semaphore_mem>>) {add = true}
    %dma_start3A_33 = arith.constant 1 : i32
    %dma_start3A_34 = arith.constant 4 : i32
    %dma_start3A_35 = arith.constant 0 : i32
    %dma_start3A_36 = tpu.memref_slice %arg7[%dma_start3A_33, %dma_start3A_34, %dma_start3A_35] : memref<2x8x128xi32, #tpu.memory_space<vmem>> -> memref<1x1x128xi32, #tpu.memory_space<vmem>>
    %dma_start3A_37 = tpu.memref_squeeze %dma_start3A_36 : memref<1x1x128xi32, #tpu.memory_space<vmem>> -> memref<128xi32, #tpu.memory_space<vmem>>
    %dma_start3A_38 = arith.constant 0 : i32
    %dma_start3A_39 = arith.constant 0 : i32
    %dma_start3A_40 = tpu.memref_slice %arg6[%dma_start3A_38, %dma_start3A_39] : memref<100096x16xf32, #tpu.memory_space<vmem_shared>> -> memref<100096x16xf32, #tpu.memory_space<vmem_shared>>
    tpu.enqueue_indirect_dma source(%arg8 : memref<128x16xf32, #tpu.memory_space<vmem>>) target(%dma_start3A_40 : memref<100096x16xf32, #tpu.memory_space<vmem_shared>>) offsets(%dma_start3A_37 : memref<128xi32, #tpu.memory_space<vmem>>) semaphore(%arg9 : memref<!tpu.dma_semaphore, #tpu.memory_space<semaphore_mem>>) {add = true}
    %dma_start3A_41 = arith.constant 1 : i32
    %dma_start3A_42 = arith.constant 5 : i32
    %dma_start3A_43 = arith.constant 0 : i32
    %dma_start3A_44 = tpu.memref_slice %arg7[%dma_start3A_41, %dma_start3A_42, %dma_start3A_43] : memref<2x8x128xi32, #tpu.memory_space<vmem>> -> memref<1x1x128xi32, #tpu.memory_space<vmem>>
    %dma_start3A_45 = tpu.memref_squeeze %dma_start3A_44 : memref<1x1x128xi32, #tpu.memory_space<vmem>> -> memref<128xi32, #tpu.memory_space<vmem>>
    %dma_start3A_46 = arith.constant 0 : i32
    %dma_start3A_47 = arith.constant 0 : i32
    %dma_start3A_48 = tpu.memref_slice %arg6[%dma_start3A_46, %dma_start3A_47] : memref<100096x16xf32, #tpu.memory_space<vmem_shared>> -> memref<100096x16xf32, #tpu.memory_space<vmem_shared>>
    tpu.enqueue_indirect_dma source(%arg8 : memref<128x16xf32, #tpu.memory_space<vmem>>) target(%dma_start3A_48 : memref<100096x16xf32, #tpu.memory_space<vmem_shared>>) offsets(%dma_start3A_45 : memref<128xi32, #tpu.memory_space<vmem>>) semaphore(%arg9 : memref<!tpu.dma_semaphore, #tpu.memory_space<semaphore_mem>>) {add = true}
    %dma_start3A_49 = arith.constant 1 : i32
    %dma_start3A_50 = arith.constant 6 : i32
    %dma_start3A_51 = arith.constant 0 : i32
    %dma_start3A_52 = tpu.memref_slice %arg7[%dma_start3A_49, %dma_start3A_50, %dma_start3A_51] : memref<2x8x128xi32, #tpu.memory_space<vmem>> -> memref<1x1x128xi32, #tpu.memory_space<vmem>>
    %dma_start3A_53 = tpu.memref_squeeze %dma_start3A_52 : memref<1x1x128xi32, #tpu.memory_space<vmem>> -> memref<128xi32, #tpu.memory_space<vmem>>
    %dma_start3A_54 = arith.constant 0 : i32
    %dma_start3A_55 = arith.constant 0 : i32
    %dma_start3A_56 = tpu.memref_slice %arg6[%dma_start3A_54, %dma_start3A_55] : memref<100096x16xf32, #tpu.memory_space<vmem_shared>> -> memref<100096x16xf32, #tpu.memory_space<vmem_shared>>
    tpu.enqueue_indirect_dma source(%arg8 : memref<128x16xf32, #tpu.memory_space<vmem>>) target(%dma_start3A_56 : memref<100096x16xf32, #tpu.memory_space<vmem_shared>>) offsets(%dma_start3A_53 : memref<128xi32, #tpu.memory_space<vmem>>) semaphore(%arg9 : memref<!tpu.dma_semaphore, #tpu.memory_space<semaphore_mem>>) {add = true}
    %dma_start3A_57 = arith.constant 1 : i32
    %dma_start3A_58 = arith.constant 7 : i32
    %dma_start3A_59 = arith.constant 0 : i32
    %dma_start3A_60 = tpu.memref_slice %arg7[%dma_start3A_57, %dma_start3A_58, %dma_start3A_59] : memref<2x8x128xi32, #tpu.memory_space<vmem>> -> memref<1x1x128xi32, #tpu.memory_space<vmem>>
    %dma_start3A_61 = tpu.memref_squeeze %dma_start3A_60 : memref<1x1x128xi32, #tpu.memory_space<vmem>> -> memref<128xi32, #tpu.memory_space<vmem>>
    %dma_start3A_62 = arith.constant 0 : i32
    %dma_start3A_63 = arith.constant 0 : i32
    %dma_start3A_64 = tpu.memref_slice %arg6[%dma_start3A_62, %dma_start3A_63] : memref<100096x16xf32, #tpu.memory_space<vmem_shared>> -> memref<100096x16xf32, #tpu.memory_space<vmem_shared>>
    tpu.enqueue_indirect_dma source(%arg8 : memref<128x16xf32, #tpu.memory_space<vmem>>) target(%dma_start3A_64 : memref<100096x16xf32, #tpu.memory_space<vmem_shared>>) offsets(%dma_start3A_61 : memref<128xi32, #tpu.memory_space<vmem>>) semaphore(%arg9 : memref<!tpu.dma_semaphore, #tpu.memory_space<semaphore_mem>>) {add = true}
    %mul3A_65 = arith.constant 392 : i32
    %mul3A_66 = arith.muli %arg0, %mul3A_65 : i32
    %dma_start3A_67 = arith.constant 0 : i32
    %dma_start3A_68 = arith.constant 0 : i32
    %dma_start3A_69 = arith.constant 0 : i32
    %dma_start3A_70 = arith.constant 0 : i32
    %dma_start3A_71 = tpu.memref_slice %arg7[%dma_start3A_67, %dma_start3A_69, %dma_start3A_70] : memref<2x8x128xi32, #tpu.memory_space<vmem>> -> memref<1x8x128xi32, #tpu.memory_space<vmem>>
    %dma_start3A_72 = tpu.memref_squeeze %dma_start3A_71 : memref<1x8x128xi32, #tpu.memory_space<vmem>> -> memref<8x128xi32, #tpu.memory_space<vmem>>
    %dma_start3A_73 = arith.constant 0 : i32
    %dma_start3A_74 = tpu.memref_slice %arg2[%arg1, %mul3A_66, %dma_start3A_73] : memref<16x784x128xi32, #tpu.memory_space<hbm>> -> memref<1x8x128xi32, #tpu.memory_space<hbm>>
    %dma_start3A_75 = tpu.memref_squeeze %dma_start3A_74 : memref<1x8x128xi32, #tpu.memory_space<hbm>> -> memref<8x128xi32, #tpu.memory_space<hbm>>
    %dma_start3A_76 = tpu.memref_slice %arg10[%dma_start3A_68] : memref<2x!tpu.dma_semaphore, #tpu.memory_space<semaphore_mem>> -> memref<1x!tpu.dma_semaphore, #tpu.memory_space<semaphore_mem>>
    %dma_start3A_77 = tpu.memref_squeeze %dma_start3A_76 : memref<1x!tpu.dma_semaphore, #tpu.memory_space<semaphore_mem>> -> memref<!tpu.dma_semaphore, #tpu.memory_space<semaphore_mem>>
    %dma_start3A_78 = arith.constant 0 : i32
    %dma_start3A_79 = arith.constant 0 : i32
    %dma_start3A_80 = tpu.memref_slice %arg7[%dma_start3A_67, %dma_start3A_78, %dma_start3A_79] : memref<2x8x128xi32, #tpu.memory_space<vmem>> -> memref<1x8x128xi32, #tpu.memory_space<vmem>>
    %dma_start3A_81 = tpu.memref_squeeze %dma_start3A_80 : memref<1x8x128xi32, #tpu.memory_space<vmem>> -> memref<8x128xi32, #tpu.memory_space<vmem>>
    %dma_start3A_82 = arith.constant 0 : i32
    %dma_start3A_83 = tpu.memref_slice %arg2[%arg1, %mul3A_66, %dma_start3A_82] : memref<16x784x128xi32, #tpu.memory_space<hbm>> -> memref<1x8x128xi32, #tpu.memory_space<hbm>>
    %dma_start3A_84 = tpu.memref_squeeze %dma_start3A_83 : memref<1x8x128xi32, #tpu.memory_space<hbm>> -> memref<8x128xi32, #tpu.memory_space<hbm>>
    tpu.enqueue_dma source(%dma_start3A_84 : memref<8x128xi32, #tpu.memory_space<hbm>>) target(%dma_start3A_81 : memref<8x128xi32, #tpu.memory_space<vmem>>) target_semaphore(%dma_start3A_77 : memref<!tpu.dma_semaphore, #tpu.memory_space<semaphore_mem>>)
    "tpu.region"() ({
      %run_scoped3A_174 = tpu.sem_alloc : memref<!tpu.dma_semaphore, #tpu.memory_space<semaphore_mem>>
      %dma_start3A_175 = arith.constant 0 : i32
      %dma_start3A_176 = tpu.memref_slice %arg6[%mul3A_0, %dma_start3A_175] : memref<100096x16xf32, #tpu.memory_space<vmem_shared>> -> memref<6256x16xf32, #tpu.memory_space<vmem_shared>>
      %dma_start3A_177 = arith.constant 0 : i32
      %dma_start3A_178 = tpu.memref_slice %arg3[%mul3A_0, %dma_start3A_177] : memref<100096x16xf32, #tpu.memory_space<hbm>> -> memref<6256x16xf32, #tpu.memory_space<hbm>>
      tpu.enqueue_dma source(%dma_start3A_178 : memref<6256x16xf32, #tpu.memory_space<hbm>>) target(%dma_start3A_176 : memref<6256x16xf32, #tpu.memory_space<vmem_shared>>) target_semaphore(%run_scoped3A_174 : memref<!tpu.dma_semaphore, #tpu.memory_space<semaphore_mem>>)
      %dma_wait3A_179 = arith.constant 0 : i32
      %dma_wait3A_180 = tpu.memref_slice %arg6[%mul3A_0, %dma_wait3A_179] : memref<100096x16xf32, #tpu.memory_space<vmem_shared>> -> memref<6256x16xf32, #tpu.memory_space<vmem_shared>>
      %dma_wait3A_181 = arith.constant 0 : i32
      %dma_wait3A_182 = tpu.memref_slice %arg3[%mul3A_0, %dma_wait3A_181] : memref<100096x16xf32, #tpu.memory_space<hbm>> -> memref<6256x16xf32, #tpu.memory_space<hbm>>
      tpu.wait_dma2 semaphore(%run_scoped3A_174 : memref<!tpu.dma_semaphore, #tpu.memory_space<semaphore_mem>>) src(%dma_wait3A_182 : memref<6256x16xf32, #tpu.memory_space<hbm>>) dst(%dma_wait3A_180 : memref<6256x16xf32, #tpu.memory_space<vmem_shared>>)
      tpu.yield
    }) : () -> ()
    %barrier3A = arith.constant 0 : index
    tpu.barrier barrier_id(%barrier3A)
    %scan3A = arith.constant 0 : i32
    %scan3A_85 = arith.constant 0 : i32
    %scan3A_86 = arith.constant 49 : i32
    %scan3A_87 = arith.addi %scan3A_85, %scan3A_86 : i32
    %scan3A_88 = arith.constant 1 : i32
    scf.for %scan3A_174 = %scan3A_85 to %scan3A_87 step %scan3A_88  : i32 {
      %rem3A = arith.constant 2 : i32
      %rem3A_175 = arith.remsi %scan3A_174, %rem3A : i32
      %sub3A = arith.constant 1 : i32
      %sub3A_176 = arith.subi %sub3A, %rem3A_175 : i32
      %dma_wait3A_177 = arith.constant 0 : i32
      %dma_wait3A_178 = arith.constant 0 : i32
      %dma_wait3A_179 = tpu.memref_slice %arg7[%sub3A_176, %dma_wait3A_177, %dma_wait3A_178] : memref<2x8x128xi32, #tpu.memory_space<vmem>> -> memref<1x1x128xi32, #tpu.memory_space<vmem>>
      %dma_wait3A_180 = tpu.memref_squeeze %dma_wait3A_179 : memref<1x1x128xi32, #tpu.memory_space<vmem>> -> memref<128xi32, #tpu.memory_space<vmem>>
      %dma_wait3A_181 = arith.constant 0 : i32
      %dma_wait3A_182 = arith.constant 0 : i32
      %dma_wait3A_183 = tpu.memref_slice %arg6[%dma_wait3A_181, %dma_wait3A_182] : memref<100096x16xf32, #tpu.memory_space<vmem_shared>> -> memref<100096x16xf32, #tpu.memory_space<vmem_shared>>
      tpu.wait_indirect_dma semaphore(%arg9 : memref<!tpu.dma_semaphore, #tpu.memory_space<semaphore_mem>>) src(%arg8 : memref<128x16xf32, #tpu.memory_space<vmem>>) dst(%dma_wait3A_183 : memref<100096x16xf32, #tpu.memory_space<vmem_shared>>)
      %dma_wait3A_184 = arith.constant 1 : i32
      %dma_wait3A_185 = arith.constant 0 : i32
      %dma_wait3A_186 = tpu.memref_slice %arg7[%sub3A_176, %dma_wait3A_184, %dma_wait3A_185] : memref<2x8x128xi32, #tpu.memory_space<vmem>> -> memref<1x1x128xi32, #tpu.memory_space<vmem>>
      %dma_wait3A_187 = tpu.memref_squeeze %dma_wait3A_186 : memref<1x1x128xi32, #tpu.memory_space<vmem>> -> memref<128xi32, #tpu.memory_space<vmem>>
      %dma_wait3A_188 = arith.constant 0 : i32
      %dma_wait3A_189 = arith.constant 0 : i32
      %dma_wait3A_190 = tpu.memref_slice %arg6[%dma_wait3A_188, %dma_wait3A_189] : memref<100096x16xf32, #tpu.memory_space<vmem_shared>> -> memref<100096x16xf32, #tpu.memory_space<vmem_shared>>
      tpu.wait_indirect_dma semaphore(%arg9 : memref<!tpu.dma_semaphore, #tpu.memory_space<semaphore_mem>>) src(%arg8 : memref<128x16xf32, #tpu.memory_space<vmem>>) dst(%dma_wait3A_190 : memref<100096x16xf32, #tpu.memory_space<vmem_shared>>)
      %dma_wait3A_191 = arith.constant 2 : i32
      %dma_wait3A_192 = arith.constant 0 : i32
      %dma_wait3A_193 = tpu.memref_slice %arg7[%sub3A_176, %dma_wait3A_191, %dma_wait3A_192] : memref<2x8x128xi32, #tpu.memory_space<vmem>> -> memref<1x1x128xi32, #tpu.memory_space<vmem>>
      %dma_wait3A_194 = tpu.memref_squeeze %dma_wait3A_193 : memref<1x1x128xi32, #tpu.memory_space<vmem>> -> memref<128xi32, #tpu.memory_space<vmem>>
      %dma_wait3A_195 = arith.constant 0 : i32
      %dma_wait3A_196 = arith.constant 0 : i32
      %dma_wait3A_197 = tpu.memref_slice %arg6[%dma_wait3A_195, %dma_wait3A_196] : memref<100096x16xf32, #tpu.memory_space<vmem_shared>> -> memref<100096x16xf32, #tpu.memory_space<vmem_shared>>
      tpu.wait_indirect_dma semaphore(%arg9 : memref<!tpu.dma_semaphore, #tpu.memory_space<semaphore_mem>>) src(%arg8 : memref<128x16xf32, #tpu.memory_space<vmem>>) dst(%dma_wait3A_197 : memref<100096x16xf32, #tpu.memory_space<vmem_shared>>)
      %dma_wait3A_198 = arith.constant 3 : i32
      %dma_wait3A_199 = arith.constant 0 : i32
      %dma_wait3A_200 = tpu.memref_slice %arg7[%sub3A_176, %dma_wait3A_198, %dma_wait3A_199] : memref<2x8x128xi32, #tpu.memory_space<vmem>> -> memref<1x1x128xi32, #tpu.memory_space<vmem>>
      %dma_wait3A_201 = tpu.memref_squeeze %dma_wait3A_200 : memref<1x1x128xi32, #tpu.memory_space<vmem>> -> memref<128xi32, #tpu.memory_space<vmem>>
      %dma_wait3A_202 = arith.constant 0 : i32
      %dma_wait3A_203 = arith.constant 0 : i32
      %dma_wait3A_204 = tpu.memref_slice %arg6[%dma_wait3A_202, %dma_wait3A_203] : memref<100096x16xf32, #tpu.memory_space<vmem_shared>> -> memref<100096x16xf32, #tpu.memory_space<vmem_shared>>
      tpu.wait_indirect_dma semaphore(%arg9 : memref<!tpu.dma_semaphore, #tpu.memory_space<semaphore_mem>>) src(%arg8 : memref<128x16xf32, #tpu.memory_space<vmem>>) dst(%dma_wait3A_204 : memref<100096x16xf32, #tpu.memory_space<vmem_shared>>)
      %dma_wait3A_205 = arith.constant 4 : i32
      %dma_wait3A_206 = arith.constant 0 : i32
      %dma_wait3A_207 = tpu.memref_slice %arg7[%sub3A_176, %dma_wait3A_205, %dma_wait3A_206] : memref<2x8x128xi32, #tpu.memory_space<vmem>> -> memref<1x1x128xi32, #tpu.memory_space<vmem>>
      %dma_wait3A_208 = tpu.memref_squeeze %dma_wait3A_207 : memref<1x1x128xi32, #tpu.memory_space<vmem>> -> memref<128xi32, #tpu.memory_space<vmem>>
      %dma_wait3A_209 = arith.constant 0 : i32
      %dma_wait3A_210 = arith.constant 0 : i32
      %dma_wait3A_211 = tpu.memref_slice %arg6[%dma_wait3A_209, %dma_wait3A_210] : memref<100096x16xf32, #tpu.memory_space<vmem_shared>> -> memref<100096x16xf32, #tpu.memory_space<vmem_shared>>
      tpu.wait_indirect_dma semaphore(%arg9 : memref<!tpu.dma_semaphore, #tpu.memory_space<semaphore_mem>>) src(%arg8 : memref<128x16xf32, #tpu.memory_space<vmem>>) dst(%dma_wait3A_211 : memref<100096x16xf32, #tpu.memory_space<vmem_shared>>)
      %dma_wait3A_212 = arith.constant 5 : i32
      %dma_wait3A_213 = arith.constant 0 : i32
      %dma_wait3A_214 = tpu.memref_slice %arg7[%sub3A_176, %dma_wait3A_212, %dma_wait3A_213] : memref<2x8x128xi32, #tpu.memory_space<vmem>> -> memref<1x1x128xi32, #tpu.memory_space<vmem>>
      %dma_wait3A_215 = tpu.memref_squeeze %dma_wait3A_214 : memref<1x1x128xi32, #tpu.memory_space<vmem>> -> memref<128xi32, #tpu.memory_space<vmem>>
      %dma_wait3A_216 = arith.constant 0 : i32
      %dma_wait3A_217 = arith.constant 0 : i32
      %dma_wait3A_218 = tpu.memref_slice %arg6[%dma_wait3A_216, %dma_wait3A_217] : memref<100096x16xf32, #tpu.memory_space<vmem_shared>> -> memref<100096x16xf32, #tpu.memory_space<vmem_shared>>
      tpu.wait_indirect_dma semaphore(%arg9 : memref<!tpu.dma_semaphore, #tpu.memory_space<semaphore_mem>>) src(%arg8 : memref<128x16xf32, #tpu.memory_space<vmem>>) dst(%dma_wait3A_218 : memref<100096x16xf32, #tpu.memory_space<vmem_shared>>)
      %dma_wait3A_219 = arith.constant 6 : i32
      %dma_wait3A_220 = arith.constant 0 : i32
      %dma_wait3A_221 = tpu.memref_slice %arg7[%sub3A_176, %dma_wait3A_219, %dma_wait3A_220] : memref<2x8x128xi32, #tpu.memory_space<vmem>> -> memref<1x1x128xi32, #tpu.memory_space<vmem>>
      %dma_wait3A_222 = tpu.memref_squeeze %dma_wait3A_221 : memref<1x1x128xi32, #tpu.memory_space<vmem>> -> memref<128xi32, #tpu.memory_space<vmem>>
      %dma_wait3A_223 = arith.constant 0 : i32
      %dma_wait3A_224 = arith.constant 0 : i32
      %dma_wait3A_225 = tpu.memref_slice %arg6[%dma_wait3A_223, %dma_wait3A_224] : memref<100096x16xf32, #tpu.memory_space<vmem_shared>> -> memref<100096x16xf32, #tpu.memory_space<vmem_shared>>
      tpu.wait_indirect_dma semaphore(%arg9 : memref<!tpu.dma_semaphore, #tpu.memory_space<semaphore_mem>>) src(%arg8 : memref<128x16xf32, #tpu.memory_space<vmem>>) dst(%dma_wait3A_225 : memref<100096x16xf32, #tpu.memory_space<vmem_shared>>)
      %dma_wait3A_226 = arith.constant 7 : i32
      %dma_wait3A_227 = arith.constant 0 : i32
      %dma_wait3A_228 = tpu.memref_slice %arg7[%sub3A_176, %dma_wait3A_226, %dma_wait3A_227] : memref<2x8x128xi32, #tpu.memory_space<vmem>> -> memref<1x1x128xi32, #tpu.memory_space<vmem>>
      %dma_wait3A_229 = tpu.memref_squeeze %dma_wait3A_228 : memref<1x1x128xi32, #tpu.memory_space<vmem>> -> memref<128xi32, #tpu.memory_space<vmem>>
      %dma_wait3A_230 = arith.constant 0 : i32
      %dma_wait3A_231 = arith.constant 0 : i32
      %dma_wait3A_232 = tpu.memref_slice %arg6[%dma_wait3A_230, %dma_wait3A_231] : memref<100096x16xf32, #tpu.memory_space<vmem_shared>> -> memref<100096x16xf32, #tpu.memory_space<vmem_shared>>
      tpu.wait_indirect_dma semaphore(%arg9 : memref<!tpu.dma_semaphore, #tpu.memory_space<semaphore_mem>>) src(%arg8 : memref<128x16xf32, #tpu.memory_space<vmem>>) dst(%dma_wait3A_232 : memref<100096x16xf32, #tpu.memory_space<vmem_shared>>)
      %add3A = arith.constant 1 : i32
      %add3A_233 = arith.addi %scan3A_174, %add3A : i32
      %rem3A_234 = arith.constant 49 : i32
      %rem3A_235 = arith.remsi %add3A_233, %rem3A_234 : i32
      %mul3A_236 = arith.constant 392 : i32
      %mul3A_237 = arith.muli %arg0, %mul3A_236 : i32
      %mul3A_238 = arith.constant 8 : i32
      %mul3A_239 = arith.muli %rem3A_235, %mul3A_238 : i32
      %add3A_240 = arith.addi %mul3A_237, %mul3A_239 : i32
      %dma_start3A_241 = arith.constant 0 : i32
      %dma_start3A_242 = arith.constant 0 : i32
      %dma_start3A_243 = tpu.memref_slice %arg7[%sub3A_176, %dma_start3A_241, %dma_start3A_242] : memref<2x8x128xi32, #tpu.memory_space<vmem>> -> memref<1x8x128xi32, #tpu.memory_space<vmem>>
      %dma_start3A_244 = tpu.memref_squeeze %dma_start3A_243 : memref<1x8x128xi32, #tpu.memory_space<vmem>> -> memref<8x128xi32, #tpu.memory_space<vmem>>
      %dma_start3A_245 = arith.constant 0 : i32
      %dma_start3A_246 = tpu.memref_slice %arg2[%arg1, %add3A_240, %dma_start3A_245] : memref<16x784x128xi32, #tpu.memory_space<hbm>> -> memref<1x8x128xi32, #tpu.memory_space<hbm>>
      %dma_start3A_247 = tpu.memref_squeeze %dma_start3A_246 : memref<1x8x128xi32, #tpu.memory_space<hbm>> -> memref<8x128xi32, #tpu.memory_space<hbm>>
      %dma_start3A_248 = tpu.memref_slice %arg10[%sub3A_176] : memref<2x!tpu.dma_semaphore, #tpu.memory_space<semaphore_mem>> -> memref<1x!tpu.dma_semaphore, #tpu.memory_space<semaphore_mem>>
      %dma_start3A_249 = tpu.memref_squeeze %dma_start3A_248 : memref<1x!tpu.dma_semaphore, #tpu.memory_space<semaphore_mem>> -> memref<!tpu.dma_semaphore, #tpu.memory_space<semaphore_mem>>
      %dma_start3A_250 = arith.constant 0 : i32
      %dma_start3A_251 = arith.constant 0 : i32
      %dma_start3A_252 = tpu.memref_slice %arg7[%sub3A_176, %dma_start3A_250, %dma_start3A_251] : memref<2x8x128xi32, #tpu.memory_space<vmem>> -> memref<1x8x128xi32, #tpu.memory_space<vmem>>
      %dma_start3A_253 = tpu.memref_squeeze %dma_start3A_252 : memref<1x8x128xi32, #tpu.memory_space<vmem>> -> memref<8x128xi32, #tpu.memory_space<vmem>>
      %dma_start3A_254 = arith.constant 0 : i32
      %dma_start3A_255 = tpu.memref_slice %arg2[%arg1, %add3A_240, %dma_start3A_254] : memref<16x784x128xi32, #tpu.memory_space<hbm>> -> memref<1x8x128xi32, #tpu.memory_space<hbm>>
      %dma_start3A_256 = tpu.memref_squeeze %dma_start3A_255 : memref<1x8x128xi32, #tpu.memory_space<hbm>> -> memref<8x128xi32, #tpu.memory_space<hbm>>
      tpu.enqueue_dma source(%dma_start3A_256 : memref<8x128xi32, #tpu.memory_space<hbm>>) target(%dma_start3A_253 : memref<8x128xi32, #tpu.memory_space<vmem>>) target_semaphore(%dma_start3A_249 : memref<!tpu.dma_semaphore, #tpu.memory_space<semaphore_mem>>)
      %mul3A_257 = arith.constant 392 : i32
      %mul3A_258 = arith.muli %arg0, %mul3A_257 : i32
      %mul3A_259 = arith.constant 8 : i32
      %mul3A_260 = arith.muli %scan3A_174, %mul3A_259 : i32
      %add3A_261 = arith.addi %mul3A_258, %mul3A_260 : i32
      %dma_wait3A_262 = arith.constant 0 : i32
      %dma_wait3A_263 = arith.constant 0 : i32
      %dma_wait3A_264 = tpu.memref_slice %arg7[%rem3A_175, %dma_wait3A_262, %dma_wait3A_263] : memref<2x8x128xi32, #tpu.memory_space<vmem>> -> memref<1x8x128xi32, #tpu.memory_space<vmem>>
      %dma_wait3A_265 = tpu.memref_squeeze %dma_wait3A_264 : memref<1x8x128xi32, #tpu.memory_space<vmem>> -> memref<8x128xi32, #tpu.memory_space<vmem>>
      %dma_wait3A_266 = arith.constant 0 : i32
      %dma_wait3A_267 = tpu.memref_slice %arg2[%arg1, %add3A_261, %dma_wait3A_266] : memref<16x784x128xi32, #tpu.memory_space<hbm>> -> memref<1x8x128xi32, #tpu.memory_space<hbm>>
      %dma_wait3A_268 = tpu.memref_squeeze %dma_wait3A_267 : memref<1x8x128xi32, #tpu.memory_space<hbm>> -> memref<8x128xi32, #tpu.memory_space<hbm>>
      %dma_wait3A_269 = tpu.memref_slice %arg10[%rem3A_175] : memref<2x!tpu.dma_semaphore, #tpu.memory_space<semaphore_mem>> -> memref<1x!tpu.dma_semaphore, #tpu.memory_space<semaphore_mem>>
      %dma_wait3A_270 = tpu.memref_squeeze %dma_wait3A_269 : memref<1x!tpu.dma_semaphore, #tpu.memory_space<semaphore_mem>> -> memref<!tpu.dma_semaphore, #tpu.memory_space<semaphore_mem>>
      %dma_wait3A_271 = arith.constant 0 : i32
      %dma_wait3A_272 = arith.constant 0 : i32
      %dma_wait3A_273 = tpu.memref_slice %arg7[%rem3A_175, %dma_wait3A_271, %dma_wait3A_272] : memref<2x8x128xi32, #tpu.memory_space<vmem>> -> memref<1x8x128xi32, #tpu.memory_space<vmem>>
      %dma_wait3A_274 = tpu.memref_squeeze %dma_wait3A_273 : memref<1x8x128xi32, #tpu.memory_space<vmem>> -> memref<8x128xi32, #tpu.memory_space<vmem>>
      %dma_wait3A_275 = arith.constant 0 : i32
      %dma_wait3A_276 = tpu.memref_slice %arg2[%arg1, %add3A_261, %dma_wait3A_275] : memref<16x784x128xi32, #tpu.memory_space<hbm>> -> memref<1x8x128xi32, #tpu.memory_space<hbm>>
      %dma_wait3A_277 = tpu.memref_squeeze %dma_wait3A_276 : memref<1x8x128xi32, #tpu.memory_space<hbm>> -> memref<8x128xi32, #tpu.memory_space<hbm>>
      tpu.wait_dma2 semaphore(%dma_wait3A_270 : memref<!tpu.dma_semaphore, #tpu.memory_space<semaphore_mem>>) src(%dma_wait3A_277 : memref<8x128xi32, #tpu.memory_space<hbm>>) dst(%dma_wait3A_274 : memref<8x128xi32, #tpu.memory_space<vmem>>)
      %dma_start3A_278 = arith.constant 0 : i32
      %dma_start3A_279 = arith.constant 0 : i32
      %dma_start3A_280 = tpu.memref_slice %arg7[%rem3A_175, %dma_start3A_278, %dma_start3A_279] : memref<2x8x128xi32, #tpu.memory_space<vmem>> -> memref<1x1x128xi32, #tpu.memory_space<vmem>>
      %dma_start3A_281 = tpu.memref_squeeze %dma_start3A_280 : memref<1x1x128xi32, #tpu.memory_space<vmem>> -> memref<128xi32, #tpu.memory_space<vmem>>
      %dma_start3A_282 = arith.constant 0 : i32
      %dma_start3A_283 = arith.constant 0 : i32
      %dma_start3A_284 = tpu.memref_slice %arg6[%dma_start3A_282, %dma_start3A_283] : memref<100096x16xf32, #tpu.memory_space<vmem_shared>> -> memref<100096x16xf32, #tpu.memory_space<vmem_shared>>
      tpu.enqueue_indirect_dma source(%arg8 : memref<128x16xf32, #tpu.memory_space<vmem>>) target(%dma_start3A_284 : memref<100096x16xf32, #tpu.memory_space<vmem_shared>>) offsets(%dma_start3A_281 : memref<128xi32, #tpu.memory_space<vmem>>) semaphore(%arg9 : memref<!tpu.dma_semaphore, #tpu.memory_space<semaphore_mem>>) {add = true}
      %dma_start3A_285 = arith.constant 1 : i32
      %dma_start3A_286 = arith.constant 0 : i32
      %dma_start3A_287 = tpu.memref_slice %arg7[%rem3A_175, %dma_start3A_285, %dma_start3A_286] : memref<2x8x128xi32, #tpu.memory_space<vmem>> -> memref<1x1x128xi32, #tpu.memory_space<vmem>>
      %dma_start3A_288 = tpu.memref_squeeze %dma_start3A_287 : memref<1x1x128xi32, #tpu.memory_space<vmem>> -> memref<128xi32, #tpu.memory_space<vmem>>
      %dma_start3A_289 = arith.constant 0 : i32
      %dma_start3A_290 = arith.constant 0 : i32
      %dma_start3A_291 = tpu.memref_slice %arg6[%dma_start3A_289, %dma_start3A_290] : memref<100096x16xf32, #tpu.memory_space<vmem_shared>> -> memref<100096x16xf32, #tpu.memory_space<vmem_shared>>
      tpu.enqueue_indirect_dma source(%arg8 : memref<128x16xf32, #tpu.memory_space<vmem>>) target(%dma_start3A_291 : memref<100096x16xf32, #tpu.memory_space<vmem_shared>>) offsets(%dma_start3A_288 : memref<128xi32, #tpu.memory_space<vmem>>) semaphore(%arg9 : memref<!tpu.dma_semaphore, #tpu.memory_space<semaphore_mem>>) {add = true}
      %dma_start3A_292 = arith.constant 2 : i32
      %dma_start3A_293 = arith.constant 0 : i32
      %dma_start3A_294 = tpu.memref_slice %arg7[%rem3A_175, %dma_start3A_292, %dma_start3A_293] : memref<2x8x128xi32, #tpu.memory_space<vmem>> -> memref<1x1x128xi32, #tpu.memory_space<vmem>>
      %dma_start3A_295 = tpu.memref_squeeze %dma_start3A_294 : memref<1x1x128xi32, #tpu.memory_space<vmem>> -> memref<128xi32, #tpu.memory_space<vmem>>
      %dma_start3A_296 = arith.constant 0 : i32
      %dma_start3A_297 = arith.constant 0 : i32
      %dma_start3A_298 = tpu.memref_slice %arg6[%dma_start3A_296, %dma_start3A_297] : memref<100096x16xf32, #tpu.memory_space<vmem_shared>> -> memref<100096x16xf32, #tpu.memory_space<vmem_shared>>
      tpu.enqueue_indirect_dma source(%arg8 : memref<128x16xf32, #tpu.memory_space<vmem>>) target(%dma_start3A_298 : memref<100096x16xf32, #tpu.memory_space<vmem_shared>>) offsets(%dma_start3A_295 : memref<128xi32, #tpu.memory_space<vmem>>) semaphore(%arg9 : memref<!tpu.dma_semaphore, #tpu.memory_space<semaphore_mem>>) {add = true}
      %dma_start3A_299 = arith.constant 3 : i32
      %dma_start3A_300 = arith.constant 0 : i32
      %dma_start3A_301 = tpu.memref_slice %arg7[%rem3A_175, %dma_start3A_299, %dma_start3A_300] : memref<2x8x128xi32, #tpu.memory_space<vmem>> -> memref<1x1x128xi32, #tpu.memory_space<vmem>>
      %dma_start3A_302 = tpu.memref_squeeze %dma_start3A_301 : memref<1x1x128xi32, #tpu.memory_space<vmem>> -> memref<128xi32, #tpu.memory_space<vmem>>
      %dma_start3A_303 = arith.constant 0 : i32
      %dma_start3A_304 = arith.constant 0 : i32
      %dma_start3A_305 = tpu.memref_slice %arg6[%dma_start3A_303, %dma_start3A_304] : memref<100096x16xf32, #tpu.memory_space<vmem_shared>> -> memref<100096x16xf32, #tpu.memory_space<vmem_shared>>
      tpu.enqueue_indirect_dma source(%arg8 : memref<128x16xf32, #tpu.memory_space<vmem>>) target(%dma_start3A_305 : memref<100096x16xf32, #tpu.memory_space<vmem_shared>>) offsets(%dma_start3A_302 : memref<128xi32, #tpu.memory_space<vmem>>) semaphore(%arg9 : memref<!tpu.dma_semaphore, #tpu.memory_space<semaphore_mem>>) {add = true}
      %dma_start3A_306 = arith.constant 4 : i32
      %dma_start3A_307 = arith.constant 0 : i32
      %dma_start3A_308 = tpu.memref_slice %arg7[%rem3A_175, %dma_start3A_306, %dma_start3A_307] : memref<2x8x128xi32, #tpu.memory_space<vmem>> -> memref<1x1x128xi32, #tpu.memory_space<vmem>>
      %dma_start3A_309 = tpu.memref_squeeze %dma_start3A_308 : memref<1x1x128xi32, #tpu.memory_space<vmem>> -> memref<128xi32, #tpu.memory_space<vmem>>
      %dma_start3A_310 = arith.constant 0 : i32
      %dma_start3A_311 = arith.constant 0 : i32
      %dma_start3A_312 = tpu.memref_slice %arg6[%dma_start3A_310, %dma_start3A_311] : memref<100096x16xf32, #tpu.memory_space<vmem_shared>> -> memref<100096x16xf32, #tpu.memory_space<vmem_shared>>
      tpu.enqueue_indirect_dma source(%arg8 : memref<128x16xf32, #tpu.memory_space<vmem>>) target(%dma_start3A_312 : memref<100096x16xf32, #tpu.memory_space<vmem_shared>>) offsets(%dma_start3A_309 : memref<128xi32, #tpu.memory_space<vmem>>) semaphore(%arg9 : memref<!tpu.dma_semaphore, #tpu.memory_space<semaphore_mem>>) {add = true}
      %dma_start3A_313 = arith.constant 5 : i32
      %dma_start3A_314 = arith.constant 0 : i32
      %dma_start3A_315 = tpu.memref_slice %arg7[%rem3A_175, %dma_start3A_313, %dma_start3A_314] : memref<2x8x128xi32, #tpu.memory_space<vmem>> -> memref<1x1x128xi32, #tpu.memory_space<vmem>>
      %dma_start3A_316 = tpu.memref_squeeze %dma_start3A_315 : memref<1x1x128xi32, #tpu.memory_space<vmem>> -> memref<128xi32, #tpu.memory_space<vmem>>
      %dma_start3A_317 = arith.constant 0 : i32
      %dma_start3A_318 = arith.constant 0 : i32
      %dma_start3A_319 = tpu.memref_slice %arg6[%dma_start3A_317, %dma_start3A_318] : memref<100096x16xf32, #tpu.memory_space<vmem_shared>> -> memref<100096x16xf32, #tpu.memory_space<vmem_shared>>
      tpu.enqueue_indirect_dma source(%arg8 : memref<128x16xf32, #tpu.memory_space<vmem>>) target(%dma_start3A_319 : memref<100096x16xf32, #tpu.memory_space<vmem_shared>>) offsets(%dma_start3A_316 : memref<128xi32, #tpu.memory_space<vmem>>) semaphore(%arg9 : memref<!tpu.dma_semaphore, #tpu.memory_space<semaphore_mem>>) {add = true}
      %dma_start3A_320 = arith.constant 6 : i32
      %dma_start3A_321 = arith.constant 0 : i32
      %dma_start3A_322 = tpu.memref_slice %arg7[%rem3A_175, %dma_start3A_320, %dma_start3A_321] : memref<2x8x128xi32, #tpu.memory_space<vmem>> -> memref<1x1x128xi32, #tpu.memory_space<vmem>>
      %dma_start3A_323 = tpu.memref_squeeze %dma_start3A_322 : memref<1x1x128xi32, #tpu.memory_space<vmem>> -> memref<128xi32, #tpu.memory_space<vmem>>
      %dma_start3A_324 = arith.constant 0 : i32
      %dma_start3A_325 = arith.constant 0 : i32
      %dma_start3A_326 = tpu.memref_slice %arg6[%dma_start3A_324, %dma_start3A_325] : memref<100096x16xf32, #tpu.memory_space<vmem_shared>> -> memref<100096x16xf32, #tpu.memory_space<vmem_shared>>
      tpu.enqueue_indirect_dma source(%arg8 : memref<128x16xf32, #tpu.memory_space<vmem>>) target(%dma_start3A_326 : memref<100096x16xf32, #tpu.memory_space<vmem_shared>>) offsets(%dma_start3A_323 : memref<128xi32, #tpu.memory_space<vmem>>) semaphore(%arg9 : memref<!tpu.dma_semaphore, #tpu.memory_space<semaphore_mem>>) {add = true}
      %dma_start3A_327 = arith.constant 7 : i32
      %dma_start3A_328 = arith.constant 0 : i32
      %dma_start3A_329 = tpu.memref_slice %arg7[%rem3A_175, %dma_start3A_327, %dma_start3A_328] : memref<2x8x128xi32, #tpu.memory_space<vmem>> -> memref<1x1x128xi32, #tpu.memory_space<vmem>>
      %dma_start3A_330 = tpu.memref_squeeze %dma_start3A_329 : memref<1x1x128xi32, #tpu.memory_space<vmem>> -> memref<128xi32, #tpu.memory_space<vmem>>
      %dma_start3A_331 = arith.constant 0 : i32
      %dma_start3A_332 = arith.constant 0 : i32
      %dma_start3A_333 = tpu.memref_slice %arg6[%dma_start3A_331, %dma_start3A_332] : memref<100096x16xf32, #tpu.memory_space<vmem_shared>> -> memref<100096x16xf32, #tpu.memory_space<vmem_shared>>
      tpu.enqueue_indirect_dma source(%arg8 : memref<128x16xf32, #tpu.memory_space<vmem>>) target(%dma_start3A_333 : memref<100096x16xf32, #tpu.memory_space<vmem_shared>>) offsets(%dma_start3A_330 : memref<128xi32, #tpu.memory_space<vmem>>) semaphore(%arg9 : memref<!tpu.dma_semaphore, #tpu.memory_space<semaphore_mem>>) {add = true}
    }
    %scan3A_89 = arith.constant 49 : i32
    %mul3A_90 = arith.constant 392 : i32
    %mul3A_91 = arith.muli %arg0, %mul3A_90 : i32
    %dma_wait3A = arith.constant 1 : i32
    %dma_wait3A_92 = arith.constant 1 : i32
    %dma_wait3A_93 = arith.constant 0 : i32
    %dma_wait3A_94 = arith.constant 0 : i32
    %dma_wait3A_95 = tpu.memref_slice %arg7[%dma_wait3A, %dma_wait3A_93, %dma_wait3A_94] : memref<2x8x128xi32, #tpu.memory_space<vmem>> -> memref<1x8x128xi32, #tpu.memory_space<vmem>>
    %dma_wait3A_96 = tpu.memref_squeeze %dma_wait3A_95 : memref<1x8x128xi32, #tpu.memory_space<vmem>> -> memref<8x128xi32, #tpu.memory_space<vmem>>
    %dma_wait3A_97 = arith.constant 0 : i32
    %dma_wait3A_98 = tpu.memref_slice %arg2[%arg1, %mul3A_91, %dma_wait3A_97] : memref<16x784x128xi32, #tpu.memory_space<hbm>> -> memref<1x8x128xi32, #tpu.memory_space<hbm>>
    %dma_wait3A_99 = tpu.memref_squeeze %dma_wait3A_98 : memref<1x8x128xi32, #tpu.memory_space<hbm>> -> memref<8x128xi32, #tpu.memory_space<hbm>>
    %dma_wait3A_100 = tpu.memref_slice %arg10[%dma_wait3A_92] : memref<2x!tpu.dma_semaphore, #tpu.memory_space<semaphore_mem>> -> memref<1x!tpu.dma_semaphore, #tpu.memory_space<semaphore_mem>>
    %dma_wait3A_101 = tpu.memref_squeeze %dma_wait3A_100 : memref<1x!tpu.dma_semaphore, #tpu.memory_space<semaphore_mem>> -> memref<!tpu.dma_semaphore, #tpu.memory_space<semaphore_mem>>
    %dma_wait3A_102 = arith.constant 0 : i32
    %dma_wait3A_103 = arith.constant 0 : i32
    %dma_wait3A_104 = tpu.memref_slice %arg7[%dma_wait3A, %dma_wait3A_102, %dma_wait3A_103] : memref<2x8x128xi32, #tpu.memory_space<vmem>> -> memref<1x8x128xi32, #tpu.memory_space<vmem>>
    %dma_wait3A_105 = tpu.memref_squeeze %dma_wait3A_104 : memref<1x8x128xi32, #tpu.memory_space<vmem>> -> memref<8x128xi32, #tpu.memory_space<vmem>>
    %dma_wait3A_106 = arith.constant 0 : i32
    %dma_wait3A_107 = tpu.memref_slice %arg2[%arg1, %mul3A_91, %dma_wait3A_106] : memref<16x784x128xi32, #tpu.memory_space<hbm>> -> memref<1x8x128xi32, #tpu.memory_space<hbm>>
    %dma_wait3A_108 = tpu.memref_squeeze %dma_wait3A_107 : memref<1x8x128xi32, #tpu.memory_space<hbm>> -> memref<8x128xi32, #tpu.memory_space<hbm>>
    tpu.wait_dma2 semaphore(%dma_wait3A_101 : memref<!tpu.dma_semaphore, #tpu.memory_space<semaphore_mem>>) src(%dma_wait3A_108 : memref<8x128xi32, #tpu.memory_space<hbm>>) dst(%dma_wait3A_105 : memref<8x128xi32, #tpu.memory_space<vmem>>)
    %dma_wait3A_109 = arith.constant 0 : i32
    %dma_wait3A_110 = arith.constant 0 : i32
    %dma_wait3A_111 = arith.constant 0 : i32
    %dma_wait3A_112 = tpu.memref_slice %arg7[%dma_wait3A_109, %dma_wait3A_110, %dma_wait3A_111] : memref<2x8x128xi32, #tpu.memory_space<vmem>> -> memref<1x1x128xi32, #tpu.memory_space<vmem>>
    %dma_wait3A_113 = tpu.memref_squeeze %dma_wait3A_112 : memref<1x1x128xi32, #tpu.memory_space<vmem>> -> memref<128xi32, #tpu.memory_space<vmem>>
    %dma_wait3A_114 = arith.constant 0 : i32
    %dma_wait3A_115 = arith.constant 0 : i32
    %dma_wait3A_116 = tpu.memref_slice %arg6[%dma_wait3A_114, %dma_wait3A_115] : memref<100096x16xf32, #tpu.memory_space<vmem_shared>> -> memref<100096x16xf32, #tpu.memory_space<vmem_shared>>
    tpu.wait_indirect_dma semaphore(%arg9 : memref<!tpu.dma_semaphore, #tpu.memory_space<semaphore_mem>>) src(%arg8 : memref<128x16xf32, #tpu.memory_space<vmem>>) dst(%dma_wait3A_116 : memref<100096x16xf32, #tpu.memory_space<vmem_shared>>)
    %dma_wait3A_117 = arith.constant 0 : i32
    %dma_wait3A_118 = arith.constant 1 : i32
    %dma_wait3A_119 = arith.constant 0 : i32
    %dma_wait3A_120 = tpu.memref_slice %arg7[%dma_wait3A_117, %dma_wait3A_118, %dma_wait3A_119] : memref<2x8x128xi32, #tpu.memory_space<vmem>> -> memref<1x1x128xi32, #tpu.memory_space<vmem>>
    %dma_wait3A_121 = tpu.memref_squeeze %dma_wait3A_120 : memref<1x1x128xi32, #tpu.memory_space<vmem>> -> memref<128xi32, #tpu.memory_space<vmem>>
    %dma_wait3A_122 = arith.constant 0 : i32
    %dma_wait3A_123 = arith.constant 0 : i32
    %dma_wait3A_124 = tpu.memref_slice %arg6[%dma_wait3A_122, %dma_wait3A_123] : memref<100096x16xf32, #tpu.memory_space<vmem_shared>> -> memref<100096x16xf32, #tpu.memory_space<vmem_shared>>
    tpu.wait_indirect_dma semaphore(%arg9 : memref<!tpu.dma_semaphore, #tpu.memory_space<semaphore_mem>>) src(%arg8 : memref<128x16xf32, #tpu.memory_space<vmem>>) dst(%dma_wait3A_124 : memref<100096x16xf32, #tpu.memory_space<vmem_shared>>)
    %dma_wait3A_125 = arith.constant 0 : i32
    %dma_wait3A_126 = arith.constant 2 : i32
    %dma_wait3A_127 = arith.constant 0 : i32
    %dma_wait3A_128 = tpu.memref_slice %arg7[%dma_wait3A_125, %dma_wait3A_126, %dma_wait3A_127] : memref<2x8x128xi32, #tpu.memory_space<vmem>> -> memref<1x1x128xi32, #tpu.memory_space<vmem>>
    %dma_wait3A_129 = tpu.memref_squeeze %dma_wait3A_128 : memref<1x1x128xi32, #tpu.memory_space<vmem>> -> memref<128xi32, #tpu.memory_space<vmem>>
    %dma_wait3A_130 = arith.constant 0 : i32
    %dma_wait3A_131 = arith.constant 0 : i32
    %dma_wait3A_132 = tpu.memref_slice %arg6[%dma_wait3A_130, %dma_wait3A_131] : memref<100096x16xf32, #tpu.memory_space<vmem_shared>> -> memref<100096x16xf32, #tpu.memory_space<vmem_shared>>
    tpu.wait_indirect_dma semaphore(%arg9 : memref<!tpu.dma_semaphore, #tpu.memory_space<semaphore_mem>>) src(%arg8 : memref<128x16xf32, #tpu.memory_space<vmem>>) dst(%dma_wait3A_132 : memref<100096x16xf32, #tpu.memory_space<vmem_shared>>)
    %dma_wait3A_133 = arith.constant 0 : i32
    %dma_wait3A_134 = arith.constant 3 : i32
    %dma_wait3A_135 = arith.constant 0 : i32
    %dma_wait3A_136 = tpu.memref_slice %arg7[%dma_wait3A_133, %dma_wait3A_134, %dma_wait3A_135] : memref<2x8x128xi32, #tpu.memory_space<vmem>> -> memref<1x1x128xi32, #tpu.memory_space<vmem>>
    %dma_wait3A_137 = tpu.memref_squeeze %dma_wait3A_136 : memref<1x1x128xi32, #tpu.memory_space<vmem>> -> memref<128xi32, #tpu.memory_space<vmem>>
    %dma_wait3A_138 = arith.constant 0 : i32
    %dma_wait3A_139 = arith.constant 0 : i32
    %dma_wait3A_140 = tpu.memref_slice %arg6[%dma_wait3A_138, %dma_wait3A_139] : memref<100096x16xf32, #tpu.memory_space<vmem_shared>> -> memref<100096x16xf32, #tpu.memory_space<vmem_shared>>
    tpu.wait_indirect_dma semaphore(%arg9 : memref<!tpu.dma_semaphore, #tpu.memory_space<semaphore_mem>>) src(%arg8 : memref<128x16xf32, #tpu.memory_space<vmem>>) dst(%dma_wait3A_140 : memref<100096x16xf32, #tpu.memory_space<vmem_shared>>)
    %dma_wait3A_141 = arith.constant 0 : i32
    %dma_wait3A_142 = arith.constant 4 : i32
    %dma_wait3A_143 = arith.constant 0 : i32
    %dma_wait3A_144 = tpu.memref_slice %arg7[%dma_wait3A_141, %dma_wait3A_142, %dma_wait3A_143] : memref<2x8x128xi32, #tpu.memory_space<vmem>> -> memref<1x1x128xi32, #tpu.memory_space<vmem>>
    %dma_wait3A_145 = tpu.memref_squeeze %dma_wait3A_144 : memref<1x1x128xi32, #tpu.memory_space<vmem>> -> memref<128xi32, #tpu.memory_space<vmem>>
    %dma_wait3A_146 = arith.constant 0 : i32
    %dma_wait3A_147 = arith.constant 0 : i32
    %dma_wait3A_148 = tpu.memref_slice %arg6[%dma_wait3A_146, %dma_wait3A_147] : memref<100096x16xf32, #tpu.memory_space<vmem_shared>> -> memref<100096x16xf32, #tpu.memory_space<vmem_shared>>
    tpu.wait_indirect_dma semaphore(%arg9 : memref<!tpu.dma_semaphore, #tpu.memory_space<semaphore_mem>>) src(%arg8 : memref<128x16xf32, #tpu.memory_space<vmem>>) dst(%dma_wait3A_148 : memref<100096x16xf32, #tpu.memory_space<vmem_shared>>)
    %dma_wait3A_149 = arith.constant 0 : i32
    %dma_wait3A_150 = arith.constant 5 : i32
    %dma_wait3A_151 = arith.constant 0 : i32
    %dma_wait3A_152 = tpu.memref_slice %arg7[%dma_wait3A_149, %dma_wait3A_150, %dma_wait3A_151] : memref<2x8x128xi32, #tpu.memory_space<vmem>> -> memref<1x1x128xi32, #tpu.memory_space<vmem>>
    %dma_wait3A_153 = tpu.memref_squeeze %dma_wait3A_152 : memref<1x1x128xi32, #tpu.memory_space<vmem>> -> memref<128xi32, #tpu.memory_space<vmem>>
    %dma_wait3A_154 = arith.constant 0 : i32
    %dma_wait3A_155 = arith.constant 0 : i32
    %dma_wait3A_156 = tpu.memref_slice %arg6[%dma_wait3A_154, %dma_wait3A_155] : memref<100096x16xf32, #tpu.memory_space<vmem_shared>> -> memref<100096x16xf32, #tpu.memory_space<vmem_shared>>
    tpu.wait_indirect_dma semaphore(%arg9 : memref<!tpu.dma_semaphore, #tpu.memory_space<semaphore_mem>>) src(%arg8 : memref<128x16xf32, #tpu.memory_space<vmem>>) dst(%dma_wait3A_156 : memref<100096x16xf32, #tpu.memory_space<vmem_shared>>)
    %dma_wait3A_157 = arith.constant 0 : i32
    %dma_wait3A_158 = arith.constant 6 : i32
    %dma_wait3A_159 = arith.constant 0 : i32
    %dma_wait3A_160 = tpu.memref_slice %arg7[%dma_wait3A_157, %dma_wait3A_158, %dma_wait3A_159] : memref<2x8x128xi32, #tpu.memory_space<vmem>> -> memref<1x1x128xi32, #tpu.memory_space<vmem>>
    %dma_wait3A_161 = tpu.memref_squeeze %dma_wait3A_160 : memref<1x1x128xi32, #tpu.memory_space<vmem>> -> memref<128xi32, #tpu.memory_space<vmem>>
    %dma_wait3A_162 = arith.constant 0 : i32
    %dma_wait3A_163 = arith.constant 0 : i32
    %dma_wait3A_164 = tpu.memref_slice %arg6[%dma_wait3A_162, %dma_wait3A_163] : memref<100096x16xf32, #tpu.memory_space<vmem_shared>> -> memref<100096x16xf32, #tpu.memory_space<vmem_shared>>
    tpu.wait_indirect_dma semaphore(%arg9 : memref<!tpu.dma_semaphore, #tpu.memory_space<semaphore_mem>>) src(%arg8 : memref<128x16xf32, #tpu.memory_space<vmem>>) dst(%dma_wait3A_164 : memref<100096x16xf32, #tpu.memory_space<vmem_shared>>)
    %dma_wait3A_165 = arith.constant 0 : i32
    %dma_wait3A_166 = arith.constant 7 : i32
    %dma_wait3A_167 = arith.constant 0 : i32
    %dma_wait3A_168 = tpu.memref_slice %arg7[%dma_wait3A_165, %dma_wait3A_166, %dma_wait3A_167] : memref<2x8x128xi32, #tpu.memory_space<vmem>> -> memref<1x1x128xi32, #tpu.memory_space<vmem>>
    %dma_wait3A_169 = tpu.memref_squeeze %dma_wait3A_168 : memref<1x1x128xi32, #tpu.memory_space<vmem>> -> memref<128xi32, #tpu.memory_space<vmem>>
    %dma_wait3A_170 = arith.constant 0 : i32
    %dma_wait3A_171 = arith.constant 0 : i32
    %dma_wait3A_172 = tpu.memref_slice %arg6[%dma_wait3A_170, %dma_wait3A_171] : memref<100096x16xf32, #tpu.memory_space<vmem_shared>> -> memref<100096x16xf32, #tpu.memory_space<vmem_shared>>
    tpu.wait_indirect_dma semaphore(%arg9 : memref<!tpu.dma_semaphore, #tpu.memory_space<semaphore_mem>>) src(%arg8 : memref<128x16xf32, #tpu.memory_space<vmem>>) dst(%dma_wait3A_172 : memref<100096x16xf32, #tpu.memory_space<vmem_shared>>)
    %barrier3A_173 = arith.constant 0 : index
    tpu.barrier barrier_id(%barrier3A_173)
    "tpu.region"() ({
      %run_scoped3A_174 = tpu.sem_alloc : memref<!tpu.dma_semaphore, #tpu.memory_space<semaphore_mem>>
      %dma_start3A_175 = arith.constant 0 : i32
      %dma_start3A_176 = tpu.memref_slice %arg5[%arg0, %mul3A_0, %dma_start3A_175] : memref<2x100096x16xf32, #tpu.memory_space<hbm>> -> memref<1x6256x16xf32, #tpu.memory_space<hbm>>
      %dma_start3A_177 = tpu.memref_squeeze %dma_start3A_176 : memref<1x6256x16xf32, #tpu.memory_space<hbm>> -> memref<6256x16xf32, #tpu.memory_space<hbm>>
      %dma_start3A_178 = arith.constant 0 : i32
      %dma_start3A_179 = tpu.memref_slice %arg6[%mul3A_0, %dma_start3A_178] : memref<100096x16xf32, #tpu.memory_space<vmem_shared>> -> memref<6256x16xf32, #tpu.memory_space<vmem_shared>>
      tpu.enqueue_dma source(%dma_start3A_179 : memref<6256x16xf32, #tpu.memory_space<vmem_shared>>) target(%dma_start3A_177 : memref<6256x16xf32, #tpu.memory_space<hbm>>) target_semaphore(%run_scoped3A_174 : memref<!tpu.dma_semaphore, #tpu.memory_space<semaphore_mem>>)
      %dma_wait3A_180 = arith.constant 0 : i32
      %dma_wait3A_181 = tpu.memref_slice %arg5[%arg0, %mul3A_0, %dma_wait3A_180] : memref<2x100096x16xf32, #tpu.memory_space<hbm>> -> memref<1x6256x16xf32, #tpu.memory_space<hbm>>
      %dma_wait3A_182 = tpu.memref_squeeze %dma_wait3A_181 : memref<1x6256x16xf32, #tpu.memory_space<hbm>> -> memref<6256x16xf32, #tpu.memory_space<hbm>>
      %dma_wait3A_183 = arith.constant 0 : i32
      %dma_wait3A_184 = tpu.memref_slice %arg6[%mul3A_0, %dma_wait3A_183] : memref<100096x16xf32, #tpu.memory_space<vmem_shared>> -> memref<6256x16xf32, #tpu.memory_space<vmem_shared>>
      tpu.wait_dma2 semaphore(%run_scoped3A_174 : memref<!tpu.dma_semaphore, #tpu.memory_space<semaphore_mem>>) src(%dma_wait3A_184 : memref<6256x16xf32, #tpu.memory_space<vmem_shared>>) dst(%dma_wait3A_182 : memref<6256x16xf32, #tpu.memory_space<hbm>>)
      tpu.yield
    }) : () -> ()
    return
  }
}

#map = affine_map<(d0, d1) -> (0, 0)>
#map1 = affine_map<(d0, d1) -> (0, 0, 0, 0)>
#map2 = affine_map<(d0, d1) -> (0, 0, 0)>
module attributes {stable_mosaic.version = 14 : i64} {
  func.func @k(%arg0: i32, %arg1: i32, %arg2: memref<200000x16xf32, #tpu.memory_space<hbm>>, %arg3: memref<2x16x784x128xi32, #tpu.memory_space<hbm>>, %arg4: memref<16x784x128xi32, #tpu.memory_space<hbm>>, %arg5: memref<100096x16xf32, #tpu.memory_space<hbm>>, %arg6: memref<2x100096x16xf32, #tpu.memory_space<hbm>>, %arg7: memref<100096x16xf32, #tpu.memory_space<vmem_shared>>, %arg8: memref<3x4x128xi32, #tpu.memory_space<vmem>>, %arg9: memref<3x4x128xi32, #tpu.memory_space<vmem>>, %arg10: memref<3x4x128x16xf32, #tpu.memory_space<vmem>>, %arg11: memref<3x!tpu.dma_semaphore, #tpu.memory_space<semaphore_mem>>, %arg12: memref<!tpu.dma_semaphore, #tpu.memory_space<semaphore_mem>>, %arg13: memref<3x!tpu.dma_semaphore, #tpu.memory_space<semaphore_mem>>) attributes {dimension_semantics = [#tpu.dimension_semantics<core_parallel>, #tpu.dimension_semantics<subcore_parallel>], iteration_bounds = array<i64: 2, 16>, scalar_prefetch = 0 : i64, scratch_operands = 7 : i64, tpu.core_type = #tpu.core_type<sc_vector_subcore>, window_params = [{transform_indices = #map}, {transform_indices = #map1}, {transform_indices = #map2}, {transform_indices = #map}, {transform_indices = #map2}]} {
    %mul3A = arith.constant 6256 : i32
    %mul3A_0 = arith.muli %arg1, %mul3A : i32
    %run_scoped3A = arith.constant 15 : i32
    %run_scoped3A_1 = arith.constant 2 : i32
    "tpu.region"() ({
      %run_scoped3A_414 = tpu.sem_alloc : memref<!tpu.dma_semaphore, #tpu.memory_space<semaphore_mem>>
      %dma_start3A_415 = arith.constant 0 : i32
      %dma_start3A_416 = arith.constant 0 : i32
      %dma_start3A_417 = tpu.memref_slice %arg9[%run_scoped3A_1, %dma_start3A_415, %dma_start3A_416] : memref<3x4x128xi32, #tpu.memory_space<vmem>> -> memref<1x4x128xi32, #tpu.memory_space<vmem>>
      %dma_start3A_418 = tpu.memref_squeeze %dma_start3A_417 : memref<1x4x128xi32, #tpu.memory_space<vmem>> -> memref<4x128xi32, #tpu.memory_space<vmem>>
      %dma_start3A_419 = arith.constant 780 : i32
      %dma_start3A_420 = arith.constant 0 : i32
      %dma_start3A_421 = tpu.memref_slice %arg4[%run_scoped3A, %dma_start3A_419, %dma_start3A_420] : memref<16x784x128xi32, #tpu.memory_space<hbm>> -> memref<1x4x128xi32, #tpu.memory_space<hbm>>
      %dma_start3A_422 = tpu.memref_squeeze %dma_start3A_421 : memref<1x4x128xi32, #tpu.memory_space<hbm>> -> memref<4x128xi32, #tpu.memory_space<hbm>>
      %dma_start3A_423 = arith.constant 0 : i32
      %dma_start3A_424 = arith.constant 0 : i32
      %dma_start3A_425 = tpu.memref_slice %arg9[%run_scoped3A_1, %dma_start3A_423, %dma_start3A_424] : memref<3x4x128xi32, #tpu.memory_space<vmem>> -> memref<1x4x128xi32, #tpu.memory_space<vmem>>
      %dma_start3A_426 = tpu.memref_squeeze %dma_start3A_425 : memref<1x4x128xi32, #tpu.memory_space<vmem>> -> memref<4x128xi32, #tpu.memory_space<vmem>>
      %dma_start3A_427 = arith.constant 780 : i32
      %dma_start3A_428 = arith.constant 0 : i32
      %dma_start3A_429 = tpu.memref_slice %arg4[%run_scoped3A, %dma_start3A_427, %dma_start3A_428] : memref<16x784x128xi32, #tpu.memory_space<hbm>> -> memref<1x4x128xi32, #tpu.memory_space<hbm>>
      %dma_start3A_430 = tpu.memref_squeeze %dma_start3A_429 : memref<1x4x128xi32, #tpu.memory_space<hbm>> -> memref<4x128xi32, #tpu.memory_space<hbm>>
      tpu.enqueue_dma source(%dma_start3A_430 : memref<4x128xi32, #tpu.memory_space<hbm>>) target(%dma_start3A_426 : memref<4x128xi32, #tpu.memory_space<vmem>>) target_semaphore(%run_scoped3A_414 : memref<!tpu.dma_semaphore, #tpu.memory_space<semaphore_mem>>)
      %dma_wait3A_431 = arith.constant 0 : i32
      %dma_wait3A_432 = arith.constant 0 : i32
      %dma_wait3A_433 = tpu.memref_slice %arg9[%run_scoped3A_1, %dma_wait3A_431, %dma_wait3A_432] : memref<3x4x128xi32, #tpu.memory_space<vmem>> -> memref<1x4x128xi32, #tpu.memory_space<vmem>>
      %dma_wait3A_434 = tpu.memref_squeeze %dma_wait3A_433 : memref<1x4x128xi32, #tpu.memory_space<vmem>> -> memref<4x128xi32, #tpu.memory_space<vmem>>
      %dma_wait3A_435 = arith.constant 780 : i32
      %dma_wait3A_436 = arith.constant 0 : i32
      %dma_wait3A_437 = tpu.memref_slice %arg4[%run_scoped3A, %dma_wait3A_435, %dma_wait3A_436] : memref<16x784x128xi32, #tpu.memory_space<hbm>> -> memref<1x4x128xi32, #tpu.memory_space<hbm>>
      %dma_wait3A_438 = tpu.memref_squeeze %dma_wait3A_437 : memref<1x4x128xi32, #tpu.memory_space<hbm>> -> memref<4x128xi32, #tpu.memory_space<hbm>>
      %dma_wait3A_439 = arith.constant 0 : i32
      %dma_wait3A_440 = arith.constant 0 : i32
      %dma_wait3A_441 = tpu.memref_slice %arg9[%run_scoped3A_1, %dma_wait3A_439, %dma_wait3A_440] : memref<3x4x128xi32, #tpu.memory_space<vmem>> -> memref<1x4x128xi32, #tpu.memory_space<vmem>>
      %dma_wait3A_442 = tpu.memref_squeeze %dma_wait3A_441 : memref<1x4x128xi32, #tpu.memory_space<vmem>> -> memref<4x128xi32, #tpu.memory_space<vmem>>
      %dma_wait3A_443 = arith.constant 780 : i32
      %dma_wait3A_444 = arith.constant 0 : i32
      %dma_wait3A_445 = tpu.memref_slice %arg4[%run_scoped3A, %dma_wait3A_443, %dma_wait3A_444] : memref<16x784x128xi32, #tpu.memory_space<hbm>> -> memref<1x4x128xi32, #tpu.memory_space<hbm>>
      %dma_wait3A_446 = tpu.memref_squeeze %dma_wait3A_445 : memref<1x4x128xi32, #tpu.memory_space<hbm>> -> memref<4x128xi32, #tpu.memory_space<hbm>>
      tpu.wait_dma2 semaphore(%run_scoped3A_414 : memref<!tpu.dma_semaphore, #tpu.memory_space<semaphore_mem>>) src(%dma_wait3A_446 : memref<4x128xi32, #tpu.memory_space<hbm>>) dst(%dma_wait3A_442 : memref<4x128xi32, #tpu.memory_space<vmem>>)
      tpu.yield
    }) : () -> ()
    %dma_start3A = arith.constant 2 : i32
    %dma_start3A_2 = arith.constant 0 : i32
    %dma_start3A_3 = arith.constant 2 : i32
    %dma_start3A_4 = arith.constant 0 : i32
    %dma_start3A_5 = arith.constant 0 : i32
    %dma_start3A_6 = arith.constant 0 : i32
    %dma_start3A_7 = tpu.memref_slice %arg10[%dma_start3A, %dma_start3A_2, %dma_start3A_5, %dma_start3A_6] : memref<3x4x128x16xf32, #tpu.memory_space<vmem>> -> memref<1x1x128x16xf32, #tpu.memory_space<vmem>>
    %dma_start3A_8 = tpu.memref_squeeze %dma_start3A_7 : memref<1x1x128x16xf32, #tpu.memory_space<vmem>> -> memref<128x16xf32, #tpu.memory_space<vmem>>
    %dma_start3A_9 = arith.constant 0 : i32
    %dma_start3A_10 = tpu.memref_slice %arg9[%dma_start3A_3, %dma_start3A_4, %dma_start3A_9] : memref<3x4x128xi32, #tpu.memory_space<vmem>> -> memref<1x1x128xi32, #tpu.memory_space<vmem>>
    %dma_start3A_11 = tpu.memref_squeeze %dma_start3A_10 : memref<1x1x128xi32, #tpu.memory_space<vmem>> -> memref<128xi32, #tpu.memory_space<vmem>>
    %dma_start3A_12 = arith.constant 0 : i32
    %dma_start3A_13 = arith.constant 0 : i32
    %dma_start3A_14 = tpu.memref_slice %arg7[%dma_start3A_12, %dma_start3A_13] : memref<100096x16xf32, #tpu.memory_space<vmem_shared>> -> memref<100096x16xf32, #tpu.memory_space<vmem_shared>>
    tpu.enqueue_indirect_dma source(%dma_start3A_8 : memref<128x16xf32, #tpu.memory_space<vmem>>) target(%dma_start3A_14 : memref<100096x16xf32, #tpu.memory_space<vmem_shared>>) offsets(%dma_start3A_11 : memref<128xi32, #tpu.memory_space<vmem>>) semaphore(%arg12 : memref<!tpu.dma_semaphore, #tpu.memory_space<semaphore_mem>>) {add = true}
    %dma_start3A_15 = arith.constant 2 : i32
    %dma_start3A_16 = arith.constant 1 : i32
    %dma_start3A_17 = arith.constant 2 : i32
    %dma_start3A_18 = arith.constant 1 : i32
    %dma_start3A_19 = arith.constant 0 : i32
    %dma_start3A_20 = arith.constant 0 : i32
    %dma_start3A_21 = tpu.memref_slice %arg10[%dma_start3A_15, %dma_start3A_16, %dma_start3A_19, %dma_start3A_20] : memref<3x4x128x16xf32, #tpu.memory_space<vmem>> -> memref<1x1x128x16xf32, #tpu.memory_space<vmem>>
    %dma_start3A_22 = tpu.memref_squeeze %dma_start3A_21 : memref<1x1x128x16xf32, #tpu.memory_space<vmem>> -> memref<128x16xf32, #tpu.memory_space<vmem>>
    %dma_start3A_23 = arith.constant 0 : i32
    %dma_start3A_24 = tpu.memref_slice %arg9[%dma_start3A_17, %dma_start3A_18, %dma_start3A_23] : memref<3x4x128xi32, #tpu.memory_space<vmem>> -> memref<1x1x128xi32, #tpu.memory_space<vmem>>
    %dma_start3A_25 = tpu.memref_squeeze %dma_start3A_24 : memref<1x1x128xi32, #tpu.memory_space<vmem>> -> memref<128xi32, #tpu.memory_space<vmem>>
    %dma_start3A_26 = arith.constant 0 : i32
    %dma_start3A_27 = arith.constant 0 : i32
    %dma_start3A_28 = tpu.memref_slice %arg7[%dma_start3A_26, %dma_start3A_27] : memref<100096x16xf32, #tpu.memory_space<vmem_shared>> -> memref<100096x16xf32, #tpu.memory_space<vmem_shared>>
    tpu.enqueue_indirect_dma source(%dma_start3A_22 : memref<128x16xf32, #tpu.memory_space<vmem>>) target(%dma_start3A_28 : memref<100096x16xf32, #tpu.memory_space<vmem_shared>>) offsets(%dma_start3A_25 : memref<128xi32, #tpu.memory_space<vmem>>) semaphore(%arg12 : memref<!tpu.dma_semaphore, #tpu.memory_space<semaphore_mem>>) {add = true}
    %dma_start3A_29 = arith.constant 2 : i32
    %dma_start3A_30 = arith.constant 2 : i32
    %dma_start3A_31 = arith.constant 2 : i32
    %dma_start3A_32 = arith.constant 2 : i32
    %dma_start3A_33 = arith.constant 0 : i32
    %dma_start3A_34 = arith.constant 0 : i32
    %dma_start3A_35 = tpu.memref_slice %arg10[%dma_start3A_29, %dma_start3A_30, %dma_start3A_33, %dma_start3A_34] : memref<3x4x128x16xf32, #tpu.memory_space<vmem>> -> memref<1x1x128x16xf32, #tpu.memory_space<vmem>>
    %dma_start3A_36 = tpu.memref_squeeze %dma_start3A_35 : memref<1x1x128x16xf32, #tpu.memory_space<vmem>> -> memref<128x16xf32, #tpu.memory_space<vmem>>
    %dma_start3A_37 = arith.constant 0 : i32
    %dma_start3A_38 = tpu.memref_slice %arg9[%dma_start3A_31, %dma_start3A_32, %dma_start3A_37] : memref<3x4x128xi32, #tpu.memory_space<vmem>> -> memref<1x1x128xi32, #tpu.memory_space<vmem>>
    %dma_start3A_39 = tpu.memref_squeeze %dma_start3A_38 : memref<1x1x128xi32, #tpu.memory_space<vmem>> -> memref<128xi32, #tpu.memory_space<vmem>>
    %dma_start3A_40 = arith.constant 0 : i32
    %dma_start3A_41 = arith.constant 0 : i32
    %dma_start3A_42 = tpu.memref_slice %arg7[%dma_start3A_40, %dma_start3A_41] : memref<100096x16xf32, #tpu.memory_space<vmem_shared>> -> memref<100096x16xf32, #tpu.memory_space<vmem_shared>>
    tpu.enqueue_indirect_dma source(%dma_start3A_36 : memref<128x16xf32, #tpu.memory_space<vmem>>) target(%dma_start3A_42 : memref<100096x16xf32, #tpu.memory_space<vmem_shared>>) offsets(%dma_start3A_39 : memref<128xi32, #tpu.memory_space<vmem>>) semaphore(%arg12 : memref<!tpu.dma_semaphore, #tpu.memory_space<semaphore_mem>>) {add = true}
    %dma_start3A_43 = arith.constant 2 : i32
    %dma_start3A_44 = arith.constant 3 : i32
    %dma_start3A_45 = arith.constant 2 : i32
    %dma_start3A_46 = arith.constant 3 : i32
    %dma_start3A_47 = arith.constant 0 : i32
    %dma_start3A_48 = arith.constant 0 : i32
    %dma_start3A_49 = tpu.memref_slice %arg10[%dma_start3A_43, %dma_start3A_44, %dma_start3A_47, %dma_start3A_48] : memref<3x4x128x16xf32, #tpu.memory_space<vmem>> -> memref<1x1x128x16xf32, #tpu.memory_space<vmem>>
    %dma_start3A_50 = tpu.memref_squeeze %dma_start3A_49 : memref<1x1x128x16xf32, #tpu.memory_space<vmem>> -> memref<128x16xf32, #tpu.memory_space<vmem>>
    %dma_start3A_51 = arith.constant 0 : i32
    %dma_start3A_52 = tpu.memref_slice %arg9[%dma_start3A_45, %dma_start3A_46, %dma_start3A_51] : memref<3x4x128xi32, #tpu.memory_space<vmem>> -> memref<1x1x128xi32, #tpu.memory_space<vmem>>
    %dma_start3A_53 = tpu.memref_squeeze %dma_start3A_52 : memref<1x1x128xi32, #tpu.memory_space<vmem>> -> memref<128xi32, #tpu.memory_space<vmem>>
    %dma_start3A_54 = arith.constant 0 : i32
    %dma_start3A_55 = arith.constant 0 : i32
    %dma_start3A_56 = tpu.memref_slice %arg7[%dma_start3A_54, %dma_start3A_55] : memref<100096x16xf32, #tpu.memory_space<vmem_shared>> -> memref<100096x16xf32, #tpu.memory_space<vmem_shared>>
    tpu.enqueue_indirect_dma source(%dma_start3A_50 : memref<128x16xf32, #tpu.memory_space<vmem>>) target(%dma_start3A_56 : memref<100096x16xf32, #tpu.memory_space<vmem_shared>>) offsets(%dma_start3A_53 : memref<128xi32, #tpu.memory_space<vmem>>) semaphore(%arg12 : memref<!tpu.dma_semaphore, #tpu.memory_space<semaphore_mem>>) {add = true}
    %dma_start3A_57 = arith.constant 0 : i32
    %dma_start3A_58 = arith.constant 0 : i32
    %dma_start3A_59 = arith.constant 0 : i32
    %dma_start3A_60 = arith.constant 0 : i32
    %dma_start3A_61 = tpu.memref_slice %arg8[%dma_start3A_57, %dma_start3A_59, %dma_start3A_60] : memref<3x4x128xi32, #tpu.memory_space<vmem>> -> memref<1x4x128xi32, #tpu.memory_space<vmem>>
    %dma_start3A_62 = tpu.memref_squeeze %dma_start3A_61 : memref<1x4x128xi32, #tpu.memory_space<vmem>> -> memref<4x128xi32, #tpu.memory_space<vmem>>
    %dma_start3A_63 = arith.constant 0 : i32
    %dma_start3A_64 = arith.constant 0 : i32
    %dma_start3A_65 = tpu.memref_slice %arg3[%arg0, %arg1, %dma_start3A_63, %dma_start3A_64] : memref<2x16x784x128xi32, #tpu.memory_space<hbm>> -> memref<1x1x4x128xi32, #tpu.memory_space<hbm>>
    %dma_start3A_66 = tpu.memref_squeeze %dma_start3A_65 : memref<1x1x4x128xi32, #tpu.memory_space<hbm>> -> memref<4x128xi32, #tpu.memory_space<hbm>>
    %dma_start3A_67 = tpu.memref_slice %arg13[%dma_start3A_58] : memref<3x!tpu.dma_semaphore, #tpu.memory_space<semaphore_mem>> -> memref<1x!tpu.dma_semaphore, #tpu.memory_space<semaphore_mem>>
    %dma_start3A_68 = tpu.memref_squeeze %dma_start3A_67 : memref<1x!tpu.dma_semaphore, #tpu.memory_space<semaphore_mem>> -> memref<!tpu.dma_semaphore, #tpu.memory_space<semaphore_mem>>
    %dma_start3A_69 = arith.constant 0 : i32
    %dma_start3A_70 = arith.constant 0 : i32
    %dma_start3A_71 = tpu.memref_slice %arg8[%dma_start3A_57, %dma_start3A_69, %dma_start3A_70] : memref<3x4x128xi32, #tpu.memory_space<vmem>> -> memref<1x4x128xi32, #tpu.memory_space<vmem>>
    %dma_start3A_72 = tpu.memref_squeeze %dma_start3A_71 : memref<1x4x128xi32, #tpu.memory_space<vmem>> -> memref<4x128xi32, #tpu.memory_space<vmem>>
    %dma_start3A_73 = arith.constant 0 : i32
    %dma_start3A_74 = arith.constant 0 : i32
    %dma_start3A_75 = tpu.memref_slice %arg3[%arg0, %arg1, %dma_start3A_73, %dma_start3A_74] : memref<2x16x784x128xi32, #tpu.memory_space<hbm>> -> memref<1x1x4x128xi32, #tpu.memory_space<hbm>>
    %dma_start3A_76 = tpu.memref_squeeze %dma_start3A_75 : memref<1x1x4x128xi32, #tpu.memory_space<hbm>> -> memref<4x128xi32, #tpu.memory_space<hbm>>
    tpu.enqueue_dma source(%dma_start3A_76 : memref<4x128xi32, #tpu.memory_space<hbm>>) target(%dma_start3A_72 : memref<4x128xi32, #tpu.memory_space<vmem>>) target_semaphore(%dma_start3A_68 : memref<!tpu.dma_semaphore, #tpu.memory_space<semaphore_mem>>)
    %dma_start3A_77 = arith.constant 0 : i32
    %dma_start3A_78 = arith.constant 0 : i32
    %dma_start3A_79 = arith.constant 0 : i32
    %dma_start3A_80 = arith.constant 0 : i32
    %dma_start3A_81 = tpu.memref_slice %arg9[%dma_start3A_77, %dma_start3A_79, %dma_start3A_80] : memref<3x4x128xi32, #tpu.memory_space<vmem>> -> memref<1x4x128xi32, #tpu.memory_space<vmem>>
    %dma_start3A_82 = tpu.memref_squeeze %dma_start3A_81 : memref<1x4x128xi32, #tpu.memory_space<vmem>> -> memref<4x128xi32, #tpu.memory_space<vmem>>
    %dma_start3A_83 = arith.constant 0 : i32
    %dma_start3A_84 = arith.constant 0 : i32
    %dma_start3A_85 = tpu.memref_slice %arg4[%arg1, %dma_start3A_83, %dma_start3A_84] : memref<16x784x128xi32, #tpu.memory_space<hbm>> -> memref<1x4x128xi32, #tpu.memory_space<hbm>>
    %dma_start3A_86 = tpu.memref_squeeze %dma_start3A_85 : memref<1x4x128xi32, #tpu.memory_space<hbm>> -> memref<4x128xi32, #tpu.memory_space<hbm>>
    %dma_start3A_87 = tpu.memref_slice %arg13[%dma_start3A_78] : memref<3x!tpu.dma_semaphore, #tpu.memory_space<semaphore_mem>> -> memref<1x!tpu.dma_semaphore, #tpu.memory_space<semaphore_mem>>
    %dma_start3A_88 = tpu.memref_squeeze %dma_start3A_87 : memref<1x!tpu.dma_semaphore, #tpu.memory_space<semaphore_mem>> -> memref<!tpu.dma_semaphore, #tpu.memory_space<semaphore_mem>>
    %dma_start3A_89 = arith.constant 0 : i32
    %dma_start3A_90 = arith.constant 0 : i32
    %dma_start3A_91 = tpu.memref_slice %arg9[%dma_start3A_77, %dma_start3A_89, %dma_start3A_90] : memref<3x4x128xi32, #tpu.memory_space<vmem>> -> memref<1x4x128xi32, #tpu.memory_space<vmem>>
    %dma_start3A_92 = tpu.memref_squeeze %dma_start3A_91 : memref<1x4x128xi32, #tpu.memory_space<vmem>> -> memref<4x128xi32, #tpu.memory_space<vmem>>
    %dma_start3A_93 = arith.constant 0 : i32
    %dma_start3A_94 = arith.constant 0 : i32
    %dma_start3A_95 = tpu.memref_slice %arg4[%arg1, %dma_start3A_93, %dma_start3A_94] : memref<16x784x128xi32, #tpu.memory_space<hbm>> -> memref<1x4x128xi32, #tpu.memory_space<hbm>>
    %dma_start3A_96 = tpu.memref_squeeze %dma_start3A_95 : memref<1x4x128xi32, #tpu.memory_space<hbm>> -> memref<4x128xi32, #tpu.memory_space<hbm>>
    tpu.enqueue_dma source(%dma_start3A_96 : memref<4x128xi32, #tpu.memory_space<hbm>>) target(%dma_start3A_92 : memref<4x128xi32, #tpu.memory_space<vmem>>) target_semaphore(%dma_start3A_88 : memref<!tpu.dma_semaphore, #tpu.memory_space<semaphore_mem>>)
    %dma_start3A_97 = arith.constant 1 : i32
    %dma_start3A_98 = arith.constant 1 : i32
    %dma_start3A_99 = arith.constant 0 : i32
    %dma_start3A_100 = arith.constant 0 : i32
    %dma_start3A_101 = tpu.memref_slice %arg8[%dma_start3A_97, %dma_start3A_99, %dma_start3A_100] : memref<3x4x128xi32, #tpu.memory_space<vmem>> -> memref<1x4x128xi32, #tpu.memory_space<vmem>>
    %dma_start3A_102 = tpu.memref_squeeze %dma_start3A_101 : memref<1x4x128xi32, #tpu.memory_space<vmem>> -> memref<4x128xi32, #tpu.memory_space<vmem>>
    %dma_start3A_103 = arith.constant 4 : i32
    %dma_start3A_104 = arith.constant 0 : i32
    %dma_start3A_105 = tpu.memref_slice %arg3[%arg0, %arg1, %dma_start3A_103, %dma_start3A_104] : memref<2x16x784x128xi32, #tpu.memory_space<hbm>> -> memref<1x1x4x128xi32, #tpu.memory_space<hbm>>
    %dma_start3A_106 = tpu.memref_squeeze %dma_start3A_105 : memref<1x1x4x128xi32, #tpu.memory_space<hbm>> -> memref<4x128xi32, #tpu.memory_space<hbm>>
    %dma_start3A_107 = tpu.memref_slice %arg13[%dma_start3A_98] : memref<3x!tpu.dma_semaphore, #tpu.memory_space<semaphore_mem>> -> memref<1x!tpu.dma_semaphore, #tpu.memory_space<semaphore_mem>>
    %dma_start3A_108 = tpu.memref_squeeze %dma_start3A_107 : memref<1x!tpu.dma_semaphore, #tpu.memory_space<semaphore_mem>> -> memref<!tpu.dma_semaphore, #tpu.memory_space<semaphore_mem>>
    %dma_start3A_109 = arith.constant 0 : i32
    %dma_start3A_110 = arith.constant 0 : i32
    %dma_start3A_111 = tpu.memref_slice %arg8[%dma_start3A_97, %dma_start3A_109, %dma_start3A_110] : memref<3x4x128xi32, #tpu.memory_space<vmem>> -> memref<1x4x128xi32, #tpu.memory_space<vmem>>
    %dma_start3A_112 = tpu.memref_squeeze %dma_start3A_111 : memref<1x4x128xi32, #tpu.memory_space<vmem>> -> memref<4x128xi32, #tpu.memory_space<vmem>>
    %dma_start3A_113 = arith.constant 4 : i32
    %dma_start3A_114 = arith.constant 0 : i32
    %dma_start3A_115 = tpu.memref_slice %arg3[%arg0, %arg1, %dma_start3A_113, %dma_start3A_114] : memref<2x16x784x128xi32, #tpu.memory_space<hbm>> -> memref<1x1x4x128xi32, #tpu.memory_space<hbm>>
    %dma_start3A_116 = tpu.memref_squeeze %dma_start3A_115 : memref<1x1x4x128xi32, #tpu.memory_space<hbm>> -> memref<4x128xi32, #tpu.memory_space<hbm>>
    tpu.enqueue_dma source(%dma_start3A_116 : memref<4x128xi32, #tpu.memory_space<hbm>>) target(%dma_start3A_112 : memref<4x128xi32, #tpu.memory_space<vmem>>) target_semaphore(%dma_start3A_108 : memref<!tpu.dma_semaphore, #tpu.memory_space<semaphore_mem>>)
    %dma_start3A_117 = arith.constant 1 : i32
    %dma_start3A_118 = arith.constant 1 : i32
    %dma_start3A_119 = arith.constant 0 : i32
    %dma_start3A_120 = arith.constant 0 : i32
    %dma_start3A_121 = tpu.memref_slice %arg9[%dma_start3A_117, %dma_start3A_119, %dma_start3A_120] : memref<3x4x128xi32, #tpu.memory_space<vmem>> -> memref<1x4x128xi32, #tpu.memory_space<vmem>>
    %dma_start3A_122 = tpu.memref_squeeze %dma_start3A_121 : memref<1x4x128xi32, #tpu.memory_space<vmem>> -> memref<4x128xi32, #tpu.memory_space<vmem>>
    %dma_start3A_123 = arith.constant 4 : i32
    %dma_start3A_124 = arith.constant 0 : i32
    %dma_start3A_125 = tpu.memref_slice %arg4[%arg1, %dma_start3A_123, %dma_start3A_124] : memref<16x784x128xi32, #tpu.memory_space<hbm>> -> memref<1x4x128xi32, #tpu.memory_space<hbm>>
    %dma_start3A_126 = tpu.memref_squeeze %dma_start3A_125 : memref<1x4x128xi32, #tpu.memory_space<hbm>> -> memref<4x128xi32, #tpu.memory_space<hbm>>
    %dma_start3A_127 = tpu.memref_slice %arg13[%dma_start3A_118] : memref<3x!tpu.dma_semaphore, #tpu.memory_space<semaphore_mem>> -> memref<1x!tpu.dma_semaphore, #tpu.memory_space<semaphore_mem>>
    %dma_start3A_128 = tpu.memref_squeeze %dma_start3A_127 : memref<1x!tpu.dma_semaphore, #tpu.memory_space<semaphore_mem>> -> memref<!tpu.dma_semaphore, #tpu.memory_space<semaphore_mem>>
    %dma_start3A_129 = arith.constant 0 : i32
    %dma_start3A_130 = arith.constant 0 : i32
    %dma_start3A_131 = tpu.memref_slice %arg9[%dma_start3A_117, %dma_start3A_129, %dma_start3A_130] : memref<3x4x128xi32, #tpu.memory_space<vmem>> -> memref<1x4x128xi32, #tpu.memory_space<vmem>>
    %dma_start3A_132 = tpu.memref_squeeze %dma_start3A_131 : memref<1x4x128xi32, #tpu.memory_space<vmem>> -> memref<4x128xi32, #tpu.memory_space<vmem>>
    %dma_start3A_133 = arith.constant 4 : i32
    %dma_start3A_134 = arith.constant 0 : i32
    %dma_start3A_135 = tpu.memref_slice %arg4[%arg1, %dma_start3A_133, %dma_start3A_134] : memref<16x784x128xi32, #tpu.memory_space<hbm>> -> memref<1x4x128xi32, #tpu.memory_space<hbm>>
    %dma_start3A_136 = tpu.memref_squeeze %dma_start3A_135 : memref<1x4x128xi32, #tpu.memory_space<hbm>> -> memref<4x128xi32, #tpu.memory_space<hbm>>
    tpu.enqueue_dma source(%dma_start3A_136 : memref<4x128xi32, #tpu.memory_space<hbm>>) target(%dma_start3A_132 : memref<4x128xi32, #tpu.memory_space<vmem>>) target_semaphore(%dma_start3A_128 : memref<!tpu.dma_semaphore, #tpu.memory_space<semaphore_mem>>)
    "tpu.region"() ({
      %run_scoped3A_414 = tpu.sem_alloc : memref<!tpu.dma_semaphore, #tpu.memory_space<semaphore_mem>>
      %dma_start3A_415 = arith.constant 0 : i32
      %dma_start3A_416 = tpu.memref_slice %arg7[%mul3A_0, %dma_start3A_415] : memref<100096x16xf32, #tpu.memory_space<vmem_shared>> -> memref<6256x16xf32, #tpu.memory_space<vmem_shared>>
      %dma_start3A_417 = arith.constant 0 : i32
      %dma_start3A_418 = tpu.memref_slice %arg5[%mul3A_0, %dma_start3A_417] : memref<100096x16xf32, #tpu.memory_space<hbm>> -> memref<6256x16xf32, #tpu.memory_space<hbm>>
      tpu.enqueue_dma source(%dma_start3A_418 : memref<6256x16xf32, #tpu.memory_space<hbm>>) target(%dma_start3A_416 : memref<6256x16xf32, #tpu.memory_space<vmem_shared>>) target_semaphore(%run_scoped3A_414 : memref<!tpu.dma_semaphore, #tpu.memory_space<semaphore_mem>>)
      %dma_wait3A_419 = arith.constant 0 : i32
      %dma_wait3A_420 = tpu.memref_slice %arg7[%mul3A_0, %dma_wait3A_419] : memref<100096x16xf32, #tpu.memory_space<vmem_shared>> -> memref<6256x16xf32, #tpu.memory_space<vmem_shared>>
      %dma_wait3A_421 = arith.constant 0 : i32
      %dma_wait3A_422 = tpu.memref_slice %arg5[%mul3A_0, %dma_wait3A_421] : memref<100096x16xf32, #tpu.memory_space<hbm>> -> memref<6256x16xf32, #tpu.memory_space<hbm>>
      tpu.wait_dma2 semaphore(%run_scoped3A_414 : memref<!tpu.dma_semaphore, #tpu.memory_space<semaphore_mem>>) src(%dma_wait3A_422 : memref<6256x16xf32, #tpu.memory_space<hbm>>) dst(%dma_wait3A_420 : memref<6256x16xf32, #tpu.memory_space<vmem_shared>>)
      tpu.yield
    }) : () -> ()
    %barrier3A = arith.constant 0 : index
    tpu.barrier barrier_id(%barrier3A)
    %dma_wait3A = arith.constant 0 : i32
    %dma_wait3A_137 = arith.constant 0 : i32
    %dma_wait3A_138 = arith.constant 0 : i32
    %dma_wait3A_139 = arith.constant 0 : i32
    %dma_wait3A_140 = tpu.memref_slice %arg8[%dma_wait3A, %dma_wait3A_138, %dma_wait3A_139] : memref<3x4x128xi32, #tpu.memory_space<vmem>> -> memref<1x4x128xi32, #tpu.memory_space<vmem>>
    %dma_wait3A_141 = tpu.memref_squeeze %dma_wait3A_140 : memref<1x4x128xi32, #tpu.memory_space<vmem>> -> memref<4x128xi32, #tpu.memory_space<vmem>>
    %dma_wait3A_142 = arith.constant 0 : i32
    %dma_wait3A_143 = arith.constant 0 : i32
    %dma_wait3A_144 = tpu.memref_slice %arg3[%arg0, %arg1, %dma_wait3A_142, %dma_wait3A_143] : memref<2x16x784x128xi32, #tpu.memory_space<hbm>> -> memref<1x1x4x128xi32, #tpu.memory_space<hbm>>
    %dma_wait3A_145 = tpu.memref_squeeze %dma_wait3A_144 : memref<1x1x4x128xi32, #tpu.memory_space<hbm>> -> memref<4x128xi32, #tpu.memory_space<hbm>>
    %dma_wait3A_146 = tpu.memref_slice %arg13[%dma_wait3A_137] : memref<3x!tpu.dma_semaphore, #tpu.memory_space<semaphore_mem>> -> memref<1x!tpu.dma_semaphore, #tpu.memory_space<semaphore_mem>>
    %dma_wait3A_147 = tpu.memref_squeeze %dma_wait3A_146 : memref<1x!tpu.dma_semaphore, #tpu.memory_space<semaphore_mem>> -> memref<!tpu.dma_semaphore, #tpu.memory_space<semaphore_mem>>
    %dma_wait3A_148 = arith.constant 0 : i32
    %dma_wait3A_149 = arith.constant 0 : i32
    %dma_wait3A_150 = tpu.memref_slice %arg8[%dma_wait3A, %dma_wait3A_148, %dma_wait3A_149] : memref<3x4x128xi32, #tpu.memory_space<vmem>> -> memref<1x4x128xi32, #tpu.memory_space<vmem>>
    %dma_wait3A_151 = tpu.memref_squeeze %dma_wait3A_150 : memref<1x4x128xi32, #tpu.memory_space<vmem>> -> memref<4x128xi32, #tpu.memory_space<vmem>>
    %dma_wait3A_152 = arith.constant 0 : i32
    %dma_wait3A_153 = arith.constant 0 : i32
    %dma_wait3A_154 = tpu.memref_slice %arg3[%arg0, %arg1, %dma_wait3A_152, %dma_wait3A_153] : memref<2x16x784x128xi32, #tpu.memory_space<hbm>> -> memref<1x1x4x128xi32, #tpu.memory_space<hbm>>
    %dma_wait3A_155 = tpu.memref_squeeze %dma_wait3A_154 : memref<1x1x4x128xi32, #tpu.memory_space<hbm>> -> memref<4x128xi32, #tpu.memory_space<hbm>>
    tpu.wait_dma2 semaphore(%dma_wait3A_147 : memref<!tpu.dma_semaphore, #tpu.memory_space<semaphore_mem>>) src(%dma_wait3A_155 : memref<4x128xi32, #tpu.memory_space<hbm>>) dst(%dma_wait3A_151 : memref<4x128xi32, #tpu.memory_space<vmem>>)
    %dma_wait3A_156 = arith.constant 0 : i32
    %dma_wait3A_157 = arith.constant 0 : i32
    %dma_wait3A_158 = arith.constant 0 : i32
    %dma_wait3A_159 = arith.constant 0 : i32
    %dma_wait3A_160 = tpu.memref_slice %arg9[%dma_wait3A_156, %dma_wait3A_158, %dma_wait3A_159] : memref<3x4x128xi32, #tpu.memory_space<vmem>> -> memref<1x4x128xi32, #tpu.memory_space<vmem>>
    %dma_wait3A_161 = tpu.memref_squeeze %dma_wait3A_160 : memref<1x4x128xi32, #tpu.memory_space<vmem>> -> memref<4x128xi32, #tpu.memory_space<vmem>>
    %dma_wait3A_162 = arith.constant 0 : i32
    %dma_wait3A_163 = arith.constant 0 : i32
    %dma_wait3A_164 = tpu.memref_slice %arg4[%arg1, %dma_wait3A_162, %dma_wait3A_163] : memref<16x784x128xi32, #tpu.memory_space<hbm>> -> memref<1x4x128xi32, #tpu.memory_space<hbm>>
    %dma_wait3A_165 = tpu.memref_squeeze %dma_wait3A_164 : memref<1x4x128xi32, #tpu.memory_space<hbm>> -> memref<4x128xi32, #tpu.memory_space<hbm>>
    %dma_wait3A_166 = tpu.memref_slice %arg13[%dma_wait3A_157] : memref<3x!tpu.dma_semaphore, #tpu.memory_space<semaphore_mem>> -> memref<1x!tpu.dma_semaphore, #tpu.memory_space<semaphore_mem>>
    %dma_wait3A_167 = tpu.memref_squeeze %dma_wait3A_166 : memref<1x!tpu.dma_semaphore, #tpu.memory_space<semaphore_mem>> -> memref<!tpu.dma_semaphore, #tpu.memory_space<semaphore_mem>>
    %dma_wait3A_168 = arith.constant 0 : i32
    %dma_wait3A_169 = arith.constant 0 : i32
    %dma_wait3A_170 = tpu.memref_slice %arg9[%dma_wait3A_156, %dma_wait3A_168, %dma_wait3A_169] : memref<3x4x128xi32, #tpu.memory_space<vmem>> -> memref<1x4x128xi32, #tpu.memory_space<vmem>>
    %dma_wait3A_171 = tpu.memref_squeeze %dma_wait3A_170 : memref<1x4x128xi32, #tpu.memory_space<vmem>> -> memref<4x128xi32, #tpu.memory_space<vmem>>
    %dma_wait3A_172 = arith.constant 0 : i32
    %dma_wait3A_173 = arith.constant 0 : i32
    %dma_wait3A_174 = tpu.memref_slice %arg4[%arg1, %dma_wait3A_172, %dma_wait3A_173] : memref<16x784x128xi32, #tpu.memory_space<hbm>> -> memref<1x4x128xi32, #tpu.memory_space<hbm>>
    %dma_wait3A_175 = tpu.memref_squeeze %dma_wait3A_174 : memref<1x4x128xi32, #tpu.memory_space<hbm>> -> memref<4x128xi32, #tpu.memory_space<hbm>>
    tpu.wait_dma2 semaphore(%dma_wait3A_167 : memref<!tpu.dma_semaphore, #tpu.memory_space<semaphore_mem>>) src(%dma_wait3A_175 : memref<4x128xi32, #tpu.memory_space<hbm>>) dst(%dma_wait3A_171 : memref<4x128xi32, #tpu.memory_space<vmem>>)
    %dma_start3A_176 = arith.constant 0 : i32
    %dma_start3A_177 = arith.constant 0 : i32
    %dma_start3A_178 = arith.constant 0 : i32
    %dma_start3A_179 = arith.constant 0 : i32
    %dma_start3A_180 = arith.constant 0 : i32
    %dma_start3A_181 = arith.constant 0 : i32
    %dma_start3A_182 = arith.constant 0 : i32
    %dma_start3A_183 = tpu.memref_slice %arg10[%dma_start3A_178, %dma_start3A_179, %dma_start3A_181, %dma_start3A_182] : memref<3x4x128x16xf32, #tpu.memory_space<vmem>> -> memref<1x1x128x16xf32, #tpu.memory_space<vmem>>
    %dma_start3A_184 = tpu.memref_squeeze %dma_start3A_183 : memref<1x1x128x16xf32, #tpu.memory_space<vmem>> -> memref<128x16xf32, #tpu.memory_space<vmem>>
    %dma_start3A_185 = arith.constant 0 : i32
    %dma_start3A_186 = tpu.memref_slice %arg8[%dma_start3A_176, %dma_start3A_177, %dma_start3A_185] : memref<3x4x128xi32, #tpu.memory_space<vmem>> -> memref<1x1x128xi32, #tpu.memory_space<vmem>>
    %dma_start3A_187 = tpu.memref_squeeze %dma_start3A_186 : memref<1x1x128xi32, #tpu.memory_space<vmem>> -> memref<128xi32, #tpu.memory_space<vmem>>
    %dma_start3A_188 = arith.constant 0 : i32
    %dma_start3A_189 = arith.constant 0 : i32
    %dma_start3A_190 = tpu.memref_slice %arg2[%dma_start3A_188, %dma_start3A_189] : memref<200000x16xf32, #tpu.memory_space<hbm>> -> memref<200000x16xf32, #tpu.memory_space<hbm>>
    %dma_start3A_191 = tpu.memref_slice %arg11[%dma_start3A_180] : memref<3x!tpu.dma_semaphore, #tpu.memory_space<semaphore_mem>> -> memref<1x!tpu.dma_semaphore, #tpu.memory_space<semaphore_mem>>
    %dma_start3A_192 = tpu.memref_squeeze %dma_start3A_191 : memref<1x!tpu.dma_semaphore, #tpu.memory_space<semaphore_mem>> -> memref<!tpu.dma_semaphore, #tpu.memory_space<semaphore_mem>>
    tpu.enqueue_indirect_dma source(%dma_start3A_190 : memref<200000x16xf32, #tpu.memory_space<hbm>>) target(%dma_start3A_184 : memref<128x16xf32, #tpu.memory_space<vmem>>) offsets(%dma_start3A_187 : memref<128xi32, #tpu.memory_space<vmem>>) semaphore(%dma_start3A_192 : memref<!tpu.dma_semaphore, #tpu.memory_space<semaphore_mem>>)
    %dma_start3A_193 = arith.constant 0 : i32
    %dma_start3A_194 = arith.constant 1 : i32
    %dma_start3A_195 = arith.constant 0 : i32
    %dma_start3A_196 = arith.constant 1 : i32
    %dma_start3A_197 = arith.constant 0 : i32
    %dma_start3A_198 = arith.constant 0 : i32
    %dma_start3A_199 = arith.constant 0 : i32
    %dma_start3A_200 = tpu.memref_slice %arg10[%dma_start3A_195, %dma_start3A_196, %dma_start3A_198, %dma_start3A_199] : memref<3x4x128x16xf32, #tpu.memory_space<vmem>> -> memref<1x1x128x16xf32, #tpu.memory_space<vmem>>
    %dma_start3A_201 = tpu.memref_squeeze %dma_start3A_200 : memref<1x1x128x16xf32, #tpu.memory_space<vmem>> -> memref<128x16xf32, #tpu.memory_space<vmem>>
    %dma_start3A_202 = arith.constant 0 : i32
    %dma_start3A_203 = tpu.memref_slice %arg8[%dma_start3A_193, %dma_start3A_194, %dma_start3A_202] : memref<3x4x128xi32, #tpu.memory_space<vmem>> -> memref<1x1x128xi32, #tpu.memory_space<vmem>>
    %dma_start3A_204 = tpu.memref_squeeze %dma_start3A_203 : memref<1x1x128xi32, #tpu.memory_space<vmem>> -> memref<128xi32, #tpu.memory_space<vmem>>
    %dma_start3A_205 = arith.constant 0 : i32
    %dma_start3A_206 = arith.constant 0 : i32
    %dma_start3A_207 = tpu.memref_slice %arg2[%dma_start3A_205, %dma_start3A_206] : memref<200000x16xf32, #tpu.memory_space<hbm>> -> memref<200000x16xf32, #tpu.memory_space<hbm>>
    %dma_start3A_208 = tpu.memref_slice %arg11[%dma_start3A_197] : memref<3x!tpu.dma_semaphore, #tpu.memory_space<semaphore_mem>> -> memref<1x!tpu.dma_semaphore, #tpu.memory_space<semaphore_mem>>
    %dma_start3A_209 = tpu.memref_squeeze %dma_start3A_208 : memref<1x!tpu.dma_semaphore, #tpu.memory_space<semaphore_mem>> -> memref<!tpu.dma_semaphore, #tpu.memory_space<semaphore_mem>>
    tpu.enqueue_indirect_dma source(%dma_start3A_207 : memref<200000x16xf32, #tpu.memory_space<hbm>>) target(%dma_start3A_201 : memref<128x16xf32, #tpu.memory_space<vmem>>) offsets(%dma_start3A_204 : memref<128xi32, #tpu.memory_space<vmem>>) semaphore(%dma_start3A_209 : memref<!tpu.dma_semaphore, #tpu.memory_space<semaphore_mem>>)
    %dma_start3A_210 = arith.constant 0 : i32
    %dma_start3A_211 = arith.constant 2 : i32
    %dma_start3A_212 = arith.constant 0 : i32
    %dma_start3A_213 = arith.constant 2 : i32
    %dma_start3A_214 = arith.constant 0 : i32
    %dma_start3A_215 = arith.constant 0 : i32
    %dma_start3A_216 = arith.constant 0 : i32
    %dma_start3A_217 = tpu.memref_slice %arg10[%dma_start3A_212, %dma_start3A_213, %dma_start3A_215, %dma_start3A_216] : memref<3x4x128x16xf32, #tpu.memory_space<vmem>> -> memref<1x1x128x16xf32, #tpu.memory_space<vmem>>
    %dma_start3A_218 = tpu.memref_squeeze %dma_start3A_217 : memref<1x1x128x16xf32, #tpu.memory_space<vmem>> -> memref<128x16xf32, #tpu.memory_space<vmem>>
    %dma_start3A_219 = arith.constant 0 : i32
    %dma_start3A_220 = tpu.memref_slice %arg8[%dma_start3A_210, %dma_start3A_211, %dma_start3A_219] : memref<3x4x128xi32, #tpu.memory_space<vmem>> -> memref<1x1x128xi32, #tpu.memory_space<vmem>>
    %dma_start3A_221 = tpu.memref_squeeze %dma_start3A_220 : memref<1x1x128xi32, #tpu.memory_space<vmem>> -> memref<128xi32, #tpu.memory_space<vmem>>
    %dma_start3A_222 = arith.constant 0 : i32
    %dma_start3A_223 = arith.constant 0 : i32
    %dma_start3A_224 = tpu.memref_slice %arg2[%dma_start3A_222, %dma_start3A_223] : memref<200000x16xf32, #tpu.memory_space<hbm>> -> memref<200000x16xf32, #tpu.memory_space<hbm>>
    %dma_start3A_225 = tpu.memref_slice %arg11[%dma_start3A_214] : memref<3x!tpu.dma_semaphore, #tpu.memory_space<semaphore_mem>> -> memref<1x!tpu.dma_semaphore, #tpu.memory_space<semaphore_mem>>
    %dma_start3A_226 = tpu.memref_squeeze %dma_start3A_225 : memref<1x!tpu.dma_semaphore, #tpu.memory_space<semaphore_mem>> -> memref<!tpu.dma_semaphore, #tpu.memory_space<semaphore_mem>>
    tpu.enqueue_indirect_dma source(%dma_start3A_224 : memref<200000x16xf32, #tpu.memory_space<hbm>>) target(%dma_start3A_218 : memref<128x16xf32, #tpu.memory_space<vmem>>) offsets(%dma_start3A_221 : memref<128xi32, #tpu.memory_space<vmem>>) semaphore(%dma_start3A_226 : memref<!tpu.dma_semaphore, #tpu.memory_space<semaphore_mem>>)
    %dma_start3A_227 = arith.constant 0 : i32
    %dma_start3A_228 = arith.constant 3 : i32
    %dma_start3A_229 = arith.constant 0 : i32
    %dma_start3A_230 = arith.constant 3 : i32
    %dma_start3A_231 = arith.constant 0 : i32
    %dma_start3A_232 = arith.constant 0 : i32
    %dma_start3A_233 = arith.constant 0 : i32
    %dma_start3A_234 = tpu.memref_slice %arg10[%dma_start3A_229, %dma_start3A_230, %dma_start3A_232, %dma_start3A_233] : memref<3x4x128x16xf32, #tpu.memory_space<vmem>> -> memref<1x1x128x16xf32, #tpu.memory_space<vmem>>
    %dma_start3A_235 = tpu.memref_squeeze %dma_start3A_234 : memref<1x1x128x16xf32, #tpu.memory_space<vmem>> -> memref<128x16xf32, #tpu.memory_space<vmem>>
    %dma_start3A_236 = arith.constant 0 : i32
    %dma_start3A_237 = tpu.memref_slice %arg8[%dma_start3A_227, %dma_start3A_228, %dma_start3A_236] : memref<3x4x128xi32, #tpu.memory_space<vmem>> -> memref<1x1x128xi32, #tpu.memory_space<vmem>>
    %dma_start3A_238 = tpu.memref_squeeze %dma_start3A_237 : memref<1x1x128xi32, #tpu.memory_space<vmem>> -> memref<128xi32, #tpu.memory_space<vmem>>
    %dma_start3A_239 = arith.constant 0 : i32
    %dma_start3A_240 = arith.constant 0 : i32
    %dma_start3A_241 = tpu.memref_slice %arg2[%dma_start3A_239, %dma_start3A_240] : memref<200000x16xf32, #tpu.memory_space<hbm>> -> memref<200000x16xf32, #tpu.memory_space<hbm>>
    %dma_start3A_242 = tpu.memref_slice %arg11[%dma_start3A_231] : memref<3x!tpu.dma_semaphore, #tpu.memory_space<semaphore_mem>> -> memref<1x!tpu.dma_semaphore, #tpu.memory_space<semaphore_mem>>
    %dma_start3A_243 = tpu.memref_squeeze %dma_start3A_242 : memref<1x!tpu.dma_semaphore, #tpu.memory_space<semaphore_mem>> -> memref<!tpu.dma_semaphore, #tpu.memory_space<semaphore_mem>>
    tpu.enqueue_indirect_dma source(%dma_start3A_241 : memref<200000x16xf32, #tpu.memory_space<hbm>>) target(%dma_start3A_235 : memref<128x16xf32, #tpu.memory_space<vmem>>) offsets(%dma_start3A_238 : memref<128xi32, #tpu.memory_space<vmem>>) semaphore(%dma_start3A_243 : memref<!tpu.dma_semaphore, #tpu.memory_space<semaphore_mem>>)
    %scan3A = arith.constant 0 : i32
    %scan3A_244 = arith.constant 0 : i32
    %scan3A_245 = arith.constant 196 : i32
    %scan3A_246 = arith.addi %scan3A_244, %scan3A_245 : i32
    %scan3A_247 = arith.constant 1 : i32
    scf.for %scan3A_414 = %scan3A_244 to %scan3A_246 step %scan3A_247  : i32 {
      %rem3A = arith.constant 3 : i32
      %rem3A_415 = arith.remsi %scan3A_414, %rem3A : i32
      %add3A = arith.constant 1 : i32
      %add3A_416 = arith.addi %scan3A_414, %add3A : i32
      %rem3A_417 = arith.constant 3 : i32
      %rem3A_418 = arith.remsi %add3A_416, %rem3A_417 : i32
      %add3A_419 = arith.constant 2 : i32
      %add3A_420 = arith.addi %scan3A_414, %add3A_419 : i32
      %rem3A_421 = arith.constant 3 : i32
      %rem3A_422 = arith.remsi %add3A_420, %rem3A_421 : i32
      %dma_wait3A_423 = arith.constant 0 : i32
      %dma_wait3A_424 = arith.constant 0 : i32
      %dma_wait3A_425 = arith.constant 0 : i32
      %dma_wait3A_426 = arith.constant 0 : i32
      %dma_wait3A_427 = tpu.memref_slice %arg10[%rem3A_422, %dma_wait3A_423, %dma_wait3A_425, %dma_wait3A_426] : memref<3x4x128x16xf32, #tpu.memory_space<vmem>> -> memref<1x1x128x16xf32, #tpu.memory_space<vmem>>
      %dma_wait3A_428 = tpu.memref_squeeze %dma_wait3A_427 : memref<1x1x128x16xf32, #tpu.memory_space<vmem>> -> memref<128x16xf32, #tpu.memory_space<vmem>>
      %dma_wait3A_429 = arith.constant 0 : i32
      %dma_wait3A_430 = tpu.memref_slice %arg9[%rem3A_422, %dma_wait3A_424, %dma_wait3A_429] : memref<3x4x128xi32, #tpu.memory_space<vmem>> -> memref<1x1x128xi32, #tpu.memory_space<vmem>>
      %dma_wait3A_431 = tpu.memref_squeeze %dma_wait3A_430 : memref<1x1x128xi32, #tpu.memory_space<vmem>> -> memref<128xi32, #tpu.memory_space<vmem>>
      %dma_wait3A_432 = arith.constant 0 : i32
      %dma_wait3A_433 = arith.constant 0 : i32
      %dma_wait3A_434 = tpu.memref_slice %arg7[%dma_wait3A_432, %dma_wait3A_433] : memref<100096x16xf32, #tpu.memory_space<vmem_shared>> -> memref<100096x16xf32, #tpu.memory_space<vmem_shared>>
      tpu.wait_indirect_dma semaphore(%arg12 : memref<!tpu.dma_semaphore, #tpu.memory_space<semaphore_mem>>) src(%dma_wait3A_428 : memref<128x16xf32, #tpu.memory_space<vmem>>) dst(%dma_wait3A_434 : memref<100096x16xf32, #tpu.memory_space<vmem_shared>>)
      %dma_wait3A_435 = arith.constant 1 : i32
      %dma_wait3A_436 = arith.constant 1 : i32
      %dma_wait3A_437 = arith.constant 0 : i32
      %dma_wait3A_438 = arith.constant 0 : i32
      %dma_wait3A_439 = tpu.memref_slice %arg10[%rem3A_422, %dma_wait3A_435, %dma_wait3A_437, %dma_wait3A_438] : memref<3x4x128x16xf32, #tpu.memory_space<vmem>> -> memref<1x1x128x16xf32, #tpu.memory_space<vmem>>
      %dma_wait3A_440 = tpu.memref_squeeze %dma_wait3A_439 : memref<1x1x128x16xf32, #tpu.memory_space<vmem>> -> memref<128x16xf32, #tpu.memory_space<vmem>>
      %dma_wait3A_441 = arith.constant 0 : i32
      %dma_wait3A_442 = tpu.memref_slice %arg9[%rem3A_422, %dma_wait3A_436, %dma_wait3A_441] : memref<3x4x128xi32, #tpu.memory_space<vmem>> -> memref<1x1x128xi32, #tpu.memory_space<vmem>>
      %dma_wait3A_443 = tpu.memref_squeeze %dma_wait3A_442 : memref<1x1x128xi32, #tpu.memory_space<vmem>> -> memref<128xi32, #tpu.memory_space<vmem>>
      %dma_wait3A_444 = arith.constant 0 : i32
      %dma_wait3A_445 = arith.constant 0 : i32
      %dma_wait3A_446 = tpu.memref_slice %arg7[%dma_wait3A_444, %dma_wait3A_445] : memref<100096x16xf32, #tpu.memory_space<vmem_shared>> -> memref<100096x16xf32, #tpu.memory_space<vmem_shared>>
      tpu.wait_indirect_dma semaphore(%arg12 : memref<!tpu.dma_semaphore, #tpu.memory_space<semaphore_mem>>) src(%dma_wait3A_440 : memref<128x16xf32, #tpu.memory_space<vmem>>) dst(%dma_wait3A_446 : memref<100096x16xf32, #tpu.memory_space<vmem_shared>>)
      %dma_wait3A_447 = arith.constant 2 : i32
      %dma_wait3A_448 = arith.constant 2 : i32
      %dma_wait3A_449 = arith.constant 0 : i32
      %dma_wait3A_450 = arith.constant 0 : i32
      %dma_wait3A_451 = tpu.memref_slice %arg10[%rem3A_422, %dma_wait3A_447, %dma_wait3A_449, %dma_wait3A_450] : memref<3x4x128x16xf32, #tpu.memory_space<vmem>> -> memref<1x1x128x16xf32, #tpu.memory_space<vmem>>
      %dma_wait3A_452 = tpu.memref_squeeze %dma_wait3A_451 : memref<1x1x128x16xf32, #tpu.memory_space<vmem>> -> memref<128x16xf32, #tpu.memory_space<vmem>>
      %dma_wait3A_453 = arith.constant 0 : i32
      %dma_wait3A_454 = tpu.memref_slice %arg9[%rem3A_422, %dma_wait3A_448, %dma_wait3A_453] : memref<3x4x128xi32, #tpu.memory_space<vmem>> -> memref<1x1x128xi32, #tpu.memory_space<vmem>>
      %dma_wait3A_455 = tpu.memref_squeeze %dma_wait3A_454 : memref<1x1x128xi32, #tpu.memory_space<vmem>> -> memref<128xi32, #tpu.memory_space<vmem>>
      %dma_wait3A_456 = arith.constant 0 : i32
      %dma_wait3A_457 = arith.constant 0 : i32
      %dma_wait3A_458 = tpu.memref_slice %arg7[%dma_wait3A_456, %dma_wait3A_457] : memref<100096x16xf32, #tpu.memory_space<vmem_shared>> -> memref<100096x16xf32, #tpu.memory_space<vmem_shared>>
      tpu.wait_indirect_dma semaphore(%arg12 : memref<!tpu.dma_semaphore, #tpu.memory_space<semaphore_mem>>) src(%dma_wait3A_452 : memref<128x16xf32, #tpu.memory_space<vmem>>) dst(%dma_wait3A_458 : memref<100096x16xf32, #tpu.memory_space<vmem_shared>>)
      %dma_wait3A_459 = arith.constant 3 : i32
      %dma_wait3A_460 = arith.constant 3 : i32
      %dma_wait3A_461 = arith.constant 0 : i32
      %dma_wait3A_462 = arith.constant 0 : i32
      %dma_wait3A_463 = tpu.memref_slice %arg10[%rem3A_422, %dma_wait3A_459, %dma_wait3A_461, %dma_wait3A_462] : memref<3x4x128x16xf32, #tpu.memory_space<vmem>> -> memref<1x1x128x16xf32, #tpu.memory_space<vmem>>
      %dma_wait3A_464 = tpu.memref_squeeze %dma_wait3A_463 : memref<1x1x128x16xf32, #tpu.memory_space<vmem>> -> memref<128x16xf32, #tpu.memory_space<vmem>>
      %dma_wait3A_465 = arith.constant 0 : i32
      %dma_wait3A_466 = tpu.memref_slice %arg9[%rem3A_422, %dma_wait3A_460, %dma_wait3A_465] : memref<3x4x128xi32, #tpu.memory_space<vmem>> -> memref<1x1x128xi32, #tpu.memory_space<vmem>>
      %dma_wait3A_467 = tpu.memref_squeeze %dma_wait3A_466 : memref<1x1x128xi32, #tpu.memory_space<vmem>> -> memref<128xi32, #tpu.memory_space<vmem>>
      %dma_wait3A_468 = arith.constant 0 : i32
      %dma_wait3A_469 = arith.constant 0 : i32
      %dma_wait3A_470 = tpu.memref_slice %arg7[%dma_wait3A_468, %dma_wait3A_469] : memref<100096x16xf32, #tpu.memory_space<vmem_shared>> -> memref<100096x16xf32, #tpu.memory_space<vmem_shared>>
      tpu.wait_indirect_dma semaphore(%arg12 : memref<!tpu.dma_semaphore, #tpu.memory_space<semaphore_mem>>) src(%dma_wait3A_464 : memref<128x16xf32, #tpu.memory_space<vmem>>) dst(%dma_wait3A_470 : memref<100096x16xf32, #tpu.memory_space<vmem_shared>>)
      %add3A_471 = arith.constant 2 : i32
      %add3A_472 = arith.addi %scan3A_414, %add3A_471 : i32
      %rem3A_473 = arith.constant 196 : i32
      %rem3A_474 = arith.remsi %add3A_472, %rem3A_473 : i32
      %mul3A_475 = arith.constant 4 : i32
      %mul3A_476 = arith.muli %rem3A_474, %mul3A_475 : i32
      %dma_start3A_477 = arith.constant 0 : i32
      %dma_start3A_478 = arith.constant 0 : i32
      %dma_start3A_479 = tpu.memref_slice %arg8[%rem3A_422, %dma_start3A_477, %dma_start3A_478] : memref<3x4x128xi32, #tpu.memory_space<vmem>> -> memref<1x4x128xi32, #tpu.memory_space<vmem>>
      %dma_start3A_480 = tpu.memref_squeeze %dma_start3A_479 : memref<1x4x128xi32, #tpu.memory_space<vmem>> -> memref<4x128xi32, #tpu.memory_space<vmem>>
      %dma_start3A_481 = arith.constant 0 : i32
      %dma_start3A_482 = tpu.memref_slice %arg3[%arg0, %arg1, %mul3A_476, %dma_start3A_481] : memref<2x16x784x128xi32, #tpu.memory_space<hbm>> -> memref<1x1x4x128xi32, #tpu.memory_space<hbm>>
      %dma_start3A_483 = tpu.memref_squeeze %dma_start3A_482 : memref<1x1x4x128xi32, #tpu.memory_space<hbm>> -> memref<4x128xi32, #tpu.memory_space<hbm>>
      %dma_start3A_484 = tpu.memref_slice %arg13[%rem3A_422] : memref<3x!tpu.dma_semaphore, #tpu.memory_space<semaphore_mem>> -> memref<1x!tpu.dma_semaphore, #tpu.memory_space<semaphore_mem>>
      %dma_start3A_485 = tpu.memref_squeeze %dma_start3A_484 : memref<1x!tpu.dma_semaphore, #tpu.memory_space<semaphore_mem>> -> memref<!tpu.dma_semaphore, #tpu.memory_space<semaphore_mem>>
      %dma_start3A_486 = arith.constant 0 : i32
      %dma_start3A_487 = arith.constant 0 : i32
      %dma_start3A_488 = tpu.memref_slice %arg8[%rem3A_422, %dma_start3A_486, %dma_start3A_487] : memref<3x4x128xi32, #tpu.memory_space<vmem>> -> memref<1x4x128xi32, #tpu.memory_space<vmem>>
      %dma_start3A_489 = tpu.memref_squeeze %dma_start3A_488 : memref<1x4x128xi32, #tpu.memory_space<vmem>> -> memref<4x128xi32, #tpu.memory_space<vmem>>
      %dma_start3A_490 = arith.constant 0 : i32
      %dma_start3A_491 = tpu.memref_slice %arg3[%arg0, %arg1, %mul3A_476, %dma_start3A_490] : memref<2x16x784x128xi32, #tpu.memory_space<hbm>> -> memref<1x1x4x128xi32, #tpu.memory_space<hbm>>
      %dma_start3A_492 = tpu.memref_squeeze %dma_start3A_491 : memref<1x1x4x128xi32, #tpu.memory_space<hbm>> -> memref<4x128xi32, #tpu.memory_space<hbm>>
      tpu.enqueue_dma source(%dma_start3A_492 : memref<4x128xi32, #tpu.memory_space<hbm>>) target(%dma_start3A_489 : memref<4x128xi32, #tpu.memory_space<vmem>>) target_semaphore(%dma_start3A_485 : memref<!tpu.dma_semaphore, #tpu.memory_space<semaphore_mem>>)
      %mul3A_493 = arith.constant 4 : i32
      %mul3A_494 = arith.muli %rem3A_474, %mul3A_493 : i32
      %dma_start3A_495 = arith.constant 0 : i32
      %dma_start3A_496 = arith.constant 0 : i32
      %dma_start3A_497 = tpu.memref_slice %arg9[%rem3A_422, %dma_start3A_495, %dma_start3A_496] : memref<3x4x128xi32, #tpu.memory_space<vmem>> -> memref<1x4x128xi32, #tpu.memory_space<vmem>>
      %dma_start3A_498 = tpu.memref_squeeze %dma_start3A_497 : memref<1x4x128xi32, #tpu.memory_space<vmem>> -> memref<4x128xi32, #tpu.memory_space<vmem>>
      %dma_start3A_499 = arith.constant 0 : i32
      %dma_start3A_500 = tpu.memref_slice %arg4[%arg1, %mul3A_494, %dma_start3A_499] : memref<16x784x128xi32, #tpu.memory_space<hbm>> -> memref<1x4x128xi32, #tpu.memory_space<hbm>>
      %dma_start3A_501 = tpu.memref_squeeze %dma_start3A_500 : memref<1x4x128xi32, #tpu.memory_space<hbm>> -> memref<4x128xi32, #tpu.memory_space<hbm>>
      %dma_start3A_502 = tpu.memref_slice %arg13[%rem3A_422] : memref<3x!tpu.dma_semaphore, #tpu.memory_space<semaphore_mem>> -> memref<1x!tpu.dma_semaphore, #tpu.memory_space<semaphore_mem>>
      %dma_start3A_503 = tpu.memref_squeeze %dma_start3A_502 : memref<1x!tpu.dma_semaphore, #tpu.memory_space<semaphore_mem>> -> memref<!tpu.dma_semaphore, #tpu.memory_space<semaphore_mem>>
      %dma_start3A_504 = arith.constant 0 : i32
      %dma_start3A_505 = arith.constant 0 : i32
      %dma_start3A_506 = tpu.memref_slice %arg9[%rem3A_422, %dma_start3A_504, %dma_start3A_505] : memref<3x4x128xi32, #tpu.memory_space<vmem>> -> memref<1x4x128xi32, #tpu.memory_space<vmem>>
      %dma_start3A_507 = tpu.memref_squeeze %dma_start3A_506 : memref<1x4x128xi32, #tpu.memory_space<vmem>> -> memref<4x128xi32, #tpu.memory_space<vmem>>
      %dma_start3A_508 = arith.constant 0 : i32
      %dma_start3A_509 = tpu.memref_slice %arg4[%arg1, %mul3A_494, %dma_start3A_508] : memref<16x784x128xi32, #tpu.memory_space<hbm>> -> memref<1x4x128xi32, #tpu.memory_space<hbm>>
      %dma_start3A_510 = tpu.memref_squeeze %dma_start3A_509 : memref<1x4x128xi32, #tpu.memory_space<hbm>> -> memref<4x128xi32, #tpu.memory_space<hbm>>
      tpu.enqueue_dma source(%dma_start3A_510 : memref<4x128xi32, #tpu.memory_space<hbm>>) target(%dma_start3A_507 : memref<4x128xi32, #tpu.memory_space<vmem>>) target_semaphore(%dma_start3A_503 : memref<!tpu.dma_semaphore, #tpu.memory_space<semaphore_mem>>)
      %dma_wait3A_511 = arith.constant 0 : i32
      %dma_wait3A_512 = arith.constant 0 : i32
      %dma_wait3A_513 = tpu.memref_slice %arg8[%rem3A_418, %dma_wait3A_511, %dma_wait3A_512] : memref<3x4x128xi32, #tpu.memory_space<vmem>> -> memref<1x4x128xi32, #tpu.memory_space<vmem>>
      %dma_wait3A_514 = tpu.memref_squeeze %dma_wait3A_513 : memref<1x4x128xi32, #tpu.memory_space<vmem>> -> memref<4x128xi32, #tpu.memory_space<vmem>>
      %dma_wait3A_515 = arith.constant 0 : i32
      %dma_wait3A_516 = arith.constant 0 : i32
      %dma_wait3A_517 = tpu.memref_slice %arg3[%arg0, %arg1, %dma_wait3A_515, %dma_wait3A_516] : memref<2x16x784x128xi32, #tpu.memory_space<hbm>> -> memref<1x1x4x128xi32, #tpu.memory_space<hbm>>
      %dma_wait3A_518 = tpu.memref_squeeze %dma_wait3A_517 : memref<1x1x4x128xi32, #tpu.memory_space<hbm>> -> memref<4x128xi32, #tpu.memory_space<hbm>>
      %dma_wait3A_519 = tpu.memref_slice %arg13[%rem3A_418] : memref<3x!tpu.dma_semaphore, #tpu.memory_space<semaphore_mem>> -> memref<1x!tpu.dma_semaphore, #tpu.memory_space<semaphore_mem>>
      %dma_wait3A_520 = tpu.memref_squeeze %dma_wait3A_519 : memref<1x!tpu.dma_semaphore, #tpu.memory_space<semaphore_mem>> -> memref<!tpu.dma_semaphore, #tpu.memory_space<semaphore_mem>>
      %dma_wait3A_521 = arith.constant 0 : i32
      %dma_wait3A_522 = arith.constant 0 : i32
      %dma_wait3A_523 = tpu.memref_slice %arg8[%rem3A_418, %dma_wait3A_521, %dma_wait3A_522] : memref<3x4x128xi32, #tpu.memory_space<vmem>> -> memref<1x4x128xi32, #tpu.memory_space<vmem>>
      %dma_wait3A_524 = tpu.memref_squeeze %dma_wait3A_523 : memref<1x4x128xi32, #tpu.memory_space<vmem>> -> memref<4x128xi32, #tpu.memory_space<vmem>>
      %dma_wait3A_525 = arith.constant 0 : i32
      %dma_wait3A_526 = arith.constant 0 : i32
      %dma_wait3A_527 = tpu.memref_slice %arg3[%arg0, %arg1, %dma_wait3A_525, %dma_wait3A_526] : memref<2x16x784x128xi32, #tpu.memory_space<hbm>> -> memref<1x1x4x128xi32, #tpu.memory_space<hbm>>
      %dma_wait3A_528 = tpu.memref_squeeze %dma_wait3A_527 : memref<1x1x4x128xi32, #tpu.memory_space<hbm>> -> memref<4x128xi32, #tpu.memory_space<hbm>>
      tpu.wait_dma2 semaphore(%dma_wait3A_520 : memref<!tpu.dma_semaphore, #tpu.memory_space<semaphore_mem>>) src(%dma_wait3A_528 : memref<4x128xi32, #tpu.memory_space<hbm>>) dst(%dma_wait3A_524 : memref<4x128xi32, #tpu.memory_space<vmem>>)
      %dma_wait3A_529 = arith.constant 0 : i32
      %dma_wait3A_530 = arith.constant 0 : i32
      %dma_wait3A_531 = tpu.memref_slice %arg9[%rem3A_418, %dma_wait3A_529, %dma_wait3A_530] : memref<3x4x128xi32, #tpu.memory_space<vmem>> -> memref<1x4x128xi32, #tpu.memory_space<vmem>>
      %dma_wait3A_532 = tpu.memref_squeeze %dma_wait3A_531 : memref<1x4x128xi32, #tpu.memory_space<vmem>> -> memref<4x128xi32, #tpu.memory_space<vmem>>
      %dma_wait3A_533 = arith.constant 0 : i32
      %dma_wait3A_534 = arith.constant 0 : i32
      %dma_wait3A_535 = tpu.memref_slice %arg4[%arg1, %dma_wait3A_533, %dma_wait3A_534] : memref<16x784x128xi32, #tpu.memory_space<hbm>> -> memref<1x4x128xi32, #tpu.memory_space<hbm>>
      %dma_wait3A_536 = tpu.memref_squeeze %dma_wait3A_535 : memref<1x4x128xi32, #tpu.memory_space<hbm>> -> memref<4x128xi32, #tpu.memory_space<hbm>>
      %dma_wait3A_537 = tpu.memref_slice %arg13[%rem3A_418] : memref<3x!tpu.dma_semaphore, #tpu.memory_space<semaphore_mem>> -> memref<1x!tpu.dma_semaphore, #tpu.memory_space<semaphore_mem>>
      %dma_wait3A_538 = tpu.memref_squeeze %dma_wait3A_537 : memref<1x!tpu.dma_semaphore, #tpu.memory_space<semaphore_mem>> -> memref<!tpu.dma_semaphore, #tpu.memory_space<semaphore_mem>>
      %dma_wait3A_539 = arith.constant 0 : i32
      %dma_wait3A_540 = arith.constant 0 : i32
      %dma_wait3A_541 = tpu.memref_slice %arg9[%rem3A_418, %dma_wait3A_539, %dma_wait3A_540] : memref<3x4x128xi32, #tpu.memory_space<vmem>> -> memref<1x4x128xi32, #tpu.memory_space<vmem>>
      %dma_wait3A_542 = tpu.memref_squeeze %dma_wait3A_541 : memref<1x4x128xi32, #tpu.memory_space<vmem>> -> memref<4x128xi32, #tpu.memory_space<vmem>>
      %dma_wait3A_543 = arith.constant 0 : i32
      %dma_wait3A_544 = arith.constant 0 : i32
      %dma_wait3A_545 = tpu.memref_slice %arg4[%arg1, %dma_wait3A_543, %dma_wait3A_544] : memref<16x784x128xi32, #tpu.memory_space<hbm>> -> memref<1x4x128xi32, #tpu.memory_space<hbm>>
      %dma_wait3A_546 = tpu.memref_squeeze %dma_wait3A_545 : memref<1x4x128xi32, #tpu.memory_space<hbm>> -> memref<4x128xi32, #tpu.memory_space<hbm>>
      tpu.wait_dma2 semaphore(%dma_wait3A_538 : memref<!tpu.dma_semaphore, #tpu.memory_space<semaphore_mem>>) src(%dma_wait3A_546 : memref<4x128xi32, #tpu.memory_space<hbm>>) dst(%dma_wait3A_542 : memref<4x128xi32, #tpu.memory_space<vmem>>)
      %dma_start3A_547 = arith.constant 0 : i32
      %dma_start3A_548 = arith.constant 0 : i32
      %dma_start3A_549 = arith.constant 0 : i32
      %dma_start3A_550 = arith.constant 0 : i32
      %dma_start3A_551 = tpu.memref_slice %arg10[%rem3A_418, %dma_start3A_548, %dma_start3A_549, %dma_start3A_550] : memref<3x4x128x16xf32, #tpu.memory_space<vmem>> -> memref<1x1x128x16xf32, #tpu.memory_space<vmem>>
      %dma_start3A_552 = tpu.memref_squeeze %dma_start3A_551 : memref<1x1x128x16xf32, #tpu.memory_space<vmem>> -> memref<128x16xf32, #tpu.memory_space<vmem>>
      %dma_start3A_553 = arith.constant 0 : i32
      %dma_start3A_554 = tpu.memref_slice %arg8[%rem3A_418, %dma_start3A_547, %dma_start3A_553] : memref<3x4x128xi32, #tpu.memory_space<vmem>> -> memref<1x1x128xi32, #tpu.memory_space<vmem>>
      %dma_start3A_555 = tpu.memref_squeeze %dma_start3A_554 : memref<1x1x128xi32, #tpu.memory_space<vmem>> -> memref<128xi32, #tpu.memory_space<vmem>>
      %dma_start3A_556 = arith.constant 0 : i32
      %dma_start3A_557 = arith.constant 0 : i32
      %dma_start3A_558 = tpu.memref_slice %arg2[%dma_start3A_556, %dma_start3A_557] : memref<200000x16xf32, #tpu.memory_space<hbm>> -> memref<200000x16xf32, #tpu.memory_space<hbm>>
      %dma_start3A_559 = tpu.memref_slice %arg11[%rem3A_418] : memref<3x!tpu.dma_semaphore, #tpu.memory_space<semaphore_mem>> -> memref<1x!tpu.dma_semaphore, #tpu.memory_space<semaphore_mem>>
      %dma_start3A_560 = tpu.memref_squeeze %dma_start3A_559 : memref<1x!tpu.dma_semaphore, #tpu.memory_space<semaphore_mem>> -> memref<!tpu.dma_semaphore, #tpu.memory_space<semaphore_mem>>
      tpu.enqueue_indirect_dma source(%dma_start3A_558 : memref<200000x16xf32, #tpu.memory_space<hbm>>) target(%dma_start3A_552 : memref<128x16xf32, #tpu.memory_space<vmem>>) offsets(%dma_start3A_555 : memref<128xi32, #tpu.memory_space<vmem>>) semaphore(%dma_start3A_560 : memref<!tpu.dma_semaphore, #tpu.memory_space<semaphore_mem>>)
      %dma_start3A_561 = arith.constant 1 : i32
      %dma_start3A_562 = arith.constant 1 : i32
      %dma_start3A_563 = arith.constant 0 : i32
      %dma_start3A_564 = arith.constant 0 : i32
      %dma_start3A_565 = tpu.memref_slice %arg10[%rem3A_418, %dma_start3A_562, %dma_start3A_563, %dma_start3A_564] : memref<3x4x128x16xf32, #tpu.memory_space<vmem>> -> memref<1x1x128x16xf32, #tpu.memory_space<vmem>>
      %dma_start3A_566 = tpu.memref_squeeze %dma_start3A_565 : memref<1x1x128x16xf32, #tpu.memory_space<vmem>> -> memref<128x16xf32, #tpu.memory_space<vmem>>
      %dma_start3A_567 = arith.constant 0 : i32
      %dma_start3A_568 = tpu.memref_slice %arg8[%rem3A_418, %dma_start3A_561, %dma_start3A_567] : memref<3x4x128xi32, #tpu.memory_space<vmem>> -> memref<1x1x128xi32, #tpu.memory_space<vmem>>
      %dma_start3A_569 = tpu.memref_squeeze %dma_start3A_568 : memref<1x1x128xi32, #tpu.memory_space<vmem>> -> memref<128xi32, #tpu.memory_space<vmem>>
      %dma_start3A_570 = arith.constant 0 : i32
      %dma_start3A_571 = arith.constant 0 : i32
      %dma_start3A_572 = tpu.memref_slice %arg2[%dma_start3A_570, %dma_start3A_571] : memref<200000x16xf32, #tpu.memory_space<hbm>> -> memref<200000x16xf32, #tpu.memory_space<hbm>>
      %dma_start3A_573 = tpu.memref_slice %arg11[%rem3A_418] : memref<3x!tpu.dma_semaphore, #tpu.memory_space<semaphore_mem>> -> memref<1x!tpu.dma_semaphore, #tpu.memory_space<semaphore_mem>>
      %dma_start3A_574 = tpu.memref_squeeze %dma_start3A_573 : memref<1x!tpu.dma_semaphore, #tpu.memory_space<semaphore_mem>> -> memref<!tpu.dma_semaphore, #tpu.memory_space<semaphore_mem>>
      tpu.enqueue_indirect_dma source(%dma_start3A_572 : memref<200000x16xf32, #tpu.memory_space<hbm>>) target(%dma_start3A_566 : memref<128x16xf32, #tpu.memory_space<vmem>>) offsets(%dma_start3A_569 : memref<128xi32, #tpu.memory_space<vmem>>) semaphore(%dma_start3A_574 : memref<!tpu.dma_semaphore, #tpu.memory_space<semaphore_mem>>)
      %dma_start3A_575 = arith.constant 2 : i32
      %dma_start3A_576 = arith.constant 2 : i32
      %dma_start3A_577 = arith.constant 0 : i32
      %dma_start3A_578 = arith.constant 0 : i32
      %dma_start3A_579 = tpu.memref_slice %arg10[%rem3A_418, %dma_start3A_576, %dma_start3A_577, %dma_start3A_578] : memref<3x4x128x16xf32, #tpu.memory_space<vmem>> -> memref<1x1x128x16xf32, #tpu.memory_space<vmem>>
      %dma_start3A_580 = tpu.memref_squeeze %dma_start3A_579 : memref<1x1x128x16xf32, #tpu.memory_space<vmem>> -> memref<128x16xf32, #tpu.memory_space<vmem>>
      %dma_start3A_581 = arith.constant 0 : i32
      %dma_start3A_582 = tpu.memref_slice %arg8[%rem3A_418, %dma_start3A_575, %dma_start3A_581] : memref<3x4x128xi32, #tpu.memory_space<vmem>> -> memref<1x1x128xi32, #tpu.memory_space<vmem>>
      %dma_start3A_583 = tpu.memref_squeeze %dma_start3A_582 : memref<1x1x128xi32, #tpu.memory_space<vmem>> -> memref<128xi32, #tpu.memory_space<vmem>>
      %dma_start3A_584 = arith.constant 0 : i32
      %dma_start3A_585 = arith.constant 0 : i32
      %dma_start3A_586 = tpu.memref_slice %arg2[%dma_start3A_584, %dma_start3A_585] : memref<200000x16xf32, #tpu.memory_space<hbm>> -> memref<200000x16xf32, #tpu.memory_space<hbm>>
      %dma_start3A_587 = tpu.memref_slice %arg11[%rem3A_418] : memref<3x!tpu.dma_semaphore, #tpu.memory_space<semaphore_mem>> -> memref<1x!tpu.dma_semaphore, #tpu.memory_space<semaphore_mem>>
      %dma_start3A_588 = tpu.memref_squeeze %dma_start3A_587 : memref<1x!tpu.dma_semaphore, #tpu.memory_space<semaphore_mem>> -> memref<!tpu.dma_semaphore, #tpu.memory_space<semaphore_mem>>
      tpu.enqueue_indirect_dma source(%dma_start3A_586 : memref<200000x16xf32, #tpu.memory_space<hbm>>) target(%dma_start3A_580 : memref<128x16xf32, #tpu.memory_space<vmem>>) offsets(%dma_start3A_583 : memref<128xi32, #tpu.memory_space<vmem>>) semaphore(%dma_start3A_588 : memref<!tpu.dma_semaphore, #tpu.memory_space<semaphore_mem>>)
      %dma_start3A_589 = arith.constant 3 : i32
      %dma_start3A_590 = arith.constant 3 : i32
      %dma_start3A_591 = arith.constant 0 : i32
      %dma_start3A_592 = arith.constant 0 : i32
      %dma_start3A_593 = tpu.memref_slice %arg10[%rem3A_418, %dma_start3A_590, %dma_start3A_591, %dma_start3A_592] : memref<3x4x128x16xf32, #tpu.memory_space<vmem>> -> memref<1x1x128x16xf32, #tpu.memory_space<vmem>>
      %dma_start3A_594 = tpu.memref_squeeze %dma_start3A_593 : memref<1x1x128x16xf32, #tpu.memory_space<vmem>> -> memref<128x16xf32, #tpu.memory_space<vmem>>
      %dma_start3A_595 = arith.constant 0 : i32
      %dma_start3A_596 = tpu.memref_slice %arg8[%rem3A_418, %dma_start3A_589, %dma_start3A_595] : memref<3x4x128xi32, #tpu.memory_space<vmem>> -> memref<1x1x128xi32, #tpu.memory_space<vmem>>
      %dma_start3A_597 = tpu.memref_squeeze %dma_start3A_596 : memref<1x1x128xi32, #tpu.memory_space<vmem>> -> memref<128xi32, #tpu.memory_space<vmem>>
      %dma_start3A_598 = arith.constant 0 : i32
      %dma_start3A_599 = arith.constant 0 : i32
      %dma_start3A_600 = tpu.memref_slice %arg2[%dma_start3A_598, %dma_start3A_599] : memref<200000x16xf32, #tpu.memory_space<hbm>> -> memref<200000x16xf32, #tpu.memory_space<hbm>>
      %dma_start3A_601 = tpu.memref_slice %arg11[%rem3A_418] : memref<3x!tpu.dma_semaphore, #tpu.memory_space<semaphore_mem>> -> memref<1x!tpu.dma_semaphore, #tpu.memory_space<semaphore_mem>>
      %dma_start3A_602 = tpu.memref_squeeze %dma_start3A_601 : memref<1x!tpu.dma_semaphore, #tpu.memory_space<semaphore_mem>> -> memref<!tpu.dma_semaphore, #tpu.memory_space<semaphore_mem>>
      tpu.enqueue_indirect_dma source(%dma_start3A_600 : memref<200000x16xf32, #tpu.memory_space<hbm>>) target(%dma_start3A_594 : memref<128x16xf32, #tpu.memory_space<vmem>>) offsets(%dma_start3A_597 : memref<128xi32, #tpu.memory_space<vmem>>) semaphore(%dma_start3A_602 : memref<!tpu.dma_semaphore, #tpu.memory_space<semaphore_mem>>)
      %dma_wait3A_603 = arith.constant 0 : i32
      %dma_wait3A_604 = arith.constant 0 : i32
      %dma_wait3A_605 = arith.constant 0 : i32
      %dma_wait3A_606 = arith.constant 0 : i32
      %dma_wait3A_607 = tpu.memref_slice %arg10[%rem3A_415, %dma_wait3A_604, %dma_wait3A_605, %dma_wait3A_606] : memref<3x4x128x16xf32, #tpu.memory_space<vmem>> -> memref<1x1x128x16xf32, #tpu.memory_space<vmem>>
      %dma_wait3A_608 = tpu.memref_squeeze %dma_wait3A_607 : memref<1x1x128x16xf32, #tpu.memory_space<vmem>> -> memref<128x16xf32, #tpu.memory_space<vmem>>
      %dma_wait3A_609 = arith.constant 0 : i32
      %dma_wait3A_610 = tpu.memref_slice %arg8[%rem3A_415, %dma_wait3A_603, %dma_wait3A_609] : memref<3x4x128xi32, #tpu.memory_space<vmem>> -> memref<1x1x128xi32, #tpu.memory_space<vmem>>
      %dma_wait3A_611 = tpu.memref_squeeze %dma_wait3A_610 : memref<1x1x128xi32, #tpu.memory_space<vmem>> -> memref<128xi32, #tpu.memory_space<vmem>>
      %dma_wait3A_612 = arith.constant 0 : i32
      %dma_wait3A_613 = arith.constant 0 : i32
      %dma_wait3A_614 = tpu.memref_slice %arg2[%dma_wait3A_612, %dma_wait3A_613] : memref<200000x16xf32, #tpu.memory_space<hbm>> -> memref<200000x16xf32, #tpu.memory_space<hbm>>
      %dma_wait3A_615 = tpu.memref_slice %arg11[%rem3A_415] : memref<3x!tpu.dma_semaphore, #tpu.memory_space<semaphore_mem>> -> memref<1x!tpu.dma_semaphore, #tpu.memory_space<semaphore_mem>>
      %dma_wait3A_616 = tpu.memref_squeeze %dma_wait3A_615 : memref<1x!tpu.dma_semaphore, #tpu.memory_space<semaphore_mem>> -> memref<!tpu.dma_semaphore, #tpu.memory_space<semaphore_mem>>
      tpu.wait_indirect_dma semaphore(%dma_wait3A_616 : memref<!tpu.dma_semaphore, #tpu.memory_space<semaphore_mem>>) src(%dma_wait3A_614 : memref<200000x16xf32, #tpu.memory_space<hbm>>) dst(%dma_wait3A_608 : memref<128x16xf32, #tpu.memory_space<vmem>>)
      %dma_start3A_617 = arith.constant 0 : i32
      %dma_start3A_618 = arith.constant 0 : i32
      %dma_start3A_619 = arith.constant 0 : i32
      %dma_start3A_620 = arith.constant 0 : i32
      %dma_start3A_621 = tpu.memref_slice %arg10[%rem3A_415, %dma_start3A_617, %dma_start3A_619, %dma_start3A_620] : memref<3x4x128x16xf32, #tpu.memory_space<vmem>> -> memref<1x1x128x16xf32, #tpu.memory_space<vmem>>
      %dma_start3A_622 = tpu.memref_squeeze %dma_start3A_621 : memref<1x1x128x16xf32, #tpu.memory_space<vmem>> -> memref<128x16xf32, #tpu.memory_space<vmem>>
      %dma_start3A_623 = arith.constant 0 : i32
      %dma_start3A_624 = tpu.memref_slice %arg9[%rem3A_415, %dma_start3A_618, %dma_start3A_623] : memref<3x4x128xi32, #tpu.memory_space<vmem>> -> memref<1x1x128xi32, #tpu.memory_space<vmem>>
      %dma_start3A_625 = tpu.memref_squeeze %dma_start3A_624 : memref<1x1x128xi32, #tpu.memory_space<vmem>> -> memref<128xi32, #tpu.memory_space<vmem>>
      %dma_start3A_626 = arith.constant 0 : i32
      %dma_start3A_627 = arith.constant 0 : i32
      %dma_start3A_628 = tpu.memref_slice %arg7[%dma_start3A_626, %dma_start3A_627] : memref<100096x16xf32, #tpu.memory_space<vmem_shared>> -> memref<100096x16xf32, #tpu.memory_space<vmem_shared>>
      tpu.enqueue_indirect_dma source(%dma_start3A_622 : memref<128x16xf32, #tpu.memory_space<vmem>>) target(%dma_start3A_628 : memref<100096x16xf32, #tpu.memory_space<vmem_shared>>) offsets(%dma_start3A_625 : memref<128xi32, #tpu.memory_space<vmem>>) semaphore(%arg12 : memref<!tpu.dma_semaphore, #tpu.memory_space<semaphore_mem>>) {add = true}
      %dma_wait3A_629 = arith.constant 1 : i32
      %dma_wait3A_630 = arith.constant 1 : i32
      %dma_wait3A_631 = arith.constant 0 : i32
      %dma_wait3A_632 = arith.constant 0 : i32
      %dma_wait3A_633 = tpu.memref_slice %arg10[%rem3A_415, %dma_wait3A_630, %dma_wait3A_631, %dma_wait3A_632] : memref<3x4x128x16xf32, #tpu.memory_space<vmem>> -> memref<1x1x128x16xf32, #tpu.memory_space<vmem>>
      %dma_wait3A_634 = tpu.memref_squeeze %dma_wait3A_633 : memref<1x1x128x16xf32, #tpu.memory_space<vmem>> -> memref<128x16xf32, #tpu.memory_space<vmem>>
      %dma_wait3A_635 = arith.constant 0 : i32
      %dma_wait3A_636 = tpu.memref_slice %arg8[%rem3A_415, %dma_wait3A_629, %dma_wait3A_635] : memref<3x4x128xi32, #tpu.memory_space<vmem>> -> memref<1x1x128xi32, #tpu.memory_space<vmem>>
      %dma_wait3A_637 = tpu.memref_squeeze %dma_wait3A_636 : memref<1x1x128xi32, #tpu.memory_space<vmem>> -> memref<128xi32, #tpu.memory_space<vmem>>
      %dma_wait3A_638 = arith.constant 0 : i32
      %dma_wait3A_639 = arith.constant 0 : i32
      %dma_wait3A_640 = tpu.memref_slice %arg2[%dma_wait3A_638, %dma_wait3A_639] : memref<200000x16xf32, #tpu.memory_space<hbm>> -> memref<200000x16xf32, #tpu.memory_space<hbm>>
      %dma_wait3A_641 = tpu.memref_slice %arg11[%rem3A_415] : memref<3x!tpu.dma_semaphore, #tpu.memory_space<semaphore_mem>> -> memref<1x!tpu.dma_semaphore, #tpu.memory_space<semaphore_mem>>
      %dma_wait3A_642 = tpu.memref_squeeze %dma_wait3A_641 : memref<1x!tpu.dma_semaphore, #tpu.memory_space<semaphore_mem>> -> memref<!tpu.dma_semaphore, #tpu.memory_space<semaphore_mem>>
      tpu.wait_indirect_dma semaphore(%dma_wait3A_642 : memref<!tpu.dma_semaphore, #tpu.memory_space<semaphore_mem>>) src(%dma_wait3A_640 : memref<200000x16xf32, #tpu.memory_space<hbm>>) dst(%dma_wait3A_634 : memref<128x16xf32, #tpu.memory_space<vmem>>)
      %dma_start3A_643 = arith.constant 1 : i32
      %dma_start3A_644 = arith.constant 1 : i32
      %dma_start3A_645 = arith.constant 0 : i32
      %dma_start3A_646 = arith.constant 0 : i32
      %dma_start3A_647 = tpu.memref_slice %arg10[%rem3A_415, %dma_start3A_643, %dma_start3A_645, %dma_start3A_646] : memref<3x4x128x16xf32, #tpu.memory_space<vmem>> -> memref<1x1x128x16xf32, #tpu.memory_space<vmem>>
      %dma_start3A_648 = tpu.memref_squeeze %dma_start3A_647 : memref<1x1x128x16xf32, #tpu.memory_space<vmem>> -> memref<128x16xf32, #tpu.memory_space<vmem>>
      %dma_start3A_649 = arith.constant 0 : i32
      %dma_start3A_650 = tpu.memref_slice %arg9[%rem3A_415, %dma_start3A_644, %dma_start3A_649] : memref<3x4x128xi32, #tpu.memory_space<vmem>> -> memref<1x1x128xi32, #tpu.memory_space<vmem>>
      %dma_start3A_651 = tpu.memref_squeeze %dma_start3A_650 : memref<1x1x128xi32, #tpu.memory_space<vmem>> -> memref<128xi32, #tpu.memory_space<vmem>>
      %dma_start3A_652 = arith.constant 0 : i32
      %dma_start3A_653 = arith.constant 0 : i32
      %dma_start3A_654 = tpu.memref_slice %arg7[%dma_start3A_652, %dma_start3A_653] : memref<100096x16xf32, #tpu.memory_space<vmem_shared>> -> memref<100096x16xf32, #tpu.memory_space<vmem_shared>>
      tpu.enqueue_indirect_dma source(%dma_start3A_648 : memref<128x16xf32, #tpu.memory_space<vmem>>) target(%dma_start3A_654 : memref<100096x16xf32, #tpu.memory_space<vmem_shared>>) offsets(%dma_start3A_651 : memref<128xi32, #tpu.memory_space<vmem>>) semaphore(%arg12 : memref<!tpu.dma_semaphore, #tpu.memory_space<semaphore_mem>>) {add = true}
      %dma_wait3A_655 = arith.constant 2 : i32
      %dma_wait3A_656 = arith.constant 2 : i32
      %dma_wait3A_657 = arith.constant 0 : i32
      %dma_wait3A_658 = arith.constant 0 : i32
      %dma_wait3A_659 = tpu.memref_slice %arg10[%rem3A_415, %dma_wait3A_656, %dma_wait3A_657, %dma_wait3A_658] : memref<3x4x128x16xf32, #tpu.memory_space<vmem>> -> memref<1x1x128x16xf32, #tpu.memory_space<vmem>>
      %dma_wait3A_660 = tpu.memref_squeeze %dma_wait3A_659 : memref<1x1x128x16xf32, #tpu.memory_space<vmem>> -> memref<128x16xf32, #tpu.memory_space<vmem>>
      %dma_wait3A_661 = arith.constant 0 : i32
      %dma_wait3A_662 = tpu.memref_slice %arg8[%rem3A_415, %dma_wait3A_655, %dma_wait3A_661] : memref<3x4x128xi32, #tpu.memory_space<vmem>> -> memref<1x1x128xi32, #tpu.memory_space<vmem>>
      %dma_wait3A_663 = tpu.memref_squeeze %dma_wait3A_662 : memref<1x1x128xi32, #tpu.memory_space<vmem>> -> memref<128xi32, #tpu.memory_space<vmem>>
      %dma_wait3A_664 = arith.constant 0 : i32
      %dma_wait3A_665 = arith.constant 0 : i32
      %dma_wait3A_666 = tpu.memref_slice %arg2[%dma_wait3A_664, %dma_wait3A_665] : memref<200000x16xf32, #tpu.memory_space<hbm>> -> memref<200000x16xf32, #tpu.memory_space<hbm>>
      %dma_wait3A_667 = tpu.memref_slice %arg11[%rem3A_415] : memref<3x!tpu.dma_semaphore, #tpu.memory_space<semaphore_mem>> -> memref<1x!tpu.dma_semaphore, #tpu.memory_space<semaphore_mem>>
      %dma_wait3A_668 = tpu.memref_squeeze %dma_wait3A_667 : memref<1x!tpu.dma_semaphore, #tpu.memory_space<semaphore_mem>> -> memref<!tpu.dma_semaphore, #tpu.memory_space<semaphore_mem>>
      tpu.wait_indirect_dma semaphore(%dma_wait3A_668 : memref<!tpu.dma_semaphore, #tpu.memory_space<semaphore_mem>>) src(%dma_wait3A_666 : memref<200000x16xf32, #tpu.memory_space<hbm>>) dst(%dma_wait3A_660 : memref<128x16xf32, #tpu.memory_space<vmem>>)
      %dma_start3A_669 = arith.constant 2 : i32
      %dma_start3A_670 = arith.constant 2 : i32
      %dma_start3A_671 = arith.constant 0 : i32
      %dma_start3A_672 = arith.constant 0 : i32
      %dma_start3A_673 = tpu.memref_slice %arg10[%rem3A_415, %dma_start3A_669, %dma_start3A_671, %dma_start3A_672] : memref<3x4x128x16xf32, #tpu.memory_space<vmem>> -> memref<1x1x128x16xf32, #tpu.memory_space<vmem>>
      %dma_start3A_674 = tpu.memref_squeeze %dma_start3A_673 : memref<1x1x128x16xf32, #tpu.memory_space<vmem>> -> memref<128x16xf32, #tpu.memory_space<vmem>>
      %dma_start3A_675 = arith.constant 0 : i32
      %dma_start3A_676 = tpu.memref_slice %arg9[%rem3A_415, %dma_start3A_670, %dma_start3A_675] : memref<3x4x128xi32, #tpu.memory_space<vmem>> -> memref<1x1x128xi32, #tpu.memory_space<vmem>>
      %dma_start3A_677 = tpu.memref_squeeze %dma_start3A_676 : memref<1x1x128xi32, #tpu.memory_space<vmem>> -> memref<128xi32, #tpu.memory_space<vmem>>
      %dma_start3A_678 = arith.constant 0 : i32
      %dma_start3A_679 = arith.constant 0 : i32
      %dma_start3A_680 = tpu.memref_slice %arg7[%dma_start3A_678, %dma_start3A_679] : memref<100096x16xf32, #tpu.memory_space<vmem_shared>> -> memref<100096x16xf32, #tpu.memory_space<vmem_shared>>
      tpu.enqueue_indirect_dma source(%dma_start3A_674 : memref<128x16xf32, #tpu.memory_space<vmem>>) target(%dma_start3A_680 : memref<100096x16xf32, #tpu.memory_space<vmem_shared>>) offsets(%dma_start3A_677 : memref<128xi32, #tpu.memory_space<vmem>>) semaphore(%arg12 : memref<!tpu.dma_semaphore, #tpu.memory_space<semaphore_mem>>) {add = true}
      %dma_wait3A_681 = arith.constant 3 : i32
      %dma_wait3A_682 = arith.constant 3 : i32
      %dma_wait3A_683 = arith.constant 0 : i32
      %dma_wait3A_684 = arith.constant 0 : i32
      %dma_wait3A_685 = tpu.memref_slice %arg10[%rem3A_415, %dma_wait3A_682, %dma_wait3A_683, %dma_wait3A_684] : memref<3x4x128x16xf32, #tpu.memory_space<vmem>> -> memref<1x1x128x16xf32, #tpu.memory_space<vmem>>
      %dma_wait3A_686 = tpu.memref_squeeze %dma_wait3A_685 : memref<1x1x128x16xf32, #tpu.memory_space<vmem>> -> memref<128x16xf32, #tpu.memory_space<vmem>>
      %dma_wait3A_687 = arith.constant 0 : i32
      %dma_wait3A_688 = tpu.memref_slice %arg8[%rem3A_415, %dma_wait3A_681, %dma_wait3A_687] : memref<3x4x128xi32, #tpu.memory_space<vmem>> -> memref<1x1x128xi32, #tpu.memory_space<vmem>>
      %dma_wait3A_689 = tpu.memref_squeeze %dma_wait3A_688 : memref<1x1x128xi32, #tpu.memory_space<vmem>> -> memref<128xi32, #tpu.memory_space<vmem>>
      %dma_wait3A_690 = arith.constant 0 : i32
      %dma_wait3A_691 = arith.constant 0 : i32
      %dma_wait3A_692 = tpu.memref_slice %arg2[%dma_wait3A_690, %dma_wait3A_691] : memref<200000x16xf32, #tpu.memory_space<hbm>> -> memref<200000x16xf32, #tpu.memory_space<hbm>>
      %dma_wait3A_693 = tpu.memref_slice %arg11[%rem3A_415] : memref<3x!tpu.dma_semaphore, #tpu.memory_space<semaphore_mem>> -> memref<1x!tpu.dma_semaphore, #tpu.memory_space<semaphore_mem>>
      %dma_wait3A_694 = tpu.memref_squeeze %dma_wait3A_693 : memref<1x!tpu.dma_semaphore, #tpu.memory_space<semaphore_mem>> -> memref<!tpu.dma_semaphore, #tpu.memory_space<semaphore_mem>>
      tpu.wait_indirect_dma semaphore(%dma_wait3A_694 : memref<!tpu.dma_semaphore, #tpu.memory_space<semaphore_mem>>) src(%dma_wait3A_692 : memref<200000x16xf32, #tpu.memory_space<hbm>>) dst(%dma_wait3A_686 : memref<128x16xf32, #tpu.memory_space<vmem>>)
      %dma_start3A_695 = arith.constant 3 : i32
      %dma_start3A_696 = arith.constant 3 : i32
      %dma_start3A_697 = arith.constant 0 : i32
      %dma_start3A_698 = arith.constant 0 : i32
      %dma_start3A_699 = tpu.memref_slice %arg10[%rem3A_415, %dma_start3A_695, %dma_start3A_697, %dma_start3A_698] : memref<3x4x128x16xf32, #tpu.memory_space<vmem>> -> memref<1x1x128x16xf32, #tpu.memory_space<vmem>>
      %dma_start3A_700 = tpu.memref_squeeze %dma_start3A_699 : memref<1x1x128x16xf32, #tpu.memory_space<vmem>> -> memref<128x16xf32, #tpu.memory_space<vmem>>
      %dma_start3A_701 = arith.constant 0 : i32
      %dma_start3A_702 = tpu.memref_slice %arg9[%rem3A_415, %dma_start3A_696, %dma_start3A_701] : memref<3x4x128xi32, #tpu.memory_space<vmem>> -> memref<1x1x128xi32, #tpu.memory_space<vmem>>
      %dma_start3A_703 = tpu.memref_squeeze %dma_start3A_702 : memref<1x1x128xi32, #tpu.memory_space<vmem>> -> memref<128xi32, #tpu.memory_space<vmem>>
      %dma_start3A_704 = arith.constant 0 : i32
      %dma_start3A_705 = arith.constant 0 : i32
      %dma_start3A_706 = tpu.memref_slice %arg7[%dma_start3A_704, %dma_start3A_705] : memref<100096x16xf32, #tpu.memory_space<vmem_shared>> -> memref<100096x16xf32, #tpu.memory_space<vmem_shared>>
      tpu.enqueue_indirect_dma source(%dma_start3A_700 : memref<128x16xf32, #tpu.memory_space<vmem>>) target(%dma_start3A_706 : memref<100096x16xf32, #tpu.memory_space<vmem_shared>>) offsets(%dma_start3A_703 : memref<128xi32, #tpu.memory_space<vmem>>) semaphore(%arg12 : memref<!tpu.dma_semaphore, #tpu.memory_space<semaphore_mem>>) {add = true}
    }
    %scan3A_248 = arith.constant 196 : i32
    %dma_wait3A_249 = arith.constant 0 : i32
    %dma_wait3A_250 = arith.constant 0 : i32
    %dma_wait3A_251 = arith.constant 0 : i32
    %dma_wait3A_252 = arith.constant 0 : i32
    %dma_wait3A_253 = arith.constant 0 : i32
    %dma_wait3A_254 = arith.constant 0 : i32
    %dma_wait3A_255 = tpu.memref_slice %arg10[%dma_wait3A_249, %dma_wait3A_250, %dma_wait3A_253, %dma_wait3A_254] : memref<3x4x128x16xf32, #tpu.memory_space<vmem>> -> memref<1x1x128x16xf32, #tpu.memory_space<vmem>>
    %dma_wait3A_256 = tpu.memref_squeeze %dma_wait3A_255 : memref<1x1x128x16xf32, #tpu.memory_space<vmem>> -> memref<128x16xf32, #tpu.memory_space<vmem>>
    %dma_wait3A_257 = arith.constant 0 : i32
    %dma_wait3A_258 = tpu.memref_slice %arg9[%dma_wait3A_251, %dma_wait3A_252, %dma_wait3A_257] : memref<3x4x128xi32, #tpu.memory_space<vmem>> -> memref<1x1x128xi32, #tpu.memory_space<vmem>>
    %dma_wait3A_259 = tpu.memref_squeeze %dma_wait3A_258 : memref<1x1x128xi32, #tpu.memory_space<vmem>> -> memref<128xi32, #tpu.memory_space<vmem>>
    %dma_wait3A_260 = arith.constant 0 : i32
    %dma_wait3A_261 = arith.constant 0 : i32
    %dma_wait3A_262 = tpu.memref_slice %arg7[%dma_wait3A_260, %dma_wait3A_261] : memref<100096x16xf32, #tpu.memory_space<vmem_shared>> -> memref<100096x16xf32, #tpu.memory_space<vmem_shared>>
    tpu.wait_indirect_dma semaphore(%arg12 : memref<!tpu.dma_semaphore, #tpu.memory_space<semaphore_mem>>) src(%dma_wait3A_256 : memref<128x16xf32, #tpu.memory_space<vmem>>) dst(%dma_wait3A_262 : memref<100096x16xf32, #tpu.memory_space<vmem_shared>>)
    %dma_wait3A_263 = arith.constant 0 : i32
    %dma_wait3A_264 = arith.constant 1 : i32
    %dma_wait3A_265 = arith.constant 0 : i32
    %dma_wait3A_266 = arith.constant 1 : i32
    %dma_wait3A_267 = arith.constant 0 : i32
    %dma_wait3A_268 = arith.constant 0 : i32
    %dma_wait3A_269 = tpu.memref_slice %arg10[%dma_wait3A_263, %dma_wait3A_264, %dma_wait3A_267, %dma_wait3A_268] : memref<3x4x128x16xf32, #tpu.memory_space<vmem>> -> memref<1x1x128x16xf32, #tpu.memory_space<vmem>>
    %dma_wait3A_270 = tpu.memref_squeeze %dma_wait3A_269 : memref<1x1x128x16xf32, #tpu.memory_space<vmem>> -> memref<128x16xf32, #tpu.memory_space<vmem>>
    %dma_wait3A_271 = arith.constant 0 : i32
    %dma_wait3A_272 = tpu.memref_slice %arg9[%dma_wait3A_265, %dma_wait3A_266, %dma_wait3A_271] : memref<3x4x128xi32, #tpu.memory_space<vmem>> -> memref<1x1x128xi32, #tpu.memory_space<vmem>>
    %dma_wait3A_273 = tpu.memref_squeeze %dma_wait3A_272 : memref<1x1x128xi32, #tpu.memory_space<vmem>> -> memref<128xi32, #tpu.memory_space<vmem>>
    %dma_wait3A_274 = arith.constant 0 : i32
    %dma_wait3A_275 = arith.constant 0 : i32
    %dma_wait3A_276 = tpu.memref_slice %arg7[%dma_wait3A_274, %dma_wait3A_275] : memref<100096x16xf32, #tpu.memory_space<vmem_shared>> -> memref<100096x16xf32, #tpu.memory_space<vmem_shared>>
    tpu.wait_indirect_dma semaphore(%arg12 : memref<!tpu.dma_semaphore, #tpu.memory_space<semaphore_mem>>) src(%dma_wait3A_270 : memref<128x16xf32, #tpu.memory_space<vmem>>) dst(%dma_wait3A_276 : memref<100096x16xf32, #tpu.memory_space<vmem_shared>>)
    %dma_wait3A_277 = arith.constant 0 : i32
    %dma_wait3A_278 = arith.constant 2 : i32
    %dma_wait3A_279 = arith.constant 0 : i32
    %dma_wait3A_280 = arith.constant 2 : i32
    %dma_wait3A_281 = arith.constant 0 : i32
    %dma_wait3A_282 = arith.constant 0 : i32
    %dma_wait3A_283 = tpu.memref_slice %arg10[%dma_wait3A_277, %dma_wait3A_278, %dma_wait3A_281, %dma_wait3A_282] : memref<3x4x128x16xf32, #tpu.memory_space<vmem>> -> memref<1x1x128x16xf32, #tpu.memory_space<vmem>>
    %dma_wait3A_284 = tpu.memref_squeeze %dma_wait3A_283 : memref<1x1x128x16xf32, #tpu.memory_space<vmem>> -> memref<128x16xf32, #tpu.memory_space<vmem>>
    %dma_wait3A_285 = arith.constant 0 : i32
    %dma_wait3A_286 = tpu.memref_slice %arg9[%dma_wait3A_279, %dma_wait3A_280, %dma_wait3A_285] : memref<3x4x128xi32, #tpu.memory_space<vmem>> -> memref<1x1x128xi32, #tpu.memory_space<vmem>>
    %dma_wait3A_287 = tpu.memref_squeeze %dma_wait3A_286 : memref<1x1x128xi32, #tpu.memory_space<vmem>> -> memref<128xi32, #tpu.memory_space<vmem>>
    %dma_wait3A_288 = arith.constant 0 : i32
    %dma_wait3A_289 = arith.constant 0 : i32
    %dma_wait3A_290 = tpu.memref_slice %arg7[%dma_wait3A_288, %dma_wait3A_289] : memref<100096x16xf32, #tpu.memory_space<vmem_shared>> -> memref<100096x16xf32, #tpu.memory_space<vmem_shared>>
    tpu.wait_indirect_dma semaphore(%arg12 : memref<!tpu.dma_semaphore, #tpu.memory_space<semaphore_mem>>) src(%dma_wait3A_284 : memref<128x16xf32, #tpu.memory_space<vmem>>) dst(%dma_wait3A_290 : memref<100096x16xf32, #tpu.memory_space<vmem_shared>>)
    %dma_wait3A_291 = arith.constant 0 : i32
    %dma_wait3A_292 = arith.constant 3 : i32
    %dma_wait3A_293 = arith.constant 0 : i32
    %dma_wait3A_294 = arith.constant 3 : i32
    %dma_wait3A_295 = arith.constant 0 : i32
    %dma_wait3A_296 = arith.constant 0 : i32
    %dma_wait3A_297 = tpu.memref_slice %arg10[%dma_wait3A_291, %dma_wait3A_292, %dma_wait3A_295, %dma_wait3A_296] : memref<3x4x128x16xf32, #tpu.memory_space<vmem>> -> memref<1x1x128x16xf32, #tpu.memory_space<vmem>>
    %dma_wait3A_298 = tpu.memref_squeeze %dma_wait3A_297 : memref<1x1x128x16xf32, #tpu.memory_space<vmem>> -> memref<128x16xf32, #tpu.memory_space<vmem>>
    %dma_wait3A_299 = arith.constant 0 : i32
    %dma_wait3A_300 = tpu.memref_slice %arg9[%dma_wait3A_293, %dma_wait3A_294, %dma_wait3A_299] : memref<3x4x128xi32, #tpu.memory_space<vmem>> -> memref<1x1x128xi32, #tpu.memory_space<vmem>>
    %dma_wait3A_301 = tpu.memref_squeeze %dma_wait3A_300 : memref<1x1x128xi32, #tpu.memory_space<vmem>> -> memref<128xi32, #tpu.memory_space<vmem>>
    %dma_wait3A_302 = arith.constant 0 : i32
    %dma_wait3A_303 = arith.constant 0 : i32
    %dma_wait3A_304 = tpu.memref_slice %arg7[%dma_wait3A_302, %dma_wait3A_303] : memref<100096x16xf32, #tpu.memory_space<vmem_shared>> -> memref<100096x16xf32, #tpu.memory_space<vmem_shared>>
    tpu.wait_indirect_dma semaphore(%arg12 : memref<!tpu.dma_semaphore, #tpu.memory_space<semaphore_mem>>) src(%dma_wait3A_298 : memref<128x16xf32, #tpu.memory_space<vmem>>) dst(%dma_wait3A_304 : memref<100096x16xf32, #tpu.memory_space<vmem_shared>>)
    %dma_wait3A_305 = arith.constant 1 : i32
    %dma_wait3A_306 = arith.constant 0 : i32
    %dma_wait3A_307 = arith.constant 1 : i32
    %dma_wait3A_308 = arith.constant 0 : i32
    %dma_wait3A_309 = arith.constant 1 : i32
    %dma_wait3A_310 = arith.constant 0 : i32
    %dma_wait3A_311 = arith.constant 0 : i32
    %dma_wait3A_312 = tpu.memref_slice %arg10[%dma_wait3A_307, %dma_wait3A_308, %dma_wait3A_310, %dma_wait3A_311] : memref<3x4x128x16xf32, #tpu.memory_space<vmem>> -> memref<1x1x128x16xf32, #tpu.memory_space<vmem>>
    %dma_wait3A_313 = tpu.memref_squeeze %dma_wait3A_312 : memref<1x1x128x16xf32, #tpu.memory_space<vmem>> -> memref<128x16xf32, #tpu.memory_space<vmem>>
    %dma_wait3A_314 = arith.constant 0 : i32
    %dma_wait3A_315 = tpu.memref_slice %arg8[%dma_wait3A_305, %dma_wait3A_306, %dma_wait3A_314] : memref<3x4x128xi32, #tpu.memory_space<vmem>> -> memref<1x1x128xi32, #tpu.memory_space<vmem>>
    %dma_wait3A_316 = tpu.memref_squeeze %dma_wait3A_315 : memref<1x1x128xi32, #tpu.memory_space<vmem>> -> memref<128xi32, #tpu.memory_space<vmem>>
    %dma_wait3A_317 = arith.constant 0 : i32
    %dma_wait3A_318 = arith.constant 0 : i32
    %dma_wait3A_319 = tpu.memref_slice %arg2[%dma_wait3A_317, %dma_wait3A_318] : memref<200000x16xf32, #tpu.memory_space<hbm>> -> memref<200000x16xf32, #tpu.memory_space<hbm>>
    %dma_wait3A_320 = tpu.memref_slice %arg11[%dma_wait3A_309] : memref<3x!tpu.dma_semaphore, #tpu.memory_space<semaphore_mem>> -> memref<1x!tpu.dma_semaphore, #tpu.memory_space<semaphore_mem>>
    %dma_wait3A_321 = tpu.memref_squeeze %dma_wait3A_320 : memref<1x!tpu.dma_semaphore, #tpu.memory_space<semaphore_mem>> -> memref<!tpu.dma_semaphore, #tpu.memory_space<semaphore_mem>>
    tpu.wait_indirect_dma semaphore(%dma_wait3A_321 : memref<!tpu.dma_semaphore, #tpu.memory_space<semaphore_mem>>) src(%dma_wait3A_319 : memref<200000x16xf32, #tpu.memory_space<hbm>>) dst(%dma_wait3A_313 : memref<128x16xf32, #tpu.memory_space<vmem>>)
    %dma_wait3A_322 = arith.constant 1 : i32
    %dma_wait3A_323 = arith.constant 1 : i32
    %dma_wait3A_324 = arith.constant 1 : i32
    %dma_wait3A_325 = arith.constant 1 : i32
    %dma_wait3A_326 = arith.constant 1 : i32
    %dma_wait3A_327 = arith.constant 0 : i32
    %dma_wait3A_328 = arith.constant 0 : i32
    %dma_wait3A_329 = tpu.memref_slice %arg10[%dma_wait3A_324, %dma_wait3A_325, %dma_wait3A_327, %dma_wait3A_328] : memref<3x4x128x16xf32, #tpu.memory_space<vmem>> -> memref<1x1x128x16xf32, #tpu.memory_space<vmem>>
    %dma_wait3A_330 = tpu.memref_squeeze %dma_wait3A_329 : memref<1x1x128x16xf32, #tpu.memory_space<vmem>> -> memref<128x16xf32, #tpu.memory_space<vmem>>
    %dma_wait3A_331 = arith.constant 0 : i32
    %dma_wait3A_332 = tpu.memref_slice %arg8[%dma_wait3A_322, %dma_wait3A_323, %dma_wait3A_331] : memref<3x4x128xi32, #tpu.memory_space<vmem>> -> memref<1x1x128xi32, #tpu.memory_space<vmem>>
    %dma_wait3A_333 = tpu.memref_squeeze %dma_wait3A_332 : memref<1x1x128xi32, #tpu.memory_space<vmem>> -> memref<128xi32, #tpu.memory_space<vmem>>
    %dma_wait3A_334 = arith.constant 0 : i32
    %dma_wait3A_335 = arith.constant 0 : i32
    %dma_wait3A_336 = tpu.memref_slice %arg2[%dma_wait3A_334, %dma_wait3A_335] : memref<200000x16xf32, #tpu.memory_space<hbm>> -> memref<200000x16xf32, #tpu.memory_space<hbm>>
    %dma_wait3A_337 = tpu.memref_slice %arg11[%dma_wait3A_326] : memref<3x!tpu.dma_semaphore, #tpu.memory_space<semaphore_mem>> -> memref<1x!tpu.dma_semaphore, #tpu.memory_space<semaphore_mem>>
    %dma_wait3A_338 = tpu.memref_squeeze %dma_wait3A_337 : memref<1x!tpu.dma_semaphore, #tpu.memory_space<semaphore_mem>> -> memref<!tpu.dma_semaphore, #tpu.memory_space<semaphore_mem>>
    tpu.wait_indirect_dma semaphore(%dma_wait3A_338 : memref<!tpu.dma_semaphore, #tpu.memory_space<semaphore_mem>>) src(%dma_wait3A_336 : memref<200000x16xf32, #tpu.memory_space<hbm>>) dst(%dma_wait3A_330 : memref<128x16xf32, #tpu.memory_space<vmem>>)
    %dma_wait3A_339 = arith.constant 1 : i32
    %dma_wait3A_340 = arith.constant 2 : i32
    %dma_wait3A_341 = arith.constant 1 : i32
    %dma_wait3A_342 = arith.constant 2 : i32
    %dma_wait3A_343 = arith.constant 1 : i32
    %dma_wait3A_344 = arith.constant 0 : i32
    %dma_wait3A_345 = arith.constant 0 : i32
    %dma_wait3A_346 = tpu.memref_slice %arg10[%dma_wait3A_341, %dma_wait3A_342, %dma_wait3A_344, %dma_wait3A_345] : memref<3x4x128x16xf32, #tpu.memory_space<vmem>> -> memref<1x1x128x16xf32, #tpu.memory_space<vmem>>
    %dma_wait3A_347 = tpu.memref_squeeze %dma_wait3A_346 : memref<1x1x128x16xf32, #tpu.memory_space<vmem>> -> memref<128x16xf32, #tpu.memory_space<vmem>>
    %dma_wait3A_348 = arith.constant 0 : i32
    %dma_wait3A_349 = tpu.memref_slice %arg8[%dma_wait3A_339, %dma_wait3A_340, %dma_wait3A_348] : memref<3x4x128xi32, #tpu.memory_space<vmem>> -> memref<1x1x128xi32, #tpu.memory_space<vmem>>
    %dma_wait3A_350 = tpu.memref_squeeze %dma_wait3A_349 : memref<1x1x128xi32, #tpu.memory_space<vmem>> -> memref<128xi32, #tpu.memory_space<vmem>>
    %dma_wait3A_351 = arith.constant 0 : i32
    %dma_wait3A_352 = arith.constant 0 : i32
    %dma_wait3A_353 = tpu.memref_slice %arg2[%dma_wait3A_351, %dma_wait3A_352] : memref<200000x16xf32, #tpu.memory_space<hbm>> -> memref<200000x16xf32, #tpu.memory_space<hbm>>
    %dma_wait3A_354 = tpu.memref_slice %arg11[%dma_wait3A_343] : memref<3x!tpu.dma_semaphore, #tpu.memory_space<semaphore_mem>> -> memref<1x!tpu.dma_semaphore, #tpu.memory_space<semaphore_mem>>
    %dma_wait3A_355 = tpu.memref_squeeze %dma_wait3A_354 : memref<1x!tpu.dma_semaphore, #tpu.memory_space<semaphore_mem>> -> memref<!tpu.dma_semaphore, #tpu.memory_space<semaphore_mem>>
    tpu.wait_indirect_dma semaphore(%dma_wait3A_355 : memref<!tpu.dma_semaphore, #tpu.memory_space<semaphore_mem>>) src(%dma_wait3A_353 : memref<200000x16xf32, #tpu.memory_space<hbm>>) dst(%dma_wait3A_347 : memref<128x16xf32, #tpu.memory_space<vmem>>)
    %dma_wait3A_356 = arith.constant 1 : i32
    %dma_wait3A_357 = arith.constant 3 : i32
    %dma_wait3A_358 = arith.constant 1 : i32
    %dma_wait3A_359 = arith.constant 3 : i32
    %dma_wait3A_360 = arith.constant 1 : i32
    %dma_wait3A_361 = arith.constant 0 : i32
    %dma_wait3A_362 = arith.constant 0 : i32
    %dma_wait3A_363 = tpu.memref_slice %arg10[%dma_wait3A_358, %dma_wait3A_359, %dma_wait3A_361, %dma_wait3A_362] : memref<3x4x128x16xf32, #tpu.memory_space<vmem>> -> memref<1x1x128x16xf32, #tpu.memory_space<vmem>>
    %dma_wait3A_364 = tpu.memref_squeeze %dma_wait3A_363 : memref<1x1x128x16xf32, #tpu.memory_space<vmem>> -> memref<128x16xf32, #tpu.memory_space<vmem>>
    %dma_wait3A_365 = arith.constant 0 : i32
    %dma_wait3A_366 = tpu.memref_slice %arg8[%dma_wait3A_356, %dma_wait3A_357, %dma_wait3A_365] : memref<3x4x128xi32, #tpu.memory_space<vmem>> -> memref<1x1x128xi32, #tpu.memory_space<vmem>>
    %dma_wait3A_367 = tpu.memref_squeeze %dma_wait3A_366 : memref<1x1x128xi32, #tpu.memory_space<vmem>> -> memref<128xi32, #tpu.memory_space<vmem>>
    %dma_wait3A_368 = arith.constant 0 : i32
    %dma_wait3A_369 = arith.constant 0 : i32
    %dma_wait3A_370 = tpu.memref_slice %arg2[%dma_wait3A_368, %dma_wait3A_369] : memref<200000x16xf32, #tpu.memory_space<hbm>> -> memref<200000x16xf32, #tpu.memory_space<hbm>>
    %dma_wait3A_371 = tpu.memref_slice %arg11[%dma_wait3A_360] : memref<3x!tpu.dma_semaphore, #tpu.memory_space<semaphore_mem>> -> memref<1x!tpu.dma_semaphore, #tpu.memory_space<semaphore_mem>>
    %dma_wait3A_372 = tpu.memref_squeeze %dma_wait3A_371 : memref<1x!tpu.dma_semaphore, #tpu.memory_space<semaphore_mem>> -> memref<!tpu.dma_semaphore, #tpu.memory_space<semaphore_mem>>
    tpu.wait_indirect_dma semaphore(%dma_wait3A_372 : memref<!tpu.dma_semaphore, #tpu.memory_space<semaphore_mem>>) src(%dma_wait3A_370 : memref<200000x16xf32, #tpu.memory_space<hbm>>) dst(%dma_wait3A_364 : memref<128x16xf32, #tpu.memory_space<vmem>>)
    %dma_wait3A_373 = arith.constant 2 : i32
    %dma_wait3A_374 = arith.constant 2 : i32
    %dma_wait3A_375 = arith.constant 0 : i32
    %dma_wait3A_376 = arith.constant 0 : i32
    %dma_wait3A_377 = tpu.memref_slice %arg8[%dma_wait3A_373, %dma_wait3A_375, %dma_wait3A_376] : memref<3x4x128xi32, #tpu.memory_space<vmem>> -> memref<1x4x128xi32, #tpu.memory_space<vmem>>
    %dma_wait3A_378 = tpu.memref_squeeze %dma_wait3A_377 : memref<1x4x128xi32, #tpu.memory_space<vmem>> -> memref<4x128xi32, #tpu.memory_space<vmem>>
    %dma_wait3A_379 = arith.constant 0 : i32
    %dma_wait3A_380 = arith.constant 0 : i32
    %dma_wait3A_381 = tpu.memref_slice %arg3[%arg0, %arg1, %dma_wait3A_379, %dma_wait3A_380] : memref<2x16x784x128xi32, #tpu.memory_space<hbm>> -> memref<1x1x4x128xi32, #tpu.memory_space<hbm>>
    %dma_wait3A_382 = tpu.memref_squeeze %dma_wait3A_381 : memref<1x1x4x128xi32, #tpu.memory_space<hbm>> -> memref<4x128xi32, #tpu.memory_space<hbm>>
    %dma_wait3A_383 = tpu.memref_slice %arg13[%dma_wait3A_374] : memref<3x!tpu.dma_semaphore, #tpu.memory_space<semaphore_mem>> -> memref<1x!tpu.dma_semaphore, #tpu.memory_space<semaphore_mem>>
    %dma_wait3A_384 = tpu.memref_squeeze %dma_wait3A_383 : memref<1x!tpu.dma_semaphore, #tpu.memory_space<semaphore_mem>> -> memref<!tpu.dma_semaphore, #tpu.memory_space<semaphore_mem>>
    %dma_wait3A_385 = arith.constant 0 : i32
    %dma_wait3A_386 = arith.constant 0 : i32
    %dma_wait3A_387 = tpu.memref_slice %arg8[%dma_wait3A_373, %dma_wait3A_385, %dma_wait3A_386] : memref<3x4x128xi32, #tpu.memory_space<vmem>> -> memref<1x4x128xi32, #tpu.memory_space<vmem>>
    %dma_wait3A_388 = tpu.memref_squeeze %dma_wait3A_387 : memref<1x4x128xi32, #tpu.memory_space<vmem>> -> memref<4x128xi32, #tpu.memory_space<vmem>>
    %dma_wait3A_389 = arith.constant 0 : i32
    %dma_wait3A_390 = arith.constant 0 : i32
    %dma_wait3A_391 = tpu.memref_slice %arg3[%arg0, %arg1, %dma_wait3A_389, %dma_wait3A_390] : memref<2x16x784x128xi32, #tpu.memory_space<hbm>> -> memref<1x1x4x128xi32, #tpu.memory_space<hbm>>
    %dma_wait3A_392 = tpu.memref_squeeze %dma_wait3A_391 : memref<1x1x4x128xi32, #tpu.memory_space<hbm>> -> memref<4x128xi32, #tpu.memory_space<hbm>>
    tpu.wait_dma2 semaphore(%dma_wait3A_384 : memref<!tpu.dma_semaphore, #tpu.memory_space<semaphore_mem>>) src(%dma_wait3A_392 : memref<4x128xi32, #tpu.memory_space<hbm>>) dst(%dma_wait3A_388 : memref<4x128xi32, #tpu.memory_space<vmem>>)
    %dma_wait3A_393 = arith.constant 2 : i32
    %dma_wait3A_394 = arith.constant 2 : i32
    %dma_wait3A_395 = arith.constant 0 : i32
    %dma_wait3A_396 = arith.constant 0 : i32
    %dma_wait3A_397 = tpu.memref_slice %arg9[%dma_wait3A_393, %dma_wait3A_395, %dma_wait3A_396] : memref<3x4x128xi32, #tpu.memory_space<vmem>> -> memref<1x4x128xi32, #tpu.memory_space<vmem>>
    %dma_wait3A_398 = tpu.memref_squeeze %dma_wait3A_397 : memref<1x4x128xi32, #tpu.memory_space<vmem>> -> memref<4x128xi32, #tpu.memory_space<vmem>>
    %dma_wait3A_399 = arith.constant 0 : i32
    %dma_wait3A_400 = arith.constant 0 : i32
    %dma_wait3A_401 = tpu.memref_slice %arg4[%arg1, %dma_wait3A_399, %dma_wait3A_400] : memref<16x784x128xi32, #tpu.memory_space<hbm>> -> memref<1x4x128xi32, #tpu.memory_space<hbm>>
    %dma_wait3A_402 = tpu.memref_squeeze %dma_wait3A_401 : memref<1x4x128xi32, #tpu.memory_space<hbm>> -> memref<4x128xi32, #tpu.memory_space<hbm>>
    %dma_wait3A_403 = tpu.memref_slice %arg13[%dma_wait3A_394] : memref<3x!tpu.dma_semaphore, #tpu.memory_space<semaphore_mem>> -> memref<1x!tpu.dma_semaphore, #tpu.memory_space<semaphore_mem>>
    %dma_wait3A_404 = tpu.memref_squeeze %dma_wait3A_403 : memref<1x!tpu.dma_semaphore, #tpu.memory_space<semaphore_mem>> -> memref<!tpu.dma_semaphore, #tpu.memory_space<semaphore_mem>>
    %dma_wait3A_405 = arith.constant 0 : i32
    %dma_wait3A_406 = arith.constant 0 : i32
    %dma_wait3A_407 = tpu.memref_slice %arg9[%dma_wait3A_393, %dma_wait3A_405, %dma_wait3A_406] : memref<3x4x128xi32, #tpu.memory_space<vmem>> -> memref<1x4x128xi32, #tpu.memory_space<vmem>>
    %dma_wait3A_408 = tpu.memref_squeeze %dma_wait3A_407 : memref<1x4x128xi32, #tpu.memory_space<vmem>> -> memref<4x128xi32, #tpu.memory_space<vmem>>
    %dma_wait3A_409 = arith.constant 0 : i32
    %dma_wait3A_410 = arith.constant 0 : i32
    %dma_wait3A_411 = tpu.memref_slice %arg4[%arg1, %dma_wait3A_409, %dma_wait3A_410] : memref<16x784x128xi32, #tpu.memory_space<hbm>> -> memref<1x4x128xi32, #tpu.memory_space<hbm>>
    %dma_wait3A_412 = tpu.memref_squeeze %dma_wait3A_411 : memref<1x4x128xi32, #tpu.memory_space<hbm>> -> memref<4x128xi32, #tpu.memory_space<hbm>>
    tpu.wait_dma2 semaphore(%dma_wait3A_404 : memref<!tpu.dma_semaphore, #tpu.memory_space<semaphore_mem>>) src(%dma_wait3A_412 : memref<4x128xi32, #tpu.memory_space<hbm>>) dst(%dma_wait3A_408 : memref<4x128xi32, #tpu.memory_space<vmem>>)
    %barrier3A_413 = arith.constant 0 : index
    tpu.barrier barrier_id(%barrier3A_413)
    "tpu.region"() ({
      %run_scoped3A_414 = tpu.sem_alloc : memref<!tpu.dma_semaphore, #tpu.memory_space<semaphore_mem>>
      %dma_start3A_415 = arith.constant 0 : i32
      %dma_start3A_416 = tpu.memref_slice %arg6[%arg0, %mul3A_0, %dma_start3A_415] : memref<2x100096x16xf32, #tpu.memory_space<hbm>> -> memref<1x6256x16xf32, #tpu.memory_space<hbm>>
      %dma_start3A_417 = tpu.memref_squeeze %dma_start3A_416 : memref<1x6256x16xf32, #tpu.memory_space<hbm>> -> memref<6256x16xf32, #tpu.memory_space<hbm>>
      %dma_start3A_418 = arith.constant 0 : i32
      %dma_start3A_419 = tpu.memref_slice %arg7[%mul3A_0, %dma_start3A_418] : memref<100096x16xf32, #tpu.memory_space<vmem_shared>> -> memref<6256x16xf32, #tpu.memory_space<vmem_shared>>
      tpu.enqueue_dma source(%dma_start3A_419 : memref<6256x16xf32, #tpu.memory_space<vmem_shared>>) target(%dma_start3A_417 : memref<6256x16xf32, #tpu.memory_space<hbm>>) target_semaphore(%run_scoped3A_414 : memref<!tpu.dma_semaphore, #tpu.memory_space<semaphore_mem>>)
      %dma_wait3A_420 = arith.constant 0 : i32
      %dma_wait3A_421 = tpu.memref_slice %arg6[%arg0, %mul3A_0, %dma_wait3A_420] : memref<2x100096x16xf32, #tpu.memory_space<hbm>> -> memref<1x6256x16xf32, #tpu.memory_space<hbm>>
      %dma_wait3A_422 = tpu.memref_squeeze %dma_wait3A_421 : memref<1x6256x16xf32, #tpu.memory_space<hbm>> -> memref<6256x16xf32, #tpu.memory_space<hbm>>
      %dma_wait3A_423 = arith.constant 0 : i32
      %dma_wait3A_424 = tpu.memref_slice %arg7[%mul3A_0, %dma_wait3A_423] : memref<100096x16xf32, #tpu.memory_space<vmem_shared>> -> memref<6256x16xf32, #tpu.memory_space<vmem_shared>>
      tpu.wait_dma2 semaphore(%run_scoped3A_414 : memref<!tpu.dma_semaphore, #tpu.memory_space<semaphore_mem>>) src(%dma_wait3A_424 : memref<6256x16xf32, #tpu.memory_space<vmem_shared>>) dst(%dma_wait3A_422 : memref<6256x16xf32, #tpu.memory_space<hbm>>)
      tpu.yield
    }) : () -> ()
    return
  }
}

module attributes {stable_mosaic.version = 14 : i64} {
  func.func @body(%arg0: i32, %arg1: memref<2x2048x128xf32, #tpu.memory_space<vmem>>, %arg2: memref<2048x16xf32, #tpu.memory_space<vmem>>, %arg3: memref<2x16x128xf32, #tpu.memory_space<vmem>>, %arg4: memref<2x8x128xf32, #tpu.memory_space<vmem>>, %arg5: memref<2x2x128x128xf32, #tpu.memory_space<vmem>>, %arg6: memref<2048x128xf32, #tpu.memory_space<vmem>>, %arg7: memref<2x2048x128xf32, #tpu.memory_space<vmem>>) attributes {dimension_semantics = [#tpu.dimension_semantics<arbitrary>], iteration_bounds = array<i64: 7>, scalar_prefetch = 0 : i64, scratch_operands = 0 : i64, tpu.core_type = #tpu.core_type<tc>, window_params = [{transform_indices = @transform_0, window_bounds = array<i64: 2, 2048, 128>}, {transform_indices = @transform_1, window_bounds = array<i64: 2048, 16>}, {pipeline_mode = #tpu.pipeline_mode<synchronous>, transform_indices = @transform_2, window_bounds = array<i64: 2, 16, 128>}, {pipeline_mode = #tpu.pipeline_mode<synchronous>, transform_indices = @transform_3, window_bounds = array<i64: 2, 8, 128>}, {pipeline_mode = #tpu.pipeline_mode<synchronous>, transform_indices = @transform_4, window_bounds = array<i64: 2, 2, 128, 128>}, {transform_indices = @transform_5, window_bounds = array<i64: 2048, 128>}, {transform_indices = @transform_6, window_bounds = array<i64: 2, 2048, 128>}]} {
    %get3A = arith.constant 0 : index
    %get3A_0 = arith.constant 0 : index
    %get3A_1 = arith.constant 0 : index
    %get3A_2 = vector.load %arg1[%get3A, %get3A_0, %get3A_1] : memref<2x2048x128xf32, #tpu.memory_space<vmem>>, vector<1x2048x128xf32>
    %get3A_3 = vector.shape_cast %get3A_2 : vector<1x2048x128xf32> to vector<2048x128xf32>
    %get3A_4 = arith.constant 1 : index
    %get3A_5 = arith.constant 0 : index
    %get3A_6 = arith.constant 0 : index
    %get3A_7 = vector.load %arg1[%get3A_4, %get3A_5, %get3A_6] : memref<2x2048x128xf32, #tpu.memory_space<vmem>>, vector<1x2048x128xf32>
    %get3A_8 = vector.shape_cast %get3A_7 : vector<1x2048x128xf32> to vector<2048x128xf32>
    %add3A = arith.addf %get3A_3, %get3A_8 : vector<2048x128xf32>
    %add3A_9 = arith.constant 1.000000e+00 : f32
    %add3A_10 = vector.broadcast %add3A_9 : f32 to vector<2048x128xf32>
    %add3A_11 = arith.addf %add3A, %add3A_10 : vector<2048x128xf32>
    %rsqrt3A = math.rsqrt %add3A_11 : vector<2048x128xf32>
    %get3A_12 = arith.constant 0 : index
    %get3A_13 = arith.constant 0 : index
    %get3A_14 = vector.load %arg2[%get3A_12, %get3A_13] : memref<2048x16xf32, #tpu.memory_space<vmem>>, vector<2048x16xf32>
    %get3A_15 = arith.constant 0 : index
    %get3A_16 = arith.constant 0 : index
    %get3A_17 = arith.constant 0 : index
    %get3A_18 = vector.load %arg3[%get3A_15, %get3A_16, %get3A_17] : memref<2x16x128xf32, #tpu.memory_space<vmem>>, vector<1x16x128xf32>
    %get3A_19 = vector.shape_cast %get3A_18 : vector<1x16x128xf32> to vector<16x128xf32>
    %dot_general3A = arith.constant dense<0.000000e+00> : vector<2048x128xf32>
    %dot_general3A_20 = tpu.matmul %get3A_14, %get3A_19, %dot_general3A {dimension_numbers = #tpu.dot_dimension_numbers<[1], [0], [0], [1], [0, 0, 1, 1], [], []>, transpose_lhs_hint = false} : vector<2048x16xf32>, vector<16x128xf32>, vector<2048x128xf32> -> vector<2048x128xf32>
    %get3A_21 = arith.constant 0 : index
    %get3A_22 = arith.constant 0 : index
    %get3A_23 = arith.constant 0 : index
    %get3A_24 = vector.load %arg4[%get3A_21, %get3A_22, %get3A_23] : memref<2x8x128xf32, #tpu.memory_space<vmem>>, vector<1x1x128xf32>
    %get3A_25 = vector.shape_cast %get3A_24 : vector<1x1x128xf32> to vector<1x128xf32>
    %add3A_26 = vector.broadcast %get3A_25 : vector<1x128xf32> to vector<2048x128xf32>
    %add3A_27 = arith.addf %dot_general3A_20, %add3A_26 : vector<2048x128xf32>
    %max3A = arith.constant 0.000000e+00 : f32
    %max3A_28 = vector.broadcast %max3A : f32 to vector<2048x128xf32>
    %max3A_29 = arith.maximumf %add3A_27, %max3A_28 : vector<2048x128xf32>
    %get3A_30 = arith.constant 0 : index
    %get3A_31 = arith.constant 0 : index
    %get3A_32 = vector.load %arg2[%get3A_30, %get3A_31] : memref<2048x16xf32, #tpu.memory_space<vmem>>, vector<2048x16xf32>
    %get3A_33 = arith.constant 1 : index
    %get3A_34 = arith.constant 0 : index
    %get3A_35 = arith.constant 0 : index
    %get3A_36 = vector.load %arg3[%get3A_33, %get3A_34, %get3A_35] : memref<2x16x128xf32, #tpu.memory_space<vmem>>, vector<1x16x128xf32>
    %get3A_37 = vector.shape_cast %get3A_36 : vector<1x16x128xf32> to vector<16x128xf32>
    %dot_general3A_38 = arith.constant dense<0.000000e+00> : vector<2048x128xf32>
    %dot_general3A_39 = tpu.matmul %get3A_32, %get3A_37, %dot_general3A_38 {dimension_numbers = #tpu.dot_dimension_numbers<[1], [0], [0], [1], [0, 0, 1, 1], [], []>, transpose_lhs_hint = false} : vector<2048x16xf32>, vector<16x128xf32>, vector<2048x128xf32> -> vector<2048x128xf32>
    %get3A_40 = arith.constant 1 : index
    %get3A_41 = arith.constant 0 : index
    %get3A_42 = arith.constant 0 : index
    %get3A_43 = vector.load %arg4[%get3A_40, %get3A_41, %get3A_42] : memref<2x8x128xf32, #tpu.memory_space<vmem>>, vector<1x1x128xf32>
    %get3A_44 = vector.shape_cast %get3A_43 : vector<1x1x128xf32> to vector<1x128xf32>
    %add3A_45 = vector.broadcast %get3A_44 : vector<1x128xf32> to vector<2048x128xf32>
    %add3A_46 = arith.addf %dot_general3A_39, %add3A_45 : vector<2048x128xf32>
    %max3A_47 = arith.constant 0.000000e+00 : f32
    %max3A_48 = vector.broadcast %max3A_47 : f32 to vector<2048x128xf32>
    %max3A_49 = arith.maximumf %add3A_46, %max3A_48 : vector<2048x128xf32>
    %get3A_50 = arith.constant 0 : index
    %get3A_51 = arith.constant 0 : index
    %get3A_52 = arith.constant 0 : index
    %get3A_53 = arith.constant 0 : index
    %get3A_54 = vector.load %arg5[%get3A_50, %get3A_51, %get3A_52, %get3A_53] : memref<2x2x128x128xf32, #tpu.memory_space<vmem>>, vector<1x1x128x128xf32>
    %get3A_55 = vector.shape_cast %get3A_54 : vector<1x1x128x128xf32> to vector<128x128xf32>
    %dot_general3A_56 = arith.constant dense<0.000000e+00> : vector<2048x128xf32>
    %dot_general3A_57 = tpu.matmul %max3A_29, %get3A_55, %dot_general3A_56 {dimension_numbers = #tpu.dot_dimension_numbers<[1], [0], [0], [1], [0, 0, 1, 1], [], []>, transpose_lhs_hint = false} : vector<2048x128xf32>, vector<128x128xf32>, vector<2048x128xf32> -> vector<2048x128xf32>
    %get3A_58 = arith.constant 1 : index
    %get3A_59 = arith.constant 0 : index
    %get3A_60 = arith.constant 0 : index
    %get3A_61 = arith.constant 0 : index
    %get3A_62 = vector.load %arg5[%get3A_58, %get3A_59, %get3A_60, %get3A_61] : memref<2x2x128x128xf32, #tpu.memory_space<vmem>>, vector<1x1x128x128xf32>
    %get3A_63 = vector.shape_cast %get3A_62 : vector<1x1x128x128xf32> to vector<128x128xf32>
    %dot_general3A_64 = arith.constant dense<0.000000e+00> : vector<2048x128xf32>
    %dot_general3A_65 = tpu.matmul %max3A_49, %get3A_63, %dot_general3A_64 {dimension_numbers = #tpu.dot_dimension_numbers<[1], [0], [0], [1], [0, 0, 1, 1], [], []>, transpose_lhs_hint = false} : vector<2048x128xf32>, vector<128x128xf32>, vector<2048x128xf32> -> vector<2048x128xf32>
    %add3A_66 = arith.addf %dot_general3A_57, %dot_general3A_65 : vector<2048x128xf32>
    %get3A_67 = arith.constant 0 : index
    %get3A_68 = arith.constant 1 : index
    %get3A_69 = arith.constant 0 : index
    %get3A_70 = arith.constant 0 : index
    %get3A_71 = vector.load %arg5[%get3A_67, %get3A_68, %get3A_69, %get3A_70] : memref<2x2x128x128xf32, #tpu.memory_space<vmem>>, vector<1x1x128x128xf32>
    %get3A_72 = vector.shape_cast %get3A_71 : vector<1x1x128x128xf32> to vector<128x128xf32>
    %dot_general3A_73 = arith.constant dense<0.000000e+00> : vector<2048x128xf32>
    %dot_general3A_74 = tpu.matmul %max3A_29, %get3A_72, %dot_general3A_73 {dimension_numbers = #tpu.dot_dimension_numbers<[1], [0], [0], [1], [0, 0, 1, 1], [], []>, transpose_lhs_hint = false} : vector<2048x128xf32>, vector<128x128xf32>, vector<2048x128xf32> -> vector<2048x128xf32>
    %get3A_75 = arith.constant 1 : index
    %get3A_76 = arith.constant 1 : index
    %get3A_77 = arith.constant 0 : index
    %get3A_78 = arith.constant 0 : index
    %get3A_79 = vector.load %arg5[%get3A_75, %get3A_76, %get3A_77, %get3A_78] : memref<2x2x128x128xf32, #tpu.memory_space<vmem>>, vector<1x1x128x128xf32>
    %get3A_80 = vector.shape_cast %get3A_79 : vector<1x1x128x128xf32> to vector<128x128xf32>
    %dot_general3A_81 = arith.constant dense<0.000000e+00> : vector<2048x128xf32>
    %dot_general3A_82 = tpu.matmul %max3A_49, %get3A_80, %dot_general3A_81 {dimension_numbers = #tpu.dot_dimension_numbers<[1], [0], [0], [1], [0, 0, 1, 1], [], []>, transpose_lhs_hint = false} : vector<2048x128xf32>, vector<128x128xf32>, vector<2048x128xf32> -> vector<2048x128xf32>
    %add3A_83 = arith.addf %dot_general3A_74, %dot_general3A_82 : vector<2048x128xf32>
    %swap3A = arith.constant 0 : index
    %swap3A_84 = arith.constant 0 : index
    %swap3A_85 = vector.load %arg6[%swap3A, %swap3A_84] : memref<2048x128xf32, #tpu.memory_space<vmem>>, vector<2048x128xf32>
    tpu.vector_store %arg6[%swap3A, %swap3A_84], %rsqrt3A {strides = array<i32>} : memref<2048x128xf32, #tpu.memory_space<vmem>>, vector<2048x128xf32>,
    %mul3A = arith.mulf %add3A_66, %rsqrt3A : vector<2048x128xf32>
    %swap3A_86 = arith.constant 0 : index
    %swap3A_87 = arith.constant 0 : index
    %swap3A_88 = arith.constant 0 : index
    %swap3A_89 = vector.load %arg7[%swap3A_86, %swap3A_87, %swap3A_88] : memref<2x2048x128xf32, #tpu.memory_space<vmem>>, vector<1x2048x128xf32>
    %swap3A_90 = vector.shape_cast %swap3A_89 : vector<1x2048x128xf32> to vector<2048x128xf32>
    %swap3A_91 = vector.shape_cast %mul3A : vector<2048x128xf32> to vector<1x2048x128xf32>
    tpu.vector_store %arg7[%swap3A_86, %swap3A_87, %swap3A_88], %swap3A_91 {strides = array<i32>} : memref<2x2048x128xf32, #tpu.memory_space<vmem>>, vector<1x2048x128xf32>,
    %mul3A_92 = arith.mulf %add3A_83, %rsqrt3A : vector<2048x128xf32>
    %swap3A_93 = arith.constant 1 : index
    %swap3A_94 = arith.constant 0 : index
    %swap3A_95 = arith.constant 0 : index
    %swap3A_96 = vector.load %arg7[%swap3A_93, %swap3A_94, %swap3A_95] : memref<2x2048x128xf32, #tpu.memory_space<vmem>>, vector<1x2048x128xf32>
    %swap3A_97 = vector.shape_cast %swap3A_96 : vector<1x2048x128xf32> to vector<2048x128xf32>
    %swap3A_98 = vector.shape_cast %mul3A_92 : vector<2048x128xf32> to vector<1x2048x128xf32>
    tpu.vector_store %arg7[%swap3A_93, %swap3A_94, %swap3A_95], %swap3A_98 {strides = array<i32>} : memref<2x2048x128xf32, #tpu.memory_space<vmem>>, vector<1x2048x128xf32>,
    return
  }
  func.func @transform_0(%arg0: i32) -> (i32, i32, i32) {
    %c0_i32 = arith.constant 0 : i32
    %c0_i32_0 = arith.constant 0 : i32
    %c0_i32_1 = arith.constant 0 : i32
    return %c0_i32, %arg0, %c0_i32_0 : i32, i32, i32
  }
  func.func @transform_1(%arg0: i32) -> (i32, i32) {
    %c0_i32 = arith.constant 0 : i32
    %c0_i32_0 = arith.constant 0 : i32
    return %arg0, %c0_i32 : i32, i32
  }
  func.func @transform_2(%arg0: i32) -> (i32, i32, i32) {
    %c0_i32 = arith.constant 0 : i32
    %c0_i32_0 = arith.constant 0 : i32
    %c0_i32_1 = arith.constant 0 : i32
    %c0_i32_2 = arith.constant 0 : i32
    return %c0_i32, %c0_i32_0, %c0_i32_1 : i32, i32, i32
  }
  func.func @transform_3(%arg0: i32) -> (i32, i32, i32) {
    %c0_i32 = arith.constant 0 : i32
    %c0_i32_0 = arith.constant 0 : i32
    %c0_i32_1 = arith.constant 0 : i32
    %c0_i32_2 = arith.constant 0 : i32
    return %c0_i32, %c0_i32_0, %c0_i32_1 : i32, i32, i32
  }
  func.func @transform_4(%arg0: i32) -> (i32, i32, i32, i32) {
    %c0_i32 = arith.constant 0 : i32
    %c0_i32_0 = arith.constant 0 : i32
    %c0_i32_1 = arith.constant 0 : i32
    %c0_i32_2 = arith.constant 0 : i32
    %c0_i32_3 = arith.constant 0 : i32
    return %c0_i32, %c0_i32_0, %c0_i32_1, %c0_i32_2 : i32, i32, i32, i32
  }
  func.func @transform_5(%arg0: i32) -> (i32, i32) {
    %c0_i32 = arith.constant 0 : i32
    %c0_i32_0 = arith.constant 0 : i32
    return %arg0, %c0_i32 : i32, i32
  }
  func.func @transform_6(%arg0: i32) -> (i32, i32, i32) {
    %c0_i32 = arith.constant 0 : i32
    %c0_i32_0 = arith.constant 0 : i32
    %c0_i32_1 = arith.constant 0 : i32
    return %c0_i32, %arg0, %c0_i32_0 : i32, i32, i32
  }
}

module attributes {stable_mosaic.version = 14 : i64} {
  func.func @body(%arg0: i32, %arg1: memref<2x2048x128xf32, #tpu.memory_space<vmem>>, %arg2: memref<2x2048x128xf32, #tpu.memory_space<vmem>>, %arg3: memref<2048x128xf32, #tpu.memory_space<vmem>>, %arg4: memref<2x8x128xf32, #tpu.memory_space<vmem>>, %arg5: memref<2x2x128x128xf32, #tpu.memory_space<vmem>>, %arg6: memref<2x2048x128xf32, #tpu.memory_space<vmem>>) attributes {dimension_semantics = [#tpu.dimension_semantics<arbitrary>], iteration_bounds = array<i64: 7>, scalar_prefetch = 0 : i64, scratch_operands = 0 : i64, tpu.core_type = #tpu.core_type<tc>, window_params = [{transform_indices = @transform_0, window_bounds = array<i64: 2, 2048, 128>}, {transform_indices = @transform_1, window_bounds = array<i64: 2, 2048, 128>}, {transform_indices = @transform_2, window_bounds = array<i64: 2048, 128>}, {pipeline_mode = #tpu.pipeline_mode<synchronous>, transform_indices = @transform_3, window_bounds = array<i64: 2, 8, 128>}, {pipeline_mode = #tpu.pipeline_mode<synchronous>, transform_indices = @transform_4, window_bounds = array<i64: 2, 2, 128, 128>}, {transform_indices = @transform_5, window_bounds = array<i64: 2, 2048, 128>}]} {
    %get3A = arith.constant 0 : index
    %get3A_0 = arith.constant 0 : index
    %get3A_1 = vector.load %arg3[%get3A, %get3A_0] : memref<2048x128xf32, #tpu.memory_space<vmem>>, vector<2048x128xf32>
    %get3A_2 = arith.constant 0 : index
    %get3A_3 = arith.constant 0 : index
    %get3A_4 = arith.constant 0 : index
    %get3A_5 = vector.load %arg1[%get3A_2, %get3A_3, %get3A_4] : memref<2x2048x128xf32, #tpu.memory_space<vmem>>, vector<1x2048x128xf32>
    %get3A_6 = vector.shape_cast %get3A_5 : vector<1x2048x128xf32> to vector<2048x128xf32>
    %get3A_7 = arith.constant 0 : index
    %get3A_8 = arith.constant 0 : index
    %get3A_9 = arith.constant 0 : index
    %get3A_10 = vector.load %arg2[%get3A_7, %get3A_8, %get3A_9] : memref<2x2048x128xf32, #tpu.memory_space<vmem>>, vector<1x2048x128xf32>
    %get3A_11 = vector.shape_cast %get3A_10 : vector<1x2048x128xf32> to vector<2048x128xf32>
    %add3A = arith.addf %get3A_6, %get3A_11 : vector<2048x128xf32>
    %mul3A = arith.mulf %get3A_1, %add3A : vector<2048x128xf32>
    %get3A_12 = arith.constant 0 : index
    %get3A_13 = arith.constant 0 : index
    %get3A_14 = arith.constant 0 : index
    %get3A_15 = vector.load %arg4[%get3A_12, %get3A_13, %get3A_14] : memref<2x8x128xf32, #tpu.memory_space<vmem>>, vector<1x1x128xf32>
    %get3A_16 = vector.shape_cast %get3A_15 : vector<1x1x128xf32> to vector<1x128xf32>
    %add3A_17 = vector.broadcast %get3A_16 : vector<1x128xf32> to vector<2048x128xf32>
    %add3A_18 = arith.addf %mul3A, %add3A_17 : vector<2048x128xf32>
    %max3A = arith.constant 0.000000e+00 : f32
    %max3A_19 = vector.broadcast %max3A : f32 to vector<2048x128xf32>
    %max3A_20 = arith.maximumf %add3A_18, %max3A_19 : vector<2048x128xf32>
    %get3A_21 = arith.constant 1 : index
    %get3A_22 = arith.constant 0 : index
    %get3A_23 = arith.constant 0 : index
    %get3A_24 = vector.load %arg1[%get3A_21, %get3A_22, %get3A_23] : memref<2x2048x128xf32, #tpu.memory_space<vmem>>, vector<1x2048x128xf32>
    %get3A_25 = vector.shape_cast %get3A_24 : vector<1x2048x128xf32> to vector<2048x128xf32>
    %get3A_26 = arith.constant 1 : index
    %get3A_27 = arith.constant 0 : index
    %get3A_28 = arith.constant 0 : index
    %get3A_29 = vector.load %arg2[%get3A_26, %get3A_27, %get3A_28] : memref<2x2048x128xf32, #tpu.memory_space<vmem>>, vector<1x2048x128xf32>
    %get3A_30 = vector.shape_cast %get3A_29 : vector<1x2048x128xf32> to vector<2048x128xf32>
    %add3A_31 = arith.addf %get3A_25, %get3A_30 : vector<2048x128xf32>
    %mul3A_32 = arith.mulf %get3A_1, %add3A_31 : vector<2048x128xf32>
    %get3A_33 = arith.constant 1 : index
    %get3A_34 = arith.constant 0 : index
    %get3A_35 = arith.constant 0 : index
    %get3A_36 = vector.load %arg4[%get3A_33, %get3A_34, %get3A_35] : memref<2x8x128xf32, #tpu.memory_space<vmem>>, vector<1x1x128xf32>
    %get3A_37 = vector.shape_cast %get3A_36 : vector<1x1x128xf32> to vector<1x128xf32>
    %add3A_38 = vector.broadcast %get3A_37 : vector<1x128xf32> to vector<2048x128xf32>
    %add3A_39 = arith.addf %mul3A_32, %add3A_38 : vector<2048x128xf32>
    %max3A_40 = arith.constant 0.000000e+00 : f32
    %max3A_41 = vector.broadcast %max3A_40 : f32 to vector<2048x128xf32>
    %max3A_42 = arith.maximumf %add3A_39, %max3A_41 : vector<2048x128xf32>
    %get3A_43 = arith.constant 0 : index
    %get3A_44 = arith.constant 0 : index
    %get3A_45 = arith.constant 0 : index
    %get3A_46 = arith.constant 0 : index
    %get3A_47 = vector.load %arg5[%get3A_43, %get3A_44, %get3A_45, %get3A_46] : memref<2x2x128x128xf32, #tpu.memory_space<vmem>>, vector<1x1x128x128xf32>
    %get3A_48 = vector.shape_cast %get3A_47 : vector<1x1x128x128xf32> to vector<128x128xf32>
    %dot_general3A = arith.constant dense<0.000000e+00> : vector<2048x128xf32>
    %dot_general3A_49 = tpu.matmul %max3A_20, %get3A_48, %dot_general3A {dimension_numbers = #tpu.dot_dimension_numbers<[1], [0], [0], [1], [0, 0, 1, 1], [], []>, transpose_lhs_hint = false} : vector<2048x128xf32>, vector<128x128xf32>, vector<2048x128xf32> -> vector<2048x128xf32>
    %get3A_50 = arith.constant 1 : index
    %get3A_51 = arith.constant 0 : index
    %get3A_52 = arith.constant 0 : index
    %get3A_53 = arith.constant 0 : index
    %get3A_54 = vector.load %arg5[%get3A_50, %get3A_51, %get3A_52, %get3A_53] : memref<2x2x128x128xf32, #tpu.memory_space<vmem>>, vector<1x1x128x128xf32>
    %get3A_55 = vector.shape_cast %get3A_54 : vector<1x1x128x128xf32> to vector<128x128xf32>
    %dot_general3A_56 = arith.constant dense<0.000000e+00> : vector<2048x128xf32>
    %dot_general3A_57 = tpu.matmul %max3A_42, %get3A_55, %dot_general3A_56 {dimension_numbers = #tpu.dot_dimension_numbers<[1], [0], [0], [1], [0, 0, 1, 1], [], []>, transpose_lhs_hint = false} : vector<2048x128xf32>, vector<128x128xf32>, vector<2048x128xf32> -> vector<2048x128xf32>
    %add3A_58 = arith.addf %dot_general3A_49, %dot_general3A_57 : vector<2048x128xf32>
    %get3A_59 = arith.constant 0 : index
    %get3A_60 = arith.constant 1 : index
    %get3A_61 = arith.constant 0 : index
    %get3A_62 = arith.constant 0 : index
    %get3A_63 = vector.load %arg5[%get3A_59, %get3A_60, %get3A_61, %get3A_62] : memref<2x2x128x128xf32, #tpu.memory_space<vmem>>, vector<1x1x128x128xf32>
    %get3A_64 = vector.shape_cast %get3A_63 : vector<1x1x128x128xf32> to vector<128x128xf32>
    %dot_general3A_65 = arith.constant dense<0.000000e+00> : vector<2048x128xf32>
    %dot_general3A_66 = tpu.matmul %max3A_20, %get3A_64, %dot_general3A_65 {dimension_numbers = #tpu.dot_dimension_numbers<[1], [0], [0], [1], [0, 0, 1, 1], [], []>, transpose_lhs_hint = false} : vector<2048x128xf32>, vector<128x128xf32>, vector<2048x128xf32> -> vector<2048x128xf32>
    %get3A_67 = arith.constant 1 : index
    %get3A_68 = arith.constant 1 : index
    %get3A_69 = arith.constant 0 : index
    %get3A_70 = arith.constant 0 : index
    %get3A_71 = vector.load %arg5[%get3A_67, %get3A_68, %get3A_69, %get3A_70] : memref<2x2x128x128xf32, #tpu.memory_space<vmem>>, vector<1x1x128x128xf32>
    %get3A_72 = vector.shape_cast %get3A_71 : vector<1x1x128x128xf32> to vector<128x128xf32>
    %dot_general3A_73 = arith.constant dense<0.000000e+00> : vector<2048x128xf32>
    %dot_general3A_74 = tpu.matmul %max3A_42, %get3A_72, %dot_general3A_73 {dimension_numbers = #tpu.dot_dimension_numbers<[1], [0], [0], [1], [0, 0, 1, 1], [], []>, transpose_lhs_hint = false} : vector<2048x128xf32>, vector<128x128xf32>, vector<2048x128xf32> -> vector<2048x128xf32>
    %add3A_75 = arith.addf %dot_general3A_66, %dot_general3A_74 : vector<2048x128xf32>
    %mul3A_76 = arith.mulf %add3A_58, %get3A_1 : vector<2048x128xf32>
    %swap3A = arith.constant 0 : index
    %swap3A_77 = arith.constant 0 : index
    %swap3A_78 = arith.constant 0 : index
    %swap3A_79 = vector.load %arg6[%swap3A, %swap3A_77, %swap3A_78] : memref<2x2048x128xf32, #tpu.memory_space<vmem>>, vector<1x2048x128xf32>
    %swap3A_80 = vector.shape_cast %swap3A_79 : vector<1x2048x128xf32> to vector<2048x128xf32>
    %swap3A_81 = vector.shape_cast %mul3A_76 : vector<2048x128xf32> to vector<1x2048x128xf32>
    tpu.vector_store %arg6[%swap3A, %swap3A_77, %swap3A_78], %swap3A_81 {strides = array<i32>} : memref<2x2048x128xf32, #tpu.memory_space<vmem>>, vector<1x2048x128xf32>,
    %mul3A_82 = arith.mulf %add3A_75, %get3A_1 : vector<2048x128xf32>
    %swap3A_83 = arith.constant 1 : index
    %swap3A_84 = arith.constant 0 : index
    %swap3A_85 = arith.constant 0 : index
    %swap3A_86 = vector.load %arg6[%swap3A_83, %swap3A_84, %swap3A_85] : memref<2x2048x128xf32, #tpu.memory_space<vmem>>, vector<1x2048x128xf32>
    %swap3A_87 = vector.shape_cast %swap3A_86 : vector<1x2048x128xf32> to vector<2048x128xf32>
    %swap3A_88 = vector.shape_cast %mul3A_82 : vector<2048x128xf32> to vector<1x2048x128xf32>
    tpu.vector_store %arg6[%swap3A_83, %swap3A_84, %swap3A_85], %swap3A_88 {strides = array<i32>} : memref<2x2048x128xf32, #tpu.memory_space<vmem>>, vector<1x2048x128xf32>,
    return
  }
  func.func @transform_0(%arg0: i32) -> (i32, i32, i32) {
    %c0_i32 = arith.constant 0 : i32
    %c0_i32_0 = arith.constant 0 : i32
    %c0_i32_1 = arith.constant 0 : i32
    return %c0_i32, %arg0, %c0_i32_0 : i32, i32, i32
  }
  func.func @transform_1(%arg0: i32) -> (i32, i32, i32) {
    %c0_i32 = arith.constant 0 : i32
    %c0_i32_0 = arith.constant 0 : i32
    %c0_i32_1 = arith.constant 0 : i32
    return %c0_i32, %arg0, %c0_i32_0 : i32, i32, i32
  }
  func.func @transform_2(%arg0: i32) -> (i32, i32) {
    %c0_i32 = arith.constant 0 : i32
    %c0_i32_0 = arith.constant 0 : i32
    return %arg0, %c0_i32 : i32, i32
  }
  func.func @transform_3(%arg0: i32) -> (i32, i32, i32) {
    %c0_i32 = arith.constant 0 : i32
    %c0_i32_0 = arith.constant 0 : i32
    %c0_i32_1 = arith.constant 0 : i32
    %c0_i32_2 = arith.constant 0 : i32
    return %c0_i32, %c0_i32_0, %c0_i32_1 : i32, i32, i32
  }
  func.func @transform_4(%arg0: i32) -> (i32, i32, i32, i32) {
    %c0_i32 = arith.constant 0 : i32
    %c0_i32_0 = arith.constant 0 : i32
    %c0_i32_1 = arith.constant 0 : i32
    %c0_i32_2 = arith.constant 0 : i32
    %c0_i32_3 = arith.constant 0 : i32
    return %c0_i32, %c0_i32_0, %c0_i32_1, %c0_i32_2 : i32, i32, i32, i32
  }
  func.func @transform_5(%arg0: i32) -> (i32, i32, i32) {
    %c0_i32 = arith.constant 0 : i32
    %c0_i32_0 = arith.constant 0 : i32
    %c0_i32_1 = arith.constant 0 : i32
    return %c0_i32, %arg0, %c0_i32_0 : i32, i32, i32
  }
}

module attributes {stable_mosaic.version = 14 : i64} {
  func.func @body(%arg0: i32, %arg1: memref<2x2048x128xf32, #tpu.memory_space<vmem>>, %arg2: memref<2x2048x128xf32, #tpu.memory_space<vmem>>, %arg3: memref<2048x128xf32, #tpu.memory_space<vmem>>, %arg4: memref<2x8x128xf32, #tpu.memory_space<vmem>>, %arg5: memref<2x128x8xf32, #tpu.memory_space<vmem>>, %arg6: memref<8x8xf32, #tpu.memory_space<vmem>>, %arg7: memref<2048x8xf32, #tpu.memory_space<vmem>>) attributes {dimension_semantics = [#tpu.dimension_semantics<arbitrary>], iteration_bounds = array<i64: 7>, scalar_prefetch = 0 : i64, scratch_operands = 0 : i64, tpu.core_type = #tpu.core_type<tc>, window_params = [{transform_indices = @transform_0, window_bounds = array<i64: 2, 2048, 128>}, {transform_indices = @transform_1, window_bounds = array<i64: 2, 2048, 128>}, {transform_indices = @transform_2, window_bounds = array<i64: 2048, 128>}, {pipeline_mode = #tpu.pipeline_mode<synchronous>, transform_indices = @transform_3, window_bounds = array<i64: 2, 8, 128>}, {pipeline_mode = #tpu.pipeline_mode<synchronous>, transform_indices = @transform_4, window_bounds = array<i64: 2, 128, 8>}, {pipeline_mode = #tpu.pipeline_mode<synchronous>, transform_indices = @transform_5, window_bounds = array<i64: 8, 8>}, {transform_indices = @transform_6, window_bounds = array<i64: 2048, 8>}]} {
    %get3A = arith.constant 0 : index
    %get3A_0 = arith.constant 0 : index
    %get3A_1 = vector.load %arg3[%get3A, %get3A_0] : memref<2048x128xf32, #tpu.memory_space<vmem>>, vector<2048x128xf32>
    %get3A_2 = arith.constant 0 : index
    %get3A_3 = arith.constant 0 : index
    %get3A_4 = arith.constant 0 : index
    %get3A_5 = vector.load %arg1[%get3A_2, %get3A_3, %get3A_4] : memref<2x2048x128xf32, #tpu.memory_space<vmem>>, vector<1x2048x128xf32>
    %get3A_6 = vector.shape_cast %get3A_5 : vector<1x2048x128xf32> to vector<2048x128xf32>
    %get3A_7 = arith.constant 0 : index
    %get3A_8 = arith.constant 0 : index
    %get3A_9 = arith.constant 0 : index
    %get3A_10 = vector.load %arg2[%get3A_7, %get3A_8, %get3A_9] : memref<2x2048x128xf32, #tpu.memory_space<vmem>>, vector<1x2048x128xf32>
    %get3A_11 = vector.shape_cast %get3A_10 : vector<1x2048x128xf32> to vector<2048x128xf32>
    %add3A = arith.addf %get3A_6, %get3A_11 : vector<2048x128xf32>
    %mul3A = arith.mulf %get3A_1, %add3A : vector<2048x128xf32>
    %get3A_12 = arith.constant 0 : index
    %get3A_13 = arith.constant 0 : index
    %get3A_14 = arith.constant 0 : index
    %get3A_15 = vector.load %arg4[%get3A_12, %get3A_13, %get3A_14] : memref<2x8x128xf32, #tpu.memory_space<vmem>>, vector<1x1x128xf32>
    %get3A_16 = vector.shape_cast %get3A_15 : vector<1x1x128xf32> to vector<1x128xf32>
    %add3A_17 = vector.broadcast %get3A_16 : vector<1x128xf32> to vector<2048x128xf32>
    %add3A_18 = arith.addf %mul3A, %add3A_17 : vector<2048x128xf32>
    %max3A = arith.constant 0.000000e+00 : f32
    %max3A_19 = vector.broadcast %max3A : f32 to vector<2048x128xf32>
    %max3A_20 = arith.maximumf %add3A_18, %max3A_19 : vector<2048x128xf32>
    %get3A_21 = arith.constant 1 : index
    %get3A_22 = arith.constant 0 : index
    %get3A_23 = arith.constant 0 : index
    %get3A_24 = vector.load %arg1[%get3A_21, %get3A_22, %get3A_23] : memref<2x2048x128xf32, #tpu.memory_space<vmem>>, vector<1x2048x128xf32>
    %get3A_25 = vector.shape_cast %get3A_24 : vector<1x2048x128xf32> to vector<2048x128xf32>
    %get3A_26 = arith.constant 1 : index
    %get3A_27 = arith.constant 0 : index
    %get3A_28 = arith.constant 0 : index
    %get3A_29 = vector.load %arg2[%get3A_26, %get3A_27, %get3A_28] : memref<2x2048x128xf32, #tpu.memory_space<vmem>>, vector<1x2048x128xf32>
    %get3A_30 = vector.shape_cast %get3A_29 : vector<1x2048x128xf32> to vector<2048x128xf32>
    %add3A_31 = arith.addf %get3A_25, %get3A_30 : vector<2048x128xf32>
    %mul3A_32 = arith.mulf %get3A_1, %add3A_31 : vector<2048x128xf32>
    %get3A_33 = arith.constant 1 : index
    %get3A_34 = arith.constant 0 : index
    %get3A_35 = arith.constant 0 : index
    %get3A_36 = vector.load %arg4[%get3A_33, %get3A_34, %get3A_35] : memref<2x8x128xf32, #tpu.memory_space<vmem>>, vector<1x1x128xf32>
    %get3A_37 = vector.shape_cast %get3A_36 : vector<1x1x128xf32> to vector<1x128xf32>
    %add3A_38 = vector.broadcast %get3A_37 : vector<1x128xf32> to vector<2048x128xf32>
    %add3A_39 = arith.addf %mul3A_32, %add3A_38 : vector<2048x128xf32>
    %max3A_40 = arith.constant 0.000000e+00 : f32
    %max3A_41 = vector.broadcast %max3A_40 : f32 to vector<2048x128xf32>
    %max3A_42 = arith.maximumf %add3A_39, %max3A_41 : vector<2048x128xf32>
    %get3A_43 = arith.constant 0 : index
    %get3A_44 = arith.constant 0 : index
    %get3A_45 = arith.constant 0 : index
    %get3A_46 = vector.load %arg5[%get3A_43, %get3A_44, %get3A_45] : memref<2x128x8xf32, #tpu.memory_space<vmem>>, vector<1x128x8xf32>
    %get3A_47 = vector.shape_cast %get3A_46 : vector<1x128x8xf32> to vector<128x8xf32>
    %dot_general3A = arith.constant dense<0.000000e+00> : vector<2048x8xf32>
    %dot_general3A_48 = tpu.matmul %max3A_20, %get3A_47, %dot_general3A {dimension_numbers = #tpu.dot_dimension_numbers<[1], [0], [0], [1], [0, 0, 1, 1], [], []>, transpose_lhs_hint = false} : vector<2048x128xf32>, vector<128x8xf32>, vector<2048x8xf32> -> vector<2048x8xf32>
    %get3A_49 = arith.constant 1 : index
    %get3A_50 = arith.constant 0 : index
    %get3A_51 = arith.constant 0 : index
    %get3A_52 = vector.load %arg5[%get3A_49, %get3A_50, %get3A_51] : memref<2x128x8xf32, #tpu.memory_space<vmem>>, vector<1x128x8xf32>
    %get3A_53 = vector.shape_cast %get3A_52 : vector<1x128x8xf32> to vector<128x8xf32>
    %dot_general3A_54 = arith.constant dense<0.000000e+00> : vector<2048x8xf32>
    %dot_general3A_55 = tpu.matmul %max3A_42, %get3A_53, %dot_general3A_54 {dimension_numbers = #tpu.dot_dimension_numbers<[1], [0], [0], [1], [0, 0, 1, 1], [], []>, transpose_lhs_hint = false} : vector<2048x128xf32>, vector<128x8xf32>, vector<2048x8xf32> -> vector<2048x8xf32>
    %add3A_56 = arith.addf %dot_general3A_48, %dot_general3A_55 : vector<2048x8xf32>
    %get3A_57 = arith.constant 0 : index
    %get3A_58 = arith.constant 0 : index
    %get3A_59 = vector.load %arg6[%get3A_57, %get3A_58] : memref<8x8xf32, #tpu.memory_space<vmem>>, vector<1x8xf32>
    %add3A_60 = vector.broadcast %get3A_59 : vector<1x8xf32> to vector<2048x8xf32>
    %add3A_61 = arith.addf %add3A_56, %add3A_60 : vector<2048x8xf32>
    %swap3A = arith.constant 0 : index
    %swap3A_62 = arith.constant 0 : index
    %swap3A_63 = vector.load %arg7[%swap3A, %swap3A_62] : memref<2048x8xf32, #tpu.memory_space<vmem>>, vector<2048x8xf32>
    tpu.vector_store %arg7[%swap3A, %swap3A_62], %add3A_61 {strides = array<i32>} : memref<2048x8xf32, #tpu.memory_space<vmem>>, vector<2048x8xf32>,
    return
  }
  func.func @transform_0(%arg0: i32) -> (i32, i32, i32) {
    %c0_i32 = arith.constant 0 : i32
    %c0_i32_0 = arith.constant 0 : i32
    %c0_i32_1 = arith.constant 0 : i32
    return %c0_i32, %arg0, %c0_i32_0 : i32, i32, i32
  }
  func.func @transform_1(%arg0: i32) -> (i32, i32, i32) {
    %c0_i32 = arith.constant 0 : i32
    %c0_i32_0 = arith.constant 0 : i32
    %c0_i32_1 = arith.constant 0 : i32
    return %c0_i32, %arg0, %c0_i32_0 : i32, i32, i32
  }
  func.func @transform_2(%arg0: i32) -> (i32, i32) {
    %c0_i32 = arith.constant 0 : i32
    %c0_i32_0 = arith.constant 0 : i32
    return %arg0, %c0_i32 : i32, i32
  }
  func.func @transform_3(%arg0: i32) -> (i32, i32, i32) {
    %c0_i32 = arith.constant 0 : i32
    %c0_i32_0 = arith.constant 0 : i32
    %c0_i32_1 = arith.constant 0 : i32
    %c0_i32_2 = arith.constant 0 : i32
    return %c0_i32, %c0_i32_0, %c0_i32_1 : i32, i32, i32
  }
  func.func @transform_4(%arg0: i32) -> (i32, i32, i32) {
    %c0_i32 = arith.constant 0 : i32
    %c0_i32_0 = arith.constant 0 : i32
    %c0_i32_1 = arith.constant 0 : i32
    %c0_i32_2 = arith.constant 0 : i32
    return %c0_i32, %c0_i32_0, %c0_i32_1 : i32, i32, i32
  }
  func.func @transform_5(%arg0: i32) -> (i32, i32) {
    %c0_i32 = arith.constant 0 : i32
    %c0_i32_0 = arith.constant 0 : i32
    %c0_i32_1 = arith.constant 0 : i32
    return %c0_i32, %c0_i32_0 : i32, i32
  }
  func.func @transform_6(%arg0: i32) -> (i32, i32) {
    %c0_i32 = arith.constant 0 : i32
    %c0_i32_0 = arith.constant 0 : i32
    return %arg0, %c0_i32 : i32, i32
  }
}

</mosaic_0001>

<sc_bundles>
// kernel: kernel.10.cloned.1.call-start
scs
__scs_entry_jumppad:
0x0: {  	(pc) =	sbr.rel $0x88, $3  }
0x1: {  	(tag) =	ssettag $0x0;
	lr =	simm.s32 $0x1  }
0x2: {  	[smem:$0x3F94] =	sst lr;
	_ =	strace $0xD0000000  }
0x3: {  	_ = 	snop  }
0x4: {  	_ = 	snop  }
0x5: {  	_ = 	snop  }
0x6: {  	_ = 	snop  }
0x7: {  	_ = 	snop  }
__scs_overlays_trampoline_lowered:
0x8: {  	[smem:$0x3FA3] =	sst s0  }
0x9: {  	[smem:$0x3FA4] =	sst s1  }
0xa: {  	[smem:$0x3FA5] =	sst s2  }
0xb: {  	[smem:$0x3FA6] =	sst s3  }
0xc: {  	[smem:$0x3FA7] =	sst s4  }
0xd: {  	[smem:$0x3FA8] =	sst s5  }
0xe: {  	[smem:$0x3FA9] =	sst s6  }
0xf: {  	[smem:$0x3FAA] =	sst s7  }
0x10: {  	[smem:$0x3FAB] =	sst s8  }
0x11: {  	[smem:$0x3FAC] =	sst s9;
	s0 =	simm.s32 @!p0 $0x0  }
0x12: {  	s1 =	sld [smem:$0x3F92];
	s0 =	simm.s32 @p0 $0x1  }
0x13: {  	[smem:$0x3FAD] =	sst s0;
	s0 =	simm.s32 @!p1 $0x0  }
0x14: {  	s2 =	sld [smem:$0x3F91];
	s0 =	simm.s32 @p1 $0x1  }
0x15: {  	[smem:$0x3FAE] =	sst s0;
	s0 =	simm.s32 @!p2 $0x0  }
0x16: {  	s3 =	sld [smem:$0x3FDB];
	s0 =	simm.s32 @p2 $0x1  }
0x17: {  	s4 =	simm.s32 $0x1BF5;
	[smem:$0x3FB0] =	sst s0  }
0x18: {  	s0 =	sld [smem:$0x3F93];
	_ =	swait.ge [sflag:s4], $0x0  }
0x19: {  	s7 =	sld [smem:$0x3F94]  }
0x1a: {  	s8 =	sadd.s32 $0xFFFFE003, lr  }
0x1b: {  	s9 =	sadd.s32 $0xFFFFFEF7, lr;
	s5 =	simm.s32 $0xFFFFFFFF;
	p2 =	slt.u32 s8, $0xFFFFF086  }
0x1c: {  	p1 =	slt.u32 s9, $0xF7A;
	s5 =	simm.s32 @!p2 $0x0  }
0x1d: {  	s5 =	simm.s32 @p1 $0x1;
	p0 =	seq.s32 s7, s2  }
0x1e: {  	s7 =	smul.u32 @!p0 $0xF7A, s2;
	p2 =	seq.s32 @!p0 s5, $0x0  }
0x1f: {  	s9 =	smul.u32 $0xF7A, s1;
	s8 =	simm.s32 @!p0 $0x1BF5;
	p2 =	por !p2, p0  }
0x20: {  	[sflag:s8] =	ssyncset.s32 @!p0 $0xFFFFF086;
	s6 =	sadd.s32 @!p0 s3, s7;
	s7 =	simm.s32 @!p0 $0x108  }
0x21: {  	s3 =	sadd.s32 s3, s9;
	s6 =	sadd.s32 @!p0 $0x88, s6;
	s7 =	simm.s32 @p2 $0x1082  }
0x22: {  	[simem:s7], [sflag:s8] =	dma.local @!p0 [hbm:s6], $0xF7A  }
0x23: {  	s9 =	sor.u32 $0xD0000000, s2;
	s6 =	simm.s32 $0x108;
	_ =	swait.ge @!p0 [sflag:s8], $0x0  }
0x24: {  	s3 =	sadd.s32 $0x88, s3;
	s6 =	simm.s32 @!p1 $0x1082;
	[sflag:s4] =	ssyncset.s32 $0xFFFFF086  }
0x25: {  	[simem:s6], [sflag:s4] =	dma.local [hbm:s3], $0xF7A  }
0x26: {  	[smem:$0x3F94] =	sst s1;
	(tag) =	ssettag s2;
	_ =	strace s9  }
0x27: {  	s1 =	sld [smem:$0x3FA4]  }
0x28: {  	s2 =	sld [smem:$0x3FA5]  }
0x29: {  	s4 =	sld [smem:$0x3FA7]  }
0x2a: {  	p0 =	seq.s32 s5, $0x0;
	s5 =	sld [smem:$0x3FA8]  }
0x2b: {  	s6 =	sld [smem:$0x3FA9]  }
0x2c: {  	s7 =	sld [smem:$0x3FAA]  }
0x2d: {  	s3 =	simm.s32 $0x108;
	s8 =	sld [smem:$0x3FAB]  }
0x2e: {  	s3 =	simm.s32 @!p0 $0x1082;
	s9 =	sld [smem:$0x3FAC]  }
0x2f: {  	lr =	sadd.s32 s0, s3;
	s0 =	sld [smem:$0x3FA3]  }
0x30: {  	s3 =	sld [smem:$0x3FA6]  }
0x31: {  	[smem:$0x3FAF] =	sst s10  }
0x32: {  	s10 =	sld [smem:$0x3FAD];
	_ =	sdelay $0x3  }
0x33: {  	p0 =	seq.s32 s10, $0x1;
	s10 =	sld [smem:$0x3FAF];
	_ =	sdelay $0x3  }
0x34: {  	[smem:$0x3FAF] =	sst s10  }
0x35: {  	s10 =	sld [smem:$0x3FAE];
	_ =	sdelay $0x3  }
0x36: {  	p1 =	seq.s32 s10, $0x1;
	s10 =	sld [smem:$0x3FAF];
	_ =	sdelay $0x3  }
0x37: {  	[smem:$0x3FAF] =	sst s10  }
0x38: {  	s10 =	sld [smem:$0x3FB0]  }
0x39: {  	_ = 	snop;
	(pc) =	sbr.ind lr, $3  }
0x3a: {  	_ = 	snop  }
0x3b: {  	_ = 	snop  }
0x3c: {  	p2 =	seq.s32 s10, $0x1;
	s10 =	sld [smem:$0x3FAF]  }
0x3d: {  	_ =	shalt  }
0x3e: {  	_ =	shalt  }
0x3f: {  	_ =	shalt  }
0x40: {  	_ =	shalt  }
0x41: {  	_ =	shalt  }
0x42: {  	_ =	shalt  }
0x43: {  	_ =	shalt  }
0x44: {  	_ =	shalt  }
0x45: {  	_ =	shalt  }
0x46: {  	_ =	shalt  }
0x47: {  	_ =	shalt  }
0x48: {  	_ =	shalt  }
0x49: {  	_ =	shalt  }
0x4a: {  	_ =	shalt  }
0x4b: {  	_ =	shalt  }
0x4c: {  	_ =	shalt  }
0x4d: {  	_ =	shalt  }
0x4e: {  	_ =	shalt  }
0x4f: {  	_ =	shalt  }
0x50: {  	_ =	shalt  }
0x51: {  	_ =	shalt  }
0x52: {  	_ =	shalt  }
0x53: {  	_ =	shalt  }
0x54: {  	_ =	shalt  }
0x55: {  	_ =	shalt  }
0x56: {  	_ =	shalt  }
0x57: {  	_ =	shalt  }
0x58: {  	_ =	shalt  }
0x59: {  	_ =	shalt  }
0x5a: {  	_ =	shalt  }
0x5b: {  	_ =	shalt  }
0x5c: {  	_ =	shalt  }
0x5d: {  	_ =	shalt  }
0x5e: {  	_ =	shalt  }
0x5f: {  	_ =	shalt  }
0x60: {  	_ =	shalt  }
0x61: {  	_ =	shalt  }
0x62: {  	_ =	shalt  }
0x63: {  	_ =	shalt  }
0x64: {  	_ =	shalt  }
0x65: {  	_ =	shalt  }
0x66: {  	_ =	shalt  }
0x67: {  	_ =	shalt  }
0x68: {  	_ =	shalt  }
0x69: {  	_ =	shalt  }
0x6a: {  	_ =	shalt  }
0x6b: {  	_ =	shalt  }
0x6c: {  	_ =	shalt  }
0x6d: {  	_ =	shalt  }
0x6e: {  	_ =	shalt  }
0x6f: {  	_ =	shalt  }
0x70: {  	_ =	shalt  }
0x71: {  	_ =	shalt  }
0x72: {  	_ =	shalt  }
0x73: {  	_ =	shalt  }
0x74: {  	_ =	shalt  }
0x75: {  	_ =	shalt  }
0x76: {  	_ =	shalt  }
0x77: {  	_ =	shalt  }
0x78: {  	_ =	shalt  }
0x79: {  	_ =	shalt  }
0x7a: {  	_ =	shalt  }
0x7b: {  	_ =	shalt  }
0x7c: {  	_ =	shalt  }
0x7d: {  	_ =	shalt  }
0x7e: {  	_ =	shalt  }
0x7f: {  	_ =	shalt  }
0x80: {  	_ =	shalt  }
0x81: {  	_ =	shalt  }
0x82: {  	_ =	shalt  }
0x83: {  	_ =	shalt  }
0x84: {  	_ =	shalt  }
0x85: {  	_ =	shalt  }
0x86: {  	_ =	shalt  }
0x87: {  	_ =	shalt  }
.Lfunc_end0:
.L_simem_size_0:
called_computation_lowered:
.L_overlay_start_0:
0x88: {  	s2 =	sld [smem:$0x3FD9]  }
0x89: {  	s3 =	sld [smem:$0x3FFE];
	_ =	sdelay $0x1  }
0x8a: {  	s1 =	srdreg.scid  }
0x8b: {  	s0 =	sand.u32 $0x1, s1  }
0x8c: {  	s17 =	sshll.u32 s0, $0xA;
	s2 =	sadd.s32 s3, s2  }
0x8d: {  	s2 =	sadd.s32 s2, s17  }
0x8e: {  	[smem:$0x3FBB] =	sst s2  }
0x8f: {  	_ = 	snop  }
0x90: {  	s2 =	sld [smem:$0x3FD0];
	(tm) =	ssettm $0x1  }
0x91: {  	s18 =	sld [smem:$0x3FFB];
	_ =	sdelay $0x3  }
0x92: {  	_ =	strace s18  }
0x93: {  	s3 =	sld [smem:$0x3FFC];
	_ =	sdelay $0x3  }
0x94: {  	_ =	strace s3  }
0x95: {  	s3 =	sld [smem:$0x3FFD];
	_ =	sdelay $0x3  }
0x96: {  	_ =	strace s3  }
0x97: {  	_ =	strace $0x8FFFFFFF  }
0x98: {  	s19 =	sld [smem:$0x3FDB];
	_ =	sdelay $0x1  }
0x99: {  	s4 =	simm.s32 $_scs_section_size  }
0x9a: {  	s5 =	simm.s32 $_size__tile_overlayer_lowered;
	s6 =	simm.s32 $_tile_overlayer_lowered  }
0x9b: {  	s22 =	simm.s32 $0x1BFF;
	s21 =	sshll.u32 s6, $0x1;
	s3 =	sadd.s32 s4, s19  }
0x9c: {  	s7 =	simm.s32 $0x0;
	s20 =	sshll.u32 s5, $0x1;
	s5 =	sadd.s32 s21, s3  }
0x9d: {  	[timem:s7], [sflag:s22] =	dma.local [hbm:s5], s20  }
0x9e: {  	_ =	swait.ge [sflag:s22], s20  }
0x9f: {  	s4 =	ssub.s32 $0x0, s20;
	[sflag:s22] =	ssyncset.done $0x0  }
0xa0: {  	[sflag:s22] =	ssyncadd.s32 s4;
	_ =	sdelay $0x1  }
0xa1: {  	s23 =	simm.s32 $0x1B8B  }
0xa2: {  	_ =	swait.ge [sflag:s23], $0x1  }
0xa3: {  	[sflag:s23] =	ssyncset.done $0x0  }
0xa4: {  	s25 =	simm.s32 $0x1B8E;
	s24 =	sld [smem:$0x3FFE];
	[sflag:s23] =	ssyncadd.s32 $0xFFFFFFFF  }
0xa5: {  	s26 =	simm.s32 $execute0_lowered;
	[smem:$0x3FD2] =	sst s25  }
0xa6: {  	s5 =	sshll.u32 s26, $0x1;
	_ =	strace $0x80000046;
	[dreg:$0x1] =	wrdreg $0xFFFFFFFF  }
0xa7: {  	s28 =	simm.s32 $_size_execute0_lowered;
	s3 =	sadd.s32 s3, s5;
	[dreg:$0x0] =	wrdreg $0x0  }
0xa8: {  	s5 =	sshll.u32 s28, $0x1;
	[dreg:$0x2] =	wrdreg s3  }
0xa9: {  	[dreg:$0x3] =	wrdreg s5  }
0xaa: {  	[dreg:$0x4] =	wrdreg $0xC0  }
0xab: {  	_ =	task [dreg:s7], $0x5FFFF  }
0xac: {  	[dreg:$0x1] =	wrdreg $0xFFFFFFFF  }
0xad: {  	[dreg:$0x0] =	wrdreg $0x60  }
0xae: {  	[dreg:$0x2] =	wrdreg s24  }
0xaf: {  	[dreg:$0x3] =	wrdreg s2  }
0xb0: {  	[dreg:$0x4] =	wrdreg $0x0  }
0xb1: {  	[dreg:$0x5] =	wrdreg $0x9  }
0xb2: {  	_ =	task.clear_ibuf [dreg:s7], $0x6FFFF;
	_ =	strace $0x90000046  }
0xb3: {  	s29 =	simm.s32 $0x9;
	_ =	strace $0x80000048  }
0xb4: {  	_ =	swait.ge [sflag:s29], $0x1  }
0xb5: {  	[sflag:s29] =	ssyncadd.s32 $0xFFFFFFFF  }
0xb6: {  	_ =	strace $0x90000048  }
0xb7: {  	_ =	sfence  }
0xb8: {  	s30 =	sld [smem:$0x0];
	_ =	sdelay $0x2  }
0xb9: {  	s31 =	sshll.u32 s1, $0xD;
	s1 =	sshrl.u32 s1, $0x2  }
0xba: {  	s3 =	sand.u32 $0x4000, s31;
	s1 =	sadd.s32 s1, s30  }
0xbb: {  	s0 =	sor.u32 s3, s0;
	s1 =	sshll.u32 s1, $0x11  }
0xbc: {  	s0 =	sor.u32 s1, s0  }
0xbd: {  	s0 =	sadd.s32 $0x8F2B, s0  }
0xbe: {  	[sflag:s0] =	ssyncadd.remote.s32 $0x1  }
0xbf: {  	_ =	sfence.sel $0xFFFF  }
0xc0: {  	[dreg:$0x0] =	wrdreg $0xFFFFFFFF;
	(pc) =	sbr.abs _section_cstart, $3  }
0xc1: {  	[dreg:$0x1] =	wrdreg $0xFFFFFFFF  }
0xc2: {  	_ =	task.clear_ibuf [dreg:s7], $0x2FFFF;
	_ =	strace $0x9FFFFFFF  }
0xc3: {  	(tm) =	ssettm $0x7FFFFFFF  }
tec
execute0_lowered:
.L_overlay_start_1:
0x0: {  	(tag) =	ssettag $0x1  }
0x1: {  	s0 =	rddreg [dreg:$0x0];
	s17 =	stileid.u32  }
0x2: {  	s1 =	srdreg.scid;
	s3 =	rddreg [dreg:$0x2];
	s4 =	simm.s32 $0x0  }
0x3: {  	s13 =	simm.s32 $0x18F00;
	s14 =	simm.s32 $0x4;
	s15 =	simm.s32 $0x18B00  }
0x4: {  	s16 =	simm.s32 $0x80;
	s24 =	simm.s32 $0x18700;
	s26 =	simm.s32 $0x1  }
0x5: {  	s28 =	simm.s32 $0x2;
	s18 =	simm.s32 $0x3;
	s19 =	simm.s32 $0x0  }
0x6: {  	s2 =	smul.u32 $0x18700, s17;
	s1 =	sand.u32 $0x1, s1;
	[smem:$0x7FF] =	sst s4  }
0x7: {  	s7 =	smul.u32 $0x18800, s17;
	s5 =	sadd.s32 $0x3E00, s0;
	s31 =	sshll.u32 s17, $0x6  }
0x8: {  	s17 =	simm.s32 $0x18A80;
	s6 =	smul.u32 $0x187000, s1;
	_ =	strace $0x80000047  }
0x9: {  	s9 =	smul.u32 $0xC400, s1;
	s1 =	ssub.s32 $0x2, s1;
	s8 =	sshrl.u32 s2, $0x3  }
0xa: {  	s25 =	sor.u32 $0x1C04, s31;
	s30 =	sshrl.u32 s1, $0x1;
	s10 =	sadd.s32 s8, s0  }
0xb: {  	s6 =	sadd.s32 s2, s6;
	s12 =	sadd.s32 s9, s7;
	s1 =	ssub.s32 s1, s30  }
0xc: {  	s8 =	sadd.s32 s2, s3;
	s2 =	simm.s32 $0x18A00;
	s6 =	sshrl.u32 s6, $0x3  }
0xd: {  	s7 =	sshrl.u32 s12, $0x3;
	s9 =	sadd.s32 $0x34E00, s10;
	s12 =	sadd.s32 $0x400, s12  }
0xe: {  	s11 =	sadd.s32 s6, s0;
	s6 =	sadd.s32 $0x34D80, s0;
	s7 =	sadd.s32 s5, s7  }
0xf: {  	s0 =	simm.s32 $0x18980;
	s10 =	sadd.s32 $0x65C00, s11;
	s11 =	smax.u32 s1, $0x1  }
.LBB2_1:
0x10: {  	s1 =	rddreg [dreg:$0x1]  }
0x11: {  	[tilespmem:s13], [sflag:$0x4] =	stream.linear.gather [hbm4b:s1+s4], $0x800, $0x38;
	[tilespmem:$0x19700] =	vst v63  }
0x12: {  	_ =	swait.ge [sflag:s14], $0x800  }
0x13: {  	[sflag:s14] =	ssyncset.done $0x0  }
0x14: {  	[sflag:s14] =	ssyncadd.s32 $0xFFFFF800  }
0x15: {  	[tilespmem:s15], [sflag:$0x4] =	stream.linear.gather [hbm4b:s6+s4], $0x400, $0x38;
	[tilespmem:$0x19700] =	vst v63  }
0x16: {  	_ =	swait.ge [sflag:s14], $0x400  }
0x17: {  	[sflag:s14] =	ssyncset.done $0x0  }
0x18: {  	[sflag:s14] =	ssyncadd.s32 $0xFFFFFC00  }
0x19: {  	[spmem:s3] =	stream.indirect.scatter.add.f32 [tilespmem:s13], [sflag:$0x1], $0x10, s15, s16, $0xb8;
	[tilespmem:$0x19700] =	vst v63  }
0x1a: {  	s30 =	simm.s32 $0x18B80  }
0x1b: {  	[spmem:s3] =	stream.indirect.scatter.add.f32 [tilespmem:s13], [sflag:$0x1], $0x10, s30, s16, $0xb8;
	[tilespmem:$0x19700] =	vst v63  }
0x1c: {  	s31 =	simm.s32 $0x18C00  }
0x1d: {  	[spmem:s3] =	stream.indirect.scatter.add.f32 [tilespmem:s13], [sflag:$0x1], $0x10, s31, s16, $0xb8;
	[tilespmem:$0x19700] =	vst v63  }
0x1e: {  	s20 =	simm.s32 $0x18C80  }
0x1f: {  	[spmem:s3] =	stream.indirect.scatter.add.f32 [tilespmem:s13], [sflag:$0x1], $0x10, s20, s16, $0xb8;
	[tilespmem:$0x19700] =	vst v63  }
0x20: {  	s21 =	simm.s32 $0x18D00  }
0x21: {  	[spmem:s3] =	stream.indirect.scatter.add.f32 [tilespmem:s13], [sflag:$0x1], $0x10, s21, s16, $0xb8;
	[tilespmem:$0x19700] =	vst v63  }
0x22: {  	s22 =	simm.s32 $0x18D80  }
0x23: {  	[spmem:s3] =	stream.indirect.scatter.add.f32 [tilespmem:s13], [sflag:$0x1], $0x10, s22, s16, $0xb8;
	[tilespmem:$0x19700] =	vst v63  }
0x24: {  	s23 =	simm.s32 $0x18E00  }
0x25: {  	[spmem:s3] =	stream.indirect.scatter.add.f32 [tilespmem:s13], [sflag:$0x1], $0x10, s23, s16, $0xb8;
	[tilespmem:$0x19700] =	vst v63  }
0x26: {  	s29 =	simm.s32 $0x18E80  }
0x27: {  	[spmem:s3] =	stream.indirect.scatter.add.f32 [tilespmem:s13], [sflag:$0x1], $0x10, s29, s16, $0xb8;
	[tilespmem:$0x19700] =	vst v63  }
0x28: {  	s20 =	sshrl.u32 s8, $0x3  }
0x29: {  	[tilespmem:s24], [sflag:$0x2] =	stream.linear.gather [hbm4b:s7+s4], $0x400, $0x38;
	[tilespmem:$0x19700] =	vst v63  }
0x2a: {  	[spmem:s20], [sflag:s25] =	dma.local [hbm:s9], $0x30E0  }
0x2b: {  	_ =	swait.ge [sflag:s14], $0x30E0  }
0x2c: {  	[sflag:s14] =	ssyncset.done $0x0  }
0x2d: {  	[sflag:s14] =	ssyncadd.s32 $0xFFFFCF20  }
0x2e: {  	[bflag:$0x0] =	sbarrier.arrive $0xFFFF  }
0x2f: {  	_ =	swait.ge [sflag:s26], $0x800  }
0x30: {  	[sflag:s26] =	ssyncset.done $0x0  }
0x31: {  	[sflag:s26] =	ssyncadd.s32 $0xFFFFF800  }
0x32: {  	_ =	swait.ge [sflag:s26], $0x800  }
0x33: {  	[sflag:s26] =	ssyncset.done $0x0  }
0x34: {  	[sflag:s26] =	ssyncadd.s32 $0xFFFFF800  }
0x35: {  	_ =	swait.ge [sflag:s26], $0x800  }
0x36: {  	[sflag:s26] =	ssyncset.done $0x0  }
0x37: {  	[sflag:s26] =	ssyncadd.s32 $0xFFFFF800  }
0x38: {  	_ =	swait.ge [sflag:s26], $0x800  }
0x39: {  	[sflag:s26] =	ssyncset.done $0x0  }
0x3a: {  	[sflag:s26] =	ssyncadd.s32 $0xFFFFF800  }
0x3b: {  	_ =	swait.ge [sflag:s26], $0x800  }
0x3c: {  	[sflag:s26] =	ssyncset.done $0x0  }
0x3d: {  	[sflag:s26] =	ssyncadd.s32 $0xFFFFF800  }
0x3e: {  	_ =	swait.ge [sflag:s26], $0x800  }
0x3f: {  	[sflag:s26] =	ssyncset.done $0x0  }
0x40: {  	[sflag:s26] =	ssyncadd.s32 $0xFFFFF800  }
0x41: {  	_ =	swait.ge [sflag:s26], $0x800  }
0x42: {  	s21 =	sand.u32 $0x1, s4;
	[sflag:s26] =	ssyncset.done $0x0  }
0x43: {  	s30 =	sor.u32 $0x2, s21;
	[sflag:s26] =	ssyncadd.s32 $0xFFFFF800  }
0x44: {  	s22 =	sshrl.u32 s12, $0x3;
	s23 =	sxor.u32 $0x1, s21;
	_ =	swait.ge [sflag:s26], $0x800  }
0x45: {  	s22 =	sadd.s32 s5, s22;
	s29 =	sshll.u32 s23, $0xA;
	[sflag:s26] =	ssyncset.done $0x0  }
0x46: {  	s23 =	sor.u32 $0x2, s23;
	s29 =	sadd.s32 $0x18700, s29;
	[sflag:s26] =	ssyncadd.s32 $0xFFFFF800  }
0x47: {  	[tilespmem:s29], [sflag:s23] =	stream.linear.gather [hbm4b:s22+s4], $0x400, $0x38;
	[tilespmem:$0x19700] =	vst v63  }
0x48: {  	_ =	swait.ge [sflag:s30], $0x400  }
0x49: {  	s23 =	sshll.u32 s21, $0xA;
	[sflag:s30] =	ssyncset.done $0x0  }
0x4a: {  	s21 =	sadd.s32 $0x18700, s23;
	[sflag:s30] =	ssyncadd.s32 $0xFFFFFC00  }
0x4b: {  	[spmem:s3] =	stream.indirect.scatter.add.f32 [tilespmem:s13], [sflag:$0x1], $0x10, s21, s16, $0xb8;
	[tilespmem:$0x19700] =	vst v63  }
0x4c: {  	s31 =	sadd.s32 $0x18780, s23  }
0x4d: {  	[spmem:s3] =	stream.indirect.scatter.add.f32 [tilespmem:s13], [sflag:$0x1], $0x10, s31, s16, $0xb8;
	[tilespmem:$0x19700] =	vst v63  }
0x4e: {  	s1 =	sor.u32 $0x18800, s23  }
0x4f: {  	[spmem:s3] =	stream.indirect.scatter.add.f32 [tilespmem:s13], [sflag:$0x1], $0x10, s1, s16, $0xb8;
	[tilespmem:$0x19700] =	vst v63  }
0x50: {  	s22 =	sor.u32 $0x18880, s23  }
0x51: {  	[spmem:s3] =	stream.indirect.scatter.add.f32 [tilespmem:s13], [sflag:$0x1], $0x10, s22, s16, $0xb8;
	[tilespmem:$0x19700] =	vst v63  }
0x52: {  	s29 =	sor.u32 $0x18900, s23  }
0x53: {  	[spmem:s3] =	stream.indirect.scatter.add.f32 [tilespmem:s13], [sflag:$0x1], $0x10, s29, s16, $0xb8;
	[tilespmem:$0x19700] =	vst v63  }
0x54: {  	s30 =	sor.u32 $0x18980, s23;
	s21 =	simm.s32 $0x1  }
0x55: {  	[spmem:s3] =	stream.indirect.scatter.add.f32 [tilespmem:s13], [sflag:$0x1], $0x10, s30, s16, $0xb8;
	[tilespmem:$0x19700] =	vst v63  }
0x56: {  	s31 =	sor.u32 $0x18A00, s23;
	s23 =	sor.u32 $0x18A80, s23;
	s22 =	sadd.s32 $0x400, s12  }
0x57: {  	[spmem:s3] =	stream.indirect.scatter.add.f32 [tilespmem:s13], [sflag:$0x1], $0x10, s31, s16, $0xb8;
	[tilespmem:$0x19700] =	vst v63  }
.LBB2_2:
0x58: {  	[spmem:s3] =	stream.indirect.scatter.add.f32 [tilespmem:s13], [sflag:$0x1], $0x10, s23, s16, $0xb8;
	[tilespmem:$0x19700] =	vst v63  }
0x59: {  	s23 =	smov.u32 s21  }
0x5a: {  	p0 =	sne.s32 s21, $0x2F;
	s21 =	sadd.s32 $0x1, s21;
	_ =	swait.ge [sflag:s26], $0x800  }
0x5b: {  	[sflag:s26] =	ssyncset.done $0x0  }
0x5c: {  	[sflag:s26] =	ssyncadd.s32 $0xFFFFF800  }
0x5d: {  	_ =	swait.ge [sflag:s26], $0x800  }
0x5e: {  	[sflag:s26] =	ssyncset.done $0x0  }
0x5f: {  	[sflag:s26] =	ssyncadd.s32 $0xFFFFF800  }
0x60: {  	_ =	swait.ge [sflag:s26], $0x800  }
0x61: {  	[sflag:s26] =	ssyncset.done $0x0  }
0x62: {  	[sflag:s26] =	ssyncadd.s32 $0xFFFFF800  }
0x63: {  	_ =	swait.ge [sflag:s26], $0x800  }
0x64: {  	[sflag:s26] =	ssyncset.done $0x0  }
0x65: {  	[sflag:s26] =	ssyncadd.s32 $0xFFFFF800  }
0x66: {  	_ =	swait.ge [sflag:s26], $0x800  }
0x67: {  	[sflag:s26] =	ssyncset.done $0x0  }
0x68: {  	[sflag:s26] =	ssyncadd.s32 $0xFFFFF800  }
0x69: {  	_ =	swait.ge [sflag:s26], $0x800  }
0x6a: {  	[sflag:s26] =	ssyncset.done $0x0  }
0x6b: {  	[sflag:s26] =	ssyncadd.s32 $0xFFFFF800  }
0x6c: {  	_ =	swait.ge [sflag:s26], $0x800  }
0x6d: {  	[sflag:s26] =	ssyncset.done $0x0  }
0x6e: {  	s29 =	sshrl.u32 s22, $0x3;
	s23 =	sand.u32 $0x1, s23;
	[sflag:s26] =	ssyncadd.s32 $0xFFFFF800  }
0x6f: {  	s30 =	sxor.u32 $0x1, s23;
	s31 =	sor.u32 $0x2, s23;
	_ =	swait.ge [sflag:s26], $0x800  }
0x70: {  	s1 =	sshll.u32 s30, $0xA;
	s30 =	sor.u32 $0x2, s30;
	[sflag:s26] =	ssyncset.done $0x0  }
0x71: {  	s29 =	sadd.s32 s5, s29;
	s1 =	sadd.s32 $0x18700, s1;
	[sflag:s26] =	ssyncadd.s32 $0xFFFFF800  }
0x72: {  	[tilespmem:s1], [sflag:s30] =	stream.linear.gather [hbm4b:s29+s4], $0x400, $0x38;
	[tilespmem:$0x19700] =	vst v63  }
0x73: {  	_ =	swait.ge [sflag:s31], $0x400  }
0x74: {  	s1 =	sshll.u32 s23, $0xA;
	[sflag:s31] =	ssyncset.done $0x0  }
0x75: {  	s23 =	sadd.s32 $0x18700, s1;
	[sflag:s31] =	ssyncadd.s32 $0xFFFFFC00  }
0x76: {  	[spmem:s3] =	stream.indirect.scatter.add.f32 [tilespmem:s13], [sflag:$0x1], $0x10, s23, s16, $0xb8;
	[tilespmem:$0x19700] =	vst v63  }
0x77: {  	s23 =	sadd.s32 $0x18780, s1  }
0x78: {  	[spmem:s3] =	stream.indirect.scatter.add.f32 [tilespmem:s13], [sflag:$0x1], $0x10, s23, s16, $0xb8;
	[tilespmem:$0x19700] =	vst v63  }
0x79: {  	s23 =	sor.u32 $0x18800, s1  }
0x7a: {  	[spmem:s3] =	stream.indirect.scatter.add.f32 [tilespmem:s13], [sflag:$0x1], $0x10, s23, s16, $0xb8;
	[tilespmem:$0x19700] =	vst v63  }
0x7b: {  	s23 =	sor.u32 $0x18880, s1  }
0x7c: {  	[spmem:s3] =	stream.indirect.scatter.add.f32 [tilespmem:s13], [sflag:$0x1], $0x10, s23, s16, $0xb8;
	[tilespmem:$0x19700] =	vst v63  }
0x7d: {  	s23 =	sor.u32 $0x18900, s1  }
0x7e: {  	[spmem:s3] =	stream.indirect.scatter.add.f32 [tilespmem:s13], [sflag:$0x1], $0x10, s23, s16, $0xb8;
	[tilespmem:$0x19700] =	vst v63  }
.Ltmp0:
0x7f: {  	s23 =	sor.u32 $0x18980, s1;
	(pc) =	sbr.rel @p0 .LBB2_2-.Ltmp0, $4  }
0x80: {  	[spmem:s3] =	stream.indirect.scatter.add.f32 [tilespmem:s13], [sflag:$0x1], $0x10, s23, s16, $0xb8;
	[tilespmem:$0x19700] =	vst v63  }
0x81: {  	s23 =	sor.u32 $0x18A00, s1  }
0x82: {  	[spmem:s3] =	stream.indirect.scatter.add.f32 [tilespmem:s13], [sflag:$0x1], $0x10, s23, s16, $0xb8;
	[tilespmem:$0x19700] =	vst v63  }
0x83: {  	s22 =	sadd.s32 $0x400, s22;
	s23 =	sor.u32 $0x18A80, s1  }
0x84: {  	[spmem:s3] =	stream.indirect.scatter.add.f32 [tilespmem:s13], [sflag:$0x1], $0x10, s23, s16, $0xb8;
	[tilespmem:$0x19700] =	vst v63  }
0x85: {  	_ =	swait.ge [sflag:s26], $0x800  }
0x86: {  	[sflag:s26] =	ssyncset.done $0x0  }
0x87: {  	[sflag:s26] =	ssyncadd.s32 $0xFFFFF800  }
0x88: {  	_ =	swait.ge [sflag:s26], $0x800  }
0x89: {  	[sflag:s26] =	ssyncset.done $0x0  }
0x8a: {  	[sflag:s26] =	ssyncadd.s32 $0xFFFFF800  }
0x8b: {  	_ =	swait.ge [sflag:s26], $0x800  }
0x8c: {  	[sflag:s26] =	ssyncset.done $0x0  }
0x8d: {  	[sflag:s26] =	ssyncadd.s32 $0xFFFFF800  }
0x8e: {  	_ =	swait.ge [sflag:s26], $0x800  }
0x8f: {  	[sflag:s26] =	ssyncset.done $0x0  }
0x90: {  	[sflag:s26] =	ssyncadd.s32 $0xFFFFF800  }
0x91: {  	_ =	swait.ge [sflag:s26], $0x800  }
0x92: {  	[sflag:s26] =	ssyncset.done $0x0  }
0x93: {  	[sflag:s26] =	ssyncadd.s32 $0xFFFFF800  }
0x94: {  	_ =	swait.ge [sflag:s26], $0x800  }
0x95: {  	[sflag:s26] =	ssyncset.done $0x0  }
0x96: {  	[sflag:s26] =	ssyncadd.s32 $0xFFFFF800  }
0x97: {  	_ =	swait.ge [sflag:s26], $0x800  }
0x98: {  	[sflag:s26] =	ssyncset.done $0x0  }
0x99: {  	[sflag:s26] =	ssyncadd.s32 $0xFFFFF800  }
0x9a: {  	_ =	swait.ge [sflag:s26], $0x800  }
0x9b: {  	[sflag:s26] =	ssyncset.done $0x0  }
0x9c: {  	[sflag:s26] =	ssyncadd.s32 $0xFFFFF800  }
0x9d: {  	[tilespmem:s15], [sflag:$0x3] =	stream.linear.gather [hbm4b:s7+s4], $0x400, $0x38;
	[tilespmem:$0x19700] =	vst v63  }
0x9e: {  	_ =	swait.ge [sflag:s28], $0x400  }
0x9f: {  	[sflag:s28] =	ssyncset.done $0x0  }
0xa0: {  	[sflag:s28] =	ssyncadd.s32 $0xFFFFFC00  }
0xa1: {  	[spmem:s3] =	stream.indirect.scatter.add.f32 [tilespmem:s13], [sflag:$0x1], $0x10, s24, s16, $0xb8;
	[tilespmem:$0x19700] =	vst v63  }
0xa2: {  	s1 =	simm.s32 $0x18780  }
0xa3: {  	[spmem:s3] =	stream.indirect.scatter.add.f32 [tilespmem:s13], [sflag:$0x1], $0x10, s1, s16, $0xb8;
	[tilespmem:$0x19700] =	vst v63  }
0xa4: {  	s29 =	simm.s32 $0x18800  }
0xa5: {  	[spmem:s3] =	stream.indirect.scatter.add.f32 [tilespmem:s13], [sflag:$0x1], $0x10, s29, s16, $0xb8;
	[tilespmem:$0x19700] =	vst v63  }
0xa6: {  	s30 =	simm.s32 $0x18880  }
0xa7: {  	[spmem:s3] =	stream.indirect.scatter.add.f32 [tilespmem:s13], [sflag:$0x1], $0x10, s30, s16, $0xb8;
	[tilespmem:$0x19700] =	vst v63  }
0xa8: {  	s31 =	simm.s32 $0x18900  }
0xa9: {  	[spmem:s3] =	stream.indirect.scatter.add.f32 [tilespmem:s13], [sflag:$0x1], $0x10, s31, s16, $0xb8;
	[tilespmem:$0x19700] =	vst v63  }
0xaa: {  	_ = 	snop  }
0xab: {  	[spmem:s3] =	stream.indirect.scatter.add.f32 [tilespmem:s13], [sflag:$0x1], $0x10, s0, s16, $0xb8;
	[tilespmem:$0x19700] =	vst v63  }
0xac: {  	_ = 	snop  }
0xad: {  	[spmem:s3] =	stream.indirect.scatter.add.f32 [tilespmem:s13], [sflag:$0x1], $0x10, s2, s16, $0xb8;
	[tilespmem:$0x19700] =	vst v63  }
0xae: {  	_ = 	snop  }
0xaf: {  	[spmem:s3] =	stream.indirect.scatter.add.f32 [tilespmem:s13], [sflag:$0x1], $0x10, s17, s16, $0xb8;
	[tilespmem:$0x19700] =	vst v63  }
0xb0: {  	_ =	swait.ge [sflag:s18], $0x400  }
0xb1: {  	[sflag:s18] =	ssyncset.done $0x0  }
0xb2: {  	[sflag:s18] =	ssyncadd.s32 $0xFFFFFC00  }
0xb3: {  	_ =	swait.ge [sflag:s26], $0x800  }
0xb4: {  	[sflag:s26] =	ssyncset.done $0x0  }
0xb5: {  	[sflag:s26] =	ssyncadd.s32 $0xFFFFF800  }
0xb6: {  	_ =	swait.ge [sflag:s26], $0x800  }
0xb7: {  	[sflag:s26] =	ssyncset.done $0x0  }
0xb8: {  	[sflag:s26] =	ssyncadd.s32 $0xFFFFF800  }
0xb9: {  	_ =	swait.ge [sflag:s26], $0x800  }
0xba: {  	[sflag:s26] =	ssyncset.done $0x0  }
0xbb: {  	[sflag:s26] =	ssyncadd.s32 $0xFFFFF800  }
0xbc: {  	_ =	swait.ge [sflag:s26], $0x800  }
0xbd: {  	[sflag:s26] =	ssyncset.done $0x0  }
0xbe: {  	[sflag:s26] =	ssyncadd.s32 $0xFFFFF800  }
0xbf: {  	_ =	swait.ge [sflag:s26], $0x800  }
0xc0: {  	[sflag:s26] =	ssyncset.done $0x0  }
0xc1: {  	[sflag:s26] =	ssyncadd.s32 $0xFFFFF800  }
0xc2: {  	_ =	swait.ge [sflag:s26], $0x800  }
0xc3: {  	[sflag:s26] =	ssyncset.done $0x0  }
0xc4: {  	[sflag:s26] =	ssyncadd.s32 $0xFFFFF800  }
0xc5: {  	_ =	swait.ge [sflag:s26], $0x800  }
0xc6: {  	[sflag:s26] =	ssyncset.done $0x0  }
0xc7: {  	[sflag:s26] =	ssyncadd.s32 $0xFFFFF800  }
0xc8: {  	_ =	swait.ge [sflag:s26], $0x800  }
0xc9: {  	s19 =	sadd.s32 $0x1, s19;
	[sflag:s26] =	ssyncset.done $0x0  }
0xca: {  	p0 =	sne.s32 s19, s11;
	[sflag:s26] =	ssyncadd.s32 $0xFFFFF800  }
.Ltmp1:
0xcb: {  	[bflag:$0x0] =	sbarrier.arrive $0xFFFF;
	(pc) =	sbr.rel @p0 .LBB2_1-.Ltmp1, $4  }
0xcc: {  	[hbm:s10], [sflag:s25] =	dma.local [spmem:s20], $0x30E0  }
0xcd: {  	_ =	swait.ge [sflag:s14], $0x30E0  }
0xce: {  	[sflag:s14] =	ssyncset.done $0x0  }
0xcf: {  	[sflag:s14] =	ssyncadd.s32 $0xFFFFCF20  }
0xd0: {  	_ =	sfence.sel $0x180000  }
0xd1: {  	[bflag:$0x0] =	sbarrier.arrive $0xFFFF  }
0xd2: {  	_ =	strace $0x90000047  }
0xd3: {  	s0 =	stileid.u32;
	[bflag:$0x2] =	sbarrier.arrive $0xFFFF  }
0xd4: {  	p0 =	sne.s32 s0, $0x0;
	s0 =	rddreg [dreg:$0x3]  }
0xd5: {  	s0 =	sadd.s32 @!p0 $0x100000, s0  }
0xd6: {  	[sflag:s0] =	ssyncadd.tile.s32 @!p0 $0x1;
	_ =	shalt  }
.Lfunc_end2:
_tile_overlayer_lowered:
.L_overlay_start_2:
0xd7: {  	(tag) =	ssettag $0x2  }
0xd8: {  	s0 =	rddreg [dreg:$0x0];
	s2 =	stileid.u32  }
0xd9: {  	s1 =	rddreg [dreg:$0x1];
	p0 =	sne.s32 s2, $0x0  }
0xda: {  	s3 =	rddreg [dreg:$0x2];
	[bflag:$0x3] =	sbarrier.arrive $0xFFFF;
	s2 =	simm.s32 @!p0 $0x1C04  }
0xdb: {  	[timem:s3], [sflag:s2] =	dma.local @!p0 [hbm:s0], s1  }
0xdc: {  	s0 =	simm.s32 @!p0 $0x4  }
0xdd: {  	_ =	swait.ge @!p0 [sflag:s0], s1  }
0xde: {  	s1 =	ssub.s32 @!p0 $0x0, s1;
	[sflag:s0] =	ssyncset.done @!p0 $0x0  }
0xdf: {  	[sflag:s0] =	ssyncadd.s32 @!p0 s1  }
0xe0: {  	[bflag:$0x3] =	sbarrier.arrive $0xFFFF  }
0xe1: {  	_ =	shalt  }

// kernel: kernel.13.cloned.1.call-start
scs
__scs_entry_jumppad:
0x0: {  	(pc) =	sbr.rel $0x88, $3  }
0x1: {  	(tag) =	ssettag $0x0;
	lr =	simm.s32 $0x1  }
0x2: {  	[smem:$0x3F94] =	sst lr;
	_ =	strace $0xD0000000  }
0x3: {  	_ = 	snop  }
0x4: {  	_ = 	snop  }
0x5: {  	_ = 	snop  }
0x6: {  	_ = 	snop  }
0x7: {  	_ = 	snop  }
__scs_overlays_trampoline_lowered:
0x8: {  	[smem:$0x3FA3] =	sst s0  }
0x9: {  	[smem:$0x3FA4] =	sst s1  }
0xa: {  	[smem:$0x3FA5] =	sst s2  }
0xb: {  	[smem:$0x3FA6] =	sst s3  }
0xc: {  	[smem:$0x3FA7] =	sst s4  }
0xd: {  	[smem:$0x3FA8] =	sst s5  }
0xe: {  	[smem:$0x3FA9] =	sst s6  }
0xf: {  	[smem:$0x3FAA] =	sst s7  }
0x10: {  	[smem:$0x3FAB] =	sst s8  }
0x11: {  	[smem:$0x3FAC] =	sst s9;
	s0 =	simm.s32 @!p0 $0x0  }
0x12: {  	s1 =	sld [smem:$0x3F92];
	s0 =	simm.s32 @p0 $0x1  }
0x13: {  	[smem:$0x3FAD] =	sst s0;
	s0 =	simm.s32 @!p1 $0x0  }
0x14: {  	s2 =	sld [smem:$0x3F91];
	s0 =	simm.s32 @p1 $0x1  }
0x15: {  	[smem:$0x3FAE] =	sst s0;
	s0 =	simm.s32 @!p2 $0x0  }
0x16: {  	s3 =	sld [smem:$0x3FDB];
	s0 =	simm.s32 @p2 $0x1  }
0x17: {  	s4 =	simm.s32 $0x1BF5;
	[smem:$0x3FB0] =	sst s0  }
0x18: {  	s0 =	sld [smem:$0x3F93];
	_ =	swait.ge [sflag:s4], $0x0  }
0x19: {  	s7 =	sld [smem:$0x3F94]  }
0x1a: {  	s8 =	sadd.s32 $0xFFFFE003, lr  }
0x1b: {  	s9 =	sadd.s32 $0xFFFFFEF7, lr;
	s5 =	simm.s32 $0xFFFFFFFF;
	p2 =	slt.u32 s8, $0xFFFFF086  }
0x1c: {  	p1 =	slt.u32 s9, $0xF7A;
	s5 =	simm.s32 @!p2 $0x0  }
0x1d: {  	s5 =	simm.s32 @p1 $0x1;
	p0 =	seq.s32 s7, s2  }
0x1e: {  	s7 =	smul.u32 @!p0 $0xF7A, s2;
	p2 =	seq.s32 @!p0 s5, $0x0  }
0x1f: {  	s9 =	smul.u32 $0xF7A, s1;
	s8 =	simm.s32 @!p0 $0x1BF5;
	p2 =	por !p2, p0  }
0x20: {  	[sflag:s8] =	ssyncset.s32 @!p0 $0xFFFFF086;
	s6 =	sadd.s32 @!p0 s3, s7;
	s7 =	simm.s32 @!p0 $0x108  }
0x21: {  	s3 =	sadd.s32 s3, s9;
	s6 =	sadd.s32 @!p0 $0x88, s6;
	s7 =	simm.s32 @p2 $0x1082  }
0x22: {  	[simem:s7], [sflag:s8] =	dma.local @!p0 [hbm:s6], $0xF7A  }
0x23: {  	s9 =	sor.u32 $0xD0000000, s2;
	s6 =	simm.s32 $0x108;
	_ =	swait.ge @!p0 [sflag:s8], $0x0  }
0x24: {  	s3 =	sadd.s32 $0x88, s3;
	s6 =	simm.s32 @!p1 $0x1082;
	[sflag:s4] =	ssyncset.s32 $0xFFFFF086  }
0x25: {  	[simem:s6], [sflag:s4] =	dma.local [hbm:s3], $0xF7A  }
0x26: {  	[smem:$0x3F94] =	sst s1;
	(tag) =	ssettag s2;
	_ =	strace s9  }
0x27: {  	s1 =	sld [smem:$0x3FA4]  }
0x28: {  	s2 =	sld [smem:$0x3FA5]  }
0x29: {  	s4 =	sld [smem:$0x3FA7]  }
0x2a: {  	p0 =	seq.s32 s5, $0x0;
	s5 =	sld [smem:$0x3FA8]  }
0x2b: {  	s6 =	sld [smem:$0x3FA9]  }
0x2c: {  	s7 =	sld [smem:$0x3FAA]  }
0x2d: {  	s3 =	simm.s32 $0x108;
	s8 =	sld [smem:$0x3FAB]  }
0x2e: {  	s3 =	simm.s32 @!p0 $0x1082;
	s9 =	sld [smem:$0x3FAC]  }
0x2f: {  	lr =	sadd.s32 s0, s3;
	s0 =	sld [smem:$0x3FA3]  }
0x30: {  	s3 =	sld [smem:$0x3FA6]  }
0x31: {  	[smem:$0x3FAF] =	sst s10  }
0x32: {  	s10 =	sld [smem:$0x3FAD];
	_ =	sdelay $0x3  }
0x33: {  	p0 =	seq.s32 s10, $0x1;
	s10 =	sld [smem:$0x3FAF];
	_ =	sdelay $0x3  }
0x34: {  	[smem:$0x3FAF] =	sst s10  }
0x35: {  	s10 =	sld [smem:$0x3FAE];
	_ =	sdelay $0x3  }
0x36: {  	p1 =	seq.s32 s10, $0x1;
	s10 =	sld [smem:$0x3FAF];
	_ =	sdelay $0x3  }
0x37: {  	[smem:$0x3FAF] =	sst s10  }
0x38: {  	s10 =	sld [smem:$0x3FB0]  }
0x39: {  	_ = 	snop;
	(pc) =	sbr.ind lr, $3  }
0x3a: {  	_ = 	snop  }
0x3b: {  	_ = 	snop  }
0x3c: {  	p2 =	seq.s32 s10, $0x1;
	s10 =	sld [smem:$0x3FAF]  }
0x3d: {  	_ =	shalt  }
0x3e: {  	_ =	shalt  }
0x3f: {  	_ =	shalt  }
0x40: {  	_ =	shalt  }
0x41: {  	_ =	shalt  }
0x42: {  	_ =	shalt  }
0x43: {  	_ =	shalt  }
0x44: {  	_ =	shalt  }
0x45: {  	_ =	shalt  }
0x46: {  	_ =	shalt  }
0x47: {  	_ =	shalt  }
0x48: {  	_ =	shalt  }
0x49: {  	_ =	shalt  }
0x4a: {  	_ =	shalt  }
0x4b: {  	_ =	shalt  }
0x4c: {  	_ =	shalt  }
0x4d: {  	_ =	shalt  }
0x4e: {  	_ =	shalt  }
0x4f: {  	_ =	shalt  }
0x50: {  	_ =	shalt  }
0x51: {  	_ =	shalt  }
0x52: {  	_ =	shalt  }
0x53: {  	_ =	shalt  }
0x54: {  	_ =	shalt  }
0x55: {  	_ =	shalt  }
0x56: {  	_ =	shalt  }
0x57: {  	_ =	shalt  }
0x58: {  	_ =	shalt  }
0x59: {  	_ =	shalt  }
0x5a: {  	_ =	shalt  }
0x5b: {  	_ =	shalt  }
0x5c: {  	_ =	shalt  }
0x5d: {  	_ =	shalt  }
0x5e: {  	_ =	shalt  }
0x5f: {  	_ =	shalt  }
0x60: {  	_ =	shalt  }
0x61: {  	_ =	shalt  }
0x62: {  	_ =	shalt  }
0x63: {  	_ =	shalt  }
0x64: {  	_ =	shalt  }
0x65: {  	_ =	shalt  }
0x66: {  	_ =	shalt  }
0x67: {  	_ =	shalt  }
0x68: {  	_ =	shalt  }
0x69: {  	_ =	shalt  }
0x6a: {  	_ =	shalt  }
0x6b: {  	_ =	shalt  }
0x6c: {  	_ =	shalt  }
0x6d: {  	_ =	shalt  }
0x6e: {  	_ =	shalt  }
0x6f: {  	_ =	shalt  }
0x70: {  	_ =	shalt  }
0x71: {  	_ =	shalt  }
0x72: {  	_ =	shalt  }
0x73: {  	_ =	shalt  }
0x74: {  	_ =	shalt  }
0x75: {  	_ =	shalt  }
0x76: {  	_ =	shalt  }
0x77: {  	_ =	shalt  }
0x78: {  	_ =	shalt  }
0x79: {  	_ =	shalt  }
0x7a: {  	_ =	shalt  }
0x7b: {  	_ =	shalt  }
0x7c: {  	_ =	shalt  }
0x7d: {  	_ =	shalt  }
0x7e: {  	_ =	shalt  }
0x7f: {  	_ =	shalt  }
0x80: {  	_ =	shalt  }
0x81: {  	_ =	shalt  }
0x82: {  	_ =	shalt  }
0x83: {  	_ =	shalt  }
0x84: {  	_ =	shalt  }
0x85: {  	_ =	shalt  }
0x86: {  	_ =	shalt  }
0x87: {  	_ =	shalt  }
.Lfunc_end0:
.L_simem_size_0:
called_computation.1_lowered:
.L_overlay_start_0:
0x88: {  	s2 =	sld [smem:$0x3FD9]  }
0x89: {  	s3 =	sld [smem:$0x3FFE];
	_ =	sdelay $0x1  }
0x8a: {  	s1 =	srdreg.scid  }
0x8b: {  	s0 =	sand.u32 $0x1, s1  }
0x8c: {  	s16 =	sshll.u32 s0, $0xA;
	s2 =	sadd.s32 s3, s2  }
0x8d: {  	s2 =	sadd.s32 s2, s16  }
0x8e: {  	[smem:$0x3FBB] =	sst s2  }
0x8f: {  	_ = 	snop  }
0x90: {  	(tm) =	ssettm $0x1  }
0x91: {  	s17 =	sld [smem:$0x3FFB];
	_ =	sdelay $0x3  }
0x92: {  	_ =	strace s17  }
0x93: {  	s2 =	sld [smem:$0x3FFC];
	_ =	sdelay $0x3  }
0x94: {  	_ =	strace s2  }
0x95: {  	s2 =	sld [smem:$0x3FFD];
	_ =	sdelay $0x3  }
0x96: {  	_ =	strace s2  }
0x97: {  	_ =	strace $0x8FFFFFFF  }
0x98: {  	s18 =	sld [smem:$0x3FDB];
	_ =	sdelay $0x1  }
0x99: {  	s19 =	simm.s32 $_scs_section_size  }
0x9a: {  	s4 =	simm.s32 $_size__tile_overlayer_lowered;
	s5 =	simm.s32 $_tile_overlayer_lowered  }
0x9b: {  	s22 =	simm.s32 $0x1BFF;
	s21 =	sshll.u32 s5, $0x1;
	s2 =	sadd.s32 s19, s18  }
0x9c: {  	s6 =	simm.s32 $0x0;
	s20 =	sshll.u32 s4, $0x1;
	s4 =	sadd.s32 s21, s2  }
0x9d: {  	[timem:s6], [sflag:s22] =	dma.local [hbm:s4], s20  }
0x9e: {  	_ =	swait.ge [sflag:s22], s20  }
0x9f: {  	s3 =	ssub.s32 $0x0, s20;
	[sflag:s22] =	ssyncset.done $0x0  }
0xa0: {  	[sflag:s22] =	ssyncadd.s32 s3;
	_ =	sdelay $0x1  }
0xa1: {  	s23 =	simm.s32 $0x1B8B  }
0xa2: {  	_ =	swait.ge [sflag:s23], $0x1  }
0xa3: {  	[sflag:s23] =	ssyncset.done $0x0  }
0xa4: {  	s25 =	simm.s32 $0x1B8E;
	s24 =	sld [smem:$0x3FFE];
	[sflag:s23] =	ssyncadd.s32 $0xFFFFFFFF  }
0xa5: {  	s26 =	simm.s32 $execute0_lowered;
	[smem:$0x3FD2] =	sst s25  }
0xa6: {  	s4 =	sshll.u32 s26, $0x1;
	_ =	strace $0x80000049;
	[dreg:$0x1] =	wrdreg $0xFFFFFFFF  }
0xa7: {  	s28 =	simm.s32 $_size_execute0_lowered;
	s2 =	sadd.s32 s2, s4;
	[dreg:$0x0] =	wrdreg $0x0  }
0xa8: {  	s4 =	sshll.u32 s28, $0x1;
	[dreg:$0x2] =	wrdreg s2  }
0xa9: {  	[dreg:$0x3] =	wrdreg s4  }
0xaa: {  	[dreg:$0x4] =	wrdreg $0xC0  }
0xab: {  	_ =	task [dreg:s6], $0x5FFFF  }
0xac: {  	[dreg:$0x1] =	wrdreg $0xFFFFFFFF  }
0xad: {  	[dreg:$0x0] =	wrdreg $0x60  }
0xae: {  	[dreg:$0x2] =	wrdreg s24  }
0xaf: {  	[dreg:$0x3] =	wrdreg $0x0  }
0xb0: {  	[dreg:$0x4] =	wrdreg $0x9  }
0xb1: {  	_ =	task.clear_ibuf [dreg:s6], $0x5FFFF;
	_ =	strace $0x90000049  }
0xb2: {  	s29 =	simm.s32 $0x9;
	_ =	strace $0x8000004B  }
0xb3: {  	_ =	swait.ge [sflag:s29], $0x1  }
0xb4: {  	[sflag:s29] =	ssyncadd.s32 $0xFFFFFFFF  }
0xb5: {  	_ =	strace $0x9000004B  }
0xb6: {  	_ =	sfence  }
0xb7: {  	s30 =	sld [smem:$0x0];
	_ =	sdelay $0x2  }
0xb8: {  	s31 =	sshll.u32 s1, $0xD;
	s1 =	sshrl.u32 s1, $0x2  }
0xb9: {  	s3 =	sand.u32 $0x4000, s31;
	s1 =	sadd.s32 s1, s30  }
0xba: {  	s0 =	sor.u32 s3, s0;
	s1 =	sshll.u32 s1, $0x11  }
0xbb: {  	s0 =	sor.u32 s1, s0  }
0xbc: {  	s0 =	sadd.s32 $0x8F2B, s0  }
0xbd: {  	[sflag:s0] =	ssyncadd.remote.s32 $0x1  }
0xbe: {  	_ =	sfence.sel $0xFFFF  }
0xbf: {  	[dreg:$0x0] =	wrdreg $0xFFFFFFFF;
	(pc) =	sbr.abs _section_cstart, $3  }
0xc0: {  	[dreg:$0x1] =	wrdreg $0xFFFFFFFF  }
0xc1: {  	_ =	task.clear_ibuf [dreg:s6], $0x2FFFF;
	_ =	strace $0x9FFFFFFF  }
0xc2: {  	(tm) =	ssettm $0x7FFFFFFF  }
0xc3: {  	_ =	shalt  }
tec
execute0_lowered:
.L_overlay_start_1:
0x0: {  	(tag) =	ssettag $0x1  }
0x1: {  	s0 =	rddreg [dreg:$0x0]  }
0x2: {  	s2 =	rddreg [dreg:$0x1];
	s3 =	simm.s32 $0x0  }
0x3: {  	s7 =	stileid.u32;
	s1 =	srdreg.scid;
	s19 =	simm.s32 $0x8  }
0x4: {  	s20 =	simm.s32 $0x80;
	s29 =	simm.s32 $0x18700;
	s30 =	simm.s32 $0x4  }
0x5: {  	s31 =	simm.s32 $0x2;
	s11 =	smul.u32 $0x18700, s7;
	s1 =	sand.u32 $0x1, s1  }
0x6: {  	[smem:$0x7FF] =	sst s3;
	s4 =	sadd.s32 $0x65C00, s0;
	s6 =	smul.u32 $0x187000, s1  }
0x7: {  	s5 =	sadd.s32 $0xC7A00, s0;
	s8 =	smul.u32 $0x188000, s1;
	s1 =	ssub.s32 $0x2, s1  }
0x8: {  	_ =	strace $0x8000004A;
	s9 =	sshrl.u32 s11, $0x3;
	s22 =	sshrl.u32 s1, $0x1  }
0x9: {  	s26 =	sadd.s32 s11, s2;
	s10 =	sadd.s32 s11, s6;
	s6 =	smul.u32 $0x18800, s7  }
0xa: {  	s7 =	sadd.s32 $0x3E00, s0;
	s15 =	sadd.s32 s9, s0;
	s1 =	ssub.s32 s1, s22  }
0xb: {  	[dreg:$0x6] =	wrdreg s26;
	s21 =	sshrl.u32 s10, $0x3;
	s28 =	sadd.s32 $0x34E00, s15  }
0xc: {  	s17 =	smax.u32 s1, $0x1;
	s1 =	simm.s32 $0x5;
	s16 =	sadd.s32 s21, s0  }
0xd: {  	s8 =	sadd.s32 s6, s8;
	s12 =	sshrl.u32 s6, $0x3;
	s0 =	sadd.s32 $0x34DC0, s0  }
0xe: {  	[dreg:$0x7] =	wrdreg s28;
	s23 =	sshrl.u32 s8, $0x3;
	s10 =	sadd.s32 s7, s12  }
0xf: {  	[dreg:$0x3] =	wrdreg s0;
	s9 =	sadd.s32 s5, s23;
	s25 =	sadd.s32 $0x40, s10  }
0x10: {  	s21 =	simm.s32 $0x0;
	s24 =	sadd.s32 $0x40, s9;
	[dreg:$0x5] =	wrdreg s25  }
0x11: {  	s16 =	sadd.s32 $0x18B600, s16;
	s0 =	simm.s32 $0x7;
	[dreg:$0x4] =	wrdreg s24  }
.LBB2_1:
0x12: {  	s11 =	rddreg [dreg:$0x3];
	s12 =	simm.s32 $0x19100  }
0x13: {  	[tilespmem:s12], [sflag:$0x8] =	stream.linear.gather [hbm4b:s11+s3], $0x200, $0x38;
	[tilespmem:$0x1F300] =	vst v63  }
0x14: {  	_ =	swait.ge [sflag:s19], $0x200  }
0x15: {  	[sflag:s19] =	ssyncset.done $0x0  }
0x16: {  	s25 =	simm.s32 $0x1D300;
	[sflag:s19] =	ssyncadd.s32 $0xFFFFFE00  }
0x17: {  	[spmem:s2] =	stream.indirect.scatter.add.f32 [tilespmem:s25], [sflag:$0x4], $0x10, s12, s20, $0xb8;
	[tilespmem:$0x1F300] =	vst v63  }
0x18: {  	s26 =	simm.s32 $0x19180;
	s28 =	simm.s32 $0x1DB00  }
0x19: {  	[spmem:s2] =	stream.indirect.scatter.add.f32 [tilespmem:s28], [sflag:$0x4], $0x10, s26, s20, $0xb8;
	[tilespmem:$0x1F300] =	vst v63  }
0x1a: {  	s13 =	simm.s32 $0x19200;
	s14 =	simm.s32 $0x1E300  }
0x1b: {  	[spmem:s2] =	stream.indirect.scatter.add.f32 [tilespmem:s14], [sflag:$0x4], $0x10, s13, s20, $0xb8;
	[tilespmem:$0x1F300] =	vst v63  }
0x1c: {  	s15 =	simm.s32 $0x19280;
	s18 =	simm.s32 $0x1EB00  }
0x1d: {  	[spmem:s2] =	stream.indirect.scatter.add.f32 [tilespmem:s18], [sflag:$0x4], $0x10, s15, s20, $0xb8;
	[tilespmem:$0x1F300] =	vst v63  }
0x1e: {  	s22 =	simm.s32 $0x18D00;
	s23 =	rddreg [dreg:$0x4]  }
0x1f: {  	[tilespmem:s29], [sflag:$0x5] =	stream.linear.gather [hbm4b:s9+s3], $0x200, $0x38;
	[tilespmem:$0x1F300] =	vst v63  }
0x20: {  	s24 =	simm.s32 $0x18900;
	s25 =	rddreg [dreg:$0x5];
	s28 =	stileid.u32  }
0x21: {  	[tilespmem:s22], [sflag:$0x5] =	stream.linear.gather [hbm4b:s10+s3], $0x200, $0x38;
	[tilespmem:$0x1F300] =	vst v63  }
0x22: {  	s12 =	rddreg [dreg:$0x6];
	s26 =	simm.s32 $0x18F00;
	s11 =	sshll.u32 s28, $0x6  }
0x23: {  	[tilespmem:s24], [sflag:$0x6] =	stream.linear.gather [hbm4b:s23+s3], $0x200, $0x38;
	[tilespmem:$0x1F300] =	vst v63  }
0x24: {  	s13 =	rddreg [dreg:$0x7];
	s22 =	sor.u32 $0x1C08, s11;
	s23 =	sshrl.u32 s12, $0x3  }
0x25: {  	[tilespmem:s26], [sflag:$0x6] =	stream.linear.gather [hbm4b:s25+s3], $0x200, $0x38;
	[tilespmem:$0x1F300] =	vst v63  }
0x26: {  	[spmem:s23], [sflag:s22] =	dma.local [hbm:s13], $0x30E0  }
0x27: {  	_ =	swait.ge [sflag:s19], $0x30E0  }
0x28: {  	[sflag:s19] =	ssyncset.done $0x0  }
0x29: {  	[sflag:s19] =	ssyncadd.s32 $0xFFFFCF20  }
0x2a: {  	[bflag:$0x0] =	sbarrier.arrive $0xFFFF  }
0x2b: {  	_ =	swait.ge [sflag:s1], $0x200  }
0x2c: {  	[sflag:s1] =	ssyncset.done $0x0  }
0x2d: {  	[sflag:s1] =	ssyncadd.s32 $0xFFFFFE00  }
0x2e: {  	_ =	swait.ge [sflag:s1], $0x200  }
0x2f: {  	[sflag:s1] =	ssyncset.done $0x0  }
0x30: {  	s14 =	simm.s32 $0x19300;
	[sflag:s1] =	ssyncadd.s32 $0xFFFFFE00  }
0x31: {  	[tilespmem:s14], [sflag:$0x1] =	stream.indirect.gather [hbm4b:s4+s20], $0x10, s29, s20, $0xb8;
	[tilespmem:$0x1F300] =	vst v63  }
0x32: {  	s15 =	simm.s32 $0x18780;
	s18 =	simm.s32 $0x19B00  }
0x33: {  	[tilespmem:s18], [sflag:$0x1] =	stream.indirect.gather [hbm4b:s4+s20], $0x10, s15, s20, $0xb8;
	[tilespmem:$0x1F300] =	vst v63  }
0x34: {  	p0 =	por $0x1, $0x1;
	s24 =	simm.s32 $0x18800;
	s25 =	simm.s32 $0x1A300  }
0x35: {  	[tilespmem:s25], [sflag:$0x1] =	stream.indirect.gather [hbm4b:s4+s20], $0x10, s24, s20, $0xb8;
	[tilespmem:$0x1F300] =	vst v63  }
0x36: {  	s28 =	simm.s32 $0x1AB00;
	s26 =	simm.s32 $0x18880;
	s24 =	simm.s32 $0x2  }
0x37: {  	[tilespmem:s28], [sflag:$0x1] =	stream.indirect.gather [hbm4b:s4+s20], $0x10, s26, s20, $0xb8;
	[tilespmem:$0x1F300] =	vst v63  }
0x38: {  	s25 =	simm.s32 $0x1;
	s12 =	sand.u32 $0xFF, s24;
	_ =	swait.ge [sflag:s30], $0x800  }
0x39: {  	s25 =	sand.u32 $0xFF, s25;
	s11 =	smul.u32 $0xAB, s12;
	[sflag:s30] =	ssyncset.done $0x0  }
0x3a: {  	s26 =	simm.s32 $0xFFFFFF3E;
	s25 =	smul.u32 $0xAB, s25;
	[sflag:s30] =	ssyncadd.s32 $0xFFFFF800  }
0x3b: {  	s26 =	smov.u32 @p0 s24;
	s11 =	sshrl.u32 s11, $0x9;
	_ =	swait.ge [sflag:s30], $0x800  }
0x3c: {  	s26 =	sshll.u32 s26, $0x9;
	s25 =	sshrl.u32 s25, $0x9;
	[sflag:s30] =	ssyncset.done $0x0  }
0x3d: {  	s11 =	smul.u32 $0x3, s11;
	s28 =	sadd.s32 s8, s26;
	[sflag:s30] =	ssyncadd.s32 $0xFFFFF800  }
0x3e: {  	s26 =	sadd.s32 s6, s26;
	s25 =	smul.u32 $0x3, s25;
	_ =	swait.ge [sflag:s30], $0x800  }
0x3f: {  	s28 =	sshrl.u32 s28, $0x3;
	s26 =	sshrl.u32 s26, $0x3;
	[sflag:s30] =	ssyncset.done $0x0  }
0x40: {  	s11 =	ssub.s32 $0x2, s11;
	s28 =	sadd.s32 s5, s28;
	[sflag:s30] =	ssyncadd.s32 $0xFFFFF800  }
0x41: {  	s25 =	ssub.s32 $0x1, s25;
	s11 =	sand.u32 $0xFF, s11;
	_ =	swait.ge [sflag:s30], $0x800  }
0x42: {  	s25 =	sand.u32 $0xFF, s25;
	s13 =	sshll.u32 s11, $0x9;
	[sflag:s30] =	ssyncset.done $0x0  }
0x43: {  	s11 =	sadd.s32 $0x5, s11;
	s18 =	sadd.s32 $0x18700, s13;
	[sflag:s30] =	ssyncadd.s32 $0xFFFFF800  }
0x44: {  	[tilespmem:s18], [sflag:s11] =	stream.linear.gather [hbm4b:s28+s3], $0x200, $0x38;
	[tilespmem:$0x1F300] =	vst v63  }
0x45: {  	s14 =	sadd.s32 s7, s26;
	s15 =	sadd.s32 $0x5, s25;
	s12 =	sadd.s32 $0x18D00, s13  }
0x46: {  	[tilespmem:s12], [sflag:s11] =	stream.linear.gather [hbm4b:s14+s3], $0x200, $0x38;
	[tilespmem:$0x1F300] =	vst v63  }
0x47: {  	s18 =	simm.s32 $0x0;
	_ =	swait.ge [sflag:s15], $0x200  }
0x48: {  	s11 =	smul.u32 $0xAB, s18;
	[sflag:s15] =	ssyncset.done $0x0  }
0x49: {  	s28 =	sadd.s32 $0x1, s25;
	s12 =	sshll.u32 s25, $0xD;
	[sflag:s15] =	ssyncadd.s32 $0xFFFFFE00  }
0x4a: {  	s18 =	sshll.u32 s25, $0x9;
	s11 =	sshrl.u32 s11, $0x9;
	_ =	swait.ge [sflag:s15], $0x200  }
0x4b: {  	s26 =	sor.u32 $0x19300, s12;
	s11 =	sand.u32 $0x7F, s11;
	[sflag:s15] =	ssyncset.done $0x0  }
0x4c: {  	s13 =	sadd.s32 $0x18700, s18;
	s11 =	smul.u32 $0x3, s11;
	[sflag:s15] =	ssyncadd.s32 $0xFFFFFE00  }
0x4d: {  	[tilespmem:s26], [sflag:s28] =	stream.indirect.gather [hbm4b:s4+s20], $0x10, s13, s20, $0xb8;
	[tilespmem:$0x1F300] =	vst v63  }
0x4e: {  	s14 =	sor.u32 $0x19B00, s12;
	s15 =	sadd.s32 $0x18780, s18;
	s11 =	ssub.s32 $0x0, s11  }
0x4f: {  	[tilespmem:s14], [sflag:s28] =	stream.indirect.gather [hbm4b:s4+s20], $0x10, s15, s20, $0xb8;
	[tilespmem:$0x1F300] =	vst v63  }
0x50: {  	s26 =	sadd.s32 $0x1A300, s12;
	s13 =	sor.u32 $0x18800, s18;
	s11 =	sand.u32 $0xFF, s11  }
0x51: {  	[tilespmem:s26], [sflag:s28] =	stream.indirect.gather [hbm4b:s4+s20], $0x10, s13, s20, $0xb8;
	[tilespmem:$0x1F300] =	vst v63  }
0x52: {  	s12 =	sadd.s32 $0x1AB00, s12;
	s18 =	sor.u32 $0x18880, s18;
	s25 =	sadd.s32 $0x1, s11  }
0x53: {  	[tilespmem:s12], [sflag:s28] =	stream.indirect.gather [hbm4b:s4+s20], $0x10, s18, s20, $0xb8;
	[tilespmem:$0x1F300] =	vst v63  }
0x54: {  	_ =	swait.ge [sflag:s25], $0x800  }
0x55: {  	s26 =	sshll.u32 s11, $0xD;
	s11 =	sshll.u32 s11, $0x9;
	[sflag:s25] =	ssyncset.done $0x0  }
0x56: {  	s14 =	sor.u32 $0x19300, s26;
	s15 =	sadd.s32 $0x18D00, s11;
	[sflag:s25] =	ssyncadd.s32 $0xFFFFF800  }
0x57: {  	[spmem:s2] =	stream.indirect.scatter.add.f32 [tilespmem:s14], [sflag:$0x4], $0x10, s15, s20, $0xb8;
	[tilespmem:$0x1F300] =	vst v63  }
0x58: {  	_ =	swait.ge [sflag:s25], $0x800  }
0x59: {  	[sflag:s25] =	ssyncset.done $0x0  }
0x5a: {  	s18 =	sor.u32 $0x19B00, s26;
	s28 =	sadd.s32 $0x18D80, s11;
	[sflag:s25] =	ssyncadd.s32 $0xFFFFF800  }
0x5b: {  	[spmem:s2] =	stream.indirect.scatter.add.f32 [tilespmem:s18], [sflag:$0x4], $0x10, s28, s20, $0xb8;
	[tilespmem:$0x1F300] =	vst v63  }
0x5c: {  	_ =	swait.ge [sflag:s25], $0x800  }
.LBB2_2:
0x5d: {  	p0 =	sne.s32 s24, $0xC4  }
0x5e: {  	s12 =	sadd.s32 $0x1A300, s26;
	s18 =	sadd.s32 $0x1AB00, s26;
	s28 =	smov.u32 s24  }
0x5f: {  	s24 =	sadd.s32 $0x1, s24;
	s13 =	sadd.s32 $0x18E80, s11;
	[sflag:s25] =	ssyncset.done $0x0  }
0x60: {  	s11 =	sadd.s32 $0x18E00, s11;
	s26 =	sand.u32 $0xFF, s24;
	[sflag:s25] =	ssyncadd.s32 $0xFFFFF800  }
0x61: {  	[spmem:s2] =	stream.indirect.scatter.add.f32 [tilespmem:s12], [sflag:$0x4], $0x10, s11, s20, $0xb8;
	[tilespmem:$0x1F300] =	vst v63  }
0x62: {  	s11 =	smul.u32 $0xAB, s26;
	_ =	swait.ge [sflag:s25], $0x800  }
0x63: {  	s12 =	sadd.s32 $0xFFFFFF3D, s28;
	[sflag:s25] =	ssyncset.done $0x0  }
0x64: {  	s26 =	sadd.s32 $0xFFFFFFFF, s28;
	s11 =	sshrl.u32 s11, $0x9;
	[sflag:s25] =	ssyncadd.s32 $0xFFFFF800  }
0x65: {  	[spmem:s2] =	stream.indirect.scatter.add.f32 [tilespmem:s18], [sflag:$0x4], $0x10, s13, s20, $0xb8;
	[tilespmem:$0x1F300] =	vst v63  }
0x66: {  	p1 =	slt.u32 s26, $0xC2;
	s11 =	smul.u32 $0x3, s11;
	_ =	swait.ge [sflag:s30], $0x800  }
0x67: {  	s12 =	smov.u32 @p1 s24;
	s13 =	sand.u32 $0xFF, s28;
	[sflag:s30] =	ssyncset.done $0x0  }
0x68: {  	s12 =	sshll.u32 s12, $0x9;
	s11 =	ssub.s32 s24, s11;
	[sflag:s30] =	ssyncadd.s32 $0xFFFFF800  }
0x69: {  	s18 =	sadd.s32 s8, s12;
	s12 =	sadd.s32 s6, s12;
	_ =	swait.ge [sflag:s30], $0x800  }
0x6a: {  	s18 =	sshrl.u32 s18, $0x3;
	s12 =	sshrl.u32 s12, $0x3;
	[sflag:s30] =	ssyncset.done $0x0  }
0x6b: {  	s13 =	smul.u32 $0xAB, s13;
	s11 =	sand.u32 $0xFF, s11;
	[sflag:s30] =	ssyncadd.s32 $0xFFFFF800  }
0x6c: {  	s18 =	sadd.s32 s5, s18;
	s25 =	sshll.u32 s11, $0x9;
	_ =	swait.ge [sflag:s30], $0x800  }
0x6d: {  	s14 =	smul.u32 $0xAB, s26;
	s13 =	sshrl.u32 s13, $0x9;
	[sflag:s30] =	ssyncset.done $0x0  }
0x6e: {  	s13 =	smul.u32 $0x3, s13;
	[sflag:s30] =	ssyncadd.s32 $0xFFFFF800  }
0x6f: {  	s12 =	sadd.s32 s7, s12;
	s15 =	sadd.s32 $0x18D00, s25;
	_ =	swait.ge [sflag:s30], $0x800  }
0x70: {  	s11 =	sadd.s32 $0x5, s11;
	s13 =	ssub.s32 s28, s13;
	[sflag:s30] =	ssyncset.done $0x0  }
0x71: {  	s25 =	sadd.s32 $0x18700, s25;
	s13 =	sand.u32 $0xFF, s13;
	[sflag:s30] =	ssyncadd.s32 $0xFFFFF800  }
0x72: {  	[tilespmem:s25], [sflag:s11] =	stream.linear.gather [hbm4b:s18+s3], $0x200, $0x38;
	[tilespmem:$0x1F300] =	vst v63  }
0x73: {  	s28 =	sshll.u32 s13, $0x9;
	s18 =	sadd.s32 $0x5, s13;
	s25 =	sshll.u32 s13, $0xD  }
0x74: {  	[tilespmem:s15], [sflag:s11] =	stream.linear.gather [hbm4b:s12+s3], $0x200, $0x38;
	[tilespmem:$0x1F300] =	vst v63  }
0x75: {  	s11 =	sshrl.u32 s14, $0x9;
	_ =	swait.ge [sflag:s18], $0x200  }
0x76: {  	s11 =	sand.u32 $0x7F, s11;
	[sflag:s18] =	ssyncset.done $0x0  }
0x77: {  	s11 =	smul.u32 $0x3, s11;
	[sflag:s18] =	ssyncadd.s32 $0xFFFFFE00  }
0x78: {  	_ =	swait.ge [sflag:s18], $0x200  }
0x79: {  	s12 =	sadd.s32 $0x1, s13;
	s11 =	ssub.s32 s26, s11;
	[sflag:s18] =	ssyncset.done $0x0  }
0x7a: {  	s13 =	sor.u32 $0x19300, s25;
	s14 =	sadd.s32 $0x18700, s28;
	[sflag:s18] =	ssyncadd.s32 $0xFFFFFE00  }
0x7b: {  	[tilespmem:s13], [sflag:s12] =	stream.indirect.gather [hbm4b:s4+s20], $0x10, s14, s20, $0xb8;
	[tilespmem:$0x1F300] =	vst v63  }
0x7c: {  	s11 =	sand.u32 $0xFF, s11;
	s13 =	sor.u32 $0x19B00, s25;
	s14 =	sadd.s32 $0x18780, s28  }
0x7d: {  	[tilespmem:s13], [sflag:s12] =	stream.indirect.gather [hbm4b:s4+s20], $0x10, s14, s20, $0xb8;
	[tilespmem:$0x1F300] =	vst v63  }
0x7e: {  	s26 =	sshll.u32 s11, $0xD;
	s13 =	sadd.s32 $0x1A300, s25;
	s14 =	sor.u32 $0x18800, s28  }
0x7f: {  	[tilespmem:s13], [sflag:s12] =	stream.indirect.gather [hbm4b:s4+s20], $0x10, s14, s20, $0xb8;
	[tilespmem:$0x1F300] =	vst v63  }
0x80: {  	s13 =	sadd.s32 $0x1AB00, s25;
	s14 =	sor.u32 $0x18880, s28;
	s25 =	sadd.s32 $0x1, s11  }
0x81: {  	[tilespmem:s13], [sflag:s12] =	stream.indirect.gather [hbm4b:s4+s20], $0x10, s14, s20, $0xb8;
	[tilespmem:$0x1F300] =	vst v63  }
0x82: {  	s11 =	sshll.u32 s11, $0x9;
	_ =	swait.ge [sflag:s25], $0x800  }
0x83: {  	[sflag:s25] =	ssyncset.done $0x0  }
0x84: {  	s12 =	sor.u32 $0x19300, s26;
	s13 =	sadd.s32 $0x18D00, s11;
	[sflag:s25] =	ssyncadd.s32 $0xFFFFF800  }
0x85: {  	[spmem:s2] =	stream.indirect.scatter.add.f32 [tilespmem:s12], [sflag:$0x4], $0x10, s13, s20, $0xb8;
	[tilespmem:$0x1F300] =	vst v63  }
.Ltmp0:
0x86: {  	_ =	swait.ge [sflag:s25], $0x800;
	(pc) =	sbr.rel @p0 .LBB2_2-.Ltmp0, $4  }
0x87: {  	[sflag:s25] =	ssyncset.done $0x0  }
0x88: {  	s12 =	sor.u32 $0x19B00, s26;
	s13 =	sadd.s32 $0x18D80, s11;
	[sflag:s25] =	ssyncadd.s32 $0xFFFFF800  }
0x89: {  	[spmem:s2] =	stream.indirect.scatter.add.f32 [tilespmem:s12], [sflag:$0x4], $0x10, s13, s20, $0xb8;
	[tilespmem:$0x1F300] =	vst v63  }
0x8a: {  	_ =	swait.ge [sflag:s25], $0x800  }
0x8b: {  	[sflag:s25] =	ssyncset.done $0x0  }
0x8c: {  	s12 =	sadd.s32 $0x1A300, s26;
	s13 =	sadd.s32 $0x18E00, s11;
	[sflag:s25] =	ssyncadd.s32 $0xFFFFF800  }
0x8d: {  	[spmem:s2] =	stream.indirect.scatter.add.f32 [tilespmem:s12], [sflag:$0x4], $0x10, s13, s20, $0xb8;
	[tilespmem:$0x1F300] =	vst v63  }
0x8e: {  	_ =	swait.ge [sflag:s25], $0x800  }
0x8f: {  	[sflag:s25] =	ssyncset.done $0x0  }
0x90: {  	s26 =	sadd.s32 $0x1AB00, s26;
	s28 =	sadd.s32 $0x18E80, s11;
	[sflag:s25] =	ssyncadd.s32 $0xFFFFF800  }
0x91: {  	[spmem:s2] =	stream.indirect.scatter.add.f32 [tilespmem:s26], [sflag:$0x4], $0x10, s28, s20, $0xb8;
	[tilespmem:$0x1F300] =	vst v63  }
0x92: {  	_ =	swait.ge [sflag:s30], $0x800  }
0x93: {  	[sflag:s30] =	ssyncset.done $0x0  }
0x94: {  	[sflag:s30] =	ssyncadd.s32 $0xFFFFF800  }
0x95: {  	_ =	swait.ge [sflag:s30], $0x800  }
0x96: {  	[sflag:s30] =	ssyncset.done $0x0  }
0x97: {  	[sflag:s30] =	ssyncadd.s32 $0xFFFFF800  }
0x98: {  	_ =	swait.ge [sflag:s30], $0x800  }
0x99: {  	[sflag:s30] =	ssyncset.done $0x0  }
0x9a: {  	[sflag:s30] =	ssyncadd.s32 $0xFFFFF800  }
0x9b: {  	_ =	swait.ge [sflag:s30], $0x800  }
0x9c: {  	[sflag:s30] =	ssyncset.done $0x0  }
0x9d: {  	[sflag:s30] =	ssyncadd.s32 $0xFFFFF800  }
0x9e: {  	_ =	swait.ge [sflag:s31], $0x800  }
0x9f: {  	[sflag:s31] =	ssyncset.done $0x0  }
0xa0: {  	[sflag:s31] =	ssyncadd.s32 $0xFFFFF800  }
0xa1: {  	_ =	swait.ge [sflag:s31], $0x800  }
0xa2: {  	[sflag:s31] =	ssyncset.done $0x0  }
0xa3: {  	[sflag:s31] =	ssyncadd.s32 $0xFFFFF800  }
0xa4: {  	_ =	swait.ge [sflag:s31], $0x800  }
0xa5: {  	[sflag:s31] =	ssyncset.done $0x0  }
0xa6: {  	[sflag:s31] =	ssyncadd.s32 $0xFFFFF800  }
0xa7: {  	_ =	swait.ge [sflag:s31], $0x800  }
0xa8: {  	[sflag:s31] =	ssyncset.done $0x0  }
0xa9: {  	[sflag:s31] =	ssyncadd.s32 $0xFFFFF800  }
0xaa: {  	_ =	swait.ge [sflag:s0], $0x200  }
0xab: {  	[sflag:s0] =	ssyncset.done $0x0  }
0xac: {  	[sflag:s0] =	ssyncadd.s32 $0xFFFFFE00  }
0xad: {  	_ =	swait.ge [sflag:s0], $0x200  }
0xae: {  	s21 =	sadd.s32 $0x1, s21;
	[sflag:s0] =	ssyncset.done $0x0  }
0xaf: {  	p0 =	sne.s32 s21, s17;
	[sflag:s0] =	ssyncadd.s32 $0xFFFFFE00  }
.Ltmp1:
0xb0: {  	[bflag:$0x0] =	sbarrier.arrive $0xFFFF;
	(pc) =	sbr.rel @p0 .LBB2_1-.Ltmp1, $4  }
0xb1: {  	[hbm:s16], [sflag:s22] =	dma.local [spmem:s23], $0x30E0  }
0xb2: {  	_ =	swait.ge [sflag:s19], $0x30E0  }
0xb3: {  	[sflag:s19] =	ssyncset.done $0x0  }
0xb4: {  	[sflag:s19] =	ssyncadd.s32 $0xFFFFCF20  }
0xb5: {  	_ =	sfence.sel $0x180000  }
0xb6: {  	[bflag:$0x0] =	sbarrier.arrive $0xFFFF  }
0xb7: {  	_ =	strace $0x9000004A  }
0xb8: {  	s0 =	stileid.u32;
	[bflag:$0x2] =	sbarrier.arrive $0xFFFF  }
0xb9: {  	p0 =	sne.s32 s0, $0x0;
	s0 =	rddreg [dreg:$0x2]  }
0xba: {  	s0 =	sadd.s32 @!p0 $0x100000, s0  }
0xbb: {  	[sflag:s0] =	ssyncadd.tile.s32 @!p0 $0x1;
	_ =	shalt  }
.Lfunc_end2:
_tile_overlayer_lowered:
.L_overlay_start_2:
0xbc: {  	(tag) =	ssettag $0x2  }
0xbd: {  	s0 =	rddreg [dreg:$0x0];
	s2 =	stileid.u32  }
0xbe: {  	s1 =	rddreg [dreg:$0x1];
	p0 =	sne.s32 s2, $0x0  }
0xbf: {  	s3 =	rddreg [dreg:$0x2];
	[bflag:$0x3] =	sbarrier.arrive $0xFFFF;
	s2 =	simm.s32 @!p0 $0x1C08  }
0xc0: {  	[timem:s3], [sflag:s2] =	dma.local @!p0 [hbm:s0], s1  }
0xc1: {  	s0 =	simm.s32 @!p0 $0x8  }
0xc2: {  	_ =	swait.ge @!p0 [sflag:s0], s1  }
0xc3: {  	s1 =	ssub.s32 @!p0 $0x0, s1;
	[sflag:s0] =	ssyncset.done @!p0 $0x0  }
0xc4: {  	[sflag:s0] =	ssyncadd.s32 @!p0 s1  }
0xc5: {  	[bflag:$0x3] =	sbarrier.arrive $0xFFFF  }
0xc6: {  	_ =	shalt  }

// kernel: kernel.16.cloned.1.call-start
scs
__scs_entry_jumppad:
0x0: {  	(pc) =	sbr.rel $0x88, $3  }
0x1: {  	(tag) =	ssettag $0x0;
	lr =	simm.s32 $0x1  }
0x2: {  	[smem:$0x3F94] =	sst lr;
	_ =	strace $0xD0000000  }
0x3: {  	_ = 	snop  }
0x4: {  	_ = 	snop  }
0x5: {  	_ = 	snop  }
0x6: {  	_ = 	snop  }
0x7: {  	_ = 	snop  }
__scs_overlays_trampoline_lowered:
0x8: {  	[smem:$0x3FA3] =	sst s0  }
0x9: {  	[smem:$0x3FA4] =	sst s1  }
0xa: {  	[smem:$0x3FA5] =	sst s2  }
0xb: {  	[smem:$0x3FA6] =	sst s3  }
0xc: {  	[smem:$0x3FA7] =	sst s4  }
0xd: {  	[smem:$0x3FA8] =	sst s5  }
0xe: {  	[smem:$0x3FA9] =	sst s6  }
0xf: {  	[smem:$0x3FAA] =	sst s7  }
0x10: {  	[smem:$0x3FAB] =	sst s8  }
0x11: {  	[smem:$0x3FAC] =	sst s9;
	s0 =	simm.s32 @!p0 $0x0  }
0x12: {  	s1 =	sld [smem:$0x3F92];
	s0 =	simm.s32 @p0 $0x1  }
0x13: {  	[smem:$0x3FAD] =	sst s0;
	s0 =	simm.s32 @!p1 $0x0  }
0x14: {  	s2 =	sld [smem:$0x3F91];
	s0 =	simm.s32 @p1 $0x1  }
0x15: {  	[smem:$0x3FAE] =	sst s0;
	s0 =	simm.s32 @!p2 $0x0  }
0x16: {  	s3 =	sld [smem:$0x3FDB];
	s0 =	simm.s32 @p2 $0x1  }
0x17: {  	s4 =	simm.s32 $0x1BF5;
	[smem:$0x3FB0] =	sst s0  }
0x18: {  	s0 =	sld [smem:$0x3F93];
	_ =	swait.ge [sflag:s4], $0x0  }
0x19: {  	s7 =	sld [smem:$0x3F94]  }
0x1a: {  	s8 =	sadd.s32 $0xFFFFE003, lr  }
0x1b: {  	s9 =	sadd.s32 $0xFFFFFEF7, lr;
	s5 =	simm.s32 $0xFFFFFFFF;
	p2 =	slt.u32 s8, $0xFFFFF086  }
0x1c: {  	p1 =	slt.u32 s9, $0xF7A;
	s5 =	simm.s32 @!p2 $0x0  }
0x1d: {  	s5 =	simm.s32 @p1 $0x1;
	p0 =	seq.s32 s7, s2  }
0x1e: {  	s7 =	smul.u32 @!p0 $0xF7A, s2;
	p2 =	seq.s32 @!p0 s5, $0x0  }
0x1f: {  	s9 =	smul.u32 $0xF7A, s1;
	s8 =	simm.s32 @!p0 $0x1BF5;
	p2 =	por !p2, p0  }
0x20: {  	[sflag:s8] =	ssyncset.s32 @!p0 $0xFFFFF086;
	s6 =	sadd.s32 @!p0 s3, s7;
	s7 =	simm.s32 @!p0 $0x108  }
0x21: {  	s3 =	sadd.s32 s3, s9;
	s6 =	sadd.s32 @!p0 $0x88, s6;
	s7 =	simm.s32 @p2 $0x1082  }
0x22: {  	[simem:s7], [sflag:s8] =	dma.local @!p0 [hbm:s6], $0xF7A  }
0x23: {  	s9 =	sor.u32 $0xD0000000, s2;
	s6 =	simm.s32 $0x108;
	_ =	swait.ge @!p0 [sflag:s8], $0x0  }
0x24: {  	s3 =	sadd.s32 $0x88, s3;
	s6 =	simm.s32 @!p1 $0x1082;
	[sflag:s4] =	ssyncset.s32 $0xFFFFF086  }
0x25: {  	[simem:s6], [sflag:s4] =	dma.local [hbm:s3], $0xF7A  }
0x26: {  	[smem:$0x3F94] =	sst s1;
	(tag) =	ssettag s2;
	_ =	strace s9  }
0x27: {  	s1 =	sld [smem:$0x3FA4]  }
0x28: {  	s2 =	sld [smem:$0x3FA5]  }
0x29: {  	s4 =	sld [smem:$0x3FA7]  }
0x2a: {  	p0 =	seq.s32 s5, $0x0;
	s5 =	sld [smem:$0x3FA8]  }
0x2b: {  	s6 =	sld [smem:$0x3FA9]  }
0x2c: {  	s7 =	sld [smem:$0x3FAA]  }
0x2d: {  	s3 =	simm.s32 $0x108;
	s8 =	sld [smem:$0x3FAB]  }
0x2e: {  	s3 =	simm.s32 @!p0 $0x1082;
	s9 =	sld [smem:$0x3FAC]  }
0x2f: {  	lr =	sadd.s32 s0, s3;
	s0 =	sld [smem:$0x3FA3]  }
0x30: {  	s3 =	sld [smem:$0x3FA6]  }
0x31: {  	[smem:$0x3FAF] =	sst s10  }
0x32: {  	s10 =	sld [smem:$0x3FAD];
	_ =	sdelay $0x3  }
0x33: {  	p0 =	seq.s32 s10, $0x1;
	s10 =	sld [smem:$0x3FAF];
	_ =	sdelay $0x3  }
0x34: {  	[smem:$0x3FAF] =	sst s10  }
0x35: {  	s10 =	sld [smem:$0x3FAE];
	_ =	sdelay $0x3  }
0x36: {  	p1 =	seq.s32 s10, $0x1;
	s10 =	sld [smem:$0x3FAF];
	_ =	sdelay $0x3  }
0x37: {  	[smem:$0x3FAF] =	sst s10  }
0x38: {  	s10 =	sld [smem:$0x3FB0]  }
0x39: {  	_ = 	snop;
	(pc) =	sbr.ind lr, $3  }
0x3a: {  	_ = 	snop  }
0x3b: {  	_ = 	snop  }
0x3c: {  	p2 =	seq.s32 s10, $0x1;
	s10 =	sld [smem:$0x3FAF]  }
0x3d: {  	_ =	shalt  }
0x3e: {  	_ =	shalt  }
0x3f: {  	_ =	shalt  }
0x40: {  	_ =	shalt  }
0x41: {  	_ =	shalt  }
0x42: {  	_ =	shalt  }
0x43: {  	_ =	shalt  }
0x44: {  	_ =	shalt  }
0x45: {  	_ =	shalt  }
0x46: {  	_ =	shalt  }
0x47: {  	_ =	shalt  }
0x48: {  	_ =	shalt  }
0x49: {  	_ =	shalt  }
0x4a: {  	_ =	shalt  }
0x4b: {  	_ =	shalt  }
0x4c: {  	_ =	shalt  }
0x4d: {  	_ =	shalt  }
0x4e: {  	_ =	shalt  }
0x4f: {  	_ =	shalt  }
0x50: {  	_ =	shalt  }
0x51: {  	_ =	shalt  }
0x52: {  	_ =	shalt  }
0x53: {  	_ =	shalt  }
0x54: {  	_ =	shalt  }
0x55: {  	_ =	shalt  }
0x56: {  	_ =	shalt  }
0x57: {  	_ =	shalt  }
0x58: {  	_ =	shalt  }
0x59: {  	_ =	shalt  }
0x5a: {  	_ =	shalt  }
0x5b: {  	_ =	shalt  }
0x5c: {  	_ =	shalt  }
0x5d: {  	_ =	shalt  }
0x5e: {  	_ =	shalt  }
0x5f: {  	_ =	shalt  }
0x60: {  	_ =	shalt  }
0x61: {  	_ =	shalt  }
0x62: {  	_ =	shalt  }
0x63: {  	_ =	shalt  }
0x64: {  	_ =	shalt  }
0x65: {  	_ =	shalt  }
0x66: {  	_ =	shalt  }
0x67: {  	_ =	shalt  }
0x68: {  	_ =	shalt  }
0x69: {  	_ =	shalt  }
0x6a: {  	_ =	shalt  }
0x6b: {  	_ =	shalt  }
0x6c: {  	_ =	shalt  }
0x6d: {  	_ =	shalt  }
0x6e: {  	_ =	shalt  }
0x6f: {  	_ =	shalt  }
0x70: {  	_ =	shalt  }
0x71: {  	_ =	shalt  }
0x72: {  	_ =	shalt  }
0x73: {  	_ =	shalt  }
0x74: {  	_ =	shalt  }
0x75: {  	_ =	shalt  }
0x76: {  	_ =	shalt  }
0x77: {  	_ =	shalt  }
0x78: {  	_ =	shalt  }
0x79: {  	_ =	shalt  }
0x7a: {  	_ =	shalt  }
0x7b: {  	_ =	shalt  }
0x7c: {  	_ =	shalt  }
0x7d: {  	_ =	shalt  }
0x7e: {  	_ =	shalt  }
0x7f: {  	_ =	shalt  }
0x80: {  	_ =	shalt  }
0x81: {  	_ =	shalt  }
0x82: {  	_ =	shalt  }
0x83: {  	_ =	shalt  }
0x84: {  	_ =	shalt  }
0x85: {  	_ =	shalt  }
0x86: {  	_ =	shalt  }
0x87: {  	_ =	shalt  }
.Lfunc_end0:
.L_simem_size_0:
called_computation.2_lowered:
.L_overlay_start_0:
0x88: {  	s2 =	sld [smem:$0x3FD9]  }
0x89: {  	s3 =	sld [smem:$0x3FFE];
	_ =	sdelay $0x1  }
0x8a: {  	s1 =	srdreg.scid  }
0x8b: {  	s0 =	sand.u32 $0x1, s1  }
0x8c: {  	s16 =	sshll.u32 s0, $0xA;
	s2 =	sadd.s32 s3, s2  }
0x8d: {  	s2 =	sadd.s32 s2, s16  }
0x8e: {  	[smem:$0x3FBB] =	sst s2  }
0x8f: {  	_ = 	snop  }
0x90: {  	(tm) =	ssettm $0x1  }
0x91: {  	s17 =	sld [smem:$0x3FFB];
	_ =	sdelay $0x3  }
0x92: {  	_ =	strace s17  }
0x93: {  	s2 =	sld [smem:$0x3FFC];
	_ =	sdelay $0x3  }
0x94: {  	_ =	strace s2  }
0x95: {  	s2 =	sld [smem:$0x3FFD];
	_ =	sdelay $0x3  }
0x96: {  	_ =	strace s2  }
0x97: {  	_ =	strace $0x8FFFFFFF  }
0x98: {  	s18 =	sld [smem:$0x3FDB];
	_ =	sdelay $0x1  }
0x99: {  	s19 =	simm.s32 $_scs_section_size  }
0x9a: {  	s4 =	simm.s32 $_size__tile_overlayer_lowered;
	s5 =	simm.s32 $_tile_overlayer_lowered  }
0x9b: {  	s22 =	simm.s32 $0x1BFF;
	s21 =	sshll.u32 s5, $0x1;
	s2 =	sadd.s32 s19, s18  }
0x9c: {  	s6 =	simm.s32 $0x0;
	s20 =	sshll.u32 s4, $0x1;
	s4 =	sadd.s32 s21, s2  }
0x9d: {  	[timem:s6], [sflag:s22] =	dma.local [hbm:s4], s20  }
0x9e: {  	_ =	swait.ge [sflag:s22], s20  }
0x9f: {  	s3 =	ssub.s32 $0x0, s20;
	[sflag:s22] =	ssyncset.done $0x0  }
0xa0: {  	[sflag:s22] =	ssyncadd.s32 s3;
	_ =	sdelay $0x1  }
0xa1: {  	s23 =	simm.s32 $0x1B8B  }
0xa2: {  	_ =	swait.ge [sflag:s23], $0x1  }
0xa3: {  	[sflag:s23] =	ssyncset.done $0x0  }
0xa4: {  	s25 =	simm.s32 $0x1B8E;
	s24 =	sld [smem:$0x3FFE];
	[sflag:s23] =	ssyncadd.s32 $0xFFFFFFFF  }
0xa5: {  	s26 =	simm.s32 $execute0_lowered;
	[smem:$0x3FD2] =	sst s25  }
0xa6: {  	s4 =	sshll.u32 s26, $0x1;
	_ =	strace $0x8000004C;
	[dreg:$0x1] =	wrdreg $0xFFFFFFFF  }
0xa7: {  	s28 =	simm.s32 $_size_execute0_lowered;
	s2 =	sadd.s32 s2, s4;
	[dreg:$0x0] =	wrdreg $0x0  }
0xa8: {  	s4 =	sshll.u32 s28, $0x1;
	[dreg:$0x2] =	wrdreg s2  }
0xa9: {  	[dreg:$0x3] =	wrdreg s4  }
0xaa: {  	[dreg:$0x4] =	wrdreg $0xC0  }
0xab: {  	_ =	task [dreg:s6], $0x5FFFF  }
0xac: {  	[dreg:$0x1] =	wrdreg $0xFFFFFFFF  }
0xad: {  	[dreg:$0x0] =	wrdreg $0x60  }
0xae: {  	[dreg:$0x2] =	wrdreg s24  }
0xaf: {  	[dreg:$0x3] =	wrdreg $0x0  }
0xb0: {  	[dreg:$0x4] =	wrdreg $0x9  }
0xb1: {  	_ =	task.clear_ibuf [dreg:s6], $0x5FFFF;
	_ =	strace $0x9000004C  }
0xb2: {  	s29 =	simm.s32 $0x9;
	_ =	strace $0x8000004E  }
0xb3: {  	_ =	swait.ge [sflag:s29], $0x1  }
0xb4: {  	[sflag:s29] =	ssyncadd.s32 $0xFFFFFFFF  }
0xb5: {  	_ =	strace $0x9000004E  }
0xb6: {  	_ =	sfence  }
0xb7: {  	s30 =	sld [smem:$0x0];
	_ =	sdelay $0x2  }
0xb8: {  	s31 =	sshll.u32 s1, $0xD;
	s1 =	sshrl.u32 s1, $0x2  }
0xb9: {  	s3 =	sand.u32 $0x4000, s31;
	s1 =	sadd.s32 s1, s30  }
0xba: {  	s0 =	sor.u32 s3, s0;
	s1 =	sshll.u32 s1, $0x11  }
0xbb: {  	s0 =	sor.u32 s1, s0  }
0xbc: {  	s0 =	sadd.s32 $0x8F2B, s0  }
0xbd: {  	[sflag:s0] =	ssyncadd.remote.s32 $0x1  }
0xbe: {  	_ =	sfence.sel $0xFFFF  }
0xbf: {  	[dreg:$0x0] =	wrdreg $0xFFFFFFFF;
	(pc) =	sbr.abs _section_cstart, $3  }
0xc0: {  	[dreg:$0x1] =	wrdreg $0xFFFFFFFF  }
0xc1: {  	_ =	task.clear_ibuf [dreg:s6], $0x2FFFF;
	_ =	strace $0x9FFFFFFF  }
0xc2: {  	(tm) =	ssettm $0x7FFFFFFF  }
0xc3: {  	_ =	shalt  }
tec
execute0_lowered:
.L_overlay_start_1:
0x0: {  	(tag) =	ssettag $0x1  }
0x1: {  	s0 =	rddreg [dreg:$0x0]  }
0x2: {  	s2 =	rddreg [dreg:$0x1];
	s3 =	simm.s32 $0x0  }
0x3: {  	s7 =	stileid.u32;
	s1 =	srdreg.scid;
	s19 =	simm.s32 $0x8  }
0x4: {  	s20 =	simm.s32 $0x80;
	s29 =	simm.s32 $0x18700;
	s30 =	simm.s32 $0x4  }
0x5: {  	s31 =	simm.s32 $0x2;
	s11 =	smul.u32 $0x18700, s7;
	s1 =	sand.u32 $0x1, s1  }
0x6: {  	[smem:$0x7FF] =	sst s3;
	s4 =	sadd.s32 $0x129A00, s0;
	s6 =	smul.u32 $0x187000, s1  }
0x7: {  	s5 =	sadd.s32 $0xC7A00, s0;
	s8 =	smul.u32 $0x188000, s1;
	s1 =	ssub.s32 $0x2, s1  }
0x8: {  	_ =	strace $0x8000004D;
	s9 =	sshrl.u32 s11, $0x3;
	s22 =	sshrl.u32 s1, $0x1  }
0x9: {  	s26 =	sadd.s32 s11, s2;
	s10 =	sadd.s32 s11, s6;
	s6 =	smul.u32 $0x18800, s7  }
0xa: {  	s7 =	sadd.s32 $0x3E00, s0;
	s15 =	sadd.s32 s9, s0;
	s1 =	ssub.s32 s1, s22  }
0xb: {  	[dreg:$0x6] =	wrdreg s26;
	s21 =	sshrl.u32 s10, $0x3;
	s28 =	sadd.s32 $0x34E00, s15  }
0xc: {  	s17 =	smax.u32 s1, $0x1;
	s1 =	simm.s32 $0x5;
	s16 =	sadd.s32 s21, s0  }
0xd: {  	s8 =	sadd.s32 s6, s8;
	s12 =	sshrl.u32 s6, $0x3;
	s0 =	sadd.s32 $0x34DC0, s0  }
0xe: {  	[dreg:$0x7] =	wrdreg s28;
	s23 =	sshrl.u32 s8, $0x3;
	s10 =	sadd.s32 s7, s12  }
0xf: {  	[dreg:$0x3] =	wrdreg s0;
	s9 =	sadd.s32 s5, s23;
	s25 =	sadd.s32 $0x40, s10  }
0x10: {  	s21 =	simm.s32 $0x0;
	s24 =	sadd.s32 $0x40, s9;
	[dreg:$0x5] =	wrdreg s25  }
0x11: {  	s16 =	sadd.s32 $0x18B600, s16;
	s0 =	simm.s32 $0x7;
	[dreg:$0x4] =	wrdreg s24  }
.LBB2_1:
0x12: {  	s11 =	rddreg [dreg:$0x3];
	s12 =	simm.s32 $0x19100  }
0x13: {  	[tilespmem:s12], [sflag:$0x8] =	stream.linear.gather [hbm4b:s11+s3], $0x200, $0x38;
	[tilespmem:$0x1F300] =	vst v63  }
0x14: {  	_ =	swait.ge [sflag:s19], $0x200  }
0x15: {  	[sflag:s19] =	ssyncset.done $0x0  }
0x16: {  	s25 =	simm.s32 $0x1D300;
	[sflag:s19] =	ssyncadd.s32 $0xFFFFFE00  }
0x17: {  	[spmem:s2] =	stream.indirect.scatter.add.f32 [tilespmem:s25], [sflag:$0x4], $0x10, s12, s20, $0xb8;
	[tilespmem:$0x1F300] =	vst v63  }
0x18: {  	s26 =	simm.s32 $0x19180;
	s28 =	simm.s32 $0x1DB00  }
0x19: {  	[spmem:s2] =	stream.indirect.scatter.add.f32 [tilespmem:s28], [sflag:$0x4], $0x10, s26, s20, $0xb8;
	[tilespmem:$0x1F300] =	vst v63  }
0x1a: {  	s13 =	simm.s32 $0x19200;
	s14 =	simm.s32 $0x1E300  }
0x1b: {  	[spmem:s2] =	stream.indirect.scatter.add.f32 [tilespmem:s14], [sflag:$0x4], $0x10, s13, s20, $0xb8;
	[tilespmem:$0x1F300] =	vst v63  }
0x1c: {  	s15 =	simm.s32 $0x19280;
	s18 =	simm.s32 $0x1EB00  }
0x1d: {  	[spmem:s2] =	stream.indirect.scatter.add.f32 [tilespmem:s18], [sflag:$0x4], $0x10, s15, s20, $0xb8;
	[tilespmem:$0x1F300] =	vst v63  }
0x1e: {  	s22 =	simm.s32 $0x18D00;
	s23 =	rddreg [dreg:$0x4]  }
0x1f: {  	[tilespmem:s29], [sflag:$0x5] =	stream.linear.gather [hbm4b:s9+s3], $0x200, $0x38;
	[tilespmem:$0x1F300] =	vst v63  }
0x20: {  	s24 =	simm.s32 $0x18900;
	s25 =	rddreg [dreg:$0x5];
	s28 =	stileid.u32  }
0x21: {  	[tilespmem:s22], [sflag:$0x5] =	stream.linear.gather [hbm4b:s10+s3], $0x200, $0x38;
	[tilespmem:$0x1F300] =	vst v63  }
0x22: {  	s12 =	rddreg [dreg:$0x6];
	s26 =	simm.s32 $0x18F00;
	s11 =	sshll.u32 s28, $0x6  }
0x23: {  	[tilespmem:s24], [sflag:$0x6] =	stream.linear.gather [hbm4b:s23+s3], $0x200, $0x38;
	[tilespmem:$0x1F300] =	vst v63  }
0x24: {  	s13 =	rddreg [dreg:$0x7];
	s22 =	sor.u32 $0x1C08, s11;
	s23 =	sshrl.u32 s12, $0x3  }
0x25: {  	[tilespmem:s26], [sflag:$0x6] =	stream.linear.gather [hbm4b:s25+s3], $0x200, $0x38;
	[tilespmem:$0x1F300] =	vst v63  }
0x26: {  	[spmem:s23], [sflag:s22] =	dma.local [hbm:s13], $0x30E0  }
0x27: {  	_ =	swait.ge [sflag:s19], $0x30E0  }
0x28: {  	[sflag:s19] =	ssyncset.done $0x0  }
0x29: {  	[sflag:s19] =	ssyncadd.s32 $0xFFFFCF20  }
0x2a: {  	[bflag:$0x0] =	sbarrier.arrive $0xFFFF  }
0x2b: {  	_ =	swait.ge [sflag:s1], $0x200  }
0x2c: {  	[sflag:s1] =	ssyncset.done $0x0  }
0x2d: {  	[sflag:s1] =	ssyncadd.s32 $0xFFFFFE00  }
0x2e: {  	_ =	swait.ge [sflag:s1], $0x200  }
0x2f: {  	[sflag:s1] =	ssyncset.done $0x0  }
0x30: {  	s14 =	simm.s32 $0x19300;
	[sflag:s1] =	ssyncadd.s32 $0xFFFFFE00  }
0x31: {  	[tilespmem:s14], [sflag:$0x1] =	stream.indirect.gather [hbm4b:s4+s20], $0x10, s29, s20, $0xb8;
	[tilespmem:$0x1F300] =	vst v63  }
0x32: {  	s15 =	simm.s32 $0x18780;
	s18 =	simm.s32 $0x19B00  }
0x33: {  	[tilespmem:s18], [sflag:$0x1] =	stream.indirect.gather [hbm4b:s4+s20], $0x10, s15, s20, $0xb8;
	[tilespmem:$0x1F300] =	vst v63  }
0x34: {  	p0 =	por $0x1, $0x1;
	s24 =	simm.s32 $0x18800;
	s25 =	simm.s32 $0x1A300  }
0x35: {  	[tilespmem:s25], [sflag:$0x1] =	stream.indirect.gather [hbm4b:s4+s20], $0x10, s24, s20, $0xb8;
	[tilespmem:$0x1F300] =	vst v63  }
0x36: {  	s28 =	simm.s32 $0x1AB00;
	s26 =	simm.s32 $0x18880;
	s24 =	simm.s32 $0x2  }
0x37: {  	[tilespmem:s28], [sflag:$0x1] =	stream.indirect.gather [hbm4b:s4+s20], $0x10, s26, s20, $0xb8;
	[tilespmem:$0x1F300] =	vst v63  }
0x38: {  	s25 =	simm.s32 $0x1;
	s12 =	sand.u32 $0xFF, s24;
	_ =	swait.ge [sflag:s30], $0x800  }
0x39: {  	s25 =	sand.u32 $0xFF, s25;
	s11 =	smul.u32 $0xAB, s12;
	[sflag:s30] =	ssyncset.done $0x0  }
0x3a: {  	s26 =	simm.s32 $0xFFFFFF3E;
	s25 =	smul.u32 $0xAB, s25;
	[sflag:s30] =	ssyncadd.s32 $0xFFFFF800  }
0x3b: {  	s26 =	smov.u32 @p0 s24;
	s11 =	sshrl.u32 s11, $0x9;
	_ =	swait.ge [sflag:s30], $0x800  }
0x3c: {  	s26 =	sshll.u32 s26, $0x9;
	s25 =	sshrl.u32 s25, $0x9;
	[sflag:s30] =	ssyncset.done $0x0  }
0x3d: {  	s11 =	smul.u32 $0x3, s11;
	s28 =	sadd.s32 s8, s26;
	[sflag:s30] =	ssyncadd.s32 $0xFFFFF800  }
0x3e: {  	s26 =	sadd.s32 s6, s26;
	s25 =	smul.u32 $0x3, s25;
	_ =	swait.ge [sflag:s30], $0x800  }
0x3f: {  	s28 =	sshrl.u32 s28, $0x3;
	s26 =	sshrl.u32 s26, $0x3;
	[sflag:s30] =	ssyncset.done $0x0  }
0x40: {  	s11 =	ssub.s32 $0x2, s11;
	s28 =	sadd.s32 s5, s28;
	[sflag:s30] =	ssyncadd.s32 $0xFFFFF800  }
0x41: {  	s25 =	ssub.s32 $0x1, s25;
	s11 =	sand.u32 $0xFF, s11;
	_ =	swait.ge [sflag:s30], $0x800  }
0x42: {  	s25 =	sand.u32 $0xFF, s25;
	s13 =	sshll.u32 s11, $0x9;
	[sflag:s30] =	ssyncset.done $0x0  }
0x43: {  	s11 =	sadd.s32 $0x5, s11;
	s18 =	sadd.s32 $0x18700, s13;
	[sflag:s30] =	ssyncadd.s32 $0xFFFFF800  }
0x44: {  	[tilespmem:s18], [sflag:s11] =	stream.linear.gather [hbm4b:s28+s3], $0x200, $0x38;
	[tilespmem:$0x1F300] =	vst v63  }
0x45: {  	s14 =	sadd.s32 s7, s26;
	s15 =	sadd.s32 $0x5, s25;
	s12 =	sadd.s32 $0x18D00, s13  }
0x46: {  	[tilespmem:s12], [sflag:s11] =	stream.linear.gather [hbm4b:s14+s3], $0x200, $0x38;
	[tilespmem:$0x1F300] =	vst v63  }
0x47: {  	s18 =	simm.s32 $0x0;
	_ =	swait.ge [sflag:s15], $0x200  }
0x48: {  	s11 =	smul.u32 $0xAB, s18;
	[sflag:s15] =	ssyncset.done $0x0  }
0x49: {  	s28 =	sadd.s32 $0x1, s25;
	s12 =	sshll.u32 s25, $0xD;
	[sflag:s15] =	ssyncadd.s32 $0xFFFFFE00  }
0x4a: {  	s18 =	sshll.u32 s25, $0x9;
	s11 =	sshrl.u32 s11, $0x9;
	_ =	swait.ge [sflag:s15], $0x200  }
0x4b: {  	s26 =	sor.u32 $0x19300, s12;
	s11 =	sand.u32 $0x7F, s11;
	[sflag:s15] =	ssyncset.done $0x0  }
0x4c: {  	s13 =	sadd.s32 $0x18700, s18;
	s11 =	smul.u32 $0x3, s11;
	[sflag:s15] =	ssyncadd.s32 $0xFFFFFE00  }
0x4d: {  	[tilespmem:s26], [sflag:s28] =	stream.indirect.gather [hbm4b:s4+s20], $0x10, s13, s20, $0xb8;
	[tilespmem:$0x1F300] =	vst v63  }
0x4e: {  	s14 =	sor.u32 $0x19B00, s12;
	s15 =	sadd.s32 $0x18780, s18;
	s11 =	ssub.s32 $0x0, s11  }
0x4f: {  	[tilespmem:s14], [sflag:s28] =	stream.indirect.gather [hbm4b:s4+s20], $0x10, s15, s20, $0xb8;
	[tilespmem:$0x1F300] =	vst v63  }
0x50: {  	s26 =	sadd.s32 $0x1A300, s12;
	s13 =	sor.u32 $0x18800, s18;
	s11 =	sand.u32 $0xFF, s11  }
0x51: {  	[tilespmem:s26], [sflag:s28] =	stream.indirect.gather [hbm4b:s4+s20], $0x10, s13, s20, $0xb8;
	[tilespmem:$0x1F300] =	vst v63  }
0x52: {  	s12 =	sadd.s32 $0x1AB00, s12;
	s18 =	sor.u32 $0x18880, s18;
	s25 =	sadd.s32 $0x1, s11  }
0x53: {  	[tilespmem:s12], [sflag:s28] =	stream.indirect.gather [hbm4b:s4+s20], $0x10, s18, s20, $0xb8;
	[tilespmem:$0x1F300] =	vst v63  }
0x54: {  	_ =	swait.ge [sflag:s25], $0x800  }
0x55: {  	s26 =	sshll.u32 s11, $0xD;
	s11 =	sshll.u32 s11, $0x9;
	[sflag:s25] =	ssyncset.done $0x0  }
0x56: {  	s14 =	sor.u32 $0x19300, s26;
	s15 =	sadd.s32 $0x18D00, s11;
	[sflag:s25] =	ssyncadd.s32 $0xFFFFF800  }
0x57: {  	[spmem:s2] =	stream.indirect.scatter.add.f32 [tilespmem:s14], [sflag:$0x4], $0x10, s15, s20, $0xb8;
	[tilespmem:$0x1F300] =	vst v63  }
0x58: {  	_ =	swait.ge [sflag:s25], $0x800  }
0x59: {  	[sflag:s25] =	ssyncset.done $0x0  }
0x5a: {  	s18 =	sor.u32 $0x19B00, s26;
	s28 =	sadd.s32 $0x18D80, s11;
	[sflag:s25] =	ssyncadd.s32 $0xFFFFF800  }
0x5b: {  	[spmem:s2] =	stream.indirect.scatter.add.f32 [tilespmem:s18], [sflag:$0x4], $0x10, s28, s20, $0xb8;
	[tilespmem:$0x1F300] =	vst v63  }
0x5c: {  	_ =	swait.ge [sflag:s25], $0x800  }
.LBB2_2:
0x5d: {  	p0 =	sne.s32 s24, $0xC4  }
0x5e: {  	s12 =	sadd.s32 $0x1A300, s26;
	s18 =	sadd.s32 $0x1AB00, s26;
	s28 =	smov.u32 s24  }
0x5f: {  	s24 =	sadd.s32 $0x1, s24;
	s13 =	sadd.s32 $0x18E80, s11;
	[sflag:s25] =	ssyncset.done $0x0  }
0x60: {  	s11 =	sadd.s32 $0x18E00, s11;
	s26 =	sand.u32 $0xFF, s24;
	[sflag:s25] =	ssyncadd.s32 $0xFFFFF800  }
0x61: {  	[spmem:s2] =	stream.indirect.scatter.add.f32 [tilespmem:s12], [sflag:$0x4], $0x10, s11, s20, $0xb8;
	[tilespmem:$0x1F300] =	vst v63  }
0x62: {  	s11 =	smul.u32 $0xAB, s26;
	_ =	swait.ge [sflag:s25], $0x800  }
0x63: {  	s12 =	sadd.s32 $0xFFFFFF3D, s28;
	[sflag:s25] =	ssyncset.done $0x0  }
0x64: {  	s26 =	sadd.s32 $0xFFFFFFFF, s28;
	s11 =	sshrl.u32 s11, $0x9;
	[sflag:s25] =	ssyncadd.s32 $0xFFFFF800  }
0x65: {  	[spmem:s2] =	stream.indirect.scatter.add.f32 [tilespmem:s18], [sflag:$0x4], $0x10, s13, s20, $0xb8;
	[tilespmem:$0x1F300] =	vst v63  }
0x66: {  	p1 =	slt.u32 s26, $0xC2;
	s11 =	smul.u32 $0x3, s11;
	_ =	swait.ge [sflag:s30], $0x800  }
0x67: {  	s12 =	smov.u32 @p1 s24;
	s13 =	sand.u32 $0xFF, s28;
	[sflag:s30] =	ssyncset.done $0x0  }
0x68: {  	s12 =	sshll.u32 s12, $0x9;
	s11 =	ssub.s32 s24, s11;
	[sflag:s30] =	ssyncadd.s32 $0xFFFFF800  }
0x69: {  	s18 =	sadd.s32 s8, s12;
	s12 =	sadd.s32 s6, s12;
	_ =	swait.ge [sflag:s30], $0x800  }
0x6a: {  	s18 =	sshrl.u32 s18, $0x3;
	s12 =	sshrl.u32 s12, $0x3;
	[sflag:s30] =	ssyncset.done $0x0  }
0x6b: {  	s13 =	smul.u32 $0xAB, s13;
	s11 =	sand.u32 $0xFF, s11;
	[sflag:s30] =	ssyncadd.s32 $0xFFFFF800  }
0x6c: {  	s18 =	sadd.s32 s5, s18;
	s25 =	sshll.u32 s11, $0x9;
	_ =	swait.ge [sflag:s30], $0x800  }
0x6d: {  	s14 =	smul.u32 $0xAB, s26;
	s13 =	sshrl.u32 s13, $0x9;
	[sflag:s30] =	ssyncset.done $0x0  }
0x6e: {  	s13 =	smul.u32 $0x3, s13;
	[sflag:s30] =	ssyncadd.s32 $0xFFFFF800  }
0x6f: {  	s12 =	sadd.s32 s7, s12;
	s15 =	sadd.s32 $0x18D00, s25;
	_ =	swait.ge [sflag:s30], $0x800  }
0x70: {  	s11 =	sadd.s32 $0x5, s11;
	s13 =	ssub.s32 s28, s13;
	[sflag:s30] =	ssyncset.done $0x0  }
0x71: {  	s25 =	sadd.s32 $0x18700, s25;
	s13 =	sand.u32 $0xFF, s13;
	[sflag:s30] =	ssyncadd.s32 $0xFFFFF800  }
0x72: {  	[tilespmem:s25], [sflag:s11] =	stream.linear.gather [hbm4b:s18+s3], $0x200, $0x38;
	[tilespmem:$0x1F300] =	vst v63  }
0x73: {  	s28 =	sshll.u32 s13, $0x9;
	s18 =	sadd.s32 $0x5, s13;
	s25 =	sshll.u32 s13, $0xD  }
0x74: {  	[tilespmem:s15], [sflag:s11] =	stream.linear.gather [hbm4b:s12+s3], $0x200, $0x38;
	[tilespmem:$0x1F300] =	vst v63  }
0x75: {  	s11 =	sshrl.u32 s14, $0x9;
	_ =	swait.ge [sflag:s18], $0x200  }
0x76: {  	s11 =	sand.u32 $0x7F, s11;
	[sflag:s18] =	ssyncset.done $0x0  }
0x77: {  	s11 =	smul.u32 $0x3, s11;
	[sflag:s18] =	ssyncadd.s32 $0xFFFFFE00  }
0x78: {  	_ =	swait.ge [sflag:s18], $0x200  }
0x79: {  	s12 =	sadd.s32 $0x1, s13;
	s11 =	ssub.s32 s26, s11;
	[sflag:s18] =	ssyncset.done $0x0  }
0x7a: {  	s13 =	sor.u32 $0x19300, s25;
	s14 =	sadd.s32 $0x18700, s28;
	[sflag:s18] =	ssyncadd.s32 $0xFFFFFE00  }
0x7b: {  	[tilespmem:s13], [sflag:s12] =	stream.indirect.gather [hbm4b:s4+s20], $0x10, s14, s20, $0xb8;
	[tilespmem:$0x1F300] =	vst v63  }
0x7c: {  	s11 =	sand.u32 $0xFF, s11;
	s13 =	sor.u32 $0x19B00, s25;
	s14 =	sadd.s32 $0x18780, s28  }
0x7d: {  	[tilespmem:s13], [sflag:s12] =	stream.indirect.gather [hbm4b:s4+s20], $0x10, s14, s20, $0xb8;
	[tilespmem:$0x1F300] =	vst v63  }
0x7e: {  	s26 =	sshll.u32 s11, $0xD;
	s13 =	sadd.s32 $0x1A300, s25;
	s14 =	sor.u32 $0x18800, s28  }
0x7f: {  	[tilespmem:s13], [sflag:s12] =	stream.indirect.gather [hbm4b:s4+s20], $0x10, s14, s20, $0xb8;
	[tilespmem:$0x1F300] =	vst v63  }
0x80: {  	s13 =	sadd.s32 $0x1AB00, s25;
	s14 =	sor.u32 $0x18880, s28;
	s25 =	sadd.s32 $0x1, s11  }
0x81: {  	[tilespmem:s13], [sflag:s12] =	stream.indirect.gather [hbm4b:s4+s20], $0x10, s14, s20, $0xb8;
	[tilespmem:$0x1F300] =	vst v63  }
0x82: {  	s11 =	sshll.u32 s11, $0x9;
	_ =	swait.ge [sflag:s25], $0x800  }
0x83: {  	[sflag:s25] =	ssyncset.done $0x0  }
0x84: {  	s12 =	sor.u32 $0x19300, s26;
	s13 =	sadd.s32 $0x18D00, s11;
	[sflag:s25] =	ssyncadd.s32 $0xFFFFF800  }
0x85: {  	[spmem:s2] =	stream.indirect.scatter.add.f32 [tilespmem:s12], [sflag:$0x4], $0x10, s13, s20, $0xb8;
	[tilespmem:$0x1F300] =	vst v63  }
.Ltmp0:
0x86: {  	_ =	swait.ge [sflag:s25], $0x800;
	(pc) =	sbr.rel @p0 .LBB2_2-.Ltmp0, $4  }
0x87: {  	[sflag:s25] =	ssyncset.done $0x0  }
0x88: {  	s12 =	sor.u32 $0x19B00, s26;
	s13 =	sadd.s32 $0x18D80, s11;
	[sflag:s25] =	ssyncadd.s32 $0xFFFFF800  }
0x89: {  	[spmem:s2] =	stream.indirect.scatter.add.f32 [tilespmem:s12], [sflag:$0x4], $0x10, s13, s20, $0xb8;
	[tilespmem:$0x1F300] =	vst v63  }
0x8a: {  	_ =	swait.ge [sflag:s25], $0x800  }
0x8b: {  	[sflag:s25] =	ssyncset.done $0x0  }
0x8c: {  	s12 =	sadd.s32 $0x1A300, s26;
	s13 =	sadd.s32 $0x18E00, s11;
	[sflag:s25] =	ssyncadd.s32 $0xFFFFF800  }
0x8d: {  	[spmem:s2] =	stream.indirect.scatter.add.f32 [tilespmem:s12], [sflag:$0x4], $0x10, s13, s20, $0xb8;
	[tilespmem:$0x1F300] =	vst v63  }
0x8e: {  	_ =	swait.ge [sflag:s25], $0x800  }
0x8f: {  	[sflag:s25] =	ssyncset.done $0x0  }
0x90: {  	s26 =	sadd.s32 $0x1AB00, s26;
	s28 =	sadd.s32 $0x18E80, s11;
	[sflag:s25] =	ssyncadd.s32 $0xFFFFF800  }
0x91: {  	[spmem:s2] =	stream.indirect.scatter.add.f32 [tilespmem:s26], [sflag:$0x4], $0x10, s28, s20, $0xb8;
	[tilespmem:$0x1F300] =	vst v63  }
0x92: {  	_ =	swait.ge [sflag:s30], $0x800  }
0x93: {  	[sflag:s30] =	ssyncset.done $0x0  }
0x94: {  	[sflag:s30] =	ssyncadd.s32 $0xFFFFF800  }
0x95: {  	_ =	swait.ge [sflag:s30], $0x800  }
0x96: {  	[sflag:s30] =	ssyncset.done $0x0  }
0x97: {  	[sflag:s30] =	ssyncadd.s32 $0xFFFFF800  }
0x98: {  	_ =	swait.ge [sflag:s30], $0x800  }
0x99: {  	[sflag:s30] =	ssyncset.done $0x0  }
0x9a: {  	[sflag:s30] =	ssyncadd.s32 $0xFFFFF800  }
0x9b: {  	_ =	swait.ge [sflag:s30], $0x800  }
0x9c: {  	[sflag:s30] =	ssyncset.done $0x0  }
0x9d: {  	[sflag:s30] =	ssyncadd.s32 $0xFFFFF800  }
0x9e: {  	_ =	swait.ge [sflag:s31], $0x800  }
0x9f: {  	[sflag:s31] =	ssyncset.done $0x0  }
0xa0: {  	[sflag:s31] =	ssyncadd.s32 $0xFFFFF800  }
0xa1: {  	_ =	swait.ge [sflag:s31], $0x800  }
0xa2: {  	[sflag:s31] =	ssyncset.done $0x0  }
0xa3: {  	[sflag:s31] =	ssyncadd.s32 $0xFFFFF800  }
0xa4: {  	_ =	swait.ge [sflag:s31], $0x800  }
0xa5: {  	[sflag:s31] =	ssyncset.done $0x0  }
0xa6: {  	[sflag:s31] =	ssyncadd.s32 $0xFFFFF800  }
0xa7: {  	_ =	swait.ge [sflag:s31], $0x800  }
0xa8: {  	[sflag:s31] =	ssyncset.done $0x0  }
0xa9: {  	[sflag:s31] =	ssyncadd.s32 $0xFFFFF800  }
0xaa: {  	_ =	swait.ge [sflag:s0], $0x200  }
0xab: {  	[sflag:s0] =	ssyncset.done $0x0  }
0xac: {  	[sflag:s0] =	ssyncadd.s32 $0xFFFFFE00  }
0xad: {  	_ =	swait.ge [sflag:s0], $0x200  }
0xae: {  	s21 =	sadd.s32 $0x1, s21;
	[sflag:s0] =	ssyncset.done $0x0  }
0xaf: {  	p0 =	sne.s32 s21, s17;
	[sflag:s0] =	ssyncadd.s32 $0xFFFFFE00  }
.Ltmp1:
0xb0: {  	[bflag:$0x0] =	sbarrier.arrive $0xFFFF;
	(pc) =	sbr.rel @p0 .LBB2_1-.Ltmp1, $4  }
0xb1: {  	[hbm:s16], [sflag:s22] =	dma.local [spmem:s23], $0x30E0  }
0xb2: {  	_ =	swait.ge [sflag:s19], $0x30E0  }
0xb3: {  	[sflag:s19] =	ssyncset.done $0x0  }
0xb4: {  	[sflag:s19] =	ssyncadd.s32 $0xFFFFCF20  }
0xb5: {  	_ =	sfence.sel $0x180000  }
0xb6: {  	[bflag:$0x0] =	sbarrier.arrive $0xFFFF  }
0xb7: {  	_ =	strace $0x9000004D  }
0xb8: {  	s0 =	stileid.u32;
	[bflag:$0x2] =	sbarrier.arrive $0xFFFF  }
0xb9: {  	p0 =	sne.s32 s0, $0x0;
	s0 =	rddreg [dreg:$0x2]  }
0xba: {  	s0 =	sadd.s32 @!p0 $0x100000, s0  }
0xbb: {  	[sflag:s0] =	ssyncadd.tile.s32 @!p0 $0x1;
	_ =	shalt  }
.Lfunc_end2:
_tile_overlayer_lowered:
.L_overlay_start_2:
0xbc: {  	(tag) =	ssettag $0x2  }
0xbd: {  	s0 =	rddreg [dreg:$0x0];
	s2 =	stileid.u32  }
0xbe: {  	s1 =	rddreg [dreg:$0x1];
	p0 =	sne.s32 s2, $0x0  }
0xbf: {  	s3 =	rddreg [dreg:$0x2];
	[bflag:$0x3] =	sbarrier.arrive $0xFFFF;
	s2 =	simm.s32 @!p0 $0x1C08  }
0xc0: {  	[timem:s3], [sflag:s2] =	dma.local @!p0 [hbm:s0], s1  }
0xc1: {  	s0 =	simm.s32 @!p0 $0x8  }
0xc2: {  	_ =	swait.ge @!p0 [sflag:s0], s1  }
0xc3: {  	s1 =	ssub.s32 @!p0 $0x0, s1;
	[sflag:s0] =	ssyncset.done @!p0 $0x0  }
0xc4: {  	[sflag:s0] =	ssyncadd.s32 @!p0 s1  }
0xc5: {  	[bflag:$0x3] =	sbarrier.arrive $0xFFFF  }
0xc6: {  	_ =	shalt  }

// kernel: kernel.19.cloned.1.call-start
scs
__scs_entry_jumppad:
0x0: {  	(pc) =	sbr.rel $0x88, $3  }
0x1: {  	(tag) =	ssettag $0x0;
	lr =	simm.s32 $0x1  }
0x2: {  	[smem:$0x3F94] =	sst lr;
	_ =	strace $0xD0000000  }
0x3: {  	_ = 	snop  }
0x4: {  	_ = 	snop  }
0x5: {  	_ = 	snop  }
0x6: {  	_ = 	snop  }
0x7: {  	_ = 	snop  }
__scs_overlays_trampoline_lowered:
0x8: {  	[smem:$0x3FA3] =	sst s0  }
0x9: {  	[smem:$0x3FA4] =	sst s1  }
0xa: {  	[smem:$0x3FA5] =	sst s2  }
0xb: {  	[smem:$0x3FA6] =	sst s3  }
0xc: {  	[smem:$0x3FA7] =	sst s4  }
0xd: {  	[smem:$0x3FA8] =	sst s5  }
0xe: {  	[smem:$0x3FA9] =	sst s6  }
0xf: {  	[smem:$0x3FAA] =	sst s7  }
0x10: {  	[smem:$0x3FAB] =	sst s8  }
0x11: {  	[smem:$0x3FAC] =	sst s9;
	s0 =	simm.s32 @!p0 $0x0  }
0x12: {  	s1 =	sld [smem:$0x3F92];
	s0 =	simm.s32 @p0 $0x1  }
0x13: {  	[smem:$0x3FAD] =	sst s0;
	s0 =	simm.s32 @!p1 $0x0  }
0x14: {  	s2 =	sld [smem:$0x3F91];
	s0 =	simm.s32 @p1 $0x1  }
0x15: {  	[smem:$0x3FAE] =	sst s0;
	s0 =	simm.s32 @!p2 $0x0  }
0x16: {  	s3 =	sld [smem:$0x3FDB];
	s0 =	simm.s32 @p2 $0x1  }
0x17: {  	s4 =	simm.s32 $0x1BF5;
	[smem:$0x3FB0] =	sst s0  }
0x18: {  	s0 =	sld [smem:$0x3F93];
	_ =	swait.ge [sflag:s4], $0x0  }
0x19: {  	s7 =	sld [smem:$0x3F94]  }
0x1a: {  	s8 =	sadd.s32 $0xFFFFE003, lr  }
0x1b: {  	s9 =	sadd.s32 $0xFFFFFEF7, lr;
	s5 =	simm.s32 $0xFFFFFFFF;
	p2 =	slt.u32 s8, $0xFFFFF086  }
0x1c: {  	p1 =	slt.u32 s9, $0xF7A;
	s5 =	simm.s32 @!p2 $0x0  }
0x1d: {  	s5 =	simm.s32 @p1 $0x1;
	p0 =	seq.s32 s7, s2  }
0x1e: {  	s7 =	smul.u32 @!p0 $0xF7A, s2;
	p2 =	seq.s32 @!p0 s5, $0x0  }
0x1f: {  	s9 =	smul.u32 $0xF7A, s1;
	s8 =	simm.s32 @!p0 $0x1BF5;
	p2 =	por !p2, p0  }
0x20: {  	[sflag:s8] =	ssyncset.s32 @!p0 $0xFFFFF086;
	s6 =	sadd.s32 @!p0 s3, s7;
	s7 =	simm.s32 @!p0 $0x108  }
0x21: {  	s3 =	sadd.s32 s3, s9;
	s6 =	sadd.s32 @!p0 $0x88, s6;
	s7 =	simm.s32 @p2 $0x1082  }
0x22: {  	[simem:s7], [sflag:s8] =	dma.local @!p0 [hbm:s6], $0xF7A  }
0x23: {  	s9 =	sor.u32 $0xD0000000, s2;
	s6 =	simm.s32 $0x108;
	_ =	swait.ge @!p0 [sflag:s8], $0x0  }
0x24: {  	s3 =	sadd.s32 $0x88, s3;
	s6 =	simm.s32 @!p1 $0x1082;
	[sflag:s4] =	ssyncset.s32 $0xFFFFF086  }
0x25: {  	[simem:s6], [sflag:s4] =	dma.local [hbm:s3], $0xF7A  }
0x26: {  	[smem:$0x3F94] =	sst s1;
	(tag) =	ssettag s2;
	_ =	strace s9  }
0x27: {  	s1 =	sld [smem:$0x3FA4]  }
0x28: {  	s2 =	sld [smem:$0x3FA5]  }
0x29: {  	s4 =	sld [smem:$0x3FA7]  }
0x2a: {  	p0 =	seq.s32 s5, $0x0;
	s5 =	sld [smem:$0x3FA8]  }
0x2b: {  	s6 =	sld [smem:$0x3FA9]  }
0x2c: {  	s7 =	sld [smem:$0x3FAA]  }
0x2d: {  	s3 =	simm.s32 $0x108;
	s8 =	sld [smem:$0x3FAB]  }
0x2e: {  	s3 =	simm.s32 @!p0 $0x1082;
	s9 =	sld [smem:$0x3FAC]  }
0x2f: {  	lr =	sadd.s32 s0, s3;
	s0 =	sld [smem:$0x3FA3]  }
0x30: {  	s3 =	sld [smem:$0x3FA6]  }
0x31: {  	[smem:$0x3FAF] =	sst s10  }
0x32: {  	s10 =	sld [smem:$0x3FAD];
	_ =	sdelay $0x3  }
0x33: {  	p0 =	seq.s32 s10, $0x1;
	s10 =	sld [smem:$0x3FAF];
	_ =	sdelay $0x3  }
0x34: {  	[smem:$0x3FAF] =	sst s10  }
0x35: {  	s10 =	sld [smem:$0x3FAE];
	_ =	sdelay $0x3  }
0x36: {  	p1 =	seq.s32 s10, $0x1;
	s10 =	sld [smem:$0x3FAF];
	_ =	sdelay $0x3  }
0x37: {  	[smem:$0x3FAF] =	sst s10  }
0x38: {  	s10 =	sld [smem:$0x3FB0]  }
0x39: {  	_ = 	snop;
	(pc) =	sbr.ind lr, $3  }
0x3a: {  	_ = 	snop  }
0x3b: {  	_ = 	snop  }
0x3c: {  	p2 =	seq.s32 s10, $0x1;
	s10 =	sld [smem:$0x3FAF]  }
0x3d: {  	_ =	shalt  }
0x3e: {  	_ =	shalt  }
0x3f: {  	_ =	shalt  }
0x40: {  	_ =	shalt  }
0x41: {  	_ =	shalt  }
0x42: {  	_ =	shalt  }
0x43: {  	_ =	shalt  }
0x44: {  	_ =	shalt  }
0x45: {  	_ =	shalt  }
0x46: {  	_ =	shalt  }
0x47: {  	_ =	shalt  }
0x48: {  	_ =	shalt  }
0x49: {  	_ =	shalt  }
0x4a: {  	_ =	shalt  }
0x4b: {  	_ =	shalt  }
0x4c: {  	_ =	shalt  }
0x4d: {  	_ =	shalt  }
0x4e: {  	_ =	shalt  }
0x4f: {  	_ =	shalt  }
0x50: {  	_ =	shalt  }
0x51: {  	_ =	shalt  }
0x52: {  	_ =	shalt  }
0x53: {  	_ =	shalt  }
0x54: {  	_ =	shalt  }
0x55: {  	_ =	shalt  }
0x56: {  	_ =	shalt  }
0x57: {  	_ =	shalt  }
0x58: {  	_ =	shalt  }
0x59: {  	_ =	shalt  }
0x5a: {  	_ =	shalt  }
0x5b: {  	_ =	shalt  }
0x5c: {  	_ =	shalt  }
0x5d: {  	_ =	shalt  }
0x5e: {  	_ =	shalt  }
0x5f: {  	_ =	shalt  }
0x60: {  	_ =	shalt  }
0x61: {  	_ =	shalt  }
0x62: {  	_ =	shalt  }
0x63: {  	_ =	shalt  }
0x64: {  	_ =	shalt  }
0x65: {  	_ =	shalt  }
0x66: {  	_ =	shalt  }
0x67: {  	_ =	shalt  }
0x68: {  	_ =	shalt  }
0x69: {  	_ =	shalt  }
0x6a: {  	_ =	shalt  }
0x6b: {  	_ =	shalt  }
0x6c: {  	_ =	shalt  }
0x6d: {  	_ =	shalt  }
0x6e: {  	_ =	shalt  }
0x6f: {  	_ =	shalt  }
0x70: {  	_ =	shalt  }
0x71: {  	_ =	shalt  }
0x72: {  	_ =	shalt  }
0x73: {  	_ =	shalt  }
0x74: {  	_ =	shalt  }
0x75: {  	_ =	shalt  }
0x76: {  	_ =	shalt  }
0x77: {  	_ =	shalt  }
0x78: {  	_ =	shalt  }
0x79: {  	_ =	shalt  }
0x7a: {  	_ =	shalt  }
0x7b: {  	_ =	shalt  }
0x7c: {  	_ =	shalt  }
0x7d: {  	_ =	shalt  }
0x7e: {  	_ =	shalt  }
0x7f: {  	_ =	shalt  }
0x80: {  	_ =	shalt  }
0x81: {  	_ =	shalt  }
0x82: {  	_ =	shalt  }
0x83: {  	_ =	shalt  }
0x84: {  	_ =	shalt  }
0x85: {  	_ =	shalt  }
0x86: {  	_ =	shalt  }
0x87: {  	_ =	shalt  }
.Lfunc_end0:
.L_simem_size_0:
called_computation.3_lowered:
.L_overlay_start_0:
0x88: {  	s2 =	sld [smem:$0x3FD9]  }
0x89: {  	s3 =	sld [smem:$0x3FFE];
	_ =	sdelay $0x1  }
0x8a: {  	s1 =	srdreg.scid  }
0x8b: {  	s0 =	sand.u32 $0x1, s1  }
0x8c: {  	s16 =	sshll.u32 s0, $0xA;
	s2 =	sadd.s32 s3, s2  }
0x8d: {  	s2 =	sadd.s32 s2, s16  }
0x8e: {  	[smem:$0x3FBB] =	sst s2  }
0x8f: {  	_ = 	snop  }
0x90: {  	(tm) =	ssettm $0x1  }
0x91: {  	s17 =	sld [smem:$0x3FFB];
	_ =	sdelay $0x3  }
0x92: {  	_ =	strace s17  }
0x93: {  	s2 =	sld [smem:$0x3FFC];
	_ =	sdelay $0x3  }
0x94: {  	_ =	strace s2  }
0x95: {  	s2 =	sld [smem:$0x3FFD];
	_ =	sdelay $0x3  }
0x96: {  	_ =	strace s2  }
0x97: {  	_ =	strace $0x8FFFFFFF  }
0x98: {  	s18 =	sld [smem:$0x3FDB];
	_ =	sdelay $0x1  }
0x99: {  	s19 =	simm.s32 $_scs_section_size  }
0x9a: {  	s4 =	simm.s32 $_size__tile_overlayer_lowered;
	s5 =	simm.s32 $_tile_overlayer_lowered  }
0x9b: {  	s22 =	simm.s32 $0x1BFF;
	s21 =	sshll.u32 s5, $0x1;
	s2 =	sadd.s32 s19, s18  }
0x9c: {  	s6 =	simm.s32 $0x0;
	s20 =	sshll.u32 s4, $0x1;
	s4 =	sadd.s32 s21, s2  }
0x9d: {  	[timem:s6], [sflag:s22] =	dma.local [hbm:s4], s20  }
0x9e: {  	_ =	swait.ge [sflag:s22], s20  }
0x9f: {  	s3 =	ssub.s32 $0x0, s20;
	[sflag:s22] =	ssyncset.done $0x0  }
0xa0: {  	[sflag:s22] =	ssyncadd.s32 s3;
	_ =	sdelay $0x1  }
0xa1: {  	s23 =	simm.s32 $0x1B8B  }
0xa2: {  	_ =	swait.ge [sflag:s23], $0x1  }
0xa3: {  	[sflag:s23] =	ssyncset.done $0x0  }
0xa4: {  	s25 =	simm.s32 $0x1B8E;
	s24 =	sld [smem:$0x3FFE];
	[sflag:s23] =	ssyncadd.s32 $0xFFFFFFFF  }
0xa5: {  	s26 =	simm.s32 $execute0_lowered;
	[smem:$0x3FD2] =	sst s25  }
0xa6: {  	s4 =	sshll.u32 s26, $0x1;
	_ =	strace $0x8000004F;
	[dreg:$0x1] =	wrdreg $0xFFFFFFFF  }
0xa7: {  	s28 =	simm.s32 $_size_execute0_lowered;
	s2 =	sadd.s32 s2, s4;
	[dreg:$0x0] =	wrdreg $0x0  }
0xa8: {  	s4 =	sshll.u32 s28, $0x1;
	[dreg:$0x2] =	wrdreg s2  }
0xa9: {  	[dreg:$0x3] =	wrdreg s4  }
0xaa: {  	[dreg:$0x4] =	wrdreg $0xC0  }
0xab: {  	_ =	task [dreg:s6], $0x5FFFF  }
0xac: {  	[dreg:$0x1] =	wrdreg $0xFFFFFFFF  }
0xad: {  	[dreg:$0x0] =	wrdreg $0x60  }
0xae: {  	[dreg:$0x2] =	wrdreg s24  }
0xaf: {  	[dreg:$0x3] =	wrdreg $0x0  }
0xb0: {  	[dreg:$0x4] =	wrdreg $0x9  }
0xb1: {  	_ =	task.clear_ibuf [dreg:s6], $0x5FFFF;
	_ =	strace $0x9000004F  }
0xb2: {  	s29 =	simm.s32 $0x9;
	_ =	strace $0x80000051  }
0xb3: {  	_ =	swait.ge [sflag:s29], $0x1  }
0xb4: {  	[sflag:s29] =	ssyncadd.s32 $0xFFFFFFFF  }
0xb5: {  	_ =	strace $0x90000051  }
0xb6: {  	_ =	sfence  }
0xb7: {  	s30 =	sld [smem:$0x0];
	_ =	sdelay $0x2  }
0xb8: {  	s31 =	sshll.u32 s1, $0xD;
	s1 =	sshrl.u32 s1, $0x2  }
0xb9: {  	s3 =	sand.u32 $0x4000, s31;
	s1 =	sadd.s32 s1, s30  }
0xba: {  	s0 =	sor.u32 s3, s0;
	s1 =	sshll.u32 s1, $0x11  }
0xbb: {  	s0 =	sor.u32 s1, s0  }
0xbc: {  	s0 =	sadd.s32 $0x8F2B, s0  }
0xbd: {  	[sflag:s0] =	ssyncadd.remote.s32 $0x1  }
0xbe: {  	_ =	sfence.sel $0xFFFF  }
0xbf: {  	[dreg:$0x0] =	wrdreg $0xFFFFFFFF;
	(pc) =	sbr.abs _section_cstart, $3  }
0xc0: {  	[dreg:$0x1] =	wrdreg $0xFFFFFFFF  }
0xc1: {  	_ =	task.clear_ibuf [dreg:s6], $0x2FFFF;
	_ =	strace $0x9FFFFFFF  }
0xc2: {  	(tm) =	ssettm $0x7FFFFFFF  }
0xc3: {  	_ =	shalt  }
tec
execute0_lowered:
.L_overlay_start_1:
0x0: {  	(tag) =	ssettag $0x1  }
0x1: {  	s0 =	rddreg [dreg:$0x0]  }
0x2: {  	s2 =	rddreg [dreg:$0x1];
	s3 =	simm.s32 $0x0  }
0x3: {  	s7 =	stileid.u32;
	s1 =	srdreg.scid;
	s19 =	simm.s32 $0x8  }
0x4: {  	s20 =	simm.s32 $0x80;
	s29 =	simm.s32 $0x18700;
	s30 =	simm.s32 $0x4  }
0x5: {  	s31 =	simm.s32 $0x2;
	s11 =	smul.u32 $0x18700, s7;
	s1 =	sand.u32 $0x1, s1  }
0x6: {  	[smem:$0x7FF] =	sst s3;
	s4 =	sadd.s32 $0x129A00, s0;
	s6 =	smul.u32 $0x187000, s1  }
0x7: {  	s5 =	sadd.s32 $0xC7A00, s0;
	s8 =	smul.u32 $0x188000, s1;
	s1 =	ssub.s32 $0x2, s1  }
0x8: {  	_ =	strace $0x80000050;
	s9 =	sshrl.u32 s11, $0x3;
	s22 =	sshrl.u32 s1, $0x1  }
0x9: {  	s26 =	sadd.s32 s11, s2;
	s10 =	sadd.s32 s11, s6;
	s6 =	smul.u32 $0x18800, s7  }
0xa: {  	s7 =	sadd.s32 $0x3E00, s0;
	s15 =	sadd.s32 s9, s0;
	s1 =	ssub.s32 s1, s22  }
0xb: {  	[dreg:$0x6] =	wrdreg s26;
	s21 =	sshrl.u32 s10, $0x3;
	s28 =	sadd.s32 $0x34E00, s15  }
0xc: {  	s17 =	smax.u32 s1, $0x1;
	s1 =	simm.s32 $0x5;
	s16 =	sadd.s32 s21, s0  }
0xd: {  	s8 =	sadd.s32 s6, s8;
	s12 =	sshrl.u32 s6, $0x3;
	s0 =	sadd.s32 $0x34DC0, s0  }
0xe: {  	[dreg:$0x7] =	wrdreg s28;
	s23 =	sshrl.u32 s8, $0x3;
	s10 =	sadd.s32 s7, s12  }
0xf: {  	[dreg:$0x3] =	wrdreg s0;
	s9 =	sadd.s32 s5, s23;
	s25 =	sadd.s32 $0x40, s10  }
0x10: {  	s21 =	simm.s32 $0x0;
	s24 =	sadd.s32 $0x40, s9;
	[dreg:$0x5] =	wrdreg s25  }
0x11: {  	s16 =	sadd.s32 $0x18B600, s16;
	s0 =	simm.s32 $0x7;
	[dreg:$0x4] =	wrdreg s24  }
.LBB2_1:
0x12: {  	s11 =	rddreg [dreg:$0x3];
	s12 =	simm.s32 $0x19100  }
0x13: {  	[tilespmem:s12], [sflag:$0x8] =	stream.linear.gather [hbm4b:s11+s3], $0x200, $0x38;
	[tilespmem:$0x1F300] =	vst v63  }
0x14: {  	_ =	swait.ge [sflag:s19], $0x200  }
0x15: {  	[sflag:s19] =	ssyncset.done $0x0  }
0x16: {  	s25 =	simm.s32 $0x1D300;
	[sflag:s19] =	ssyncadd.s32 $0xFFFFFE00  }
0x17: {  	[spmem:s2] =	stream.indirect.scatter.add.f32 [tilespmem:s25], [sflag:$0x4], $0x10, s12, s20, $0xb8;
	[tilespmem:$0x1F300] =	vst v63  }
0x18: {  	s26 =	simm.s32 $0x19180;
	s28 =	simm.s32 $0x1DB00  }
0x19: {  	[spmem:s2] =	stream.indirect.scatter.add.f32 [tilespmem:s28], [sflag:$0x4], $0x10, s26, s20, $0xb8;
	[tilespmem:$0x1F300] =	vst v63  }
0x1a: {  	s13 =	simm.s32 $0x19200;
	s14 =	simm.s32 $0x1E300  }
0x1b: {  	[spmem:s2] =	stream.indirect.scatter.add.f32 [tilespmem:s14], [sflag:$0x4], $0x10, s13, s20, $0xb8;
	[tilespmem:$0x1F300] =	vst v63  }
0x1c: {  	s15 =	simm.s32 $0x19280;
	s18 =	simm.s32 $0x1EB00  }
0x1d: {  	[spmem:s2] =	stream.indirect.scatter.add.f32 [tilespmem:s18], [sflag:$0x4], $0x10, s15, s20, $0xb8;
	[tilespmem:$0x1F300] =	vst v63  }
0x1e: {  	s22 =	simm.s32 $0x18D00;
	s23 =	rddreg [dreg:$0x4]  }
0x1f: {  	[tilespmem:s29], [sflag:$0x5] =	stream.linear.gather [hbm4b:s9+s3], $0x200, $0x38;
	[tilespmem:$0x1F300] =	vst v63  }
0x20: {  	s24 =	simm.s32 $0x18900;
	s25 =	rddreg [dreg:$0x5];
	s28 =	stileid.u32  }
0x21: {  	[tilespmem:s22], [sflag:$0x5] =	stream.linear.gather [hbm4b:s10+s3], $0x200, $0x38;
	[tilespmem:$0x1F300] =	vst v63  }
0x22: {  	s12 =	rddreg [dreg:$0x6];
	s26 =	simm.s32 $0x18F00;
	s11 =	sshll.u32 s28, $0x6  }
0x23: {  	[tilespmem:s24], [sflag:$0x6] =	stream.linear.gather [hbm4b:s23+s3], $0x200, $0x38;
	[tilespmem:$0x1F300] =	vst v63  }
0x24: {  	s13 =	rddreg [dreg:$0x7];
	s22 =	sor.u32 $0x1C08, s11;
	s23 =	sshrl.u32 s12, $0x3  }
0x25: {  	[tilespmem:s26], [sflag:$0x6] =	stream.linear.gather [hbm4b:s25+s3], $0x200, $0x38;
	[tilespmem:$0x1F300] =	vst v63  }
0x26: {  	[spmem:s23], [sflag:s22] =	dma.local [hbm:s13], $0x30E0  }
0x27: {  	_ =	swait.ge [sflag:s19], $0x30E0  }
0x28: {  	[sflag:s19] =	ssyncset.done $0x0  }
0x29: {  	[sflag:s19] =	ssyncadd.s32 $0xFFFFCF20  }
0x2a: {  	[bflag:$0x0] =	sbarrier.arrive $0xFFFF  }
0x2b: {  	_ =	swait.ge [sflag:s1], $0x200  }
0x2c: {  	[sflag:s1] =	ssyncset.done $0x0  }
0x2d: {  	[sflag:s1] =	ssyncadd.s32 $0xFFFFFE00  }
0x2e: {  	_ =	swait.ge [sflag:s1], $0x200  }
0x2f: {  	[sflag:s1] =	ssyncset.done $0x0  }
0x30: {  	s14 =	simm.s32 $0x19300;
	[sflag:s1] =	ssyncadd.s32 $0xFFFFFE00  }
0x31: {  	[tilespmem:s14], [sflag:$0x1] =	stream.indirect.gather [hbm4b:s4+s20], $0x10, s29, s20, $0xb8;
	[tilespmem:$0x1F300] =	vst v63  }
0x32: {  	s15 =	simm.s32 $0x18780;
	s18 =	simm.s32 $0x19B00  }
0x33: {  	[tilespmem:s18], [sflag:$0x1] =	stream.indirect.gather [hbm4b:s4+s20], $0x10, s15, s20, $0xb8;
	[tilespmem:$0x1F300] =	vst v63  }
0x34: {  	p0 =	por $0x1, $0x1;
	s24 =	simm.s32 $0x18800;
	s25 =	simm.s32 $0x1A300  }
0x35: {  	[tilespmem:s25], [sflag:$0x1] =	stream.indirect.gather [hbm4b:s4+s20], $0x10, s24, s20, $0xb8;
	[tilespmem:$0x1F300] =	vst v63  }
0x36: {  	s28 =	simm.s32 $0x1AB00;
	s26 =	simm.s32 $0x18880;
	s24 =	simm.s32 $0x2  }
0x37: {  	[tilespmem:s28], [sflag:$0x1] =	stream.indirect.gather [hbm4b:s4+s20], $0x10, s26, s20, $0xb8;
	[tilespmem:$0x1F300] =	vst v63  }
0x38: {  	s25 =	simm.s32 $0x1;
	s12 =	sand.u32 $0xFF, s24;
	_ =	swait.ge [sflag:s30], $0x800  }
0x39: {  	s25 =	sand.u32 $0xFF, s25;
	s11 =	smul.u32 $0xAB, s12;
	[sflag:s30] =	ssyncset.done $0x0  }
0x3a: {  	s26 =	simm.s32 $0xFFFFFF3E;
	s25 =	smul.u32 $0xAB, s25;
	[sflag:s30] =	ssyncadd.s32 $0xFFFFF800  }
0x3b: {  	s26 =	smov.u32 @p0 s24;
	s11 =	sshrl.u32 s11, $0x9;
	_ =	swait.ge [sflag:s30], $0x800  }
0x3c: {  	s26 =	sshll.u32 s26, $0x9;
	s25 =	sshrl.u32 s25, $0x9;
	[sflag:s30] =	ssyncset.done $0x0  }
0x3d: {  	s11 =	smul.u32 $0x3, s11;
	s28 =	sadd.s32 s8, s26;
	[sflag:s30] =	ssyncadd.s32 $0xFFFFF800  }
0x3e: {  	s26 =	sadd.s32 s6, s26;
	s25 =	smul.u32 $0x3, s25;
	_ =	swait.ge [sflag:s30], $0x800  }
0x3f: {  	s28 =	sshrl.u32 s28, $0x3;
	s26 =	sshrl.u32 s26, $0x3;
	[sflag:s30] =	ssyncset.done $0x0  }
0x40: {  	s11 =	ssub.s32 $0x2, s11;
	s28 =	sadd.s32 s5, s28;
	[sflag:s30] =	ssyncadd.s32 $0xFFFFF800  }
0x41: {  	s25 =	ssub.s32 $0x1, s25;
	s11 =	sand.u32 $0xFF, s11;
	_ =	swait.ge [sflag:s30], $0x800  }
0x42: {  	s25 =	sand.u32 $0xFF, s25;
	s13 =	sshll.u32 s11, $0x9;
	[sflag:s30] =	ssyncset.done $0x0  }
0x43: {  	s11 =	sadd.s32 $0x5, s11;
	s18 =	sadd.s32 $0x18700, s13;
	[sflag:s30] =	ssyncadd.s32 $0xFFFFF800  }
0x44: {  	[tilespmem:s18], [sflag:s11] =	stream.linear.gather [hbm4b:s28+s3], $0x200, $0x38;
	[tilespmem:$0x1F300] =	vst v63  }
0x45: {  	s14 =	sadd.s32 s7, s26;
	s15 =	sadd.s32 $0x5, s25;
	s12 =	sadd.s32 $0x18D00, s13  }
0x46: {  	[tilespmem:s12], [sflag:s11] =	stream.linear.gather [hbm4b:s14+s3], $0x200, $0x38;
	[tilespmem:$0x1F300] =	vst v63  }
0x47: {  	s18 =	simm.s32 $0x0;
	_ =	swait.ge [sflag:s15], $0x200  }
0x48: {  	s11 =	smul.u32 $0xAB, s18;
	[sflag:s15] =	ssyncset.done $0x0  }
0x49: {  	s28 =	sadd.s32 $0x1, s25;
	s12 =	sshll.u32 s25, $0xD;
	[sflag:s15] =	ssyncadd.s32 $0xFFFFFE00  }
0x4a: {  	s18 =	sshll.u32 s25, $0x9;
	s11 =	sshrl.u32 s11, $0x9;
	_ =	swait.ge [sflag:s15], $0x200  }
0x4b: {  	s26 =	sor.u32 $0x19300, s12;
	s11 =	sand.u32 $0x7F, s11;
	[sflag:s15] =	ssyncset.done $0x0  }
0x4c: {  	s13 =	sadd.s32 $0x18700, s18;
	s11 =	smul.u32 $0x3, s11;
	[sflag:s15] =	ssyncadd.s32 $0xFFFFFE00  }
0x4d: {  	[tilespmem:s26], [sflag:s28] =	stream.indirect.gather [hbm4b:s4+s20], $0x10, s13, s20, $0xb8;
	[tilespmem:$0x1F300] =	vst v63  }
0x4e: {  	s14 =	sor.u32 $0x19B00, s12;
	s15 =	sadd.s32 $0x18780, s18;
	s11 =	ssub.s32 $0x0, s11  }
0x4f: {  	[tilespmem:s14], [sflag:s28] =	stream.indirect.gather [hbm4b:s4+s20], $0x10, s15, s20, $0xb8;
	[tilespmem:$0x1F300] =	vst v63  }
0x50: {  	s26 =	sadd.s32 $0x1A300, s12;
	s13 =	sor.u32 $0x18800, s18;
	s11 =	sand.u32 $0xFF, s11  }
0x51: {  	[tilespmem:s26], [sflag:s28] =	stream.indirect.gather [hbm4b:s4+s20], $0x10, s13, s20, $0xb8;
	[tilespmem:$0x1F300] =	vst v63  }
0x52: {  	s12 =	sadd.s32 $0x1AB00, s12;
	s18 =	sor.u32 $0x18880, s18;
	s25 =	sadd.s32 $0x1, s11  }
0x53: {  	[tilespmem:s12], [sflag:s28] =	stream.indirect.gather [hbm4b:s4+s20], $0x10, s18, s20, $0xb8;
	[tilespmem:$0x1F300] =	vst v63  }
0x54: {  	_ =	swait.ge [sflag:s25], $0x800  }
0x55: {  	s26 =	sshll.u32 s11, $0xD;
	s11 =	sshll.u32 s11, $0x9;
	[sflag:s25] =	ssyncset.done $0x0  }
0x56: {  	s14 =	sor.u32 $0x19300, s26;
	s15 =	sadd.s32 $0x18D00, s11;
	[sflag:s25] =	ssyncadd.s32 $0xFFFFF800  }
0x57: {  	[spmem:s2] =	stream.indirect.scatter.add.f32 [tilespmem:s14], [sflag:$0x4], $0x10, s15, s20, $0xb8;
	[tilespmem:$0x1F300] =	vst v63  }
0x58: {  	_ =	swait.ge [sflag:s25], $0x800  }
0x59: {  	[sflag:s25] =	ssyncset.done $0x0  }
0x5a: {  	s18 =	sor.u32 $0x19B00, s26;
	s28 =	sadd.s32 $0x18D80, s11;
	[sflag:s25] =	ssyncadd.s32 $0xFFFFF800  }
0x5b: {  	[spmem:s2] =	stream.indirect.scatter.add.f32 [tilespmem:s18], [sflag:$0x4], $0x10, s28, s20, $0xb8;
	[tilespmem:$0x1F300] =	vst v63  }
0x5c: {  	_ =	swait.ge [sflag:s25], $0x800  }
.LBB2_2:
0x5d: {  	p0 =	sne.s32 s24, $0xC4  }
0x5e: {  	s12 =	sadd.s32 $0x1A300, s26;
	s18 =	sadd.s32 $0x1AB00, s26;
	s28 =	smov.u32 s24  }
0x5f: {  	s24 =	sadd.s32 $0x1, s24;
	s13 =	sadd.s32 $0x18E80, s11;
	[sflag:s25] =	ssyncset.done $0x0  }
0x60: {  	s11 =	sadd.s32 $0x18E00, s11;
	s26 =	sand.u32 $0xFF, s24;
	[sflag:s25] =	ssyncadd.s32 $0xFFFFF800  }
0x61: {  	[spmem:s2] =	stream.indirect.scatter.add.f32 [tilespmem:s12], [sflag:$0x4], $0x10, s11, s20, $0xb8;
	[tilespmem:$0x1F300] =	vst v63  }
0x62: {  	s11 =	smul.u32 $0xAB, s26;
	_ =	swait.ge [sflag:s25], $0x800  }
0x63: {  	s12 =	sadd.s32 $0xFFFFFF3D, s28;
	[sflag:s25] =	ssyncset.done $0x0  }
0x64: {  	s26 =	sadd.s32 $0xFFFFFFFF, s28;
	s11 =	sshrl.u32 s11, $0x9;
	[sflag:s25] =	ssyncadd.s32 $0xFFFFF800  }
0x65: {  	[spmem:s2] =	stream.indirect.scatter.add.f32 [tilespmem:s18], [sflag:$0x4], $0x10, s13, s20, $0xb8;
	[tilespmem:$0x1F300] =	vst v63  }
0x66: {  	p1 =	slt.u32 s26, $0xC2;
	s11 =	smul.u32 $0x3, s11;
	_ =	swait.ge [sflag:s30], $0x800  }
0x67: {  	s12 =	smov.u32 @p1 s24;
	s13 =	sand.u32 $0xFF, s28;
	[sflag:s30] =	ssyncset.done $0x0  }
0x68: {  	s12 =	sshll.u32 s12, $0x9;
	s11 =	ssub.s32 s24, s11;
	[sflag:s30] =	ssyncadd.s32 $0xFFFFF800  }
0x69: {  	s18 =	sadd.s32 s8, s12;
	s12 =	sadd.s32 s6, s12;
	_ =	swait.ge [sflag:s30], $0x800  }
0x6a: {  	s18 =	sshrl.u32 s18, $0x3;
	s12 =	sshrl.u32 s12, $0x3;
	[sflag:s30] =	ssyncset.done $0x0  }
0x6b: {  	s13 =	smul.u32 $0xAB, s13;
	s11 =	sand.u32 $0xFF, s11;
	[sflag:s30] =	ssyncadd.s32 $0xFFFFF800  }
0x6c: {  	s18 =	sadd.s32 s5, s18;
	s25 =	sshll.u32 s11, $0x9;
	_ =	swait.ge [sflag:s30], $0x800  }
0x6d: {  	s14 =	smul.u32 $0xAB, s26;
	s13 =	sshrl.u32 s13, $0x9;
	[sflag:s30] =	ssyncset.done $0x0  }
0x6e: {  	s13 =	smul.u32 $0x3, s13;
	[sflag:s30] =	ssyncadd.s32 $0xFFFFF800  }
0x6f: {  	s12 =	sadd.s32 s7, s12;
	s15 =	sadd.s32 $0x18D00, s25;
	_ =	swait.ge [sflag:s30], $0x800  }
0x70: {  	s11 =	sadd.s32 $0x5, s11;
	s13 =	ssub.s32 s28, s13;
	[sflag:s30] =	ssyncset.done $0x0  }
0x71: {  	s25 =	sadd.s32 $0x18700, s25;
	s13 =	sand.u32 $0xFF, s13;
	[sflag:s30] =	ssyncadd.s32 $0xFFFFF800  }
0x72: {  	[tilespmem:s25], [sflag:s11] =	stream.linear.gather [hbm4b:s18+s3], $0x200, $0x38;
	[tilespmem:$0x1F300] =	vst v63  }
0x73: {  	s28 =	sshll.u32 s13, $0x9;
	s18 =	sadd.s32 $0x5, s13;
	s25 =	sshll.u32 s13, $0xD  }
0x74: {  	[tilespmem:s15], [sflag:s11] =	stream.linear.gather [hbm4b:s12+s3], $0x200, $0x38;
	[tilespmem:$0x1F300] =	vst v63  }
0x75: {  	s11 =	sshrl.u32 s14, $0x9;
	_ =	swait.ge [sflag:s18], $0x200  }
0x76: {  	s11 =	sand.u32 $0x7F, s11;
	[sflag:s18] =	ssyncset.done $0x0  }
0x77: {  	s11 =	smul.u32 $0x3, s11;
	[sflag:s18] =	ssyncadd.s32 $0xFFFFFE00  }
0x78: {  	_ =	swait.ge [sflag:s18], $0x200  }
0x79: {  	s12 =	sadd.s32 $0x1, s13;
	s11 =	ssub.s32 s26, s11;
	[sflag:s18] =	ssyncset.done $0x0  }
0x7a: {  	s13 =	sor.u32 $0x19300, s25;
	s14 =	sadd.s32 $0x18700, s28;
	[sflag:s18] =	ssyncadd.s32 $0xFFFFFE00  }
0x7b: {  	[tilespmem:s13], [sflag:s12] =	stream.indirect.gather [hbm4b:s4+s20], $0x10, s14, s20, $0xb8;
	[tilespmem:$0x1F300] =	vst v63  }
0x7c: {  	s11 =	sand.u32 $0xFF, s11;
	s13 =	sor.u32 $0x19B00, s25;
	s14 =	sadd.s32 $0x18780, s28  }
0x7d: {  	[tilespmem:s13], [sflag:s12] =	stream.indirect.gather [hbm4b:s4+s20], $0x10, s14, s20, $0xb8;
	[tilespmem:$0x1F300] =	vst v63  }
0x7e: {  	s26 =	sshll.u32 s11, $0xD;
	s13 =	sadd.s32 $0x1A300, s25;
	s14 =	sor.u32 $0x18800, s28  }
0x7f: {  	[tilespmem:s13], [sflag:s12] =	stream.indirect.gather [hbm4b:s4+s20], $0x10, s14, s20, $0xb8;
	[tilespmem:$0x1F300] =	vst v63  }
0x80: {  	s13 =	sadd.s32 $0x1AB00, s25;
	s14 =	sor.u32 $0x18880, s28;
	s25 =	sadd.s32 $0x1, s11  }
0x81: {  	[tilespmem:s13], [sflag:s12] =	stream.indirect.gather [hbm4b:s4+s20], $0x10, s14, s20, $0xb8;
	[tilespmem:$0x1F300] =	vst v63  }
0x82: {  	s11 =	sshll.u32 s11, $0x9;
	_ =	swait.ge [sflag:s25], $0x800  }
0x83: {  	[sflag:s25] =	ssyncset.done $0x0  }
0x84: {  	s12 =	sor.u32 $0x19300, s26;
	s13 =	sadd.s32 $0x18D00, s11;
	[sflag:s25] =	ssyncadd.s32 $0xFFFFF800  }
0x85: {  	[spmem:s2] =	stream.indirect.scatter.add.f32 [tilespmem:s12], [sflag:$0x4], $0x10, s13, s20, $0xb8;
	[tilespmem:$0x1F300] =	vst v63  }
.Ltmp0:
0x86: {  	_ =	swait.ge [sflag:s25], $0x800;
	(pc) =	sbr.rel @p0 .LBB2_2-.Ltmp0, $4  }
0x87: {  	[sflag:s25] =	ssyncset.done $0x0  }
0x88: {  	s12 =	sor.u32 $0x19B00, s26;
	s13 =	sadd.s32 $0x18D80, s11;
	[sflag:s25] =	ssyncadd.s32 $0xFFFFF800  }
0x89: {  	[spmem:s2] =	stream.indirect.scatter.add.f32 [tilespmem:s12], [sflag:$0x4], $0x10, s13, s20, $0xb8;
	[tilespmem:$0x1F300] =	vst v63  }
0x8a: {  	_ =	swait.ge [sflag:s25], $0x800  }
0x8b: {  	[sflag:s25] =	ssyncset.done $0x0  }
0x8c: {  	s12 =	sadd.s32 $0x1A300, s26;
	s13 =	sadd.s32 $0x18E00, s11;
	[sflag:s25] =	ssyncadd.s32 $0xFFFFF800  }
0x8d: {  	[spmem:s2] =	stream.indirect.scatter.add.f32 [tilespmem:s12], [sflag:$0x4], $0x10, s13, s20, $0xb8;
	[tilespmem:$0x1F300] =	vst v63  }
0x8e: {  	_ =	swait.ge [sflag:s25], $0x800  }
0x8f: {  	[sflag:s25] =	ssyncset.done $0x0  }
0x90: {  	s26 =	sadd.s32 $0x1AB00, s26;
	s28 =	sadd.s32 $0x18E80, s11;
	[sflag:s25] =	ssyncadd.s32 $0xFFFFF800  }
0x91: {  	[spmem:s2] =	stream.indirect.scatter.add.f32 [tilespmem:s26], [sflag:$0x4], $0x10, s28, s20, $0xb8;
	[tilespmem:$0x1F300] =	vst v63  }
0x92: {  	_ =	swait.ge [sflag:s30], $0x800  }
0x93: {  	[sflag:s30] =	ssyncset.done $0x0  }
0x94: {  	[sflag:s30] =	ssyncadd.s32 $0xFFFFF800  }
0x95: {  	_ =	swait.ge [sflag:s30], $0x800  }
0x96: {  	[sflag:s30] =	ssyncset.done $0x0  }
0x97: {  	[sflag:s30] =	ssyncadd.s32 $0xFFFFF800  }
0x98: {  	_ =	swait.ge [sflag:s30], $0x800  }
0x99: {  	[sflag:s30] =	ssyncset.done $0x0  }
0x9a: {  	[sflag:s30] =	ssyncadd.s32 $0xFFFFF800  }
0x9b: {  	_ =	swait.ge [sflag:s30], $0x800  }
0x9c: {  	[sflag:s30] =	ssyncset.done $0x0  }
0x9d: {  	[sflag:s30] =	ssyncadd.s32 $0xFFFFF800  }
0x9e: {  	_ =	swait.ge [sflag:s31], $0x800  }
0x9f: {  	[sflag:s31] =	ssyncset.done $0x0  }
0xa0: {  	[sflag:s31] =	ssyncadd.s32 $0xFFFFF800  }
0xa1: {  	_ =	swait.ge [sflag:s31], $0x800  }
0xa2: {  	[sflag:s31] =	ssyncset.done $0x0  }
0xa3: {  	[sflag:s31] =	ssyncadd.s32 $0xFFFFF800  }
0xa4: {  	_ =	swait.ge [sflag:s31], $0x800  }
0xa5: {  	[sflag:s31] =	ssyncset.done $0x0  }
0xa6: {  	[sflag:s31] =	ssyncadd.s32 $0xFFFFF800  }
0xa7: {  	_ =	swait.ge [sflag:s31], $0x800  }
0xa8: {  	[sflag:s31] =	ssyncset.done $0x0  }
0xa9: {  	[sflag:s31] =	ssyncadd.s32 $0xFFFFF800  }
0xaa: {  	_ =	swait.ge [sflag:s0], $0x200  }
0xab: {  	[sflag:s0] =	ssyncset.done $0x0  }
0xac: {  	[sflag:s0] =	ssyncadd.s32 $0xFFFFFE00  }
0xad: {  	_ =	swait.ge [sflag:s0], $0x200  }
0xae: {  	s21 =	sadd.s32 $0x1, s21;
	[sflag:s0] =	ssyncset.done $0x0  }
0xaf: {  	p0 =	sne.s32 s21, s17;
	[sflag:s0] =	ssyncadd.s32 $0xFFFFFE00  }
.Ltmp1:
0xb0: {  	[bflag:$0x0] =	sbarrier.arrive $0xFFFF;
	(pc) =	sbr.rel @p0 .LBB2_1-.Ltmp1, $4  }
0xb1: {  	[hbm:s16], [sflag:s22] =	dma.local [spmem:s23], $0x30E0  }
0xb2: {  	_ =	swait.ge [sflag:s19], $0x30E0  }
0xb3: {  	[sflag:s19] =	ssyncset.done $0x0  }
0xb4: {  	[sflag:s19] =	ssyncadd.s32 $0xFFFFCF20  }
0xb5: {  	_ =	sfence.sel $0x180000  }
0xb6: {  	[bflag:$0x0] =	sbarrier.arrive $0xFFFF  }
0xb7: {  	_ =	strace $0x90000050  }
0xb8: {  	s0 =	stileid.u32;
	[bflag:$0x2] =	sbarrier.arrive $0xFFFF  }
0xb9: {  	p0 =	sne.s32 s0, $0x0;
	s0 =	rddreg [dreg:$0x2]  }
0xba: {  	s0 =	sadd.s32 @!p0 $0x100000, s0  }
0xbb: {  	[sflag:s0] =	ssyncadd.tile.s32 @!p0 $0x1;
	_ =	shalt  }
.Lfunc_end2:
_tile_overlayer_lowered:
.L_overlay_start_2:
0xbc: {  	(tag) =	ssettag $0x2  }
0xbd: {  	s0 =	rddreg [dreg:$0x0];
	s2 =	stileid.u32  }
0xbe: {  	s1 =	rddreg [dreg:$0x1];
	p0 =	sne.s32 s2, $0x0  }
0xbf: {  	s3 =	rddreg [dreg:$0x2];
	[bflag:$0x3] =	sbarrier.arrive $0xFFFF;
	s2 =	simm.s32 @!p0 $0x1C08  }
0xc0: {  	[timem:s3], [sflag:s2] =	dma.local @!p0 [hbm:s0], s1  }
0xc1: {  	s0 =	simm.s32 @!p0 $0x8  }
0xc2: {  	_ =	swait.ge @!p0 [sflag:s0], s1  }
0xc3: {  	s1 =	ssub.s32 @!p0 $0x0, s1;
	[sflag:s0] =	ssyncset.done @!p0 $0x0  }
0xc4: {  	[sflag:s0] =	ssyncadd.s32 @!p0 s1  }
0xc5: {  	[bflag:$0x3] =	sbarrier.arrive $0xFFFF  }
0xc6: {  	_ =	shalt  }

</sc_bundles>
